<compile_context>
chip_gen: v7x
topology: tpu7x:2x2x1
jax: 0.10.2.dev20260603
libtpu: 0.0.44.dev20260713+nightly
codegen_flags: <defaults>
</compile_context>

<pallas_src>
import jax
import jax.numpy as jnp
from jax import lax
from jax.experimental import pallas as pl
from jax.experimental.pallas import tpu as pltpu
from jax.experimental.pallas import tpu_sc as plsc

_NC = 2
_NS = 16
_NW = _NC * _NS
_TR = 8
_CW = 1024


def _sc_body(x_hbm, pe_hbm, o_hbm, peb, xb, psem, lsem, ssem):
    Bn, L, D = x_hbm.shape
    rows = L // _NW
    ntr = rows // _TR
    ncq = D // _CW
    wid = lax.axis_index("s") * _NC + lax.axis_index("c")
    rbase = wid * rows

    def issue_loads(r0, c0, slot):
        pltpu.async_copy(
            pe_hbm.at[pl.ds(r0, _TR), pl.ds(c0, _CW)], peb.at[slot],
            psem.at[slot])
        pltpu.async_copy(
            x_hbm.at[pl.ds(0, Bn), pl.ds(r0, _TR), pl.ds(c0, _CW)],
            xb.at[slot], lsem.at[slot])

    def wait_pe(slot):
        pltpu.make_async_copy(
            pe_hbm.at[pl.ds(0, _TR), pl.ds(0, _CW)], peb.at[slot],
            psem.at[slot]).wait()

    def wait_x(slot):
        pltpu.make_async_copy(
            x_hbm.at[pl.ds(0, Bn), pl.ds(0, _TR), pl.ds(0, _CW)],
            xb.at[slot], lsem.at[slot]).wait()

    def drain_stores(slot):
        pltpu.make_async_copy(
            xb.at[slot],
            o_hbm.at[pl.ds(0, Bn), pl.ds(0, _TR), pl.ds(0, _CW)],
            ssem.at[slot]).wait()

    issue_loads(rbase, 0, 0)

    def tr_body(tr, _):
        r0 = rbase + tr * _TR
        for cq in range(ncq):
            s = cq & 1
            c0 = cq * _CW
            if cq < ncq - 1:
                if cq == 0:
                    @pl.when(tr >= 1)
                    def _():
                        drain_stores(1 - s)
                else:
                    drain_stores(1 - s)
                issue_loads(r0, c0 + _CW, 1 - s)
            else:
                @pl.when(tr + 1 < ntr)
                def _():
                    drain_stores(1 - s)
                    issue_loads(r0 + _TR, 0, 1 - s)
            wait_pe(s)
            wait_x(s)

            pes = peb.at[s]
            for r in range(_TR):
                @plsc.parallel_loop(0, _CW, step=16, unroll=4)
                def _(c):
                    sl = pl.ds(c, 16)
                    pv = pes[r, sl]
                    for b in range(Bn):
                        plsc.addupdate(xb.at[s, b, r, sl], pv)

            pltpu.async_copy(
                xb.at[s],
                o_hbm.at[pl.ds(0, Bn), pl.ds(r0, _TR), pl.ds(c0, _CW)],
                ssem.at[s])
        return 0

    lax.fori_loop(0, ntr, tr_body, 0)

    drain_stores(0)
    drain_stores(1)


def kernel(x, pe):
    B, L, D = x.shape
    return pl.kernel(
        _sc_body,
        out_type=jax.ShapeDtypeStruct((B, L, D), x.dtype),
        mesh=plsc.VectorSubcoreMesh(core_axis_name="c", subcore_axis_name="s"),
        scratch_types=[
            pltpu.VMEM((2, _TR, _CW), jnp.float32),
            pltpu.VMEM((2, B, _TR, _CW), jnp.float32),
            pltpu.SemaphoreType.DMA((2,)),
            pltpu.SemaphoreType.DMA((2,)),
            pltpu.SemaphoreType.DMA((2,)),
        ],
        compiler_params=pltpu.CompilerParams(use_tc_tiling_on_sc=True),
    )(x, pe)

# --- scband reference (transcript-rebuilt; emitter-appended) ---
"""Pipeline reference for scband-positional-encoding-77146202571373 (READ-ONLY COPY).

The authoritative reference and input builder live on the scoring server;
editing this copy changes nothing except your own understanding.
"""

import jax, jax.numpy as jnp
import numpy as np

DIM = 4096
MAX_LEN = 8192
B = 4
L = 8192

def setup_inputs(seed: int = 0) -> dict:
    key = jax.random.key(seed)
    k1, k2 = jax.random.split(key)
    x = jax.random.normal(k1, (B, L, DIM), dtype=jnp.float32)
    pe = jax.random.normal(k2, (MAX_LEN, DIM), dtype=jnp.float32) * 0.02
    return {"x": x, "pe": pe}

def reference(x, pe):
    L_ = x.shape[1]
    max_len = pe.shape[0]
    pos = jnp.minimum(jnp.arange(L_), max_len - 1)  # clamp_max
    pos_emb = jnp.take(pe, pos, axis=0)  # [L, dim] embedding gather
    return x + pos_emb[None, :, :]

if __name__ == "__main__":
    import jax
    _d = setup_inputs()
    print(jax.jit(kernel)(*tuple(_d.values())))

</pallas_src>

<mosaic_0001>
#map = affine_map<(d0, d1) -> (0, 0, 0)>
#map1 = affine_map<(d0, d1) -> (0, 0)>
module attributes {stable_mosaic.version = 14 : i64} {
  func.func @_sc_body(%arg0: i32, %arg1: i32, %arg2: memref<4x8192x4096xf32, #tpu.memory_space<hbm>>, %arg3: memref<8192x4096xf32, #tpu.memory_space<hbm>>, %arg4: memref<4x8192x4096xf32, #tpu.memory_space<hbm>>, %arg5: memref<2x8x1024xf32, #tpu.memory_space<vmem>>, %arg6: memref<2x4x8x1024xf32, #tpu.memory_space<vmem>>, %arg7: memref<2x!tpu.dma_semaphore, #tpu.memory_space<semaphore_mem>>, %arg8: memref<2x!tpu.dma_semaphore, #tpu.memory_space<semaphore_mem>>, %arg9: memref<2x!tpu.dma_semaphore, #tpu.memory_space<semaphore_mem>>) attributes {dimension_semantics = [#tpu.dimension_semantics<core_parallel>, #tpu.dimension_semantics<subcore_parallel>], iteration_bounds = array<i64: 2, 16>, scalar_prefetch = 0 : i64, scratch_operands = 5 : i64, tpu.core_type = #tpu.core_type<sc_vector_subcore>, window_params = [{transform_indices = #map}, {transform_indices = #map1}, {transform_indices = #map}]} {
    %mul3A = arith.constant 2 : i32
    %mul3A_0 = arith.muli %arg1, %mul3A : i32
    %add3A = arith.addi %mul3A_0, %arg0 : i32
    %mul3A_1 = arith.constant 256 : i32
    %mul3A_2 = arith.muli %add3A, %mul3A_1 : i32
    %dma_start3A = arith.constant 0 : i32
    %dma_start3A_3 = arith.constant 0 : i32
    %dma_start3A_4 = arith.constant 0 : i32
    %dma_start3A_5 = arith.constant 0 : i32
    %dma_start3A_6 = tpu.memref_slice %arg5[%dma_start3A, %dma_start3A_4, %dma_start3A_5] : memref<2x8x1024xf32, #tpu.memory_space<vmem>> -> memref<1x8x1024xf32, #tpu.memory_space<vmem>>
    %dma_start3A_7 = tpu.memref_squeeze %dma_start3A_6 : memref<1x8x1024xf32, #tpu.memory_space<vmem>> -> memref<8x1024xf32, #tpu.memory_space<vmem>>
    %dma_start3A_8 = arith.constant 0 : i32
    %dma_start3A_9 = tpu.memref_slice %arg3[%mul3A_2, %dma_start3A_8] : memref<8192x4096xf32, #tpu.memory_space<hbm>> -> memref<8x1024xf32, #tpu.memory_space<hbm>>
    %dma_start3A_10 = tpu.memref_slice %arg7[%dma_start3A_3] : memref<2x!tpu.dma_semaphore, #tpu.memory_space<semaphore_mem>> -> memref<1x!tpu.dma_semaphore, #tpu.memory_space<semaphore_mem>>
    %dma_start3A_11 = tpu.memref_squeeze %dma_start3A_10 : memref<1x!tpu.dma_semaphore, #tpu.memory_space<semaphore_mem>> -> memref<!tpu.dma_semaphore, #tpu.memory_space<semaphore_mem>>
    %dma_start3A_12 = arith.constant 0 : i32
    %dma_start3A_13 = arith.constant 0 : i32
    %dma_start3A_14 = tpu.memref_slice %arg5[%dma_start3A, %dma_start3A_12, %dma_start3A_13] : memref<2x8x1024xf32, #tpu.memory_space<vmem>> -> memref<1x8x1024xf32, #tpu.memory_space<vmem>>
    %dma_start3A_15 = tpu.memref_squeeze %dma_start3A_14 : memref<1x8x1024xf32, #tpu.memory_space<vmem>> -> memref<8x1024xf32, #tpu.memory_space<vmem>>
    %dma_start3A_16 = arith.constant 0 : i32
    %dma_start3A_17 = tpu.memref_slice %arg3[%mul3A_2, %dma_start3A_16] : memref<8192x4096xf32, #tpu.memory_space<hbm>> -> memref<8x1024xf32, #tpu.memory_space<hbm>>
    tpu.enqueue_dma source(%dma_start3A_17 : memref<8x1024xf32, #tpu.memory_space<hbm>>) target(%dma_start3A_15 : memref<8x1024xf32, #tpu.memory_space<vmem>>) target_semaphore(%dma_start3A_11 : memref<!tpu.dma_semaphore, #tpu.memory_space<semaphore_mem>>)
    %dma_start3A_18 = arith.constant 0 : i32
    %dma_start3A_19 = arith.constant 0 : i32
    %dma_start3A_20 = arith.constant 0 : i32
    %dma_start3A_21 = arith.constant 0 : i32
    %dma_start3A_22 = arith.constant 0 : i32
    %dma_start3A_23 = tpu.memref_slice %arg6[%dma_start3A_18, %dma_start3A_20, %dma_start3A_21, %dma_start3A_22] : memref<2x4x8x1024xf32, #tpu.memory_space<vmem>> -> memref<1x4x8x1024xf32, #tpu.memory_space<vmem>>
    %dma_start3A_24 = tpu.memref_squeeze %dma_start3A_23 : memref<1x4x8x1024xf32, #tpu.memory_space<vmem>> -> memref<4x8x1024xf32, #tpu.memory_space<vmem>>
    %dma_start3A_25 = arith.constant 0 : i32
    %dma_start3A_26 = arith.constant 0 : i32
    %dma_start3A_27 = tpu.memref_slice %arg2[%dma_start3A_25, %mul3A_2, %dma_start3A_26] : memref<4x8192x4096xf32, #tpu.memory_space<hbm>> -> memref<4x8x1024xf32, #tpu.memory_space<hbm>>
    %dma_start3A_28 = tpu.memref_slice %arg8[%dma_start3A_19] : memref<2x!tpu.dma_semaphore, #tpu.memory_space<semaphore_mem>> -> memref<1x!tpu.dma_semaphore, #tpu.memory_space<semaphore_mem>>
    %dma_start3A_29 = tpu.memref_squeeze %dma_start3A_28 : memref<1x!tpu.dma_semaphore, #tpu.memory_space<semaphore_mem>> -> memref<!tpu.dma_semaphore, #tpu.memory_space<semaphore_mem>>
    %dma_start3A_30 = arith.constant 0 : i32
    %dma_start3A_31 = arith.constant 0 : i32
    %dma_start3A_32 = arith.constant 0 : i32
    %dma_start3A_33 = tpu.memref_slice %arg6[%dma_start3A_18, %dma_start3A_30, %dma_start3A_31, %dma_start3A_32] : memref<2x4x8x1024xf32, #tpu.memory_space<vmem>> -> memref<1x4x8x1024xf32, #tpu.memory_space<vmem>>
    %dma_start3A_34 = tpu.memref_squeeze %dma_start3A_33 : memref<1x4x8x1024xf32, #tpu.memory_space<vmem>> -> memref<4x8x1024xf32, #tpu.memory_space<vmem>>
    %dma_start3A_35 = arith.constant 0 : i32
    %dma_start3A_36 = arith.constant 0 : i32
    %dma_start3A_37 = tpu.memref_slice %arg2[%dma_start3A_35, %mul3A_2, %dma_start3A_36] : memref<4x8192x4096xf32, #tpu.memory_space<hbm>> -> memref<4x8x1024xf32, #tpu.memory_space<hbm>>
    tpu.enqueue_dma source(%dma_start3A_37 : memref<4x8x1024xf32, #tpu.memory_space<hbm>>) target(%dma_start3A_34 : memref<4x8x1024xf32, #tpu.memory_space<vmem>>) target_semaphore(%dma_start3A_29 : memref<!tpu.dma_semaphore, #tpu.memory_space<semaphore_mem>>)
    %scan3A = arith.constant 0 : i32
    %scan3A_38 = arith.constant 0 : i32
    %scan3A_39 = arith.constant 32 : i32
    %scan3A_40 = arith.addi %scan3A_38, %scan3A_39 : i32
    %scan3A_41 = arith.constant 1 : i32
    %scan3A_42 = scf.for %scan3A_87 = %scan3A_38 to %scan3A_40 step %scan3A_41 iter_args(%scan3A_88 = %scan3A) -> (i32)  : i32 {
      %mul3A_89 = arith.constant 8 : i32
      %mul3A_90 = arith.muli %scan3A_87, %mul3A_89 : i32
      %add3A_91 = arith.addi %mul3A_2, %mul3A_90 : i32
      %ge3A = arith.constant 1 : i32
      %ge3A_92 = arith.cmpi sge, %scan3A_87, %ge3A : i32
      %convert_element_type3A = arith.extui %ge3A_92 : i1 to i32
      %cond3A = arith.constant 0 : i32
      %cond3A_93 = arith.cmpi ne, %convert_element_type3A, %cond3A : i32
      scf.if %cond3A_93 {
        %dma_wait3A_620 = arith.constant 1 : i32
        %dma_wait3A_621 = arith.constant 1 : i32
        %dma_wait3A_622 = arith.constant 0 : i32
        %dma_wait3A_623 = arith.constant 0 : i32
        %dma_wait3A_624 = arith.constant 0 : i32
        %dma_wait3A_625 = tpu.memref_slice %arg6[%dma_wait3A_620, %dma_wait3A_622, %dma_wait3A_623, %dma_wait3A_624] : memref<2x4x8x1024xf32, #tpu.memory_space<vmem>> -> memref<1x4x8x1024xf32, #tpu.memory_space<vmem>>
        %dma_wait3A_626 = tpu.memref_squeeze %dma_wait3A_625 : memref<1x4x8x1024xf32, #tpu.memory_space<vmem>> -> memref<4x8x1024xf32, #tpu.memory_space<vmem>>
        %dma_wait3A_627 = arith.constant 0 : i32
        %dma_wait3A_628 = arith.constant 0 : i32
        %dma_wait3A_629 = arith.constant 0 : i32
        %dma_wait3A_630 = tpu.memref_slice %arg4[%dma_wait3A_627, %dma_wait3A_628, %dma_wait3A_629] : memref<4x8192x4096xf32, #tpu.memory_space<hbm>> -> memref<4x8x1024xf32, #tpu.memory_space<hbm>>
        %dma_wait3A_631 = tpu.memref_slice %arg9[%dma_wait3A_621] : memref<2x!tpu.dma_semaphore, #tpu.memory_space<semaphore_mem>> -> memref<1x!tpu.dma_semaphore, #tpu.memory_space<semaphore_mem>>
        %dma_wait3A_632 = tpu.memref_squeeze %dma_wait3A_631 : memref<1x!tpu.dma_semaphore, #tpu.memory_space<semaphore_mem>> -> memref<!tpu.dma_semaphore, #tpu.memory_space<semaphore_mem>>
        %dma_wait3A_633 = arith.constant 0 : i32
        %dma_wait3A_634 = arith.constant 0 : i32
        %dma_wait3A_635 = arith.constant 0 : i32
        %dma_wait3A_636 = tpu.memref_slice %arg4[%dma_wait3A_633, %dma_wait3A_634, %dma_wait3A_635] : memref<4x8192x4096xf32, #tpu.memory_space<hbm>> -> memref<4x8x1024xf32, #tpu.memory_space<hbm>>
        %dma_wait3A_637 = arith.constant 0 : i32
        %dma_wait3A_638 = arith.constant 0 : i32
        %dma_wait3A_639 = arith.constant 0 : i32
        %dma_wait3A_640 = tpu.memref_slice %arg6[%dma_wait3A_620, %dma_wait3A_637, %dma_wait3A_638, %dma_wait3A_639] : memref<2x4x8x1024xf32, #tpu.memory_space<vmem>> -> memref<1x4x8x1024xf32, #tpu.memory_space<vmem>>
        %dma_wait3A_641 = tpu.memref_squeeze %dma_wait3A_640 : memref<1x4x8x1024xf32, #tpu.memory_space<vmem>> -> memref<4x8x1024xf32, #tpu.memory_space<vmem>>
        tpu.wait_dma2 semaphore(%dma_wait3A_632 : memref<!tpu.dma_semaphore, #tpu.memory_space<semaphore_mem>>) src(%dma_wait3A_641 : memref<4x8x1024xf32, #tpu.memory_space<vmem>>) dst(%dma_wait3A_636 : memref<4x8x1024xf32, #tpu.memory_space<hbm>>)
      } else {
      }
      %dma_start3A_94 = arith.constant 1 : i32
      %dma_start3A_95 = arith.constant 1 : i32
      %dma_start3A_96 = arith.constant 0 : i32
      %dma_start3A_97 = arith.constant 0 : i32
      %dma_start3A_98 = tpu.memref_slice %arg5[%dma_start3A_94, %dma_start3A_96, %dma_start3A_97] : memref<2x8x1024xf32, #tpu.memory_space<vmem>> -> memref<1x8x1024xf32, #tpu.memory_space<vmem>>
      %dma_start3A_99 = tpu.memref_squeeze %dma_start3A_98 : memref<1x8x1024xf32, #tpu.memory_space<vmem>> -> memref<8x1024xf32, #tpu.memory_space<vmem>>
      %dma_start3A_100 = arith.constant 1024 : i32
      %dma_start3A_101 = tpu.memref_slice %arg3[%add3A_91, %dma_start3A_100] : memref<8192x4096xf32, #tpu.memory_space<hbm>> -> memref<8x1024xf32, #tpu.memory_space<hbm>>
      %dma_start3A_102 = tpu.memref_slice %arg7[%dma_start3A_95] : memref<2x!tpu.dma_semaphore, #tpu.memory_space<semaphore_mem>> -> memref<1x!tpu.dma_semaphore, #tpu.memory_space<semaphore_mem>>
      %dma_start3A_103 = tpu.memref_squeeze %dma_start3A_102 : memref<1x!tpu.dma_semaphore, #tpu.memory_space<semaphore_mem>> -> memref<!tpu.dma_semaphore, #tpu.memory_space<semaphore_mem>>
      %dma_start3A_104 = arith.constant 0 : i32
      %dma_start3A_105 = arith.constant 0 : i32
      %dma_start3A_106 = tpu.memref_slice %arg5[%dma_start3A_94, %dma_start3A_104, %dma_start3A_105] : memref<2x8x1024xf32, #tpu.memory_space<vmem>> -> memref<1x8x1024xf32, #tpu.memory_space<vmem>>
      %dma_start3A_107 = tpu.memref_squeeze %dma_start3A_106 : memref<1x8x1024xf32, #tpu.memory_space<vmem>> -> memref<8x1024xf32, #tpu.memory_space<vmem>>
      %dma_start3A_108 = arith.constant 1024 : i32
      %dma_start3A_109 = tpu.memref_slice %arg3[%add3A_91, %dma_start3A_108] : memref<8192x4096xf32, #tpu.memory_space<hbm>> -> memref<8x1024xf32, #tpu.memory_space<hbm>>
      tpu.enqueue_dma source(%dma_start3A_109 : memref<8x1024xf32, #tpu.memory_space<hbm>>) target(%dma_start3A_107 : memref<8x1024xf32, #tpu.memory_space<vmem>>) target_semaphore(%dma_start3A_103 : memref<!tpu.dma_semaphore, #tpu.memory_space<semaphore_mem>>)
      %dma_start3A_110 = arith.constant 1 : i32
      %dma_start3A_111 = arith.constant 1 : i32
      %dma_start3A_112 = arith.constant 0 : i32
      %dma_start3A_113 = arith.constant 0 : i32
      %dma_start3A_114 = arith.constant 0 : i32
      %dma_start3A_115 = tpu.memref_slice %arg6[%dma_start3A_110, %dma_start3A_112, %dma_start3A_113, %dma_start3A_114] : memref<2x4x8x1024xf32, #tpu.memory_space<vmem>> -> memref<1x4x8x1024xf32, #tpu.memory_space<vmem>>
      %dma_start3A_116 = tpu.memref_squeeze %dma_start3A_115 : memref<1x4x8x1024xf32, #tpu.memory_space<vmem>> -> memref<4x8x1024xf32, #tpu.memory_space<vmem>>
      %dma_start3A_117 = arith.constant 0 : i32
      %dma_start3A_118 = arith.constant 1024 : i32
      %dma_start3A_119 = tpu.memref_slice %arg2[%dma_start3A_117, %add3A_91, %dma_start3A_118] : memref<4x8192x4096xf32, #tpu.memory_space<hbm>> -> memref<4x8x1024xf32, #tpu.memory_space<hbm>>
      %dma_start3A_120 = tpu.memref_slice %arg8[%dma_start3A_111] : memref<2x!tpu.dma_semaphore, #tpu.memory_space<semaphore_mem>> -> memref<1x!tpu.dma_semaphore, #tpu.memory_space<semaphore_mem>>
      %dma_start3A_121 = tpu.memref_squeeze %dma_start3A_120 : memref<1x!tpu.dma_semaphore, #tpu.memory_space<semaphore_mem>> -> memref<!tpu.dma_semaphore, #tpu.memory_space<semaphore_mem>>
      %dma_start3A_122 = arith.constant 0 : i32
      %dma_start3A_123 = arith.constant 0 : i32
      %dma_start3A_124 = arith.constant 0 : i32
      %dma_start3A_125 = tpu.memref_slice %arg6[%dma_start3A_110, %dma_start3A_122, %dma_start3A_123, %dma_start3A_124] : memref<2x4x8x1024xf32, #tpu.memory_space<vmem>> -> memref<1x4x8x1024xf32, #tpu.memory_space<vmem>>
      %dma_start3A_126 = tpu.memref_squeeze %dma_start3A_125 : memref<1x4x8x1024xf32, #tpu.memory_space<vmem>> -> memref<4x8x1024xf32, #tpu.memory_space<vmem>>
      %dma_start3A_127 = arith.constant 0 : i32
      %dma_start3A_128 = arith.constant 1024 : i32
      %dma_start3A_129 = tpu.memref_slice %arg2[%dma_start3A_127, %add3A_91, %dma_start3A_128] : memref<4x8192x4096xf32, #tpu.memory_space<hbm>> -> memref<4x8x1024xf32, #tpu.memory_space<hbm>>
      tpu.enqueue_dma source(%dma_start3A_129 : memref<4x8x1024xf32, #tpu.memory_space<hbm>>) target(%dma_start3A_126 : memref<4x8x1024xf32, #tpu.memory_space<vmem>>) target_semaphore(%dma_start3A_121 : memref<!tpu.dma_semaphore, #tpu.memory_space<semaphore_mem>>)
      %dma_wait3A_130 = arith.constant 0 : i32
      %dma_wait3A_131 = arith.constant 0 : i32
      %dma_wait3A_132 = arith.constant 0 : i32
      %dma_wait3A_133 = arith.constant 0 : i32
      %dma_wait3A_134 = tpu.memref_slice %arg5[%dma_wait3A_130, %dma_wait3A_132, %dma_wait3A_133] : memref<2x8x1024xf32, #tpu.memory_space<vmem>> -> memref<1x8x1024xf32, #tpu.memory_space<vmem>>
      %dma_wait3A_135 = tpu.memref_squeeze %dma_wait3A_134 : memref<1x8x1024xf32, #tpu.memory_space<vmem>> -> memref<8x1024xf32, #tpu.memory_space<vmem>>
      %dma_wait3A_136 = arith.constant 0 : i32
      %dma_wait3A_137 = arith.constant 0 : i32
      %dma_wait3A_138 = tpu.memref_slice %arg3[%dma_wait3A_136, %dma_wait3A_137] : memref<8192x4096xf32, #tpu.memory_space<hbm>> -> memref<8x1024xf32, #tpu.memory_space<hbm>>
      %dma_wait3A_139 = tpu.memref_slice %arg7[%dma_wait3A_131] : memref<2x!tpu.dma_semaphore, #tpu.memory_space<semaphore_mem>> -> memref<1x!tpu.dma_semaphore, #tpu.memory_space<semaphore_mem>>
      %dma_wait3A_140 = tpu.memref_squeeze %dma_wait3A_139 : memref<1x!tpu.dma_semaphore, #tpu.memory_space<semaphore_mem>> -> memref<!tpu.dma_semaphore, #tpu.memory_space<semaphore_mem>>
      %dma_wait3A_141 = arith.constant 0 : i32
      %dma_wait3A_142 = arith.constant 0 : i32
      %dma_wait3A_143 = tpu.memref_slice %arg5[%dma_wait3A_130, %dma_wait3A_141, %dma_wait3A_142] : memref<2x8x1024xf32, #tpu.memory_space<vmem>> -> memref<1x8x1024xf32, #tpu.memory_space<vmem>>
      %dma_wait3A_144 = tpu.memref_squeeze %dma_wait3A_143 : memref<1x8x1024xf32, #tpu.memory_space<vmem>> -> memref<8x1024xf32, #tpu.memory_space<vmem>>
      %dma_wait3A_145 = arith.constant 0 : i32
      %dma_wait3A_146 = arith.constant 0 : i32
      %dma_wait3A_147 = tpu.memref_slice %arg3[%dma_wait3A_145, %dma_wait3A_146] : memref<8192x4096xf32, #tpu.memory_space<hbm>> -> memref<8x1024xf32, #tpu.memory_space<hbm>>
      tpu.wait_dma2 semaphore(%dma_wait3A_140 : memref<!tpu.dma_semaphore, #tpu.memory_space<semaphore_mem>>) src(%dma_wait3A_147 : memref<8x1024xf32, #tpu.memory_space<hbm>>) dst(%dma_wait3A_144 : memref<8x1024xf32, #tpu.memory_space<vmem>>)
      %dma_wait3A_148 = arith.constant 0 : i32
      %dma_wait3A_149 = arith.constant 0 : i32
      %dma_wait3A_150 = arith.constant 0 : i32
      %dma_wait3A_151 = arith.constant 0 : i32
      %dma_wait3A_152 = arith.constant 0 : i32
      %dma_wait3A_153 = tpu.memref_slice %arg6[%dma_wait3A_148, %dma_wait3A_150, %dma_wait3A_151, %dma_wait3A_152] : memref<2x4x8x1024xf32, #tpu.memory_space<vmem>> -> memref<1x4x8x1024xf32, #tpu.memory_space<vmem>>
      %dma_wait3A_154 = tpu.memref_squeeze %dma_wait3A_153 : memref<1x4x8x1024xf32, #tpu.memory_space<vmem>> -> memref<4x8x1024xf32, #tpu.memory_space<vmem>>
      %dma_wait3A_155 = arith.constant 0 : i32
      %dma_wait3A_156 = arith.constant 0 : i32
      %dma_wait3A_157 = arith.constant 0 : i32
      %dma_wait3A_158 = tpu.memref_slice %arg2[%dma_wait3A_155, %dma_wait3A_156, %dma_wait3A_157] : memref<4x8192x4096xf32, #tpu.memory_space<hbm>> -> memref<4x8x1024xf32, #tpu.memory_space<hbm>>
      %dma_wait3A_159 = tpu.memref_slice %arg8[%dma_wait3A_149] : memref<2x!tpu.dma_semaphore, #tpu.memory_space<semaphore_mem>> -> memref<1x!tpu.dma_semaphore, #tpu.memory_space<semaphore_mem>>
      %dma_wait3A_160 = tpu.memref_squeeze %dma_wait3A_159 : memref<1x!tpu.dma_semaphore, #tpu.memory_space<semaphore_mem>> -> memref<!tpu.dma_semaphore, #tpu.memory_space<semaphore_mem>>
      %dma_wait3A_161 = arith.constant 0 : i32
      %dma_wait3A_162 = arith.constant 0 : i32
      %dma_wait3A_163 = arith.constant 0 : i32
      %dma_wait3A_164 = tpu.memref_slice %arg6[%dma_wait3A_148, %dma_wait3A_161, %dma_wait3A_162, %dma_wait3A_163] : memref<2x4x8x1024xf32, #tpu.memory_space<vmem>> -> memref<1x4x8x1024xf32, #tpu.memory_space<vmem>>
      %dma_wait3A_165 = tpu.memref_squeeze %dma_wait3A_164 : memref<1x4x8x1024xf32, #tpu.memory_space<vmem>> -> memref<4x8x1024xf32, #tpu.memory_space<vmem>>
      %dma_wait3A_166 = arith.constant 0 : i32
      %dma_wait3A_167 = arith.constant 0 : i32
      %dma_wait3A_168 = arith.constant 0 : i32
      %dma_wait3A_169 = tpu.memref_slice %arg2[%dma_wait3A_166, %dma_wait3A_167, %dma_wait3A_168] : memref<4x8192x4096xf32, #tpu.memory_space<hbm>> -> memref<4x8x1024xf32, #tpu.memory_space<hbm>>
      tpu.wait_dma2 semaphore(%dma_wait3A_160 : memref<!tpu.dma_semaphore, #tpu.memory_space<semaphore_mem>>) src(%dma_wait3A_169 : memref<4x8x1024xf32, #tpu.memory_space<hbm>>) dst(%dma_wait3A_165 : memref<4x8x1024xf32, #tpu.memory_space<vmem>>)
      %parallel_loop3A = arith.constant 0 : i32
      %parallel_loop3A_170 = arith.constant 1024 : i32
      %parallel_loop3A_171 = arith.constant 16 : i32
      %parallel_loop3A_172 = arith.constant 0 : i32
      scf.for %parallel_loop3A_620 = %parallel_loop3A to %parallel_loop3A_170 step %parallel_loop3A_171  : i32 {
        %parallel_loop3A_621 = arith.constant 0 : i32
        %parallel_loop3A_622 = arith.constant 0 : i32
        %parallel_loop3A_623 = arith.constant 0 : i32
        %parallel_loop3A_624 = tpu.memref_slice %arg5[%parallel_loop3A_172, %parallel_loop3A_622, %parallel_loop3A_623] : memref<2x8x1024xf32, #tpu.memory_space<vmem>> -> memref<1x8x1024xf32, #tpu.memory_space<vmem>>
        %parallel_loop3A_625 = tpu.memref_squeeze %parallel_loop3A_624 : memref<1x8x1024xf32, #tpu.memory_space<vmem>> -> memref<8x1024xf32, #tpu.memory_space<vmem>>
        %parallel_loop3A_626 = arith.index_cast %parallel_loop3A_621 : i32 to index
        %parallel_loop3A_627 = arith.index_cast %parallel_loop3A_620 : i32 to index
        %parallel_loop3A_628 = tpu.vector_load %parallel_loop3A_625[%parallel_loop3A_626, %parallel_loop3A_627] {strides = array<i32>} : memref<8x1024xf32, #tpu.memory_space<vmem>>, vector<1x16xf32>,
        %parallel_loop3A_629 = vector.shape_cast %parallel_loop3A_628 : vector<1x16xf32> to vector<16xf32>
        %parallel_loop3A_630 = arith.constant 0 : i32
        %parallel_loop3A_631 = arith.constant 0 : i32
        %parallel_loop3A_632 = arith.constant 0 : i32
        %parallel_loop3A_633 = arith.index_cast %parallel_loop3A_630 : i32 to index
        %parallel_loop3A_634 = arith.index_cast %parallel_loop3A_631 : i32 to index
        %parallel_loop3A_635 = arith.index_cast %parallel_loop3A_632 : i32 to index
        %parallel_loop3A_636 = arith.index_cast %parallel_loop3A_620 : i32 to index
        %parallel_loop3A_637 = tpu.vector_load %arg6[%parallel_loop3A_633, %parallel_loop3A_634, %parallel_loop3A_635, %parallel_loop3A_636] {strides = array<i32>} : memref<2x4x8x1024xf32, #tpu.memory_space<vmem>>, vector<1x1x1x16xf32>,
        %parallel_loop3A_638 = vector.shape_cast %parallel_loop3A_637 : vector<1x1x1x16xf32> to vector<16xf32>
        %parallel_loop3A_639 = vector.shape_cast %parallel_loop3A_629 : vector<16xf32> to vector<1x1x1x16xf32>
        tpu.vector_store %arg6[%parallel_loop3A_633, %parallel_loop3A_634, %parallel_loop3A_635, %parallel_loop3A_636], %parallel_loop3A_639 {add = true, strides = array<i32>} : memref<2x4x8x1024xf32, #tpu.memory_space<vmem>>, vector<1x1x1x16xf32>,
        %parallel_loop3A_640 = arith.constant 0 : i32
        %parallel_loop3A_641 = arith.constant 1 : i32
        %parallel_loop3A_642 = arith.constant 0 : i32
        %parallel_loop3A_643 = arith.index_cast %parallel_loop3A_640 : i32 to index
        %parallel_loop3A_644 = arith.index_cast %parallel_loop3A_641 : i32 to index
        %parallel_loop3A_645 = arith.index_cast %parallel_loop3A_642 : i32 to index
        %parallel_loop3A_646 = arith.index_cast %parallel_loop3A_620 : i32 to index
        %parallel_loop3A_647 = tpu.vector_load %arg6[%parallel_loop3A_643, %parallel_loop3A_644, %parallel_loop3A_645, %parallel_loop3A_646] {strides = array<i32>} : memref<2x4x8x1024xf32, #tpu.memory_space<vmem>>, vector<1x1x1x16xf32>,
        %parallel_loop3A_648 = vector.shape_cast %parallel_loop3A_647 : vector<1x1x1x16xf32> to vector<16xf32>
        %parallel_loop3A_649 = vector.shape_cast %parallel_loop3A_629 : vector<16xf32> to vector<1x1x1x16xf32>
        tpu.vector_store %arg6[%parallel_loop3A_643, %parallel_loop3A_644, %parallel_loop3A_645, %parallel_loop3A_646], %parallel_loop3A_649 {add = true, strides = array<i32>} : memref<2x4x8x1024xf32, #tpu.memory_space<vmem>>, vector<1x1x1x16xf32>,
        %parallel_loop3A_650 = arith.constant 0 : i32
        %parallel_loop3A_651 = arith.constant 2 : i32
        %parallel_loop3A_652 = arith.constant 0 : i32
        %parallel_loop3A_653 = arith.index_cast %parallel_loop3A_650 : i32 to index
        %parallel_loop3A_654 = arith.index_cast %parallel_loop3A_651 : i32 to index
        %parallel_loop3A_655 = arith.index_cast %parallel_loop3A_652 : i32 to index
        %parallel_loop3A_656 = arith.index_cast %parallel_loop3A_620 : i32 to index
        %parallel_loop3A_657 = tpu.vector_load %arg6[%parallel_loop3A_653, %parallel_loop3A_654, %parallel_loop3A_655, %parallel_loop3A_656] {strides = array<i32>} : memref<2x4x8x1024xf32, #tpu.memory_space<vmem>>, vector<1x1x1x16xf32>,
        %parallel_loop3A_658 = vector.shape_cast %parallel_loop3A_657 : vector<1x1x1x16xf32> to vector<16xf32>
        %parallel_loop3A_659 = vector.shape_cast %parallel_loop3A_629 : vector<16xf32> to vector<1x1x1x16xf32>
        tpu.vector_store %arg6[%parallel_loop3A_653, %parallel_loop3A_654, %parallel_loop3A_655, %parallel_loop3A_656], %parallel_loop3A_659 {add = true, strides = array<i32>} : memref<2x4x8x1024xf32, #tpu.memory_space<vmem>>, vector<1x1x1x16xf32>,
        %parallel_loop3A_660 = arith.constant 0 : i32
        %parallel_loop3A_661 = arith.constant 3 : i32
        %parallel_loop3A_662 = arith.constant 0 : i32
        %parallel_loop3A_663 = arith.index_cast %parallel_loop3A_660 : i32 to index
        %parallel_loop3A_664 = arith.index_cast %parallel_loop3A_661 : i32 to index
        %parallel_loop3A_665 = arith.index_cast %parallel_loop3A_662 : i32 to index
        %parallel_loop3A_666 = arith.index_cast %parallel_loop3A_620 : i32 to index
        %parallel_loop3A_667 = tpu.vector_load %arg6[%parallel_loop3A_663, %parallel_loop3A_664, %parallel_loop3A_665, %parallel_loop3A_666] {strides = array<i32>} : memref<2x4x8x1024xf32, #tpu.memory_space<vmem>>, vector<1x1x1x16xf32>,
        %parallel_loop3A_668 = vector.shape_cast %parallel_loop3A_667 : vector<1x1x1x16xf32> to vector<16xf32>
        %parallel_loop3A_669 = vector.shape_cast %parallel_loop3A_629 : vector<16xf32> to vector<1x1x1x16xf32>
        tpu.vector_store %arg6[%parallel_loop3A_663, %parallel_loop3A_664, %parallel_loop3A_665, %parallel_loop3A_666], %parallel_loop3A_669 {add = true, strides = array<i32>} : memref<2x4x8x1024xf32, #tpu.memory_space<vmem>>, vector<1x1x1x16xf32>,
      } {sc.loop_unroll_factor = 4 : i64, sc.parallel_access}
      %parallel_loop3A_173 = arith.constant 0 : i32
      %parallel_loop3A_174 = arith.constant 1024 : i32
      %parallel_loop3A_175 = arith.constant 16 : i32
      %parallel_loop3A_176 = arith.constant 0 : i32
      scf.for %parallel_loop3A_620 = %parallel_loop3A_173 to %parallel_loop3A_174 step %parallel_loop3A_175  : i32 {
        %parallel_loop3A_621 = arith.constant 1 : i32
        %parallel_loop3A_622 = arith.constant 0 : i32
        %parallel_loop3A_623 = arith.constant 0 : i32
        %parallel_loop3A_624 = tpu.memref_slice %arg5[%parallel_loop3A_176, %parallel_loop3A_622, %parallel_loop3A_623] : memref<2x8x1024xf32, #tpu.memory_space<vmem>> -> memref<1x8x1024xf32, #tpu.memory_space<vmem>>
        %parallel_loop3A_625 = tpu.memref_squeeze %parallel_loop3A_624 : memref<1x8x1024xf32, #tpu.memory_space<vmem>> -> memref<8x1024xf32, #tpu.memory_space<vmem>>
        %parallel_loop3A_626 = arith.index_cast %parallel_loop3A_621 : i32 to index
        %parallel_loop3A_627 = arith.index_cast %parallel_loop3A_620 : i32 to index
        %parallel_loop3A_628 = tpu.vector_load %parallel_loop3A_625[%parallel_loop3A_626, %parallel_loop3A_627] {strides = array<i32>} : memref<8x1024xf32, #tpu.memory_space<vmem>>, vector<1x16xf32>,
        %parallel_loop3A_629 = vector.shape_cast %parallel_loop3A_628 : vector<1x16xf32> to vector<16xf32>
        %parallel_loop3A_630 = arith.constant 0 : i32
        %parallel_loop3A_631 = arith.constant 0 : i32
        %parallel_loop3A_632 = arith.constant 1 : i32
        %parallel_loop3A_633 = arith.index_cast %parallel_loop3A_630 : i32 to index
        %parallel_loop3A_634 = arith.index_cast %parallel_loop3A_631 : i32 to index
        %parallel_loop3A_635 = arith.index_cast %parallel_loop3A_632 : i32 to index
        %parallel_loop3A_636 = arith.index_cast %parallel_loop3A_620 : i32 to index
        %parallel_loop3A_637 = tpu.vector_load %arg6[%parallel_loop3A_633, %parallel_loop3A_634, %parallel_loop3A_635, %parallel_loop3A_636] {strides = array<i32>} : memref<2x4x8x1024xf32, #tpu.memory_space<vmem>>, vector<1x1x1x16xf32>,
        %parallel_loop3A_638 = vector.shape_cast %parallel_loop3A_637 : vector<1x1x1x16xf32> to vector<16xf32>
        %parallel_loop3A_639 = vector.shape_cast %parallel_loop3A_629 : vector<16xf32> to vector<1x1x1x16xf32>
        tpu.vector_store %arg6[%parallel_loop3A_633, %parallel_loop3A_634, %parallel_loop3A_635, %parallel_loop3A_636], %parallel_loop3A_639 {add = true, strides = array<i32>} : memref<2x4x8x1024xf32, #tpu.memory_space<vmem>>, vector<1x1x1x16xf32>,
        %parallel_loop3A_640 = arith.constant 0 : i32
        %parallel_loop3A_641 = arith.constant 1 : i32
        %parallel_loop3A_642 = arith.constant 1 : i32
        %parallel_loop3A_643 = arith.index_cast %parallel_loop3A_640 : i32 to index
        %parallel_loop3A_644 = arith.index_cast %parallel_loop3A_641 : i32 to index
        %parallel_loop3A_645 = arith.index_cast %parallel_loop3A_642 : i32 to index
        %parallel_loop3A_646 = arith.index_cast %parallel_loop3A_620 : i32 to index
        %parallel_loop3A_647 = tpu.vector_load %arg6[%parallel_loop3A_643, %parallel_loop3A_644, %parallel_loop3A_645, %parallel_loop3A_646] {strides = array<i32>} : memref<2x4x8x1024xf32, #tpu.memory_space<vmem>>, vector<1x1x1x16xf32>,
        %parallel_loop3A_648 = vector.shape_cast %parallel_loop3A_647 : vector<1x1x1x16xf32> to vector<16xf32>
        %parallel_loop3A_649 = vector.shape_cast %parallel_loop3A_629 : vector<16xf32> to vector<1x1x1x16xf32>
        tpu.vector_store %arg6[%parallel_loop3A_643, %parallel_loop3A_644, %parallel_loop3A_645, %parallel_loop3A_646], %parallel_loop3A_649 {add = true, strides = array<i32>} : memref<2x4x8x1024xf32, #tpu.memory_space<vmem>>, vector<1x1x1x16xf32>,
        %parallel_loop3A_650 = arith.constant 0 : i32
        %parallel_loop3A_651 = arith.constant 2 : i32
        %parallel_loop3A_652 = arith.constant 1 : i32
        %parallel_loop3A_653 = arith.index_cast %parallel_loop3A_650 : i32 to index
        %parallel_loop3A_654 = arith.index_cast %parallel_loop3A_651 : i32 to index
        %parallel_loop3A_655 = arith.index_cast %parallel_loop3A_652 : i32 to index
        %parallel_loop3A_656 = arith.index_cast %parallel_loop3A_620 : i32 to index
        %parallel_loop3A_657 = tpu.vector_load %arg6[%parallel_loop3A_653, %parallel_loop3A_654, %parallel_loop3A_655, %parallel_loop3A_656] {strides = array<i32>} : memref<2x4x8x1024xf32, #tpu.memory_space<vmem>>, vector<1x1x1x16xf32>,
        %parallel_loop3A_658 = vector.shape_cast %parallel_loop3A_657 : vector<1x1x1x16xf32> to vector<16xf32>
        %parallel_loop3A_659 = vector.shape_cast %parallel_loop3A_629 : vector<16xf32> to vector<1x1x1x16xf32>
        tpu.vector_store %arg6[%parallel_loop3A_653, %parallel_loop3A_654, %parallel_loop3A_655, %parallel_loop3A_656], %parallel_loop3A_659 {add = true, strides = array<i32>} : memref<2x4x8x1024xf32, #tpu.memory_space<vmem>>, vector<1x1x1x16xf32>,
        %parallel_loop3A_660 = arith.constant 0 : i32
        %parallel_loop3A_661 = arith.constant 3 : i32
        %parallel_loop3A_662 = arith.constant 1 : i32
        %parallel_loop3A_663 = arith.index_cast %parallel_loop3A_660 : i32 to index
        %parallel_loop3A_664 = arith.index_cast %parallel_loop3A_661 : i32 to index
        %parallel_loop3A_665 = arith.index_cast %parallel_loop3A_662 : i32 to index
        %parallel_loop3A_666 = arith.index_cast %parallel_loop3A_620 : i32 to index
        %parallel_loop3A_667 = tpu.vector_load %arg6[%parallel_loop3A_663, %parallel_loop3A_664, %parallel_loop3A_665, %parallel_loop3A_666] {strides = array<i32>} : memref<2x4x8x1024xf32, #tpu.memory_space<vmem>>, vector<1x1x1x16xf32>,
        %parallel_loop3A_668 = vector.shape_cast %parallel_loop3A_667 : vector<1x1x1x16xf32> to vector<16xf32>
        %parallel_loop3A_669 = vector.shape_cast %parallel_loop3A_629 : vector<16xf32> to vector<1x1x1x16xf32>
        tpu.vector_store %arg6[%parallel_loop3A_663, %parallel_loop3A_664, %parallel_loop3A_665, %parallel_loop3A_666], %parallel_loop3A_669 {add = true, strides = array<i32>} : memref<2x4x8x1024xf32, #tpu.memory_space<vmem>>, vector<1x1x1x16xf32>,
      } {sc.loop_unroll_factor = 4 : i64, sc.parallel_access}
      %parallel_loop3A_177 = arith.constant 0 : i32
      %parallel_loop3A_178 = arith.constant 1024 : i32
      %parallel_loop3A_179 = arith.constant 16 : i32
      %parallel_loop3A_180 = arith.constant 0 : i32
      scf.for %parallel_loop3A_620 = %parallel_loop3A_177 to %parallel_loop3A_178 step %parallel_loop3A_179  : i32 {
        %parallel_loop3A_621 = arith.constant 2 : i32
        %parallel_loop3A_622 = arith.constant 0 : i32
        %parallel_loop3A_623 = arith.constant 0 : i32
        %parallel_loop3A_624 = tpu.memref_slice %arg5[%parallel_loop3A_180, %parallel_loop3A_622, %parallel_loop3A_623] : memref<2x8x1024xf32, #tpu.memory_space<vmem>> -> memref<1x8x1024xf32, #tpu.memory_space<vmem>>
        %parallel_loop3A_625 = tpu.memref_squeeze %parallel_loop3A_624 : memref<1x8x1024xf32, #tpu.memory_space<vmem>> -> memref<8x1024xf32, #tpu.memory_space<vmem>>
        %parallel_loop3A_626 = arith.index_cast %parallel_loop3A_621 : i32 to index
        %parallel_loop3A_627 = arith.index_cast %parallel_loop3A_620 : i32 to index
        %parallel_loop3A_628 = tpu.vector_load %parallel_loop3A_625[%parallel_loop3A_626, %parallel_loop3A_627] {strides = array<i32>} : memref<8x1024xf32, #tpu.memory_space<vmem>>, vector<1x16xf32>,
        %parallel_loop3A_629 = vector.shape_cast %parallel_loop3A_628 : vector<1x16xf32> to vector<16xf32>
        %parallel_loop3A_630 = arith.constant 0 : i32
        %parallel_loop3A_631 = arith.constant 0 : i32
        %parallel_loop3A_632 = arith.constant 2 : i32
        %parallel_loop3A_633 = arith.index_cast %parallel_loop3A_630 : i32 to index
        %parallel_loop3A_634 = arith.index_cast %parallel_loop3A_631 : i32 to index
        %parallel_loop3A_635 = arith.index_cast %parallel_loop3A_632 : i32 to index
        %parallel_loop3A_636 = arith.index_cast %parallel_loop3A_620 : i32 to index
        %parallel_loop3A_637 = tpu.vector_load %arg6[%parallel_loop3A_633, %parallel_loop3A_634, %parallel_loop3A_635, %parallel_loop3A_636] {strides = array<i32>} : memref<2x4x8x1024xf32, #tpu.memory_space<vmem>>, vector<1x1x1x16xf32>,
        %parallel_loop3A_638 = vector.shape_cast %parallel_loop3A_637 : vector<1x1x1x16xf32> to vector<16xf32>
        %parallel_loop3A_639 = vector.shape_cast %parallel_loop3A_629 : vector<16xf32> to vector<1x1x1x16xf32>
        tpu.vector_store %arg6[%parallel_loop3A_633, %parallel_loop3A_634, %parallel_loop3A_635, %parallel_loop3A_636], %parallel_loop3A_639 {add = true, strides = array<i32>} : memref<2x4x8x1024xf32, #tpu.memory_space<vmem>>, vector<1x1x1x16xf32>,
        %parallel_loop3A_640 = arith.constant 0 : i32
        %parallel_loop3A_641 = arith.constant 1 : i32
        %parallel_loop3A_642 = arith.constant 2 : i32
        %parallel_loop3A_643 = arith.index_cast %parallel_loop3A_640 : i32 to index
        %parallel_loop3A_644 = arith.index_cast %parallel_loop3A_641 : i32 to index
        %parallel_loop3A_645 = arith.index_cast %parallel_loop3A_642 : i32 to index
        %parallel_loop3A_646 = arith.index_cast %parallel_loop3A_620 : i32 to index
        %parallel_loop3A_647 = tpu.vector_load %arg6[%parallel_loop3A_643, %parallel_loop3A_644, %parallel_loop3A_645, %parallel_loop3A_646] {strides = array<i32>} : memref<2x4x8x1024xf32, #tpu.memory_space<vmem>>, vector<1x1x1x16xf32>,
        %parallel_loop3A_648 = vector.shape_cast %parallel_loop3A_647 : vector<1x1x1x16xf32> to vector<16xf32>
        %parallel_loop3A_649 = vector.shape_cast %parallel_loop3A_629 : vector<16xf32> to vector<1x1x1x16xf32>
        tpu.vector_store %arg6[%parallel_loop3A_643, %parallel_loop3A_644, %parallel_loop3A_645, %parallel_loop3A_646], %parallel_loop3A_649 {add = true, strides = array<i32>} : memref<2x4x8x1024xf32, #tpu.memory_space<vmem>>, vector<1x1x1x16xf32>,
        %parallel_loop3A_650 = arith.constant 0 : i32
        %parallel_loop3A_651 = arith.constant 2 : i32
        %parallel_loop3A_652 = arith.constant 2 : i32
        %parallel_loop3A_653 = arith.index_cast %parallel_loop3A_650 : i32 to index
        %parallel_loop3A_654 = arith.index_cast %parallel_loop3A_651 : i32 to index
        %parallel_loop3A_655 = arith.index_cast %parallel_loop3A_652 : i32 to index
        %parallel_loop3A_656 = arith.index_cast %parallel_loop3A_620 : i32 to index
        %parallel_loop3A_657 = tpu.vector_load %arg6[%parallel_loop3A_653, %parallel_loop3A_654, %parallel_loop3A_655, %parallel_loop3A_656] {strides = array<i32>} : memref<2x4x8x1024xf32, #tpu.memory_space<vmem>>, vector<1x1x1x16xf32>,
        %parallel_loop3A_658 = vector.shape_cast %parallel_loop3A_657 : vector<1x1x1x16xf32> to vector<16xf32>
        %parallel_loop3A_659 = vector.shape_cast %parallel_loop3A_629 : vector<16xf32> to vector<1x1x1x16xf32>
        tpu.vector_store %arg6[%parallel_loop3A_653, %parallel_loop3A_654, %parallel_loop3A_655, %parallel_loop3A_656], %parallel_loop3A_659 {add = true, strides = array<i32>} : memref<2x4x8x1024xf32, #tpu.memory_space<vmem>>, vector<1x1x1x16xf32>,
        %parallel_loop3A_660 = arith.constant 0 : i32
        %parallel_loop3A_661 = arith.constant 3 : i32
        %parallel_loop3A_662 = arith.constant 2 : i32
        %parallel_loop3A_663 = arith.index_cast %parallel_loop3A_660 : i32 to index
        %parallel_loop3A_664 = arith.index_cast %parallel_loop3A_661 : i32 to index
        %parallel_loop3A_665 = arith.index_cast %parallel_loop3A_662 : i32 to index
        %parallel_loop3A_666 = arith.index_cast %parallel_loop3A_620 : i32 to index
        %parallel_loop3A_667 = tpu.vector_load %arg6[%parallel_loop3A_663, %parallel_loop3A_664, %parallel_loop3A_665, %parallel_loop3A_666] {strides = array<i32>} : memref<2x4x8x1024xf32, #tpu.memory_space<vmem>>, vector<1x1x1x16xf32>,
        %parallel_loop3A_668 = vector.shape_cast %parallel_loop3A_667 : vector<1x1x1x16xf32> to vector<16xf32>
        %parallel_loop3A_669 = vector.shape_cast %parallel_loop3A_629 : vector<16xf32> to vector<1x1x1x16xf32>
        tpu.vector_store %arg6[%parallel_loop3A_663, %parallel_loop3A_664, %parallel_loop3A_665, %parallel_loop3A_666], %parallel_loop3A_669 {add = true, strides = array<i32>} : memref<2x4x8x1024xf32, #tpu.memory_space<vmem>>, vector<1x1x1x16xf32>,
      } {sc.loop_unroll_factor = 4 : i64, sc.parallel_access}
      %parallel_loop3A_181 = arith.constant 0 : i32
      %parallel_loop3A_182 = arith.constant 1024 : i32
      %parallel_loop3A_183 = arith.constant 16 : i32
      %parallel_loop3A_184 = arith.constant 0 : i32
      scf.for %parallel_loop3A_620 = %parallel_loop3A_181 to %parallel_loop3A_182 step %parallel_loop3A_183  : i32 {
        %parallel_loop3A_621 = arith.constant 3 : i32
        %parallel_loop3A_622 = arith.constant 0 : i32
        %parallel_loop3A_623 = arith.constant 0 : i32
        %parallel_loop3A_624 = tpu.memref_slice %arg5[%parallel_loop3A_184, %parallel_loop3A_622, %parallel_loop3A_623] : memref<2x8x1024xf32, #tpu.memory_space<vmem>> -> memref<1x8x1024xf32, #tpu.memory_space<vmem>>
        %parallel_loop3A_625 = tpu.memref_squeeze %parallel_loop3A_624 : memref<1x8x1024xf32, #tpu.memory_space<vmem>> -> memref<8x1024xf32, #tpu.memory_space<vmem>>
        %parallel_loop3A_626 = arith.index_cast %parallel_loop3A_621 : i32 to index
        %parallel_loop3A_627 = arith.index_cast %parallel_loop3A_620 : i32 to index
        %parallel_loop3A_628 = tpu.vector_load %parallel_loop3A_625[%parallel_loop3A_626, %parallel_loop3A_627] {strides = array<i32>} : memref<8x1024xf32, #tpu.memory_space<vmem>>, vector<1x16xf32>,
        %parallel_loop3A_629 = vector.shape_cast %parallel_loop3A_628 : vector<1x16xf32> to vector<16xf32>
        %parallel_loop3A_630 = arith.constant 0 : i32
        %parallel_loop3A_631 = arith.constant 0 : i32
        %parallel_loop3A_632 = arith.constant 3 : i32
        %parallel_loop3A_633 = arith.index_cast %parallel_loop3A_630 : i32 to index
        %parallel_loop3A_634 = arith.index_cast %parallel_loop3A_631 : i32 to index
        %parallel_loop3A_635 = arith.index_cast %parallel_loop3A_632 : i32 to index
        %parallel_loop3A_636 = arith.index_cast %parallel_loop3A_620 : i32 to index
        %parallel_loop3A_637 = tpu.vector_load %arg6[%parallel_loop3A_633, %parallel_loop3A_634, %parallel_loop3A_635, %parallel_loop3A_636] {strides = array<i32>} : memref<2x4x8x1024xf32, #tpu.memory_space<vmem>>, vector<1x1x1x16xf32>,
        %parallel_loop3A_638 = vector.shape_cast %parallel_loop3A_637 : vector<1x1x1x16xf32> to vector<16xf32>
        %parallel_loop3A_639 = vector.shape_cast %parallel_loop3A_629 : vector<16xf32> to vector<1x1x1x16xf32>
        tpu.vector_store %arg6[%parallel_loop3A_633, %parallel_loop3A_634, %parallel_loop3A_635, %parallel_loop3A_636], %parallel_loop3A_639 {add = true, strides = array<i32>} : memref<2x4x8x1024xf32, #tpu.memory_space<vmem>>, vector<1x1x1x16xf32>,
        %parallel_loop3A_640 = arith.constant 0 : i32
        %parallel_loop3A_641 = arith.constant 1 : i32
        %parallel_loop3A_642 = arith.constant 3 : i32
        %parallel_loop3A_643 = arith.index_cast %parallel_loop3A_640 : i32 to index
        %parallel_loop3A_644 = arith.index_cast %parallel_loop3A_641 : i32 to index
        %parallel_loop3A_645 = arith.index_cast %parallel_loop3A_642 : i32 to index
        %parallel_loop3A_646 = arith.index_cast %parallel_loop3A_620 : i32 to index
        %parallel_loop3A_647 = tpu.vector_load %arg6[%parallel_loop3A_643, %parallel_loop3A_644, %parallel_loop3A_645, %parallel_loop3A_646] {strides = array<i32>} : memref<2x4x8x1024xf32, #tpu.memory_space<vmem>>, vector<1x1x1x16xf32>,
        %parallel_loop3A_648 = vector.shape_cast %parallel_loop3A_647 : vector<1x1x1x16xf32> to vector<16xf32>
        %parallel_loop3A_649 = vector.shape_cast %parallel_loop3A_629 : vector<16xf32> to vector<1x1x1x16xf32>
        tpu.vector_store %arg6[%parallel_loop3A_643, %parallel_loop3A_644, %parallel_loop3A_645, %parallel_loop3A_646], %parallel_loop3A_649 {add = true, strides = array<i32>} : memref<2x4x8x1024xf32, #tpu.memory_space<vmem>>, vector<1x1x1x16xf32>,
        %parallel_loop3A_650 = arith.constant 0 : i32
        %parallel_loop3A_651 = arith.constant 2 : i32
        %parallel_loop3A_652 = arith.constant 3 : i32
        %parallel_loop3A_653 = arith.index_cast %parallel_loop3A_650 : i32 to index
        %parallel_loop3A_654 = arith.index_cast %parallel_loop3A_651 : i32 to index
        %parallel_loop3A_655 = arith.index_cast %parallel_loop3A_652 : i32 to index
        %parallel_loop3A_656 = arith.index_cast %parallel_loop3A_620 : i32 to index
        %parallel_loop3A_657 = tpu.vector_load %arg6[%parallel_loop3A_653, %parallel_loop3A_654, %parallel_loop3A_655, %parallel_loop3A_656] {strides = array<i32>} : memref<2x4x8x1024xf32, #tpu.memory_space<vmem>>, vector<1x1x1x16xf32>,
        %parallel_loop3A_658 = vector.shape_cast %parallel_loop3A_657 : vector<1x1x1x16xf32> to vector<16xf32>
        %parallel_loop3A_659 = vector.shape_cast %parallel_loop3A_629 : vector<16xf32> to vector<1x1x1x16xf32>
        tpu.vector_store %arg6[%parallel_loop3A_653, %parallel_loop3A_654, %parallel_loop3A_655, %parallel_loop3A_656], %parallel_loop3A_659 {add = true, strides = array<i32>} : memref<2x4x8x1024xf32, #tpu.memory_space<vmem>>, vector<1x1x1x16xf32>,
        %parallel_loop3A_660 = arith.constant 0 : i32
        %parallel_loop3A_661 = arith.constant 3 : i32
        %parallel_loop3A_662 = arith.constant 3 : i32
        %parallel_loop3A_663 = arith.index_cast %parallel_loop3A_660 : i32 to index
        %parallel_loop3A_664 = arith.index_cast %parallel_loop3A_661 : i32 to index
        %parallel_loop3A_665 = arith.index_cast %parallel_loop3A_662 : i32 to index
        %parallel_loop3A_666 = arith.index_cast %parallel_loop3A_620 : i32 to index
        %parallel_loop3A_667 = tpu.vector_load %arg6[%parallel_loop3A_663, %parallel_loop3A_664, %parallel_loop3A_665, %parallel_loop3A_666] {strides = array<i32>} : memref<2x4x8x1024xf32, #tpu.memory_space<vmem>>, vector<1x1x1x16xf32>,
        %parallel_loop3A_668 = vector.shape_cast %parallel_loop3A_667 : vector<1x1x1x16xf32> to vector<16xf32>
        %parallel_loop3A_669 = vector.shape_cast %parallel_loop3A_629 : vector<16xf32> to vector<1x1x1x16xf32>
        tpu.vector_store %arg6[%parallel_loop3A_663, %parallel_loop3A_664, %parallel_loop3A_665, %parallel_loop3A_666], %parallel_loop3A_669 {add = true, strides = array<i32>} : memref<2x4x8x1024xf32, #tpu.memory_space<vmem>>, vector<1x1x1x16xf32>,
      } {sc.loop_unroll_factor = 4 : i64, sc.parallel_access}
      %parallel_loop3A_185 = arith.constant 0 : i32
      %parallel_loop3A_186 = arith.constant 1024 : i32
      %parallel_loop3A_187 = arith.constant 16 : i32
      %parallel_loop3A_188 = arith.constant 0 : i32
      scf.for %parallel_loop3A_620 = %parallel_loop3A_185 to %parallel_loop3A_186 step %parallel_loop3A_187  : i32 {
        %parallel_loop3A_621 = arith.constant 4 : i32
        %parallel_loop3A_622 = arith.constant 0 : i32
        %parallel_loop3A_623 = arith.constant 0 : i32
        %parallel_loop3A_624 = tpu.memref_slice %arg5[%parallel_loop3A_188, %parallel_loop3A_622, %parallel_loop3A_623] : memref<2x8x1024xf32, #tpu.memory_space<vmem>> -> memref<1x8x1024xf32, #tpu.memory_space<vmem>>
        %parallel_loop3A_625 = tpu.memref_squeeze %parallel_loop3A_624 : memref<1x8x1024xf32, #tpu.memory_space<vmem>> -> memref<8x1024xf32, #tpu.memory_space<vmem>>
        %parallel_loop3A_626 = arith.index_cast %parallel_loop3A_621 : i32 to index
        %parallel_loop3A_627 = arith.index_cast %parallel_loop3A_620 : i32 to index
        %parallel_loop3A_628 = tpu.vector_load %parallel_loop3A_625[%parallel_loop3A_626, %parallel_loop3A_627] {strides = array<i32>} : memref<8x1024xf32, #tpu.memory_space<vmem>>, vector<1x16xf32>,
        %parallel_loop3A_629 = vector.shape_cast %parallel_loop3A_628 : vector<1x16xf32> to vector<16xf32>
        %parallel_loop3A_630 = arith.constant 0 : i32
        %parallel_loop3A_631 = arith.constant 0 : i32
        %parallel_loop3A_632 = arith.constant 4 : i32
        %parallel_loop3A_633 = arith.index_cast %parallel_loop3A_630 : i32 to index
        %parallel_loop3A_634 = arith.index_cast %parallel_loop3A_631 : i32 to index
        %parallel_loop3A_635 = arith.index_cast %parallel_loop3A_632 : i32 to index
        %parallel_loop3A_636 = arith.index_cast %parallel_loop3A_620 : i32 to index
        %parallel_loop3A_637 = tpu.vector_load %arg6[%parallel_loop3A_633, %parallel_loop3A_634, %parallel_loop3A_635, %parallel_loop3A_636] {strides = array<i32>} : memref<2x4x8x1024xf32, #tpu.memory_space<vmem>>, vector<1x1x1x16xf32>,
        %parallel_loop3A_638 = vector.shape_cast %parallel_loop3A_637 : vector<1x1x1x16xf32> to vector<16xf32>
        %parallel_loop3A_639 = vector.shape_cast %parallel_loop3A_629 : vector<16xf32> to vector<1x1x1x16xf32>
        tpu.vector_store %arg6[%parallel_loop3A_633, %parallel_loop3A_634, %parallel_loop3A_635, %parallel_loop3A_636], %parallel_loop3A_639 {add = true, strides = array<i32>} : memref<2x4x8x1024xf32, #tpu.memory_space<vmem>>, vector<1x1x1x16xf32>,
        %parallel_loop3A_640 = arith.constant 0 : i32
        %parallel_loop3A_641 = arith.constant 1 : i32
        %parallel_loop3A_642 = arith.constant 4 : i32
        %parallel_loop3A_643 = arith.index_cast %parallel_loop3A_640 : i32 to index
        %parallel_loop3A_644 = arith.index_cast %parallel_loop3A_641 : i32 to index
        %parallel_loop3A_645 = arith.index_cast %parallel_loop3A_642 : i32 to index
        %parallel_loop3A_646 = arith.index_cast %parallel_loop3A_620 : i32 to index
        %parallel_loop3A_647 = tpu.vector_load %arg6[%parallel_loop3A_643, %parallel_loop3A_644, %parallel_loop3A_645, %parallel_loop3A_646] {strides = array<i32>} : memref<2x4x8x1024xf32, #tpu.memory_space<vmem>>, vector<1x1x1x16xf32>,
        %parallel_loop3A_648 = vector.shape_cast %parallel_loop3A_647 : vector<1x1x1x16xf32> to vector<16xf32>
        %parallel_loop3A_649 = vector.shape_cast %parallel_loop3A_629 : vector<16xf32> to vector<1x1x1x16xf32>
        tpu.vector_store %arg6[%parallel_loop3A_643, %parallel_loop3A_644, %parallel_loop3A_645, %parallel_loop3A_646], %parallel_loop3A_649 {add = true, strides = array<i32>} : memref<2x4x8x1024xf32, #tpu.memory_space<vmem>>, vector<1x1x1x16xf32>,
        %parallel_loop3A_650 = arith.constant 0 : i32
        %parallel_loop3A_651 = arith.constant 2 : i32
        %parallel_loop3A_652 = arith.constant 4 : i32
        %parallel_loop3A_653 = arith.index_cast %parallel_loop3A_650 : i32 to index
        %parallel_loop3A_654 = arith.index_cast %parallel_loop3A_651 : i32 to index
        %parallel_loop3A_655 = arith.index_cast %parallel_loop3A_652 : i32 to index
        %parallel_loop3A_656 = arith.index_cast %parallel_loop3A_620 : i32 to index
        %parallel_loop3A_657 = tpu.vector_load %arg6[%parallel_loop3A_653, %parallel_loop3A_654, %parallel_loop3A_655, %parallel_loop3A_656] {strides = array<i32>} : memref<2x4x8x1024xf32, #tpu.memory_space<vmem>>, vector<1x1x1x16xf32>,
        %parallel_loop3A_658 = vector.shape_cast %parallel_loop3A_657 : vector<1x1x1x16xf32> to vector<16xf32>
        %parallel_loop3A_659 = vector.shape_cast %parallel_loop3A_629 : vector<16xf32> to vector<1x1x1x16xf32>
        tpu.vector_store %arg6[%parallel_loop3A_653, %parallel_loop3A_654, %parallel_loop3A_655, %parallel_loop3A_656], %parallel_loop3A_659 {add = true, strides = array<i32>} : memref<2x4x8x1024xf32, #tpu.memory_space<vmem>>, vector<1x1x1x16xf32>,
        %parallel_loop3A_660 = arith.constant 0 : i32
        %parallel_loop3A_661 = arith.constant 3 : i32
        %parallel_loop3A_662 = arith.constant 4 : i32
        %parallel_loop3A_663 = arith.index_cast %parallel_loop3A_660 : i32 to index
        %parallel_loop3A_664 = arith.index_cast %parallel_loop3A_661 : i32 to index
        %parallel_loop3A_665 = arith.index_cast %parallel_loop3A_662 : i32 to index
        %parallel_loop3A_666 = arith.index_cast %parallel_loop3A_620 : i32 to index
        %parallel_loop3A_667 = tpu.vector_load %arg6[%parallel_loop3A_663, %parallel_loop3A_664, %parallel_loop3A_665, %parallel_loop3A_666] {strides = array<i32>} : memref<2x4x8x1024xf32, #tpu.memory_space<vmem>>, vector<1x1x1x16xf32>,
        %parallel_loop3A_668 = vector.shape_cast %parallel_loop3A_667 : vector<1x1x1x16xf32> to vector<16xf32>
        %parallel_loop3A_669 = vector.shape_cast %parallel_loop3A_629 : vector<16xf32> to vector<1x1x1x16xf32>
        tpu.vector_store %arg6[%parallel_loop3A_663, %parallel_loop3A_664, %parallel_loop3A_665, %parallel_loop3A_666], %parallel_loop3A_669 {add = true, strides = array<i32>} : memref<2x4x8x1024xf32, #tpu.memory_space<vmem>>, vector<1x1x1x16xf32>,
      } {sc.loop_unroll_factor = 4 : i64, sc.parallel_access}
      %parallel_loop3A_189 = arith.constant 0 : i32
      %parallel_loop3A_190 = arith.constant 1024 : i32
      %parallel_loop3A_191 = arith.constant 16 : i32
      %parallel_loop3A_192 = arith.constant 0 : i32
      scf.for %parallel_loop3A_620 = %parallel_loop3A_189 to %parallel_loop3A_190 step %parallel_loop3A_191  : i32 {
        %parallel_loop3A_621 = arith.constant 5 : i32
        %parallel_loop3A_622 = arith.constant 0 : i32
        %parallel_loop3A_623 = arith.constant 0 : i32
        %parallel_loop3A_624 = tpu.memref_slice %arg5[%parallel_loop3A_192, %parallel_loop3A_622, %parallel_loop3A_623] : memref<2x8x1024xf32, #tpu.memory_space<vmem>> -> memref<1x8x1024xf32, #tpu.memory_space<vmem>>
        %parallel_loop3A_625 = tpu.memref_squeeze %parallel_loop3A_624 : memref<1x8x1024xf32, #tpu.memory_space<vmem>> -> memref<8x1024xf32, #tpu.memory_space<vmem>>
        %parallel_loop3A_626 = arith.index_cast %parallel_loop3A_621 : i32 to index
        %parallel_loop3A_627 = arith.index_cast %parallel_loop3A_620 : i32 to index
        %parallel_loop3A_628 = tpu.vector_load %parallel_loop3A_625[%parallel_loop3A_626, %parallel_loop3A_627] {strides = array<i32>} : memref<8x1024xf32, #tpu.memory_space<vmem>>, vector<1x16xf32>,
        %parallel_loop3A_629 = vector.shape_cast %parallel_loop3A_628 : vector<1x16xf32> to vector<16xf32>
        %parallel_loop3A_630 = arith.constant 0 : i32
        %parallel_loop3A_631 = arith.constant 0 : i32
        %parallel_loop3A_632 = arith.constant 5 : i32
        %parallel_loop3A_633 = arith.index_cast %parallel_loop3A_630 : i32 to index
        %parallel_loop3A_634 = arith.index_cast %parallel_loop3A_631 : i32 to index
        %parallel_loop3A_635 = arith.index_cast %parallel_loop3A_632 : i32 to index
        %parallel_loop3A_636 = arith.index_cast %parallel_loop3A_620 : i32 to index
        %parallel_loop3A_637 = tpu.vector_load %arg6[%parallel_loop3A_633, %parallel_loop3A_634, %parallel_loop3A_635, %parallel_loop3A_636] {strides = array<i32>} : memref<2x4x8x1024xf32, #tpu.memory_space<vmem>>, vector<1x1x1x16xf32>,
        %parallel_loop3A_638 = vector.shape_cast %parallel_loop3A_637 : vector<1x1x1x16xf32> to vector<16xf32>
        %parallel_loop3A_639 = vector.shape_cast %parallel_loop3A_629 : vector<16xf32> to vector<1x1x1x16xf32>
        tpu.vector_store %arg6[%parallel_loop3A_633, %parallel_loop3A_634, %parallel_loop3A_635, %parallel_loop3A_636], %parallel_loop3A_639 {add = true, strides = array<i32>} : memref<2x4x8x1024xf32, #tpu.memory_space<vmem>>, vector<1x1x1x16xf32>,
        %parallel_loop3A_640 = arith.constant 0 : i32
        %parallel_loop3A_641 = arith.constant 1 : i32
        %parallel_loop3A_642 = arith.constant 5 : i32
        %parallel_loop3A_643 = arith.index_cast %parallel_loop3A_640 : i32 to index
        %parallel_loop3A_644 = arith.index_cast %parallel_loop3A_641 : i32 to index
        %parallel_loop3A_645 = arith.index_cast %parallel_loop3A_642 : i32 to index
        %parallel_loop3A_646 = arith.index_cast %parallel_loop3A_620 : i32 to index
        %parallel_loop3A_647 = tpu.vector_load %arg6[%parallel_loop3A_643, %parallel_loop3A_644, %parallel_loop3A_645, %parallel_loop3A_646] {strides = array<i32>} : memref<2x4x8x1024xf32, #tpu.memory_space<vmem>>, vector<1x1x1x16xf32>,
        %parallel_loop3A_648 = vector.shape_cast %parallel_loop3A_647 : vector<1x1x1x16xf32> to vector<16xf32>
        %parallel_loop3A_649 = vector.shape_cast %parallel_loop3A_629 : vector<16xf32> to vector<1x1x1x16xf32>
        tpu.vector_store %arg6[%parallel_loop3A_643, %parallel_loop3A_644, %parallel_loop3A_645, %parallel_loop3A_646], %parallel_loop3A_649 {add = true, strides = array<i32>} : memref<2x4x8x1024xf32, #tpu.memory_space<vmem>>, vector<1x1x1x16xf32>,
        %parallel_loop3A_650 = arith.constant 0 : i32
        %parallel_loop3A_651 = arith.constant 2 : i32
        %parallel_loop3A_652 = arith.constant 5 : i32
        %parallel_loop3A_653 = arith.index_cast %parallel_loop3A_650 : i32 to index
        %parallel_loop3A_654 = arith.index_cast %parallel_loop3A_651 : i32 to index
        %parallel_loop3A_655 = arith.index_cast %parallel_loop3A_652 : i32 to index
        %parallel_loop3A_656 = arith.index_cast %parallel_loop3A_620 : i32 to index
        %parallel_loop3A_657 = tpu.vector_load %arg6[%parallel_loop3A_653, %parallel_loop3A_654, %parallel_loop3A_655, %parallel_loop3A_656] {strides = array<i32>} : memref<2x4x8x1024xf32, #tpu.memory_space<vmem>>, vector<1x1x1x16xf32>,
        %parallel_loop3A_658 = vector.shape_cast %parallel_loop3A_657 : vector<1x1x1x16xf32> to vector<16xf32>
        %parallel_loop3A_659 = vector.shape_cast %parallel_loop3A_629 : vector<16xf32> to vector<1x1x1x16xf32>
        tpu.vector_store %arg6[%parallel_loop3A_653, %parallel_loop3A_654, %parallel_loop3A_655, %parallel_loop3A_656], %parallel_loop3A_659 {add = true, strides = array<i32>} : memref<2x4x8x1024xf32, #tpu.memory_space<vmem>>, vector<1x1x1x16xf32>,
        %parallel_loop3A_660 = arith.constant 0 : i32
        %parallel_loop3A_661 = arith.constant 3 : i32
        %parallel_loop3A_662 = arith.constant 5 : i32
        %parallel_loop3A_663 = arith.index_cast %parallel_loop3A_660 : i32 to index
        %parallel_loop3A_664 = arith.index_cast %parallel_loop3A_661 : i32 to index
        %parallel_loop3A_665 = arith.index_cast %parallel_loop3A_662 : i32 to index
        %parallel_loop3A_666 = arith.index_cast %parallel_loop3A_620 : i32 to index
        %parallel_loop3A_667 = tpu.vector_load %arg6[%parallel_loop3A_663, %parallel_loop3A_664, %parallel_loop3A_665, %parallel_loop3A_666] {strides = array<i32>} : memref<2x4x8x1024xf32, #tpu.memory_space<vmem>>, vector<1x1x1x16xf32>,
        %parallel_loop3A_668 = vector.shape_cast %parallel_loop3A_667 : vector<1x1x1x16xf32> to vector<16xf32>
        %parallel_loop3A_669 = vector.shape_cast %parallel_loop3A_629 : vector<16xf32> to vector<1x1x1x16xf32>
        tpu.vector_store %arg6[%parallel_loop3A_663, %parallel_loop3A_664, %parallel_loop3A_665, %parallel_loop3A_666], %parallel_loop3A_669 {add = true, strides = array<i32>} : memref<2x4x8x1024xf32, #tpu.memory_space<vmem>>, vector<1x1x1x16xf32>,
      } {sc.loop_unroll_factor = 4 : i64, sc.parallel_access}
      %parallel_loop3A_193 = arith.constant 0 : i32
      %parallel_loop3A_194 = arith.constant 1024 : i32
      %parallel_loop3A_195 = arith.constant 16 : i32
      %parallel_loop3A_196 = arith.constant 0 : i32
      scf.for %parallel_loop3A_620 = %parallel_loop3A_193 to %parallel_loop3A_194 step %parallel_loop3A_195  : i32 {
        %parallel_loop3A_621 = arith.constant 6 : i32
        %parallel_loop3A_622 = arith.constant 0 : i32
        %parallel_loop3A_623 = arith.constant 0 : i32
        %parallel_loop3A_624 = tpu.memref_slice %arg5[%parallel_loop3A_196, %parallel_loop3A_622, %parallel_loop3A_623] : memref<2x8x1024xf32, #tpu.memory_space<vmem>> -> memref<1x8x1024xf32, #tpu.memory_space<vmem>>
        %parallel_loop3A_625 = tpu.memref_squeeze %parallel_loop3A_624 : memref<1x8x1024xf32, #tpu.memory_space<vmem>> -> memref<8x1024xf32, #tpu.memory_space<vmem>>
        %parallel_loop3A_626 = arith.index_cast %parallel_loop3A_621 : i32 to index
        %parallel_loop3A_627 = arith.index_cast %parallel_loop3A_620 : i32 to index
        %parallel_loop3A_628 = tpu.vector_load %parallel_loop3A_625[%parallel_loop3A_626, %parallel_loop3A_627] {strides = array<i32>} : memref<8x1024xf32, #tpu.memory_space<vmem>>, vector<1x16xf32>,
        %parallel_loop3A_629 = vector.shape_cast %parallel_loop3A_628 : vector<1x16xf32> to vector<16xf32>
        %parallel_loop3A_630 = arith.constant 0 : i32
        %parallel_loop3A_631 = arith.constant 0 : i32
        %parallel_loop3A_632 = arith.constant 6 : i32
        %parallel_loop3A_633 = arith.index_cast %parallel_loop3A_630 : i32 to index
        %parallel_loop3A_634 = arith.index_cast %parallel_loop3A_631 : i32 to index
        %parallel_loop3A_635 = arith.index_cast %parallel_loop3A_632 : i32 to index
        %parallel_loop3A_636 = arith.index_cast %parallel_loop3A_620 : i32 to index
        %parallel_loop3A_637 = tpu.vector_load %arg6[%parallel_loop3A_633, %parallel_loop3A_634, %parallel_loop3A_635, %parallel_loop3A_636] {strides = array<i32>} : memref<2x4x8x1024xf32, #tpu.memory_space<vmem>>, vector<1x1x1x16xf32>,
        %parallel_loop3A_638 = vector.shape_cast %parallel_loop3A_637 : vector<1x1x1x16xf32> to vector<16xf32>
        %parallel_loop3A_639 = vector.shape_cast %parallel_loop3A_629 : vector<16xf32> to vector<1x1x1x16xf32>
        tpu.vector_store %arg6[%parallel_loop3A_633, %parallel_loop3A_634, %parallel_loop3A_635, %parallel_loop3A_636], %parallel_loop3A_639 {add = true, strides = array<i32>} : memref<2x4x8x1024xf32, #tpu.memory_space<vmem>>, vector<1x1x1x16xf32>,
        %parallel_loop3A_640 = arith.constant 0 : i32
        %parallel_loop3A_641 = arith.constant 1 : i32
        %parallel_loop3A_642 = arith.constant 6 : i32
        %parallel_loop3A_643 = arith.index_cast %parallel_loop3A_640 : i32 to index
        %parallel_loop3A_644 = arith.index_cast %parallel_loop3A_641 : i32 to index
        %parallel_loop3A_645 = arith.index_cast %parallel_loop3A_642 : i32 to index
        %parallel_loop3A_646 = arith.index_cast %parallel_loop3A_620 : i32 to index
        %parallel_loop3A_647 = tpu.vector_load %arg6[%parallel_loop3A_643, %parallel_loop3A_644, %parallel_loop3A_645, %parallel_loop3A_646] {strides = array<i32>} : memref<2x4x8x1024xf32, #tpu.memory_space<vmem>>, vector<1x1x1x16xf32>,
        %parallel_loop3A_648 = vector.shape_cast %parallel_loop3A_647 : vector<1x1x1x16xf32> to vector<16xf32>
        %parallel_loop3A_649 = vector.shape_cast %parallel_loop3A_629 : vector<16xf32> to vector<1x1x1x16xf32>
        tpu.vector_store %arg6[%parallel_loop3A_643, %parallel_loop3A_644, %parallel_loop3A_645, %parallel_loop3A_646], %parallel_loop3A_649 {add = true, strides = array<i32>} : memref<2x4x8x1024xf32, #tpu.memory_space<vmem>>, vector<1x1x1x16xf32>,
        %parallel_loop3A_650 = arith.constant 0 : i32
        %parallel_loop3A_651 = arith.constant 2 : i32
        %parallel_loop3A_652 = arith.constant 6 : i32
        %parallel_loop3A_653 = arith.index_cast %parallel_loop3A_650 : i32 to index
        %parallel_loop3A_654 = arith.index_cast %parallel_loop3A_651 : i32 to index
        %parallel_loop3A_655 = arith.index_cast %parallel_loop3A_652 : i32 to index
        %parallel_loop3A_656 = arith.index_cast %parallel_loop3A_620 : i32 to index
        %parallel_loop3A_657 = tpu.vector_load %arg6[%parallel_loop3A_653, %parallel_loop3A_654, %parallel_loop3A_655, %parallel_loop3A_656] {strides = array<i32>} : memref<2x4x8x1024xf32, #tpu.memory_space<vmem>>, vector<1x1x1x16xf32>,
        %parallel_loop3A_658 = vector.shape_cast %parallel_loop3A_657 : vector<1x1x1x16xf32> to vector<16xf32>
        %parallel_loop3A_659 = vector.shape_cast %parallel_loop3A_629 : vector<16xf32> to vector<1x1x1x16xf32>
        tpu.vector_store %arg6[%parallel_loop3A_653, %parallel_loop3A_654, %parallel_loop3A_655, %parallel_loop3A_656], %parallel_loop3A_659 {add = true, strides = array<i32>} : memref<2x4x8x1024xf32, #tpu.memory_space<vmem>>, vector<1x1x1x16xf32>,
        %parallel_loop3A_660 = arith.constant 0 : i32
        %parallel_loop3A_661 = arith.constant 3 : i32
        %parallel_loop3A_662 = arith.constant 6 : i32
        %parallel_loop3A_663 = arith.index_cast %parallel_loop3A_660 : i32 to index
        %parallel_loop3A_664 = arith.index_cast %parallel_loop3A_661 : i32 to index
        %parallel_loop3A_665 = arith.index_cast %parallel_loop3A_662 : i32 to index
        %parallel_loop3A_666 = arith.index_cast %parallel_loop3A_620 : i32 to index
        %parallel_loop3A_667 = tpu.vector_load %arg6[%parallel_loop3A_663, %parallel_loop3A_664, %parallel_loop3A_665, %parallel_loop3A_666] {strides = array<i32>} : memref<2x4x8x1024xf32, #tpu.memory_space<vmem>>, vector<1x1x1x16xf32>,
        %parallel_loop3A_668 = vector.shape_cast %parallel_loop3A_667 : vector<1x1x1x16xf32> to vector<16xf32>
        %parallel_loop3A_669 = vector.shape_cast %parallel_loop3A_629 : vector<16xf32> to vector<1x1x1x16xf32>
        tpu.vector_store %arg6[%parallel_loop3A_663, %parallel_loop3A_664, %parallel_loop3A_665, %parallel_loop3A_666], %parallel_loop3A_669 {add = true, strides = array<i32>} : memref<2x4x8x1024xf32, #tpu.memory_space<vmem>>, vector<1x1x1x16xf32>,
      } {sc.loop_unroll_factor = 4 : i64, sc.parallel_access}
      %parallel_loop3A_197 = arith.constant 0 : i32
      %parallel_loop3A_198 = arith.constant 1024 : i32
      %parallel_loop3A_199 = arith.constant 16 : i32
      %parallel_loop3A_200 = arith.constant 0 : i32
      scf.for %parallel_loop3A_620 = %parallel_loop3A_197 to %parallel_loop3A_198 step %parallel_loop3A_199  : i32 {
        %parallel_loop3A_621 = arith.constant 7 : i32
        %parallel_loop3A_622 = arith.constant 0 : i32
        %parallel_loop3A_623 = arith.constant 0 : i32
        %parallel_loop3A_624 = tpu.memref_slice %arg5[%parallel_loop3A_200, %parallel_loop3A_622, %parallel_loop3A_623] : memref<2x8x1024xf32, #tpu.memory_space<vmem>> -> memref<1x8x1024xf32, #tpu.memory_space<vmem>>
        %parallel_loop3A_625 = tpu.memref_squeeze %parallel_loop3A_624 : memref<1x8x1024xf32, #tpu.memory_space<vmem>> -> memref<8x1024xf32, #tpu.memory_space<vmem>>
        %parallel_loop3A_626 = arith.index_cast %parallel_loop3A_621 : i32 to index
        %parallel_loop3A_627 = arith.index_cast %parallel_loop3A_620 : i32 to index
        %parallel_loop3A_628 = tpu.vector_load %parallel_loop3A_625[%parallel_loop3A_626, %parallel_loop3A_627] {strides = array<i32>} : memref<8x1024xf32, #tpu.memory_space<vmem>>, vector<1x16xf32>,
        %parallel_loop3A_629 = vector.shape_cast %parallel_loop3A_628 : vector<1x16xf32> to vector<16xf32>
        %parallel_loop3A_630 = arith.constant 0 : i32
        %parallel_loop3A_631 = arith.constant 0 : i32
        %parallel_loop3A_632 = arith.constant 7 : i32
        %parallel_loop3A_633 = arith.index_cast %parallel_loop3A_630 : i32 to index
        %parallel_loop3A_634 = arith.index_cast %parallel_loop3A_631 : i32 to index
        %parallel_loop3A_635 = arith.index_cast %parallel_loop3A_632 : i32 to index
        %parallel_loop3A_636 = arith.index_cast %parallel_loop3A_620 : i32 to index
        %parallel_loop3A_637 = tpu.vector_load %arg6[%parallel_loop3A_633, %parallel_loop3A_634, %parallel_loop3A_635, %parallel_loop3A_636] {strides = array<i32>} : memref<2x4x8x1024xf32, #tpu.memory_space<vmem>>, vector<1x1x1x16xf32>,
        %parallel_loop3A_638 = vector.shape_cast %parallel_loop3A_637 : vector<1x1x1x16xf32> to vector<16xf32>
        %parallel_loop3A_639 = vector.shape_cast %parallel_loop3A_629 : vector<16xf32> to vector<1x1x1x16xf32>
        tpu.vector_store %arg6[%parallel_loop3A_633, %parallel_loop3A_634, %parallel_loop3A_635, %parallel_loop3A_636], %parallel_loop3A_639 {add = true, strides = array<i32>} : memref<2x4x8x1024xf32, #tpu.memory_space<vmem>>, vector<1x1x1x16xf32>,
        %parallel_loop3A_640 = arith.constant 0 : i32
        %parallel_loop3A_641 = arith.constant 1 : i32
        %parallel_loop3A_642 = arith.constant 7 : i32
        %parallel_loop3A_643 = arith.index_cast %parallel_loop3A_640 : i32 to index
        %parallel_loop3A_644 = arith.index_cast %parallel_loop3A_641 : i32 to index
        %parallel_loop3A_645 = arith.index_cast %parallel_loop3A_642 : i32 to index
        %parallel_loop3A_646 = arith.index_cast %parallel_loop3A_620 : i32 to index
        %parallel_loop3A_647 = tpu.vector_load %arg6[%parallel_loop3A_643, %parallel_loop3A_644, %parallel_loop3A_645, %parallel_loop3A_646] {strides = array<i32>} : memref<2x4x8x1024xf32, #tpu.memory_space<vmem>>, vector<1x1x1x16xf32>,
        %parallel_loop3A_648 = vector.shape_cast %parallel_loop3A_647 : vector<1x1x1x16xf32> to vector<16xf32>
        %parallel_loop3A_649 = vector.shape_cast %parallel_loop3A_629 : vector<16xf32> to vector<1x1x1x16xf32>
        tpu.vector_store %arg6[%parallel_loop3A_643, %parallel_loop3A_644, %parallel_loop3A_645, %parallel_loop3A_646], %parallel_loop3A_649 {add = true, strides = array<i32>} : memref<2x4x8x1024xf32, #tpu.memory_space<vmem>>, vector<1x1x1x16xf32>,
        %parallel_loop3A_650 = arith.constant 0 : i32
        %parallel_loop3A_651 = arith.constant 2 : i32
        %parallel_loop3A_652 = arith.constant 7 : i32
        %parallel_loop3A_653 = arith.index_cast %parallel_loop3A_650 : i32 to index
        %parallel_loop3A_654 = arith.index_cast %parallel_loop3A_651 : i32 to index
        %parallel_loop3A_655 = arith.index_cast %parallel_loop3A_652 : i32 to index
        %parallel_loop3A_656 = arith.index_cast %parallel_loop3A_620 : i32 to index
        %parallel_loop3A_657 = tpu.vector_load %arg6[%parallel_loop3A_653, %parallel_loop3A_654, %parallel_loop3A_655, %parallel_loop3A_656] {strides = array<i32>} : memref<2x4x8x1024xf32, #tpu.memory_space<vmem>>, vector<1x1x1x16xf32>,
        %parallel_loop3A_658 = vector.shape_cast %parallel_loop3A_657 : vector<1x1x1x16xf32> to vector<16xf32>
        %parallel_loop3A_659 = vector.shape_cast %parallel_loop3A_629 : vector<16xf32> to vector<1x1x1x16xf32>
        tpu.vector_store %arg6[%parallel_loop3A_653, %parallel_loop3A_654, %parallel_loop3A_655, %parallel_loop3A_656], %parallel_loop3A_659 {add = true, strides = array<i32>} : memref<2x4x8x1024xf32, #tpu.memory_space<vmem>>, vector<1x1x1x16xf32>,
        %parallel_loop3A_660 = arith.constant 0 : i32
        %parallel_loop3A_661 = arith.constant 3 : i32
        %parallel_loop3A_662 = arith.constant 7 : i32
        %parallel_loop3A_663 = arith.index_cast %parallel_loop3A_660 : i32 to index
        %parallel_loop3A_664 = arith.index_cast %parallel_loop3A_661 : i32 to index
        %parallel_loop3A_665 = arith.index_cast %parallel_loop3A_662 : i32 to index
        %parallel_loop3A_666 = arith.index_cast %parallel_loop3A_620 : i32 to index
        %parallel_loop3A_667 = tpu.vector_load %arg6[%parallel_loop3A_663, %parallel_loop3A_664, %parallel_loop3A_665, %parallel_loop3A_666] {strides = array<i32>} : memref<2x4x8x1024xf32, #tpu.memory_space<vmem>>, vector<1x1x1x16xf32>,
        %parallel_loop3A_668 = vector.shape_cast %parallel_loop3A_667 : vector<1x1x1x16xf32> to vector<16xf32>
        %parallel_loop3A_669 = vector.shape_cast %parallel_loop3A_629 : vector<16xf32> to vector<1x1x1x16xf32>
        tpu.vector_store %arg6[%parallel_loop3A_663, %parallel_loop3A_664, %parallel_loop3A_665, %parallel_loop3A_666], %parallel_loop3A_669 {add = true, strides = array<i32>} : memref<2x4x8x1024xf32, #tpu.memory_space<vmem>>, vector<1x1x1x16xf32>,
      } {sc.loop_unroll_factor = 4 : i64, sc.parallel_access}
      %dma_start3A_201 = arith.constant 0 : i32
      %dma_start3A_202 = arith.constant 0 : i32
      %dma_start3A_203 = arith.constant 0 : i32
      %dma_start3A_204 = arith.constant 0 : i32
      %dma_start3A_205 = arith.constant 0 : i32
      %dma_start3A_206 = tpu.memref_slice %arg6[%dma_start3A_201, %dma_start3A_203, %dma_start3A_204, %dma_start3A_205] : memref<2x4x8x1024xf32, #tpu.memory_space<vmem>> -> memref<1x4x8x1024xf32, #tpu.memory_space<vmem>>
      %dma_start3A_207 = tpu.memref_squeeze %dma_start3A_206 : memref<1x4x8x1024xf32, #tpu.memory_space<vmem>> -> memref<4x8x1024xf32, #tpu.memory_space<vmem>>
      %dma_start3A_208 = arith.constant 0 : i32
      %dma_start3A_209 = arith.constant 0 : i32
      %dma_start3A_210 = tpu.memref_slice %arg4[%dma_start3A_208, %add3A_91, %dma_start3A_209] : memref<4x8192x4096xf32, #tpu.memory_space<hbm>> -> memref<4x8x1024xf32, #tpu.memory_space<hbm>>
      %dma_start3A_211 = tpu.memref_slice %arg9[%dma_start3A_202] : memref<2x!tpu.dma_semaphore, #tpu.memory_space<semaphore_mem>> -> memref<1x!tpu.dma_semaphore, #tpu.memory_space<semaphore_mem>>
      %dma_start3A_212 = tpu.memref_squeeze %dma_start3A_211 : memref<1x!tpu.dma_semaphore, #tpu.memory_space<semaphore_mem>> -> memref<!tpu.dma_semaphore, #tpu.memory_space<semaphore_mem>>
      %dma_start3A_213 = arith.constant 0 : i32
      %dma_start3A_214 = arith.constant 0 : i32
      %dma_start3A_215 = tpu.memref_slice %arg4[%dma_start3A_213, %add3A_91, %dma_start3A_214] : memref<4x8192x4096xf32, #tpu.memory_space<hbm>> -> memref<4x8x1024xf32, #tpu.memory_space<hbm>>
      %dma_start3A_216 = arith.constant 0 : i32
      %dma_start3A_217 = arith.constant 0 : i32
      %dma_start3A_218 = arith.constant 0 : i32
      %dma_start3A_219 = tpu.memref_slice %arg6[%dma_start3A_201, %dma_start3A_216, %dma_start3A_217, %dma_start3A_218] : memref<2x4x8x1024xf32, #tpu.memory_space<vmem>> -> memref<1x4x8x1024xf32, #tpu.memory_space<vmem>>
      %dma_start3A_220 = tpu.memref_squeeze %dma_start3A_219 : memref<1x4x8x1024xf32, #tpu.memory_space<vmem>> -> memref<4x8x1024xf32, #tpu.memory_space<vmem>>
      tpu.enqueue_dma source(%dma_start3A_220 : memref<4x8x1024xf32, #tpu.memory_space<vmem>>) target(%dma_start3A_215 : memref<4x8x1024xf32, #tpu.memory_space<hbm>>) target_semaphore(%dma_start3A_212 : memref<!tpu.dma_semaphore, #tpu.memory_space<semaphore_mem>>)
      %dma_wait3A_221 = arith.constant 0 : i32
      %dma_wait3A_222 = arith.constant 0 : i32
      %dma_wait3A_223 = arith.constant 0 : i32
      %dma_wait3A_224 = arith.constant 0 : i32
      %dma_wait3A_225 = arith.constant 0 : i32
      %dma_wait3A_226 = tpu.memref_slice %arg6[%dma_wait3A_221, %dma_wait3A_223, %dma_wait3A_224, %dma_wait3A_225] : memref<2x4x8x1024xf32, #tpu.memory_space<vmem>> -> memref<1x4x8x1024xf32, #tpu.memory_space<vmem>>
      %dma_wait3A_227 = tpu.memref_squeeze %dma_wait3A_226 : memref<1x4x8x1024xf32, #tpu.memory_space<vmem>> -> memref<4x8x1024xf32, #tpu.memory_space<vmem>>
      %dma_wait3A_228 = arith.constant 0 : i32
      %dma_wait3A_229 = arith.constant 0 : i32
      %dma_wait3A_230 = arith.constant 0 : i32
      %dma_wait3A_231 = tpu.memref_slice %arg4[%dma_wait3A_228, %dma_wait3A_229, %dma_wait3A_230] : memref<4x8192x4096xf32, #tpu.memory_space<hbm>> -> memref<4x8x1024xf32, #tpu.memory_space<hbm>>
      %dma_wait3A_232 = tpu.memref_slice %arg9[%dma_wait3A_222] : memref<2x!tpu.dma_semaphore, #tpu.memory_space<semaphore_mem>> -> memref<1x!tpu.dma_semaphore, #tpu.memory_space<semaphore_mem>>
      %dma_wait3A_233 = tpu.memref_squeeze %dma_wait3A_232 : memref<1x!tpu.dma_semaphore, #tpu.memory_space<semaphore_mem>> -> memref<!tpu.dma_semaphore, #tpu.memory_space<semaphore_mem>>
      %dma_wait3A_234 = arith.constant 0 : i32
      %dma_wait3A_235 = arith.constant 0 : i32
      %dma_wait3A_236 = arith.constant 0 : i32
      %dma_wait3A_237 = tpu.memref_slice %arg4[%dma_wait3A_234, %dma_wait3A_235, %dma_wait3A_236] : memref<4x8192x4096xf32, #tpu.memory_space<hbm>> -> memref<4x8x1024xf32, #tpu.memory_space<hbm>>
      %dma_wait3A_238 = arith.constant 0 : i32
      %dma_wait3A_239 = arith.constant 0 : i32
      %dma_wait3A_240 = arith.constant 0 : i32
      %dma_wait3A_241 = tpu.memref_slice %arg6[%dma_wait3A_221, %dma_wait3A_238, %dma_wait3A_239, %dma_wait3A_240] : memref<2x4x8x1024xf32, #tpu.memory_space<vmem>> -> memref<1x4x8x1024xf32, #tpu.memory_space<vmem>>
      %dma_wait3A_242 = tpu.memref_squeeze %dma_wait3A_241 : memref<1x4x8x1024xf32, #tpu.memory_space<vmem>> -> memref<4x8x1024xf32, #tpu.memory_space<vmem>>
      tpu.wait_dma2 semaphore(%dma_wait3A_233 : memref<!tpu.dma_semaphore, #tpu.memory_space<semaphore_mem>>) src(%dma_wait3A_242 : memref<4x8x1024xf32, #tpu.memory_space<vmem>>) dst(%dma_wait3A_237 : memref<4x8x1024xf32, #tpu.memory_space<hbm>>)
      %dma_start3A_243 = arith.constant 0 : i32
      %dma_start3A_244 = arith.constant 0 : i32
      %dma_start3A_245 = arith.constant 0 : i32
      %dma_start3A_246 = arith.constant 0 : i32
      %dma_start3A_247 = tpu.memref_slice %arg5[%dma_start3A_243, %dma_start3A_245, %dma_start3A_246] : memref<2x8x1024xf32, #tpu.memory_space<vmem>> -> memref<1x8x1024xf32, #tpu.memory_space<vmem>>
      %dma_start3A_248 = tpu.memref_squeeze %dma_start3A_247 : memref<1x8x1024xf32, #tpu.memory_space<vmem>> -> memref<8x1024xf32, #tpu.memory_space<vmem>>
      %dma_start3A_249 = arith.constant 2048 : i32
      %dma_start3A_250 = tpu.memref_slice %arg3[%add3A_91, %dma_start3A_249] : memref<8192x4096xf32, #tpu.memory_space<hbm>> -> memref<8x1024xf32, #tpu.memory_space<hbm>>
      %dma_start3A_251 = tpu.memref_slice %arg7[%dma_start3A_244] : memref<2x!tpu.dma_semaphore, #tpu.memory_space<semaphore_mem>> -> memref<1x!tpu.dma_semaphore, #tpu.memory_space<semaphore_mem>>
      %dma_start3A_252 = tpu.memref_squeeze %dma_start3A_251 : memref<1x!tpu.dma_semaphore, #tpu.memory_space<semaphore_mem>> -> memref<!tpu.dma_semaphore, #tpu.memory_space<semaphore_mem>>
      %dma_start3A_253 = arith.constant 0 : i32
      %dma_start3A_254 = arith.constant 0 : i32
      %dma_start3A_255 = tpu.memref_slice %arg5[%dma_start3A_243, %dma_start3A_253, %dma_start3A_254] : memref<2x8x1024xf32, #tpu.memory_space<vmem>> -> memref<1x8x1024xf32, #tpu.memory_space<vmem>>
      %dma_start3A_256 = tpu.memref_squeeze %dma_start3A_255 : memref<1x8x1024xf32, #tpu.memory_space<vmem>> -> memref<8x1024xf32, #tpu.memory_space<vmem>>
      %dma_start3A_257 = arith.constant 2048 : i32
      %dma_start3A_258 = tpu.memref_slice %arg3[%add3A_91, %dma_start3A_257] : memref<8192x4096xf32, #tpu.memory_space<hbm>> -> memref<8x1024xf32, #tpu.memory_space<hbm>>
      tpu.enqueue_dma source(%dma_start3A_258 : memref<8x1024xf32, #tpu.memory_space<hbm>>) target(%dma_start3A_256 : memref<8x1024xf32, #tpu.memory_space<vmem>>) target_semaphore(%dma_start3A_252 : memref<!tpu.dma_semaphore, #tpu.memory_space<semaphore_mem>>)
      %dma_start3A_259 = arith.constant 0 : i32
      %dma_start3A_260 = arith.constant 0 : i32
      %dma_start3A_261 = arith.constant 0 : i32
      %dma_start3A_262 = arith.constant 0 : i32
      %dma_start3A_263 = arith.constant 0 : i32
      %dma_start3A_264 = tpu.memref_slice %arg6[%dma_start3A_259, %dma_start3A_261, %dma_start3A_262, %dma_start3A_263] : memref<2x4x8x1024xf32, #tpu.memory_space<vmem>> -> memref<1x4x8x1024xf32, #tpu.memory_space<vmem>>
      %dma_start3A_265 = tpu.memref_squeeze %dma_start3A_264 : memref<1x4x8x1024xf32, #tpu.memory_space<vmem>> -> memref<4x8x1024xf32, #tpu.memory_space<vmem>>
      %dma_start3A_266 = arith.constant 0 : i32
      %dma_start3A_267 = arith.constant 2048 : i32
      %dma_start3A_268 = tpu.memref_slice %arg2[%dma_start3A_266, %add3A_91, %dma_start3A_267] : memref<4x8192x4096xf32, #tpu.memory_space<hbm>> -> memref<4x8x1024xf32, #tpu.memory_space<hbm>>
      %dma_start3A_269 = tpu.memref_slice %arg8[%dma_start3A_260] : memref<2x!tpu.dma_semaphore, #tpu.memory_space<semaphore_mem>> -> memref<1x!tpu.dma_semaphore, #tpu.memory_space<semaphore_mem>>
      %dma_start3A_270 = tpu.memref_squeeze %dma_start3A_269 : memref<1x!tpu.dma_semaphore, #tpu.memory_space<semaphore_mem>> -> memref<!tpu.dma_semaphore, #tpu.memory_space<semaphore_mem>>
      %dma_start3A_271 = arith.constant 0 : i32
      %dma_start3A_272 = arith.constant 0 : i32
      %dma_start3A_273 = arith.constant 0 : i32
      %dma_start3A_274 = tpu.memref_slice %arg6[%dma_start3A_259, %dma_start3A_271, %dma_start3A_272, %dma_start3A_273] : memref<2x4x8x1024xf32, #tpu.memory_space<vmem>> -> memref<1x4x8x1024xf32, #tpu.memory_space<vmem>>
      %dma_start3A_275 = tpu.memref_squeeze %dma_start3A_274 : memref<1x4x8x1024xf32, #tpu.memory_space<vmem>> -> memref<4x8x1024xf32, #tpu.memory_space<vmem>>
      %dma_start3A_276 = arith.constant 0 : i32
      %dma_start3A_277 = arith.constant 2048 : i32
      %dma_start3A_278 = tpu.memref_slice %arg2[%dma_start3A_276, %add3A_91, %dma_start3A_277] : memref<4x8192x4096xf32, #tpu.memory_space<hbm>> -> memref<4x8x1024xf32, #tpu.memory_space<hbm>>
      tpu.enqueue_dma source(%dma_start3A_278 : memref<4x8x1024xf32, #tpu.memory_space<hbm>>) target(%dma_start3A_275 : memref<4x8x1024xf32, #tpu.memory_space<vmem>>) target_semaphore(%dma_start3A_270 : memref<!tpu.dma_semaphore, #tpu.memory_space<semaphore_mem>>)
      %dma_wait3A_279 = arith.constant 1 : i32
      %dma_wait3A_280 = arith.constant 1 : i32
      %dma_wait3A_281 = arith.constant 0 : i32
      %dma_wait3A_282 = arith.constant 0 : i32
      %dma_wait3A_283 = tpu.memref_slice %arg5[%dma_wait3A_279, %dma_wait3A_281, %dma_wait3A_282] : memref<2x8x1024xf32, #tpu.memory_space<vmem>> -> memref<1x8x1024xf32, #tpu.memory_space<vmem>>
      %dma_wait3A_284 = tpu.memref_squeeze %dma_wait3A_283 : memref<1x8x1024xf32, #tpu.memory_space<vmem>> -> memref<8x1024xf32, #tpu.memory_space<vmem>>
      %dma_wait3A_285 = arith.constant 0 : i32
      %dma_wait3A_286 = arith.constant 0 : i32
      %dma_wait3A_287 = tpu.memref_slice %arg3[%dma_wait3A_285, %dma_wait3A_286] : memref<8192x4096xf32, #tpu.memory_space<hbm>> -> memref<8x1024xf32, #tpu.memory_space<hbm>>
      %dma_wait3A_288 = tpu.memref_slice %arg7[%dma_wait3A_280] : memref<2x!tpu.dma_semaphore, #tpu.memory_space<semaphore_mem>> -> memref<1x!tpu.dma_semaphore, #tpu.memory_space<semaphore_mem>>
      %dma_wait3A_289 = tpu.memref_squeeze %dma_wait3A_288 : memref<1x!tpu.dma_semaphore, #tpu.memory_space<semaphore_mem>> -> memref<!tpu.dma_semaphore, #tpu.memory_space<semaphore_mem>>
      %dma_wait3A_290 = arith.constant 0 : i32
      %dma_wait3A_291 = arith.constant 0 : i32
      %dma_wait3A_292 = tpu.memref_slice %arg5[%dma_wait3A_279, %dma_wait3A_290, %dma_wait3A_291] : memref<2x8x1024xf32, #tpu.memory_space<vmem>> -> memref<1x8x1024xf32, #tpu.memory_space<vmem>>
      %dma_wait3A_293 = tpu.memref_squeeze %dma_wait3A_292 : memref<1x8x1024xf32, #tpu.memory_space<vmem>> -> memref<8x1024xf32, #tpu.memory_space<vmem>>
      %dma_wait3A_294 = arith.constant 0 : i32
      %dma_wait3A_295 = arith.constant 0 : i32
      %dma_wait3A_296 = tpu.memref_slice %arg3[%dma_wait3A_294, %dma_wait3A_295] : memref<8192x4096xf32, #tpu.memory_space<hbm>> -> memref<8x1024xf32, #tpu.memory_space<hbm>>
      tpu.wait_dma2 semaphore(%dma_wait3A_289 : memref<!tpu.dma_semaphore, #tpu.memory_space<semaphore_mem>>) src(%dma_wait3A_296 : memref<8x1024xf32, #tpu.memory_space<hbm>>) dst(%dma_wait3A_293 : memref<8x1024xf32, #tpu.memory_space<vmem>>)
      %dma_wait3A_297 = arith.constant 1 : i32
      %dma_wait3A_298 = arith.constant 1 : i32
      %dma_wait3A_299 = arith.constant 0 : i32
      %dma_wait3A_300 = arith.constant 0 : i32
      %dma_wait3A_301 = arith.constant 0 : i32
      %dma_wait3A_302 = tpu.memref_slice %arg6[%dma_wait3A_297, %dma_wait3A_299, %dma_wait3A_300, %dma_wait3A_301] : memref<2x4x8x1024xf32, #tpu.memory_space<vmem>> -> memref<1x4x8x1024xf32, #tpu.memory_space<vmem>>
      %dma_wait3A_303 = tpu.memref_squeeze %dma_wait3A_302 : memref<1x4x8x1024xf32, #tpu.memory_space<vmem>> -> memref<4x8x1024xf32, #tpu.memory_space<vmem>>
      %dma_wait3A_304 = arith.constant 0 : i32
      %dma_wait3A_305 = arith.constant 0 : i32
      %dma_wait3A_306 = arith.constant 0 : i32
      %dma_wait3A_307 = tpu.memref_slice %arg2[%dma_wait3A_304, %dma_wait3A_305, %dma_wait3A_306] : memref<4x8192x4096xf32, #tpu.memory_space<hbm>> -> memref<4x8x1024xf32, #tpu.memory_space<hbm>>
      %dma_wait3A_308 = tpu.memref_slice %arg8[%dma_wait3A_298] : memref<2x!tpu.dma_semaphore, #tpu.memory_space<semaphore_mem>> -> memref<1x!tpu.dma_semaphore, #tpu.memory_space<semaphore_mem>>
      %dma_wait3A_309 = tpu.memref_squeeze %dma_wait3A_308 : memref<1x!tpu.dma_semaphore, #tpu.memory_space<semaphore_mem>> -> memref<!tpu.dma_semaphore, #tpu.memory_space<semaphore_mem>>
      %dma_wait3A_310 = arith.constant 0 : i32
      %dma_wait3A_311 = arith.constant 0 : i32
      %dma_wait3A_312 = arith.constant 0 : i32
      %dma_wait3A_313 = tpu.memref_slice %arg6[%dma_wait3A_297, %dma_wait3A_310, %dma_wait3A_311, %dma_wait3A_312] : memref<2x4x8x1024xf32, #tpu.memory_space<vmem>> -> memref<1x4x8x1024xf32, #tpu.memory_space<vmem>>
      %dma_wait3A_314 = tpu.memref_squeeze %dma_wait3A_313 : memref<1x4x8x1024xf32, #tpu.memory_space<vmem>> -> memref<4x8x1024xf32, #tpu.memory_space<vmem>>
      %dma_wait3A_315 = arith.constant 0 : i32
      %dma_wait3A_316 = arith.constant 0 : i32
      %dma_wait3A_317 = arith.constant 0 : i32
      %dma_wait3A_318 = tpu.memref_slice %arg2[%dma_wait3A_315, %dma_wait3A_316, %dma_wait3A_317] : memref<4x8192x4096xf32, #tpu.memory_space<hbm>> -> memref<4x8x1024xf32, #tpu.memory_space<hbm>>
      tpu.wait_dma2 semaphore(%dma_wait3A_309 : memref<!tpu.dma_semaphore, #tpu.memory_space<semaphore_mem>>) src(%dma_wait3A_318 : memref<4x8x1024xf32, #tpu.memory_space<hbm>>) dst(%dma_wait3A_314 : memref<4x8x1024xf32, #tpu.memory_space<vmem>>)
      %parallel_loop3A_319 = arith.constant 0 : i32
      %parallel_loop3A_320 = arith.constant 1024 : i32
      %parallel_loop3A_321 = arith.constant 16 : i32
      %parallel_loop3A_322 = arith.constant 1 : i32
      scf.for %parallel_loop3A_620 = %parallel_loop3A_319 to %parallel_loop3A_320 step %parallel_loop3A_321  : i32 {
        %parallel_loop3A_621 = arith.constant 0 : i32
        %parallel_loop3A_622 = arith.constant 0 : i32
        %parallel_loop3A_623 = arith.constant 0 : i32
        %parallel_loop3A_624 = tpu.memref_slice %arg5[%parallel_loop3A_322, %parallel_loop3A_622, %parallel_loop3A_623] : memref<2x8x1024xf32, #tpu.memory_space<vmem>> -> memref<1x8x1024xf32, #tpu.memory_space<vmem>>
        %parallel_loop3A_625 = tpu.memref_squeeze %parallel_loop3A_624 : memref<1x8x1024xf32, #tpu.memory_space<vmem>> -> memref<8x1024xf32, #tpu.memory_space<vmem>>
        %parallel_loop3A_626 = arith.index_cast %parallel_loop3A_621 : i32 to index
        %parallel_loop3A_627 = arith.index_cast %parallel_loop3A_620 : i32 to index
        %parallel_loop3A_628 = tpu.vector_load %parallel_loop3A_625[%parallel_loop3A_626, %parallel_loop3A_627] {strides = array<i32>} : memref<8x1024xf32, #tpu.memory_space<vmem>>, vector<1x16xf32>,
        %parallel_loop3A_629 = vector.shape_cast %parallel_loop3A_628 : vector<1x16xf32> to vector<16xf32>
        %parallel_loop3A_630 = arith.constant 1 : i32
        %parallel_loop3A_631 = arith.constant 0 : i32
        %parallel_loop3A_632 = arith.constant 0 : i32
        %parallel_loop3A_633 = arith.index_cast %parallel_loop3A_630 : i32 to index
        %parallel_loop3A_634 = arith.index_cast %parallel_loop3A_631 : i32 to index
        %parallel_loop3A_635 = arith.index_cast %parallel_loop3A_632 : i32 to index
        %parallel_loop3A_636 = arith.index_cast %parallel_loop3A_620 : i32 to index
        %parallel_loop3A_637 = tpu.vector_load %arg6[%parallel_loop3A_633, %parallel_loop3A_634, %parallel_loop3A_635, %parallel_loop3A_636] {strides = array<i32>} : memref<2x4x8x1024xf32, #tpu.memory_space<vmem>>, vector<1x1x1x16xf32>,
        %parallel_loop3A_638 = vector.shape_cast %parallel_loop3A_637 : vector<1x1x1x16xf32> to vector<16xf32>
        %parallel_loop3A_639 = vector.shape_cast %parallel_loop3A_629 : vector<16xf32> to vector<1x1x1x16xf32>
        tpu.vector_store %arg6[%parallel_loop3A_633, %parallel_loop3A_634, %parallel_loop3A_635, %parallel_loop3A_636], %parallel_loop3A_639 {add = true, strides = array<i32>} : memref<2x4x8x1024xf32, #tpu.memory_space<vmem>>, vector<1x1x1x16xf32>,
        %parallel_loop3A_640 = arith.constant 1 : i32
        %parallel_loop3A_641 = arith.constant 1 : i32
        %parallel_loop3A_642 = arith.constant 0 : i32
        %parallel_loop3A_643 = arith.index_cast %parallel_loop3A_640 : i32 to index
        %parallel_loop3A_644 = arith.index_cast %parallel_loop3A_641 : i32 to index
        %parallel_loop3A_645 = arith.index_cast %parallel_loop3A_642 : i32 to index
        %parallel_loop3A_646 = arith.index_cast %parallel_loop3A_620 : i32 to index
        %parallel_loop3A_647 = tpu.vector_load %arg6[%parallel_loop3A_643, %parallel_loop3A_644, %parallel_loop3A_645, %parallel_loop3A_646] {strides = array<i32>} : memref<2x4x8x1024xf32, #tpu.memory_space<vmem>>, vector<1x1x1x16xf32>,
        %parallel_loop3A_648 = vector.shape_cast %parallel_loop3A_647 : vector<1x1x1x16xf32> to vector<16xf32>
        %parallel_loop3A_649 = vector.shape_cast %parallel_loop3A_629 : vector<16xf32> to vector<1x1x1x16xf32>
        tpu.vector_store %arg6[%parallel_loop3A_643, %parallel_loop3A_644, %parallel_loop3A_645, %parallel_loop3A_646], %parallel_loop3A_649 {add = true, strides = array<i32>} : memref<2x4x8x1024xf32, #tpu.memory_space<vmem>>, vector<1x1x1x16xf32>,
        %parallel_loop3A_650 = arith.constant 1 : i32
        %parallel_loop3A_651 = arith.constant 2 : i32
        %parallel_loop3A_652 = arith.constant 0 : i32
        %parallel_loop3A_653 = arith.index_cast %parallel_loop3A_650 : i32 to index
        %parallel_loop3A_654 = arith.index_cast %parallel_loop3A_651 : i32 to index
        %parallel_loop3A_655 = arith.index_cast %parallel_loop3A_652 : i32 to index
        %parallel_loop3A_656 = arith.index_cast %parallel_loop3A_620 : i32 to index
        %parallel_loop3A_657 = tpu.vector_load %arg6[%parallel_loop3A_653, %parallel_loop3A_654, %parallel_loop3A_655, %parallel_loop3A_656] {strides = array<i32>} : memref<2x4x8x1024xf32, #tpu.memory_space<vmem>>, vector<1x1x1x16xf32>,
        %parallel_loop3A_658 = vector.shape_cast %parallel_loop3A_657 : vector<1x1x1x16xf32> to vector<16xf32>
        %parallel_loop3A_659 = vector.shape_cast %parallel_loop3A_629 : vector<16xf32> to vector<1x1x1x16xf32>
        tpu.vector_store %arg6[%parallel_loop3A_653, %parallel_loop3A_654, %parallel_loop3A_655, %parallel_loop3A_656], %parallel_loop3A_659 {add = true, strides = array<i32>} : memref<2x4x8x1024xf32, #tpu.memory_space<vmem>>, vector<1x1x1x16xf32>,
        %parallel_loop3A_660 = arith.constant 1 : i32
        %parallel_loop3A_661 = arith.constant 3 : i32
        %parallel_loop3A_662 = arith.constant 0 : i32
        %parallel_loop3A_663 = arith.index_cast %parallel_loop3A_660 : i32 to index
        %parallel_loop3A_664 = arith.index_cast %parallel_loop3A_661 : i32 to index
        %parallel_loop3A_665 = arith.index_cast %parallel_loop3A_662 : i32 to index
        %parallel_loop3A_666 = arith.index_cast %parallel_loop3A_620 : i32 to index
        %parallel_loop3A_667 = tpu.vector_load %arg6[%parallel_loop3A_663, %parallel_loop3A_664, %parallel_loop3A_665, %parallel_loop3A_666] {strides = array<i32>} : memref<2x4x8x1024xf32, #tpu.memory_space<vmem>>, vector<1x1x1x16xf32>,
        %parallel_loop3A_668 = vector.shape_cast %parallel_loop3A_667 : vector<1x1x1x16xf32> to vector<16xf32>
        %parallel_loop3A_669 = vector.shape_cast %parallel_loop3A_629 : vector<16xf32> to vector<1x1x1x16xf32>
        tpu.vector_store %arg6[%parallel_loop3A_663, %parallel_loop3A_664, %parallel_loop3A_665, %parallel_loop3A_666], %parallel_loop3A_669 {add = true, strides = array<i32>} : memref<2x4x8x1024xf32, #tpu.memory_space<vmem>>, vector<1x1x1x16xf32>,
      } {sc.loop_unroll_factor = 4 : i64, sc.parallel_access}
      %parallel_loop3A_323 = arith.constant 0 : i32
      %parallel_loop3A_324 = arith.constant 1024 : i32
      %parallel_loop3A_325 = arith.constant 16 : i32
      %parallel_loop3A_326 = arith.constant 1 : i32
      scf.for %parallel_loop3A_620 = %parallel_loop3A_323 to %parallel_loop3A_324 step %parallel_loop3A_325  : i32 {
        %parallel_loop3A_621 = arith.constant 1 : i32
        %parallel_loop3A_622 = arith.constant 0 : i32
        %parallel_loop3A_623 = arith.constant 0 : i32
        %parallel_loop3A_624 = tpu.memref_slice %arg5[%parallel_loop3A_326, %parallel_loop3A_622, %parallel_loop3A_623] : memref<2x8x1024xf32, #tpu.memory_space<vmem>> -> memref<1x8x1024xf32, #tpu.memory_space<vmem>>
        %parallel_loop3A_625 = tpu.memref_squeeze %parallel_loop3A_624 : memref<1x8x1024xf32, #tpu.memory_space<vmem>> -> memref<8x1024xf32, #tpu.memory_space<vmem>>
        %parallel_loop3A_626 = arith.index_cast %parallel_loop3A_621 : i32 to index
        %parallel_loop3A_627 = arith.index_cast %parallel_loop3A_620 : i32 to index
        %parallel_loop3A_628 = tpu.vector_load %parallel_loop3A_625[%parallel_loop3A_626, %parallel_loop3A_627] {strides = array<i32>} : memref<8x1024xf32, #tpu.memory_space<vmem>>, vector<1x16xf32>,
        %parallel_loop3A_629 = vector.shape_cast %parallel_loop3A_628 : vector<1x16xf32> to vector<16xf32>
        %parallel_loop3A_630 = arith.constant 1 : i32
        %parallel_loop3A_631 = arith.constant 0 : i32
        %parallel_loop3A_632 = arith.constant 1 : i32
        %parallel_loop3A_633 = arith.index_cast %parallel_loop3A_630 : i32 to index
        %parallel_loop3A_634 = arith.index_cast %parallel_loop3A_631 : i32 to index
        %parallel_loop3A_635 = arith.index_cast %parallel_loop3A_632 : i32 to index
        %parallel_loop3A_636 = arith.index_cast %parallel_loop3A_620 : i32 to index
        %parallel_loop3A_637 = tpu.vector_load %arg6[%parallel_loop3A_633, %parallel_loop3A_634, %parallel_loop3A_635, %parallel_loop3A_636] {strides = array<i32>} : memref<2x4x8x1024xf32, #tpu.memory_space<vmem>>, vector<1x1x1x16xf32>,
        %parallel_loop3A_638 = vector.shape_cast %parallel_loop3A_637 : vector<1x1x1x16xf32> to vector<16xf32>
        %parallel_loop3A_639 = vector.shape_cast %parallel_loop3A_629 : vector<16xf32> to vector<1x1x1x16xf32>
        tpu.vector_store %arg6[%parallel_loop3A_633, %parallel_loop3A_634, %parallel_loop3A_635, %parallel_loop3A_636], %parallel_loop3A_639 {add = true, strides = array<i32>} : memref<2x4x8x1024xf32, #tpu.memory_space<vmem>>, vector<1x1x1x16xf32>,
        %parallel_loop3A_640 = arith.constant 1 : i32
        %parallel_loop3A_641 = arith.constant 1 : i32
        %parallel_loop3A_642 = arith.constant 1 : i32
        %parallel_loop3A_643 = arith.index_cast %parallel_loop3A_640 : i32 to index
        %parallel_loop3A_644 = arith.index_cast %parallel_loop3A_641 : i32 to index
        %parallel_loop3A_645 = arith.index_cast %parallel_loop3A_642 : i32 to index
        %parallel_loop3A_646 = arith.index_cast %parallel_loop3A_620 : i32 to index
        %parallel_loop3A_647 = tpu.vector_load %arg6[%parallel_loop3A_643, %parallel_loop3A_644, %parallel_loop3A_645, %parallel_loop3A_646] {strides = array<i32>} : memref<2x4x8x1024xf32, #tpu.memory_space<vmem>>, vector<1x1x1x16xf32>,
        %parallel_loop3A_648 = vector.shape_cast %parallel_loop3A_647 : vector<1x1x1x16xf32> to vector<16xf32>
        %parallel_loop3A_649 = vector.shape_cast %parallel_loop3A_629 : vector<16xf32> to vector<1x1x1x16xf32>
        tpu.vector_store %arg6[%parallel_loop3A_643, %parallel_loop3A_644, %parallel_loop3A_645, %parallel_loop3A_646], %parallel_loop3A_649 {add = true, strides = array<i32>} : memref<2x4x8x1024xf32, #tpu.memory_space<vmem>>, vector<1x1x1x16xf32>,
        %parallel_loop3A_650 = arith.constant 1 : i32
        %parallel_loop3A_651 = arith.constant 2 : i32
        %parallel_loop3A_652 = arith.constant 1 : i32
        %parallel_loop3A_653 = arith.index_cast %parallel_loop3A_650 : i32 to index
        %parallel_loop3A_654 = arith.index_cast %parallel_loop3A_651 : i32 to index
        %parallel_loop3A_655 = arith.index_cast %parallel_loop3A_652 : i32 to index
        %parallel_loop3A_656 = arith.index_cast %parallel_loop3A_620 : i32 to index
        %parallel_loop3A_657 = tpu.vector_load %arg6[%parallel_loop3A_653, %parallel_loop3A_654, %parallel_loop3A_655, %parallel_loop3A_656] {strides = array<i32>} : memref<2x4x8x1024xf32, #tpu.memory_space<vmem>>, vector<1x1x1x16xf32>,
        %parallel_loop3A_658 = vector.shape_cast %parallel_loop3A_657 : vector<1x1x1x16xf32> to vector<16xf32>
        %parallel_loop3A_659 = vector.shape_cast %parallel_loop3A_629 : vector<16xf32> to vector<1x1x1x16xf32>
        tpu.vector_store %arg6[%parallel_loop3A_653, %parallel_loop3A_654, %parallel_loop3A_655, %parallel_loop3A_656], %parallel_loop3A_659 {add = true, strides = array<i32>} : memref<2x4x8x1024xf32, #tpu.memory_space<vmem>>, vector<1x1x1x16xf32>,
        %parallel_loop3A_660 = arith.constant 1 : i32
        %parallel_loop3A_661 = arith.constant 3 : i32
        %parallel_loop3A_662 = arith.constant 1 : i32
        %parallel_loop3A_663 = arith.index_cast %parallel_loop3A_660 : i32 to index
        %parallel_loop3A_664 = arith.index_cast %parallel_loop3A_661 : i32 to index
        %parallel_loop3A_665 = arith.index_cast %parallel_loop3A_662 : i32 to index
        %parallel_loop3A_666 = arith.index_cast %parallel_loop3A_620 : i32 to index
        %parallel_loop3A_667 = tpu.vector_load %arg6[%parallel_loop3A_663, %parallel_loop3A_664, %parallel_loop3A_665, %parallel_loop3A_666] {strides = array<i32>} : memref<2x4x8x1024xf32, #tpu.memory_space<vmem>>, vector<1x1x1x16xf32>,
        %parallel_loop3A_668 = vector.shape_cast %parallel_loop3A_667 : vector<1x1x1x16xf32> to vector<16xf32>
        %parallel_loop3A_669 = vector.shape_cast %parallel_loop3A_629 : vector<16xf32> to vector<1x1x1x16xf32>
        tpu.vector_store %arg6[%parallel_loop3A_663, %parallel_loop3A_664, %parallel_loop3A_665, %parallel_loop3A_666], %parallel_loop3A_669 {add = true, strides = array<i32>} : memref<2x4x8x1024xf32, #tpu.memory_space<vmem>>, vector<1x1x1x16xf32>,
      } {sc.loop_unroll_factor = 4 : i64, sc.parallel_access}
      %parallel_loop3A_327 = arith.constant 0 : i32
      %parallel_loop3A_328 = arith.constant 1024 : i32
      %parallel_loop3A_329 = arith.constant 16 : i32
      %parallel_loop3A_330 = arith.constant 1 : i32
      scf.for %parallel_loop3A_620 = %parallel_loop3A_327 to %parallel_loop3A_328 step %parallel_loop3A_329  : i32 {
        %parallel_loop3A_621 = arith.constant 2 : i32
        %parallel_loop3A_622 = arith.constant 0 : i32
        %parallel_loop3A_623 = arith.constant 0 : i32
        %parallel_loop3A_624 = tpu.memref_slice %arg5[%parallel_loop3A_330, %parallel_loop3A_622, %parallel_loop3A_623] : memref<2x8x1024xf32, #tpu.memory_space<vmem>> -> memref<1x8x1024xf32, #tpu.memory_space<vmem>>
        %parallel_loop3A_625 = tpu.memref_squeeze %parallel_loop3A_624 : memref<1x8x1024xf32, #tpu.memory_space<vmem>> -> memref<8x1024xf32, #tpu.memory_space<vmem>>
        %parallel_loop3A_626 = arith.index_cast %parallel_loop3A_621 : i32 to index
        %parallel_loop3A_627 = arith.index_cast %parallel_loop3A_620 : i32 to index
        %parallel_loop3A_628 = tpu.vector_load %parallel_loop3A_625[%parallel_loop3A_626, %parallel_loop3A_627] {strides = array<i32>} : memref<8x1024xf32, #tpu.memory_space<vmem>>, vector<1x16xf32>,
        %parallel_loop3A_629 = vector.shape_cast %parallel_loop3A_628 : vector<1x16xf32> to vector<16xf32>
        %parallel_loop3A_630 = arith.constant 1 : i32
        %parallel_loop3A_631 = arith.constant 0 : i32
        %parallel_loop3A_632 = arith.constant 2 : i32
        %parallel_loop3A_633 = arith.index_cast %parallel_loop3A_630 : i32 to index
        %parallel_loop3A_634 = arith.index_cast %parallel_loop3A_631 : i32 to index
        %parallel_loop3A_635 = arith.index_cast %parallel_loop3A_632 : i32 to index
        %parallel_loop3A_636 = arith.index_cast %parallel_loop3A_620 : i32 to index
        %parallel_loop3A_637 = tpu.vector_load %arg6[%parallel_loop3A_633, %parallel_loop3A_634, %parallel_loop3A_635, %parallel_loop3A_636] {strides = array<i32>} : memref<2x4x8x1024xf32, #tpu.memory_space<vmem>>, vector<1x1x1x16xf32>,
        %parallel_loop3A_638 = vector.shape_cast %parallel_loop3A_637 : vector<1x1x1x16xf32> to vector<16xf32>
        %parallel_loop3A_639 = vector.shape_cast %parallel_loop3A_629 : vector<16xf32> to vector<1x1x1x16xf32>
        tpu.vector_store %arg6[%parallel_loop3A_633, %parallel_loop3A_634, %parallel_loop3A_635, %parallel_loop3A_636], %parallel_loop3A_639 {add = true, strides = array<i32>} : memref<2x4x8x1024xf32, #tpu.memory_space<vmem>>, vector<1x1x1x16xf32>,
        %parallel_loop3A_640 = arith.constant 1 : i32
        %parallel_loop3A_641 = arith.constant 1 : i32
        %parallel_loop3A_642 = arith.constant 2 : i32
        %parallel_loop3A_643 = arith.index_cast %parallel_loop3A_640 : i32 to index
        %parallel_loop3A_644 = arith.index_cast %parallel_loop3A_641 : i32 to index
        %parallel_loop3A_645 = arith.index_cast %parallel_loop3A_642 : i32 to index
        %parallel_loop3A_646 = arith.index_cast %parallel_loop3A_620 : i32 to index
        %parallel_loop3A_647 = tpu.vector_load %arg6[%parallel_loop3A_643, %parallel_loop3A_644, %parallel_loop3A_645, %parallel_loop3A_646] {strides = array<i32>} : memref<2x4x8x1024xf32, #tpu.memory_space<vmem>>, vector<1x1x1x16xf32>,
        %parallel_loop3A_648 = vector.shape_cast %parallel_loop3A_647 : vector<1x1x1x16xf32> to vector<16xf32>
        %parallel_loop3A_649 = vector.shape_cast %parallel_loop3A_629 : vector<16xf32> to vector<1x1x1x16xf32>
        tpu.vector_store %arg6[%parallel_loop3A_643, %parallel_loop3A_644, %parallel_loop3A_645, %parallel_loop3A_646], %parallel_loop3A_649 {add = true, strides = array<i32>} : memref<2x4x8x1024xf32, #tpu.memory_space<vmem>>, vector<1x1x1x16xf32>,
        %parallel_loop3A_650 = arith.constant 1 : i32
        %parallel_loop3A_651 = arith.constant 2 : i32
        %parallel_loop3A_652 = arith.constant 2 : i32
        %parallel_loop3A_653 = arith.index_cast %parallel_loop3A_650 : i32 to index
        %parallel_loop3A_654 = arith.index_cast %parallel_loop3A_651 : i32 to index
        %parallel_loop3A_655 = arith.index_cast %parallel_loop3A_652 : i32 to index
        %parallel_loop3A_656 = arith.index_cast %parallel_loop3A_620 : i32 to index
        %parallel_loop3A_657 = tpu.vector_load %arg6[%parallel_loop3A_653, %parallel_loop3A_654, %parallel_loop3A_655, %parallel_loop3A_656] {strides = array<i32>} : memref<2x4x8x1024xf32, #tpu.memory_space<vmem>>, vector<1x1x1x16xf32>,
        %parallel_loop3A_658 = vector.shape_cast %parallel_loop3A_657 : vector<1x1x1x16xf32> to vector<16xf32>
        %parallel_loop3A_659 = vector.shape_cast %parallel_loop3A_629 : vector<16xf32> to vector<1x1x1x16xf32>
        tpu.vector_store %arg6[%parallel_loop3A_653, %parallel_loop3A_654, %parallel_loop3A_655, %parallel_loop3A_656], %parallel_loop3A_659 {add = true, strides = array<i32>} : memref<2x4x8x1024xf32, #tpu.memory_space<vmem>>, vector<1x1x1x16xf32>,
        %parallel_loop3A_660 = arith.constant 1 : i32
        %parallel_loop3A_661 = arith.constant 3 : i32
        %parallel_loop3A_662 = arith.constant 2 : i32
        %parallel_loop3A_663 = arith.index_cast %parallel_loop3A_660 : i32 to index
        %parallel_loop3A_664 = arith.index_cast %parallel_loop3A_661 : i32 to index
        %parallel_loop3A_665 = arith.index_cast %parallel_loop3A_662 : i32 to index
        %parallel_loop3A_666 = arith.index_cast %parallel_loop3A_620 : i32 to index
        %parallel_loop3A_667 = tpu.vector_load %arg6[%parallel_loop3A_663, %parallel_loop3A_664, %parallel_loop3A_665, %parallel_loop3A_666] {strides = array<i32>} : memref<2x4x8x1024xf32, #tpu.memory_space<vmem>>, vector<1x1x1x16xf32>,
        %parallel_loop3A_668 = vector.shape_cast %parallel_loop3A_667 : vector<1x1x1x16xf32> to vector<16xf32>
        %parallel_loop3A_669 = vector.shape_cast %parallel_loop3A_629 : vector<16xf32> to vector<1x1x1x16xf32>
        tpu.vector_store %arg6[%parallel_loop3A_663, %parallel_loop3A_664, %parallel_loop3A_665, %parallel_loop3A_666], %parallel_loop3A_669 {add = true, strides = array<i32>} : memref<2x4x8x1024xf32, #tpu.memory_space<vmem>>, vector<1x1x1x16xf32>,
      } {sc.loop_unroll_factor = 4 : i64, sc.parallel_access}
      %parallel_loop3A_331 = arith.constant 0 : i32
      %parallel_loop3A_332 = arith.constant 1024 : i32
      %parallel_loop3A_333 = arith.constant 16 : i32
      %parallel_loop3A_334 = arith.constant 1 : i32
      scf.for %parallel_loop3A_620 = %parallel_loop3A_331 to %parallel_loop3A_332 step %parallel_loop3A_333  : i32 {
        %parallel_loop3A_621 = arith.constant 3 : i32
        %parallel_loop3A_622 = arith.constant 0 : i32
        %parallel_loop3A_623 = arith.constant 0 : i32
        %parallel_loop3A_624 = tpu.memref_slice %arg5[%parallel_loop3A_334, %parallel_loop3A_622, %parallel_loop3A_623] : memref<2x8x1024xf32, #tpu.memory_space<vmem>> -> memref<1x8x1024xf32, #tpu.memory_space<vmem>>
        %parallel_loop3A_625 = tpu.memref_squeeze %parallel_loop3A_624 : memref<1x8x1024xf32, #tpu.memory_space<vmem>> -> memref<8x1024xf32, #tpu.memory_space<vmem>>
        %parallel_loop3A_626 = arith.index_cast %parallel_loop3A_621 : i32 to index
        %parallel_loop3A_627 = arith.index_cast %parallel_loop3A_620 : i32 to index
        %parallel_loop3A_628 = tpu.vector_load %parallel_loop3A_625[%parallel_loop3A_626, %parallel_loop3A_627] {strides = array<i32>} : memref<8x1024xf32, #tpu.memory_space<vmem>>, vector<1x16xf32>,
        %parallel_loop3A_629 = vector.shape_cast %parallel_loop3A_628 : vector<1x16xf32> to vector<16xf32>
        %parallel_loop3A_630 = arith.constant 1 : i32
        %parallel_loop3A_631 = arith.constant 0 : i32
        %parallel_loop3A_632 = arith.constant 3 : i32
        %parallel_loop3A_633 = arith.index_cast %parallel_loop3A_630 : i32 to index
        %parallel_loop3A_634 = arith.index_cast %parallel_loop3A_631 : i32 to index
        %parallel_loop3A_635 = arith.index_cast %parallel_loop3A_632 : i32 to index
        %parallel_loop3A_636 = arith.index_cast %parallel_loop3A_620 : i32 to index
        %parallel_loop3A_637 = tpu.vector_load %arg6[%parallel_loop3A_633, %parallel_loop3A_634, %parallel_loop3A_635, %parallel_loop3A_636] {strides = array<i32>} : memref<2x4x8x1024xf32, #tpu.memory_space<vmem>>, vector<1x1x1x16xf32>,
        %parallel_loop3A_638 = vector.shape_cast %parallel_loop3A_637 : vector<1x1x1x16xf32> to vector<16xf32>
        %parallel_loop3A_639 = vector.shape_cast %parallel_loop3A_629 : vector<16xf32> to vector<1x1x1x16xf32>
        tpu.vector_store %arg6[%parallel_loop3A_633, %parallel_loop3A_634, %parallel_loop3A_635, %parallel_loop3A_636], %parallel_loop3A_639 {add = true, strides = array<i32>} : memref<2x4x8x1024xf32, #tpu.memory_space<vmem>>, vector<1x1x1x16xf32>,
        %parallel_loop3A_640 = arith.constant 1 : i32
        %parallel_loop3A_641 = arith.constant 1 : i32
        %parallel_loop3A_642 = arith.constant 3 : i32
        %parallel_loop3A_643 = arith.index_cast %parallel_loop3A_640 : i32 to index
        %parallel_loop3A_644 = arith.index_cast %parallel_loop3A_641 : i32 to index
        %parallel_loop3A_645 = arith.index_cast %parallel_loop3A_642 : i32 to index
        %parallel_loop3A_646 = arith.index_cast %parallel_loop3A_620 : i32 to index
        %parallel_loop3A_647 = tpu.vector_load %arg6[%parallel_loop3A_643, %parallel_loop3A_644, %parallel_loop3A_645, %parallel_loop3A_646] {strides = array<i32>} : memref<2x4x8x1024xf32, #tpu.memory_space<vmem>>, vector<1x1x1x16xf32>,
        %parallel_loop3A_648 = vector.shape_cast %parallel_loop3A_647 : vector<1x1x1x16xf32> to vector<16xf32>
        %parallel_loop3A_649 = vector.shape_cast %parallel_loop3A_629 : vector<16xf32> to vector<1x1x1x16xf32>
        tpu.vector_store %arg6[%parallel_loop3A_643, %parallel_loop3A_644, %parallel_loop3A_645, %parallel_loop3A_646], %parallel_loop3A_649 {add = true, strides = array<i32>} : memref<2x4x8x1024xf32, #tpu.memory_space<vmem>>, vector<1x1x1x16xf32>,
        %parallel_loop3A_650 = arith.constant 1 : i32
        %parallel_loop3A_651 = arith.constant 2 : i32
        %parallel_loop3A_652 = arith.constant 3 : i32
        %parallel_loop3A_653 = arith.index_cast %parallel_loop3A_650 : i32 to index
        %parallel_loop3A_654 = arith.index_cast %parallel_loop3A_651 : i32 to index
        %parallel_loop3A_655 = arith.index_cast %parallel_loop3A_652 : i32 to index
        %parallel_loop3A_656 = arith.index_cast %parallel_loop3A_620 : i32 to index
        %parallel_loop3A_657 = tpu.vector_load %arg6[%parallel_loop3A_653, %parallel_loop3A_654, %parallel_loop3A_655, %parallel_loop3A_656] {strides = array<i32>} : memref<2x4x8x1024xf32, #tpu.memory_space<vmem>>, vector<1x1x1x16xf32>,
        %parallel_loop3A_658 = vector.shape_cast %parallel_loop3A_657 : vector<1x1x1x16xf32> to vector<16xf32>
        %parallel_loop3A_659 = vector.shape_cast %parallel_loop3A_629 : vector<16xf32> to vector<1x1x1x16xf32>
        tpu.vector_store %arg6[%parallel_loop3A_653, %parallel_loop3A_654, %parallel_loop3A_655, %parallel_loop3A_656], %parallel_loop3A_659 {add = true, strides = array<i32>} : memref<2x4x8x1024xf32, #tpu.memory_space<vmem>>, vector<1x1x1x16xf32>,
        %parallel_loop3A_660 = arith.constant 1 : i32
        %parallel_loop3A_661 = arith.constant 3 : i32
        %parallel_loop3A_662 = arith.constant 3 : i32
        %parallel_loop3A_663 = arith.index_cast %parallel_loop3A_660 : i32 to index
        %parallel_loop3A_664 = arith.index_cast %parallel_loop3A_661 : i32 to index
        %parallel_loop3A_665 = arith.index_cast %parallel_loop3A_662 : i32 to index
        %parallel_loop3A_666 = arith.index_cast %parallel_loop3A_620 : i32 to index
        %parallel_loop3A_667 = tpu.vector_load %arg6[%parallel_loop3A_663, %parallel_loop3A_664, %parallel_loop3A_665, %parallel_loop3A_666] {strides = array<i32>} : memref<2x4x8x1024xf32, #tpu.memory_space<vmem>>, vector<1x1x1x16xf32>,
        %parallel_loop3A_668 = vector.shape_cast %parallel_loop3A_667 : vector<1x1x1x16xf32> to vector<16xf32>
        %parallel_loop3A_669 = vector.shape_cast %parallel_loop3A_629 : vector<16xf32> to vector<1x1x1x16xf32>
        tpu.vector_store %arg6[%parallel_loop3A_663, %parallel_loop3A_664, %parallel_loop3A_665, %parallel_loop3A_666], %parallel_loop3A_669 {add = true, strides = array<i32>} : memref<2x4x8x1024xf32, #tpu.memory_space<vmem>>, vector<1x1x1x16xf32>,
      } {sc.loop_unroll_factor = 4 : i64, sc.parallel_access}
      %parallel_loop3A_335 = arith.constant 0 : i32
      %parallel_loop3A_336 = arith.constant 1024 : i32
      %parallel_loop3A_337 = arith.constant 16 : i32
      %parallel_loop3A_338 = arith.constant 1 : i32
      scf.for %parallel_loop3A_620 = %parallel_loop3A_335 to %parallel_loop3A_336 step %parallel_loop3A_337  : i32 {
        %parallel_loop3A_621 = arith.constant 4 : i32
        %parallel_loop3A_622 = arith.constant 0 : i32
        %parallel_loop3A_623 = arith.constant 0 : i32
        %parallel_loop3A_624 = tpu.memref_slice %arg5[%parallel_loop3A_338, %parallel_loop3A_622, %parallel_loop3A_623] : memref<2x8x1024xf32, #tpu.memory_space<vmem>> -> memref<1x8x1024xf32, #tpu.memory_space<vmem>>
        %parallel_loop3A_625 = tpu.memref_squeeze %parallel_loop3A_624 : memref<1x8x1024xf32, #tpu.memory_space<vmem>> -> memref<8x1024xf32, #tpu.memory_space<vmem>>
        %parallel_loop3A_626 = arith.index_cast %parallel_loop3A_621 : i32 to index
        %parallel_loop3A_627 = arith.index_cast %parallel_loop3A_620 : i32 to index
        %parallel_loop3A_628 = tpu.vector_load %parallel_loop3A_625[%parallel_loop3A_626, %parallel_loop3A_627] {strides = array<i32>} : memref<8x1024xf32, #tpu.memory_space<vmem>>, vector<1x16xf32>,
        %parallel_loop3A_629 = vector.shape_cast %parallel_loop3A_628 : vector<1x16xf32> to vector<16xf32>
        %parallel_loop3A_630 = arith.constant 1 : i32
        %parallel_loop3A_631 = arith.constant 0 : i32
        %parallel_loop3A_632 = arith.constant 4 : i32
        %parallel_loop3A_633 = arith.index_cast %parallel_loop3A_630 : i32 to index
        %parallel_loop3A_634 = arith.index_cast %parallel_loop3A_631 : i32 to index
        %parallel_loop3A_635 = arith.index_cast %parallel_loop3A_632 : i32 to index
        %parallel_loop3A_636 = arith.index_cast %parallel_loop3A_620 : i32 to index
        %parallel_loop3A_637 = tpu.vector_load %arg6[%parallel_loop3A_633, %parallel_loop3A_634, %parallel_loop3A_635, %parallel_loop3A_636] {strides = array<i32>} : memref<2x4x8x1024xf32, #tpu.memory_space<vmem>>, vector<1x1x1x16xf32>,
        %parallel_loop3A_638 = vector.shape_cast %parallel_loop3A_637 : vector<1x1x1x16xf32> to vector<16xf32>
        %parallel_loop3A_639 = vector.shape_cast %parallel_loop3A_629 : vector<16xf32> to vector<1x1x1x16xf32>
        tpu.vector_store %arg6[%parallel_loop3A_633, %parallel_loop3A_634, %parallel_loop3A_635, %parallel_loop3A_636], %parallel_loop3A_639 {add = true, strides = array<i32>} : memref<2x4x8x1024xf32, #tpu.memory_space<vmem>>, vector<1x1x1x16xf32>,
        %parallel_loop3A_640 = arith.constant 1 : i32
        %parallel_loop3A_641 = arith.constant 1 : i32
        %parallel_loop3A_642 = arith.constant 4 : i32
        %parallel_loop3A_643 = arith.index_cast %parallel_loop3A_640 : i32 to index
        %parallel_loop3A_644 = arith.index_cast %parallel_loop3A_641 : i32 to index
        %parallel_loop3A_645 = arith.index_cast %parallel_loop3A_642 : i32 to index
        %parallel_loop3A_646 = arith.index_cast %parallel_loop3A_620 : i32 to index
        %parallel_loop3A_647 = tpu.vector_load %arg6[%parallel_loop3A_643, %parallel_loop3A_644, %parallel_loop3A_645, %parallel_loop3A_646] {strides = array<i32>} : memref<2x4x8x1024xf32, #tpu.memory_space<vmem>>, vector<1x1x1x16xf32>,
        %parallel_loop3A_648 = vector.shape_cast %parallel_loop3A_647 : vector<1x1x1x16xf32> to vector<16xf32>
        %parallel_loop3A_649 = vector.shape_cast %parallel_loop3A_629 : vector<16xf32> to vector<1x1x1x16xf32>
        tpu.vector_store %arg6[%parallel_loop3A_643, %parallel_loop3A_644, %parallel_loop3A_645, %parallel_loop3A_646], %parallel_loop3A_649 {add = true, strides = array<i32>} : memref<2x4x8x1024xf32, #tpu.memory_space<vmem>>, vector<1x1x1x16xf32>,
        %parallel_loop3A_650 = arith.constant 1 : i32
        %parallel_loop3A_651 = arith.constant 2 : i32
        %parallel_loop3A_652 = arith.constant 4 : i32
        %parallel_loop3A_653 = arith.index_cast %parallel_loop3A_650 : i32 to index
        %parallel_loop3A_654 = arith.index_cast %parallel_loop3A_651 : i32 to index
        %parallel_loop3A_655 = arith.index_cast %parallel_loop3A_652 : i32 to index
        %parallel_loop3A_656 = arith.index_cast %parallel_loop3A_620 : i32 to index
        %parallel_loop3A_657 = tpu.vector_load %arg6[%parallel_loop3A_653, %parallel_loop3A_654, %parallel_loop3A_655, %parallel_loop3A_656] {strides = array<i32>} : memref<2x4x8x1024xf32, #tpu.memory_space<vmem>>, vector<1x1x1x16xf32>,
        %parallel_loop3A_658 = vector.shape_cast %parallel_loop3A_657 : vector<1x1x1x16xf32> to vector<16xf32>
        %parallel_loop3A_659 = vector.shape_cast %parallel_loop3A_629 : vector<16xf32> to vector<1x1x1x16xf32>
        tpu.vector_store %arg6[%parallel_loop3A_653, %parallel_loop3A_654, %parallel_loop3A_655, %parallel_loop3A_656], %parallel_loop3A_659 {add = true, strides = array<i32>} : memref<2x4x8x1024xf32, #tpu.memory_space<vmem>>, vector<1x1x1x16xf32>,
        %parallel_loop3A_660 = arith.constant 1 : i32
        %parallel_loop3A_661 = arith.constant 3 : i32
        %parallel_loop3A_662 = arith.constant 4 : i32
        %parallel_loop3A_663 = arith.index_cast %parallel_loop3A_660 : i32 to index
        %parallel_loop3A_664 = arith.index_cast %parallel_loop3A_661 : i32 to index
        %parallel_loop3A_665 = arith.index_cast %parallel_loop3A_662 : i32 to index
        %parallel_loop3A_666 = arith.index_cast %parallel_loop3A_620 : i32 to index
        %parallel_loop3A_667 = tpu.vector_load %arg6[%parallel_loop3A_663, %parallel_loop3A_664, %parallel_loop3A_665, %parallel_loop3A_666] {strides = array<i32>} : memref<2x4x8x1024xf32, #tpu.memory_space<vmem>>, vector<1x1x1x16xf32>,
        %parallel_loop3A_668 = vector.shape_cast %parallel_loop3A_667 : vector<1x1x1x16xf32> to vector<16xf32>
        %parallel_loop3A_669 = vector.shape_cast %parallel_loop3A_629 : vector<16xf32> to vector<1x1x1x16xf32>
        tpu.vector_store %arg6[%parallel_loop3A_663, %parallel_loop3A_664, %parallel_loop3A_665, %parallel_loop3A_666], %parallel_loop3A_669 {add = true, strides = array<i32>} : memref<2x4x8x1024xf32, #tpu.memory_space<vmem>>, vector<1x1x1x16xf32>,
      } {sc.loop_unroll_factor = 4 : i64, sc.parallel_access}
      %parallel_loop3A_339 = arith.constant 0 : i32
      %parallel_loop3A_340 = arith.constant 1024 : i32
      %parallel_loop3A_341 = arith.constant 16 : i32
      %parallel_loop3A_342 = arith.constant 1 : i32
      scf.for %parallel_loop3A_620 = %parallel_loop3A_339 to %parallel_loop3A_340 step %parallel_loop3A_341  : i32 {
        %parallel_loop3A_621 = arith.constant 5 : i32
        %parallel_loop3A_622 = arith.constant 0 : i32
        %parallel_loop3A_623 = arith.constant 0 : i32
        %parallel_loop3A_624 = tpu.memref_slice %arg5[%parallel_loop3A_342, %parallel_loop3A_622, %parallel_loop3A_623] : memref<2x8x1024xf32, #tpu.memory_space<vmem>> -> memref<1x8x1024xf32, #tpu.memory_space<vmem>>
        %parallel_loop3A_625 = tpu.memref_squeeze %parallel_loop3A_624 : memref<1x8x1024xf32, #tpu.memory_space<vmem>> -> memref<8x1024xf32, #tpu.memory_space<vmem>>
        %parallel_loop3A_626 = arith.index_cast %parallel_loop3A_621 : i32 to index
        %parallel_loop3A_627 = arith.index_cast %parallel_loop3A_620 : i32 to index
        %parallel_loop3A_628 = tpu.vector_load %parallel_loop3A_625[%parallel_loop3A_626, %parallel_loop3A_627] {strides = array<i32>} : memref<8x1024xf32, #tpu.memory_space<vmem>>, vector<1x16xf32>,
        %parallel_loop3A_629 = vector.shape_cast %parallel_loop3A_628 : vector<1x16xf32> to vector<16xf32>
        %parallel_loop3A_630 = arith.constant 1 : i32
        %parallel_loop3A_631 = arith.constant 0 : i32
        %parallel_loop3A_632 = arith.constant 5 : i32
        %parallel_loop3A_633 = arith.index_cast %parallel_loop3A_630 : i32 to index
        %parallel_loop3A_634 = arith.index_cast %parallel_loop3A_631 : i32 to index
        %parallel_loop3A_635 = arith.index_cast %parallel_loop3A_632 : i32 to index
        %parallel_loop3A_636 = arith.index_cast %parallel_loop3A_620 : i32 to index
        %parallel_loop3A_637 = tpu.vector_load %arg6[%parallel_loop3A_633, %parallel_loop3A_634, %parallel_loop3A_635, %parallel_loop3A_636] {strides = array<i32>} : memref<2x4x8x1024xf32, #tpu.memory_space<vmem>>, vector<1x1x1x16xf32>,
        %parallel_loop3A_638 = vector.shape_cast %parallel_loop3A_637 : vector<1x1x1x16xf32> to vector<16xf32>
        %parallel_loop3A_639 = vector.shape_cast %parallel_loop3A_629 : vector<16xf32> to vector<1x1x1x16xf32>
        tpu.vector_store %arg6[%parallel_loop3A_633, %parallel_loop3A_634, %parallel_loop3A_635, %parallel_loop3A_636], %parallel_loop3A_639 {add = true, strides = array<i32>} : memref<2x4x8x1024xf32, #tpu.memory_space<vmem>>, vector<1x1x1x16xf32>,
        %parallel_loop3A_640 = arith.constant 1 : i32
        %parallel_loop3A_641 = arith.constant 1 : i32
        %parallel_loop3A_642 = arith.constant 5 : i32
        %parallel_loop3A_643 = arith.index_cast %parallel_loop3A_640 : i32 to index
        %parallel_loop3A_644 = arith.index_cast %parallel_loop3A_641 : i32 to index
        %parallel_loop3A_645 = arith.index_cast %parallel_loop3A_642 : i32 to index
        %parallel_loop3A_646 = arith.index_cast %parallel_loop3A_620 : i32 to index
        %parallel_loop3A_647 = tpu.vector_load %arg6[%parallel_loop3A_643, %parallel_loop3A_644, %parallel_loop3A_645, %parallel_loop3A_646] {strides = array<i32>} : memref<2x4x8x1024xf32, #tpu.memory_space<vmem>>, vector<1x1x1x16xf32>,
        %parallel_loop3A_648 = vector.shape_cast %parallel_loop3A_647 : vector<1x1x1x16xf32> to vector<16xf32>
        %parallel_loop3A_649 = vector.shape_cast %parallel_loop3A_629 : vector<16xf32> to vector<1x1x1x16xf32>
        tpu.vector_store %arg6[%parallel_loop3A_643, %parallel_loop3A_644, %parallel_loop3A_645, %parallel_loop3A_646], %parallel_loop3A_649 {add = true, strides = array<i32>} : memref<2x4x8x1024xf32, #tpu.memory_space<vmem>>, vector<1x1x1x16xf32>,
        %parallel_loop3A_650 = arith.constant 1 : i32
        %parallel_loop3A_651 = arith.constant 2 : i32
        %parallel_loop3A_652 = arith.constant 5 : i32
        %parallel_loop3A_653 = arith.index_cast %parallel_loop3A_650 : i32 to index
        %parallel_loop3A_654 = arith.index_cast %parallel_loop3A_651 : i32 to index
        %parallel_loop3A_655 = arith.index_cast %parallel_loop3A_652 : i32 to index
        %parallel_loop3A_656 = arith.index_cast %parallel_loop3A_620 : i32 to index
        %parallel_loop3A_657 = tpu.vector_load %arg6[%parallel_loop3A_653, %parallel_loop3A_654, %parallel_loop3A_655, %parallel_loop3A_656] {strides = array<i32>} : memref<2x4x8x1024xf32, #tpu.memory_space<vmem>>, vector<1x1x1x16xf32>,
        %parallel_loop3A_658 = vector.shape_cast %parallel_loop3A_657 : vector<1x1x1x16xf32> to vector<16xf32>
        %parallel_loop3A_659 = vector.shape_cast %parallel_loop3A_629 : vector<16xf32> to vector<1x1x1x16xf32>
        tpu.vector_store %arg6[%parallel_loop3A_653, %parallel_loop3A_654, %parallel_loop3A_655, %parallel_loop3A_656], %parallel_loop3A_659 {add = true, strides = array<i32>} : memref<2x4x8x1024xf32, #tpu.memory_space<vmem>>, vector<1x1x1x16xf32>,
        %parallel_loop3A_660 = arith.constant 1 : i32
        %parallel_loop3A_661 = arith.constant 3 : i32
        %parallel_loop3A_662 = arith.constant 5 : i32
        %parallel_loop3A_663 = arith.index_cast %parallel_loop3A_660 : i32 to index
        %parallel_loop3A_664 = arith.index_cast %parallel_loop3A_661 : i32 to index
        %parallel_loop3A_665 = arith.index_cast %parallel_loop3A_662 : i32 to index
        %parallel_loop3A_666 = arith.index_cast %parallel_loop3A_620 : i32 to index
        %parallel_loop3A_667 = tpu.vector_load %arg6[%parallel_loop3A_663, %parallel_loop3A_664, %parallel_loop3A_665, %parallel_loop3A_666] {strides = array<i32>} : memref<2x4x8x1024xf32, #tpu.memory_space<vmem>>, vector<1x1x1x16xf32>,
        %parallel_loop3A_668 = vector.shape_cast %parallel_loop3A_667 : vector<1x1x1x16xf32> to vector<16xf32>
        %parallel_loop3A_669 = vector.shape_cast %parallel_loop3A_629 : vector<16xf32> to vector<1x1x1x16xf32>
        tpu.vector_store %arg6[%parallel_loop3A_663, %parallel_loop3A_664, %parallel_loop3A_665, %parallel_loop3A_666], %parallel_loop3A_669 {add = true, strides = array<i32>} : memref<2x4x8x1024xf32, #tpu.memory_space<vmem>>, vector<1x1x1x16xf32>,
      } {sc.loop_unroll_factor = 4 : i64, sc.parallel_access}
      %parallel_loop3A_343 = arith.constant 0 : i32
      %parallel_loop3A_344 = arith.constant 1024 : i32
      %parallel_loop3A_345 = arith.constant 16 : i32
      %parallel_loop3A_346 = arith.constant 1 : i32
      scf.for %parallel_loop3A_620 = %parallel_loop3A_343 to %parallel_loop3A_344 step %parallel_loop3A_345  : i32 {
        %parallel_loop3A_621 = arith.constant 6 : i32
        %parallel_loop3A_622 = arith.constant 0 : i32
        %parallel_loop3A_623 = arith.constant 0 : i32
        %parallel_loop3A_624 = tpu.memref_slice %arg5[%parallel_loop3A_346, %parallel_loop3A_622, %parallel_loop3A_623] : memref<2x8x1024xf32, #tpu.memory_space<vmem>> -> memref<1x8x1024xf32, #tpu.memory_space<vmem>>
        %parallel_loop3A_625 = tpu.memref_squeeze %parallel_loop3A_624 : memref<1x8x1024xf32, #tpu.memory_space<vmem>> -> memref<8x1024xf32, #tpu.memory_space<vmem>>
        %parallel_loop3A_626 = arith.index_cast %parallel_loop3A_621 : i32 to index
        %parallel_loop3A_627 = arith.index_cast %parallel_loop3A_620 : i32 to index
        %parallel_loop3A_628 = tpu.vector_load %parallel_loop3A_625[%parallel_loop3A_626, %parallel_loop3A_627] {strides = array<i32>} : memref<8x1024xf32, #tpu.memory_space<vmem>>, vector<1x16xf32>,
        %parallel_loop3A_629 = vector.shape_cast %parallel_loop3A_628 : vector<1x16xf32> to vector<16xf32>
        %parallel_loop3A_630 = arith.constant 1 : i32
        %parallel_loop3A_631 = arith.constant 0 : i32
        %parallel_loop3A_632 = arith.constant 6 : i32
        %parallel_loop3A_633 = arith.index_cast %parallel_loop3A_630 : i32 to index
        %parallel_loop3A_634 = arith.index_cast %parallel_loop3A_631 : i32 to index
        %parallel_loop3A_635 = arith.index_cast %parallel_loop3A_632 : i32 to index
        %parallel_loop3A_636 = arith.index_cast %parallel_loop3A_620 : i32 to index
        %parallel_loop3A_637 = tpu.vector_load %arg6[%parallel_loop3A_633, %parallel_loop3A_634, %parallel_loop3A_635, %parallel_loop3A_636] {strides = array<i32>} : memref<2x4x8x1024xf32, #tpu.memory_space<vmem>>, vector<1x1x1x16xf32>,
        %parallel_loop3A_638 = vector.shape_cast %parallel_loop3A_637 : vector<1x1x1x16xf32> to vector<16xf32>
        %parallel_loop3A_639 = vector.shape_cast %parallel_loop3A_629 : vector<16xf32> to vector<1x1x1x16xf32>
        tpu.vector_store %arg6[%parallel_loop3A_633, %parallel_loop3A_634, %parallel_loop3A_635, %parallel_loop3A_636], %parallel_loop3A_639 {add = true, strides = array<i32>} : memref<2x4x8x1024xf32, #tpu.memory_space<vmem>>, vector<1x1x1x16xf32>,
        %parallel_loop3A_640 = arith.constant 1 : i32
        %parallel_loop3A_641 = arith.constant 1 : i32
        %parallel_loop3A_642 = arith.constant 6 : i32
        %parallel_loop3A_643 = arith.index_cast %parallel_loop3A_640 : i32 to index
        %parallel_loop3A_644 = arith.index_cast %parallel_loop3A_641 : i32 to index
        %parallel_loop3A_645 = arith.index_cast %parallel_loop3A_642 : i32 to index
        %parallel_loop3A_646 = arith.index_cast %parallel_loop3A_620 : i32 to index
        %parallel_loop3A_647 = tpu.vector_load %arg6[%parallel_loop3A_643, %parallel_loop3A_644, %parallel_loop3A_645, %parallel_loop3A_646] {strides = array<i32>} : memref<2x4x8x1024xf32, #tpu.memory_space<vmem>>, vector<1x1x1x16xf32>,
        %parallel_loop3A_648 = vector.shape_cast %parallel_loop3A_647 : vector<1x1x1x16xf32> to vector<16xf32>
        %parallel_loop3A_649 = vector.shape_cast %parallel_loop3A_629 : vector<16xf32> to vector<1x1x1x16xf32>
        tpu.vector_store %arg6[%parallel_loop3A_643, %parallel_loop3A_644, %parallel_loop3A_645, %parallel_loop3A_646], %parallel_loop3A_649 {add = true, strides = array<i32>} : memref<2x4x8x1024xf32, #tpu.memory_space<vmem>>, vector<1x1x1x16xf32>,
        %parallel_loop3A_650 = arith.constant 1 : i32
        %parallel_loop3A_651 = arith.constant 2 : i32
        %parallel_loop3A_652 = arith.constant 6 : i32
        %parallel_loop3A_653 = arith.index_cast %parallel_loop3A_650 : i32 to index
        %parallel_loop3A_654 = arith.index_cast %parallel_loop3A_651 : i32 to index
        %parallel_loop3A_655 = arith.index_cast %parallel_loop3A_652 : i32 to index
        %parallel_loop3A_656 = arith.index_cast %parallel_loop3A_620 : i32 to index
        %parallel_loop3A_657 = tpu.vector_load %arg6[%parallel_loop3A_653, %parallel_loop3A_654, %parallel_loop3A_655, %parallel_loop3A_656] {strides = array<i32>} : memref<2x4x8x1024xf32, #tpu.memory_space<vmem>>, vector<1x1x1x16xf32>,
        %parallel_loop3A_658 = vector.shape_cast %parallel_loop3A_657 : vector<1x1x1x16xf32> to vector<16xf32>
        %parallel_loop3A_659 = vector.shape_cast %parallel_loop3A_629 : vector<16xf32> to vector<1x1x1x16xf32>
        tpu.vector_store %arg6[%parallel_loop3A_653, %parallel_loop3A_654, %parallel_loop3A_655, %parallel_loop3A_656], %parallel_loop3A_659 {add = true, strides = array<i32>} : memref<2x4x8x1024xf32, #tpu.memory_space<vmem>>, vector<1x1x1x16xf32>,
        %parallel_loop3A_660 = arith.constant 1 : i32
        %parallel_loop3A_661 = arith.constant 3 : i32
        %parallel_loop3A_662 = arith.constant 6 : i32
        %parallel_loop3A_663 = arith.index_cast %parallel_loop3A_660 : i32 to index
        %parallel_loop3A_664 = arith.index_cast %parallel_loop3A_661 : i32 to index
        %parallel_loop3A_665 = arith.index_cast %parallel_loop3A_662 : i32 to index
        %parallel_loop3A_666 = arith.index_cast %parallel_loop3A_620 : i32 to index
        %parallel_loop3A_667 = tpu.vector_load %arg6[%parallel_loop3A_663, %parallel_loop3A_664, %parallel_loop3A_665, %parallel_loop3A_666] {strides = array<i32>} : memref<2x4x8x1024xf32, #tpu.memory_space<vmem>>, vector<1x1x1x16xf32>,
        %parallel_loop3A_668 = vector.shape_cast %parallel_loop3A_667 : vector<1x1x1x16xf32> to vector<16xf32>
        %parallel_loop3A_669 = vector.shape_cast %parallel_loop3A_629 : vector<16xf32> to vector<1x1x1x16xf32>
        tpu.vector_store %arg6[%parallel_loop3A_663, %parallel_loop3A_664, %parallel_loop3A_665, %parallel_loop3A_666], %parallel_loop3A_669 {add = true, strides = array<i32>} : memref<2x4x8x1024xf32, #tpu.memory_space<vmem>>, vector<1x1x1x16xf32>,
      } {sc.loop_unroll_factor = 4 : i64, sc.parallel_access}
      %parallel_loop3A_347 = arith.constant 0 : i32
      %parallel_loop3A_348 = arith.constant 1024 : i32
      %parallel_loop3A_349 = arith.constant 16 : i32
      %parallel_loop3A_350 = arith.constant 1 : i32
      scf.for %parallel_loop3A_620 = %parallel_loop3A_347 to %parallel_loop3A_348 step %parallel_loop3A_349  : i32 {
        %parallel_loop3A_621 = arith.constant 7 : i32
        %parallel_loop3A_622 = arith.constant 0 : i32
        %parallel_loop3A_623 = arith.constant 0 : i32
        %parallel_loop3A_624 = tpu.memref_slice %arg5[%parallel_loop3A_350, %parallel_loop3A_622, %parallel_loop3A_623] : memref<2x8x1024xf32, #tpu.memory_space<vmem>> -> memref<1x8x1024xf32, #tpu.memory_space<vmem>>
        %parallel_loop3A_625 = tpu.memref_squeeze %parallel_loop3A_624 : memref<1x8x1024xf32, #tpu.memory_space<vmem>> -> memref<8x1024xf32, #tpu.memory_space<vmem>>
        %parallel_loop3A_626 = arith.index_cast %parallel_loop3A_621 : i32 to index
        %parallel_loop3A_627 = arith.index_cast %parallel_loop3A_620 : i32 to index
        %parallel_loop3A_628 = tpu.vector_load %parallel_loop3A_625[%parallel_loop3A_626, %parallel_loop3A_627] {strides = array<i32>} : memref<8x1024xf32, #tpu.memory_space<vmem>>, vector<1x16xf32>,
        %parallel_loop3A_629 = vector.shape_cast %parallel_loop3A_628 : vector<1x16xf32> to vector<16xf32>
        %parallel_loop3A_630 = arith.constant 1 : i32
        %parallel_loop3A_631 = arith.constant 0 : i32
        %parallel_loop3A_632 = arith.constant 7 : i32
        %parallel_loop3A_633 = arith.index_cast %parallel_loop3A_630 : i32 to index
        %parallel_loop3A_634 = arith.index_cast %parallel_loop3A_631 : i32 to index
        %parallel_loop3A_635 = arith.index_cast %parallel_loop3A_632 : i32 to index
        %parallel_loop3A_636 = arith.index_cast %parallel_loop3A_620 : i32 to index
        %parallel_loop3A_637 = tpu.vector_load %arg6[%parallel_loop3A_633, %parallel_loop3A_634, %parallel_loop3A_635, %parallel_loop3A_636] {strides = array<i32>} : memref<2x4x8x1024xf32, #tpu.memory_space<vmem>>, vector<1x1x1x16xf32>,
        %parallel_loop3A_638 = vector.shape_cast %parallel_loop3A_637 : vector<1x1x1x16xf32> to vector<16xf32>
        %parallel_loop3A_639 = vector.shape_cast %parallel_loop3A_629 : vector<16xf32> to vector<1x1x1x16xf32>
        tpu.vector_store %arg6[%parallel_loop3A_633, %parallel_loop3A_634, %parallel_loop3A_635, %parallel_loop3A_636], %parallel_loop3A_639 {add = true, strides = array<i32>} : memref<2x4x8x1024xf32, #tpu.memory_space<vmem>>, vector<1x1x1x16xf32>,
        %parallel_loop3A_640 = arith.constant 1 : i32
        %parallel_loop3A_641 = arith.constant 1 : i32
        %parallel_loop3A_642 = arith.constant 7 : i32
        %parallel_loop3A_643 = arith.index_cast %parallel_loop3A_640 : i32 to index
        %parallel_loop3A_644 = arith.index_cast %parallel_loop3A_641 : i32 to index
        %parallel_loop3A_645 = arith.index_cast %parallel_loop3A_642 : i32 to index
        %parallel_loop3A_646 = arith.index_cast %parallel_loop3A_620 : i32 to index
        %parallel_loop3A_647 = tpu.vector_load %arg6[%parallel_loop3A_643, %parallel_loop3A_644, %parallel_loop3A_645, %parallel_loop3A_646] {strides = array<i32>} : memref<2x4x8x1024xf32, #tpu.memory_space<vmem>>, vector<1x1x1x16xf32>,
        %parallel_loop3A_648 = vector.shape_cast %parallel_loop3A_647 : vector<1x1x1x16xf32> to vector<16xf32>
        %parallel_loop3A_649 = vector.shape_cast %parallel_loop3A_629 : vector<16xf32> to vector<1x1x1x16xf32>
        tpu.vector_store %arg6[%parallel_loop3A_643, %parallel_loop3A_644, %parallel_loop3A_645, %parallel_loop3A_646], %parallel_loop3A_649 {add = true, strides = array<i32>} : memref<2x4x8x1024xf32, #tpu.memory_space<vmem>>, vector<1x1x1x16xf32>,
        %parallel_loop3A_650 = arith.constant 1 : i32
        %parallel_loop3A_651 = arith.constant 2 : i32
        %parallel_loop3A_652 = arith.constant 7 : i32
        %parallel_loop3A_653 = arith.index_cast %parallel_loop3A_650 : i32 to index
        %parallel_loop3A_654 = arith.index_cast %parallel_loop3A_651 : i32 to index
        %parallel_loop3A_655 = arith.index_cast %parallel_loop3A_652 : i32 to index
        %parallel_loop3A_656 = arith.index_cast %parallel_loop3A_620 : i32 to index
        %parallel_loop3A_657 = tpu.vector_load %arg6[%parallel_loop3A_653, %parallel_loop3A_654, %parallel_loop3A_655, %parallel_loop3A_656] {strides = array<i32>} : memref<2x4x8x1024xf32, #tpu.memory_space<vmem>>, vector<1x1x1x16xf32>,
        %parallel_loop3A_658 = vector.shape_cast %parallel_loop3A_657 : vector<1x1x1x16xf32> to vector<16xf32>
        %parallel_loop3A_659 = vector.shape_cast %parallel_loop3A_629 : vector<16xf32> to vector<1x1x1x16xf32>
        tpu.vector_store %arg6[%parallel_loop3A_653, %parallel_loop3A_654, %parallel_loop3A_655, %parallel_loop3A_656], %parallel_loop3A_659 {add = true, strides = array<i32>} : memref<2x4x8x1024xf32, #tpu.memory_space<vmem>>, vector<1x1x1x16xf32>,
        %parallel_loop3A_660 = arith.constant 1 : i32
        %parallel_loop3A_661 = arith.constant 3 : i32
        %parallel_loop3A_662 = arith.constant 7 : i32
        %parallel_loop3A_663 = arith.index_cast %parallel_loop3A_660 : i32 to index
        %parallel_loop3A_664 = arith.index_cast %parallel_loop3A_661 : i32 to index
        %parallel_loop3A_665 = arith.index_cast %parallel_loop3A_662 : i32 to index
        %parallel_loop3A_666 = arith.index_cast %parallel_loop3A_620 : i32 to index
        %parallel_loop3A_667 = tpu.vector_load %arg6[%parallel_loop3A_663, %parallel_loop3A_664, %parallel_loop3A_665, %parallel_loop3A_666] {strides = array<i32>} : memref<2x4x8x1024xf32, #tpu.memory_space<vmem>>, vector<1x1x1x16xf32>,
        %parallel_loop3A_668 = vector.shape_cast %parallel_loop3A_667 : vector<1x1x1x16xf32> to vector<16xf32>
        %parallel_loop3A_669 = vector.shape_cast %parallel_loop3A_629 : vector<16xf32> to vector<1x1x1x16xf32>
        tpu.vector_store %arg6[%parallel_loop3A_663, %parallel_loop3A_664, %parallel_loop3A_665, %parallel_loop3A_666], %parallel_loop3A_669 {add = true, strides = array<i32>} : memref<2x4x8x1024xf32, #tpu.memory_space<vmem>>, vector<1x1x1x16xf32>,
      } {sc.loop_unroll_factor = 4 : i64, sc.parallel_access}
      %dma_start3A_351 = arith.constant 1 : i32
      %dma_start3A_352 = arith.constant 1 : i32
      %dma_start3A_353 = arith.constant 0 : i32
      %dma_start3A_354 = arith.constant 0 : i32
      %dma_start3A_355 = arith.constant 0 : i32
      %dma_start3A_356 = tpu.memref_slice %arg6[%dma_start3A_351, %dma_start3A_353, %dma_start3A_354, %dma_start3A_355] : memref<2x4x8x1024xf32, #tpu.memory_space<vmem>> -> memref<1x4x8x1024xf32, #tpu.memory_space<vmem>>
      %dma_start3A_357 = tpu.memref_squeeze %dma_start3A_356 : memref<1x4x8x1024xf32, #tpu.memory_space<vmem>> -> memref<4x8x1024xf32, #tpu.memory_space<vmem>>
      %dma_start3A_358 = arith.constant 0 : i32
      %dma_start3A_359 = arith.constant 1024 : i32
      %dma_start3A_360 = tpu.memref_slice %arg4[%dma_start3A_358, %add3A_91, %dma_start3A_359] : memref<4x8192x4096xf32, #tpu.memory_space<hbm>> -> memref<4x8x1024xf32, #tpu.memory_space<hbm>>
      %dma_start3A_361 = tpu.memref_slice %arg9[%dma_start3A_352] : memref<2x!tpu.dma_semaphore, #tpu.memory_space<semaphore_mem>> -> memref<1x!tpu.dma_semaphore, #tpu.memory_space<semaphore_mem>>
      %dma_start3A_362 = tpu.memref_squeeze %dma_start3A_361 : memref<1x!tpu.dma_semaphore, #tpu.memory_space<semaphore_mem>> -> memref<!tpu.dma_semaphore, #tpu.memory_space<semaphore_mem>>
      %dma_start3A_363 = arith.constant 0 : i32
      %dma_start3A_364 = arith.constant 1024 : i32
      %dma_start3A_365 = tpu.memref_slice %arg4[%dma_start3A_363, %add3A_91, %dma_start3A_364] : memref<4x8192x4096xf32, #tpu.memory_space<hbm>> -> memref<4x8x1024xf32, #tpu.memory_space<hbm>>
      %dma_start3A_366 = arith.constant 0 : i32
      %dma_start3A_367 = arith.constant 0 : i32
      %dma_start3A_368 = arith.constant 0 : i32
      %dma_start3A_369 = tpu.memref_slice %arg6[%dma_start3A_351, %dma_start3A_366, %dma_start3A_367, %dma_start3A_368] : memref<2x4x8x1024xf32, #tpu.memory_space<vmem>> -> memref<1x4x8x1024xf32, #tpu.memory_space<vmem>>
      %dma_start3A_370 = tpu.memref_squeeze %dma_start3A_369 : memref<1x4x8x1024xf32, #tpu.memory_space<vmem>> -> memref<4x8x1024xf32, #tpu.memory_space<vmem>>
      tpu.enqueue_dma source(%dma_start3A_370 : memref<4x8x1024xf32, #tpu.memory_space<vmem>>) target(%dma_start3A_365 : memref<4x8x1024xf32, #tpu.memory_space<hbm>>) target_semaphore(%dma_start3A_362 : memref<!tpu.dma_semaphore, #tpu.memory_space<semaphore_mem>>)
      %dma_wait3A_371 = arith.constant 1 : i32
      %dma_wait3A_372 = arith.constant 1 : i32
      %dma_wait3A_373 = arith.constant 0 : i32
      %dma_wait3A_374 = arith.constant 0 : i32
      %dma_wait3A_375 = arith.constant 0 : i32
      %dma_wait3A_376 = tpu.memref_slice %arg6[%dma_wait3A_371, %dma_wait3A_373, %dma_wait3A_374, %dma_wait3A_375] : memref<2x4x8x1024xf32, #tpu.memory_space<vmem>> -> memref<1x4x8x1024xf32, #tpu.memory_space<vmem>>
      %dma_wait3A_377 = tpu.memref_squeeze %dma_wait3A_376 : memref<1x4x8x1024xf32, #tpu.memory_space<vmem>> -> memref<4x8x1024xf32, #tpu.memory_space<vmem>>
      %dma_wait3A_378 = arith.constant 0 : i32
      %dma_wait3A_379 = arith.constant 0 : i32
      %dma_wait3A_380 = arith.constant 0 : i32
      %dma_wait3A_381 = tpu.memref_slice %arg4[%dma_wait3A_378, %dma_wait3A_379, %dma_wait3A_380] : memref<4x8192x4096xf32, #tpu.memory_space<hbm>> -> memref<4x8x1024xf32, #tpu.memory_space<hbm>>
      %dma_wait3A_382 = tpu.memref_slice %arg9[%dma_wait3A_372] : memref<2x!tpu.dma_semaphore, #tpu.memory_space<semaphore_mem>> -> memref<1x!tpu.dma_semaphore, #tpu.memory_space<semaphore_mem>>
      %dma_wait3A_383 = tpu.memref_squeeze %dma_wait3A_382 : memref<1x!tpu.dma_semaphore, #tpu.memory_space<semaphore_mem>> -> memref<!tpu.dma_semaphore, #tpu.memory_space<semaphore_mem>>
      %dma_wait3A_384 = arith.constant 0 : i32
      %dma_wait3A_385 = arith.constant 0 : i32
      %dma_wait3A_386 = arith.constant 0 : i32
      %dma_wait3A_387 = tpu.memref_slice %arg4[%dma_wait3A_384, %dma_wait3A_385, %dma_wait3A_386] : memref<4x8192x4096xf32, #tpu.memory_space<hbm>> -> memref<4x8x1024xf32, #tpu.memory_space<hbm>>
      %dma_wait3A_388 = arith.constant 0 : i32
      %dma_wait3A_389 = arith.constant 0 : i32
      %dma_wait3A_390 = arith.constant 0 : i32
      %dma_wait3A_391 = tpu.memref_slice %arg6[%dma_wait3A_371, %dma_wait3A_388, %dma_wait3A_389, %dma_wait3A_390] : memref<2x4x8x1024xf32, #tpu.memory_space<vmem>> -> memref<1x4x8x1024xf32, #tpu.memory_space<vmem>>
      %dma_wait3A_392 = tpu.memref_squeeze %dma_wait3A_391 : memref<1x4x8x1024xf32, #tpu.memory_space<vmem>> -> memref<4x8x1024xf32, #tpu.memory_space<vmem>>
      tpu.wait_dma2 semaphore(%dma_wait3A_383 : memref<!tpu.dma_semaphore, #tpu.memory_space<semaphore_mem>>) src(%dma_wait3A_392 : memref<4x8x1024xf32, #tpu.memory_space<vmem>>) dst(%dma_wait3A_387 : memref<4x8x1024xf32, #tpu.memory_space<hbm>>)
      %dma_start3A_393 = arith.constant 1 : i32
      %dma_start3A_394 = arith.constant 1 : i32
      %dma_start3A_395 = arith.constant 0 : i32
      %dma_start3A_396 = arith.constant 0 : i32
      %dma_start3A_397 = tpu.memref_slice %arg5[%dma_start3A_393, %dma_start3A_395, %dma_start3A_396] : memref<2x8x1024xf32, #tpu.memory_space<vmem>> -> memref<1x8x1024xf32, #tpu.memory_space<vmem>>
      %dma_start3A_398 = tpu.memref_squeeze %dma_start3A_397 : memref<1x8x1024xf32, #tpu.memory_space<vmem>> -> memref<8x1024xf32, #tpu.memory_space<vmem>>
      %dma_start3A_399 = arith.constant 3072 : i32
      %dma_start3A_400 = tpu.memref_slice %arg3[%add3A_91, %dma_start3A_399] : memref<8192x4096xf32, #tpu.memory_space<hbm>> -> memref<8x1024xf32, #tpu.memory_space<hbm>>
      %dma_start3A_401 = tpu.memref_slice %arg7[%dma_start3A_394] : memref<2x!tpu.dma_semaphore, #tpu.memory_space<semaphore_mem>> -> memref<1x!tpu.dma_semaphore, #tpu.memory_space<semaphore_mem>>
      %dma_start3A_402 = tpu.memref_squeeze %dma_start3A_401 : memref<1x!tpu.dma_semaphore, #tpu.memory_space<semaphore_mem>> -> memref<!tpu.dma_semaphore, #tpu.memory_space<semaphore_mem>>
      %dma_start3A_403 = arith.constant 0 : i32
      %dma_start3A_404 = arith.constant 0 : i32
      %dma_start3A_405 = tpu.memref_slice %arg5[%dma_start3A_393, %dma_start3A_403, %dma_start3A_404] : memref<2x8x1024xf32, #tpu.memory_space<vmem>> -> memref<1x8x1024xf32, #tpu.memory_space<vmem>>
      %dma_start3A_406 = tpu.memref_squeeze %dma_start3A_405 : memref<1x8x1024xf32, #tpu.memory_space<vmem>> -> memref<8x1024xf32, #tpu.memory_space<vmem>>
      %dma_start3A_407 = arith.constant 3072 : i32
      %dma_start3A_408 = tpu.memref_slice %arg3[%add3A_91, %dma_start3A_407] : memref<8192x4096xf32, #tpu.memory_space<hbm>> -> memref<8x1024xf32, #tpu.memory_space<hbm>>
      tpu.enqueue_dma source(%dma_start3A_408 : memref<8x1024xf32, #tpu.memory_space<hbm>>) target(%dma_start3A_406 : memref<8x1024xf32, #tpu.memory_space<vmem>>) target_semaphore(%dma_start3A_402 : memref<!tpu.dma_semaphore, #tpu.memory_space<semaphore_mem>>)
      %dma_start3A_409 = arith.constant 1 : i32
      %dma_start3A_410 = arith.constant 1 : i32
      %dma_start3A_411 = arith.constant 0 : i32
      %dma_start3A_412 = arith.constant 0 : i32
      %dma_start3A_413 = arith.constant 0 : i32
      %dma_start3A_414 = tpu.memref_slice %arg6[%dma_start3A_409, %dma_start3A_411, %dma_start3A_412, %dma_start3A_413] : memref<2x4x8x1024xf32, #tpu.memory_space<vmem>> -> memref<1x4x8x1024xf32, #tpu.memory_space<vmem>>
      %dma_start3A_415 = tpu.memref_squeeze %dma_start3A_414 : memref<1x4x8x1024xf32, #tpu.memory_space<vmem>> -> memref<4x8x1024xf32, #tpu.memory_space<vmem>>
      %dma_start3A_416 = arith.constant 0 : i32
      %dma_start3A_417 = arith.constant 3072 : i32
      %dma_start3A_418 = tpu.memref_slice %arg2[%dma_start3A_416, %add3A_91, %dma_start3A_417] : memref<4x8192x4096xf32, #tpu.memory_space<hbm>> -> memref<4x8x1024xf32, #tpu.memory_space<hbm>>
      %dma_start3A_419 = tpu.memref_slice %arg8[%dma_start3A_410] : memref<2x!tpu.dma_semaphore, #tpu.memory_space<semaphore_mem>> -> memref<1x!tpu.dma_semaphore, #tpu.memory_space<semaphore_mem>>
      %dma_start3A_420 = tpu.memref_squeeze %dma_start3A_419 : memref<1x!tpu.dma_semaphore, #tpu.memory_space<semaphore_mem>> -> memref<!tpu.dma_semaphore, #tpu.memory_space<semaphore_mem>>
      %dma_start3A_421 = arith.constant 0 : i32
      %dma_start3A_422 = arith.constant 0 : i32
      %dma_start3A_423 = arith.constant 0 : i32
      %dma_start3A_424 = tpu.memref_slice %arg6[%dma_start3A_409, %dma_start3A_421, %dma_start3A_422, %dma_start3A_423] : memref<2x4x8x1024xf32, #tpu.memory_space<vmem>> -> memref<1x4x8x1024xf32, #tpu.memory_space<vmem>>
      %dma_start3A_425 = tpu.memref_squeeze %dma_start3A_424 : memref<1x4x8x1024xf32, #tpu.memory_space<vmem>> -> memref<4x8x1024xf32, #tpu.memory_space<vmem>>
      %dma_start3A_426 = arith.constant 0 : i32
      %dma_start3A_427 = arith.constant 3072 : i32
      %dma_start3A_428 = tpu.memref_slice %arg2[%dma_start3A_426, %add3A_91, %dma_start3A_427] : memref<4x8192x4096xf32, #tpu.memory_space<hbm>> -> memref<4x8x1024xf32, #tpu.memory_space<hbm>>
      tpu.enqueue_dma source(%dma_start3A_428 : memref<4x8x1024xf32, #tpu.memory_space<hbm>>) target(%dma_start3A_425 : memref<4x8x1024xf32, #tpu.memory_space<vmem>>) target_semaphore(%dma_start3A_420 : memref<!tpu.dma_semaphore, #tpu.memory_space<semaphore_mem>>)
      %dma_wait3A_429 = arith.constant 0 : i32
      %dma_wait3A_430 = arith.constant 0 : i32
      %dma_wait3A_431 = arith.constant 0 : i32
      %dma_wait3A_432 = arith.constant 0 : i32
      %dma_wait3A_433 = tpu.memref_slice %arg5[%dma_wait3A_429, %dma_wait3A_431, %dma_wait3A_432] : memref<2x8x1024xf32, #tpu.memory_space<vmem>> -> memref<1x8x1024xf32, #tpu.memory_space<vmem>>
      %dma_wait3A_434 = tpu.memref_squeeze %dma_wait3A_433 : memref<1x8x1024xf32, #tpu.memory_space<vmem>> -> memref<8x1024xf32, #tpu.memory_space<vmem>>
      %dma_wait3A_435 = arith.constant 0 : i32
      %dma_wait3A_436 = arith.constant 0 : i32
      %dma_wait3A_437 = tpu.memref_slice %arg3[%dma_wait3A_435, %dma_wait3A_436] : memref<8192x4096xf32, #tpu.memory_space<hbm>> -> memref<8x1024xf32, #tpu.memory_space<hbm>>
      %dma_wait3A_438 = tpu.memref_slice %arg7[%dma_wait3A_430] : memref<2x!tpu.dma_semaphore, #tpu.memory_space<semaphore_mem>> -> memref<1x!tpu.dma_semaphore, #tpu.memory_space<semaphore_mem>>
      %dma_wait3A_439 = tpu.memref_squeeze %dma_wait3A_438 : memref<1x!tpu.dma_semaphore, #tpu.memory_space<semaphore_mem>> -> memref<!tpu.dma_semaphore, #tpu.memory_space<semaphore_mem>>
      %dma_wait3A_440 = arith.constant 0 : i32
      %dma_wait3A_441 = arith.constant 0 : i32
      %dma_wait3A_442 = tpu.memref_slice %arg5[%dma_wait3A_429, %dma_wait3A_440, %dma_wait3A_441] : memref<2x8x1024xf32, #tpu.memory_space<vmem>> -> memref<1x8x1024xf32, #tpu.memory_space<vmem>>
      %dma_wait3A_443 = tpu.memref_squeeze %dma_wait3A_442 : memref<1x8x1024xf32, #tpu.memory_space<vmem>> -> memref<8x1024xf32, #tpu.memory_space<vmem>>
      %dma_wait3A_444 = arith.constant 0 : i32
      %dma_wait3A_445 = arith.constant 0 : i32
      %dma_wait3A_446 = tpu.memref_slice %arg3[%dma_wait3A_444, %dma_wait3A_445] : memref<8192x4096xf32, #tpu.memory_space<hbm>> -> memref<8x1024xf32, #tpu.memory_space<hbm>>
      tpu.wait_dma2 semaphore(%dma_wait3A_439 : memref<!tpu.dma_semaphore, #tpu.memory_space<semaphore_mem>>) src(%dma_wait3A_446 : memref<8x1024xf32, #tpu.memory_space<hbm>>) dst(%dma_wait3A_443 : memref<8x1024xf32, #tpu.memory_space<vmem>>)
      %dma_wait3A_447 = arith.constant 0 : i32
      %dma_wait3A_448 = arith.constant 0 : i32
      %dma_wait3A_449 = arith.constant 0 : i32
      %dma_wait3A_450 = arith.constant 0 : i32
      %dma_wait3A_451 = arith.constant 0 : i32
      %dma_wait3A_452 = tpu.memref_slice %arg6[%dma_wait3A_447, %dma_wait3A_449, %dma_wait3A_450, %dma_wait3A_451] : memref<2x4x8x1024xf32, #tpu.memory_space<vmem>> -> memref<1x4x8x1024xf32, #tpu.memory_space<vmem>>
      %dma_wait3A_453 = tpu.memref_squeeze %dma_wait3A_452 : memref<1x4x8x1024xf32, #tpu.memory_space<vmem>> -> memref<4x8x1024xf32, #tpu.memory_space<vmem>>
      %dma_wait3A_454 = arith.constant 0 : i32
      %dma_wait3A_455 = arith.constant 0 : i32
      %dma_wait3A_456 = arith.constant 0 : i32
      %dma_wait3A_457 = tpu.memref_slice %arg2[%dma_wait3A_454, %dma_wait3A_455, %dma_wait3A_456] : memref<4x8192x4096xf32, #tpu.memory_space<hbm>> -> memref<4x8x1024xf32, #tpu.memory_space<hbm>>
      %dma_wait3A_458 = tpu.memref_slice %arg8[%dma_wait3A_448] : memref<2x!tpu.dma_semaphore, #tpu.memory_space<semaphore_mem>> -> memref<1x!tpu.dma_semaphore, #tpu.memory_space<semaphore_mem>>
      %dma_wait3A_459 = tpu.memref_squeeze %dma_wait3A_458 : memref<1x!tpu.dma_semaphore, #tpu.memory_space<semaphore_mem>> -> memref<!tpu.dma_semaphore, #tpu.memory_space<semaphore_mem>>
      %dma_wait3A_460 = arith.constant 0 : i32
      %dma_wait3A_461 = arith.constant 0 : i32
      %dma_wait3A_462 = arith.constant 0 : i32
      %dma_wait3A_463 = tpu.memref_slice %arg6[%dma_wait3A_447, %dma_wait3A_460, %dma_wait3A_461, %dma_wait3A_462] : memref<2x4x8x1024xf32, #tpu.memory_space<vmem>> -> memref<1x4x8x1024xf32, #tpu.memory_space<vmem>>
      %dma_wait3A_464 = tpu.memref_squeeze %dma_wait3A_463 : memref<1x4x8x1024xf32, #tpu.memory_space<vmem>> -> memref<4x8x1024xf32, #tpu.memory_space<vmem>>
      %dma_wait3A_465 = arith.constant 0 : i32
      %dma_wait3A_466 = arith.constant 0 : i32
      %dma_wait3A_467 = arith.constant 0 : i32
      %dma_wait3A_468 = tpu.memref_slice %arg2[%dma_wait3A_465, %dma_wait3A_466, %dma_wait3A_467] : memref<4x8192x4096xf32, #tpu.memory_space<hbm>> -> memref<4x8x1024xf32, #tpu.memory_space<hbm>>
      tpu.wait_dma2 semaphore(%dma_wait3A_459 : memref<!tpu.dma_semaphore, #tpu.memory_space<semaphore_mem>>) src(%dma_wait3A_468 : memref<4x8x1024xf32, #tpu.memory_space<hbm>>) dst(%dma_wait3A_464 : memref<4x8x1024xf32, #tpu.memory_space<vmem>>)
      %parallel_loop3A_469 = arith.constant 0 : i32
      %parallel_loop3A_470 = arith.constant 1024 : i32
      %parallel_loop3A_471 = arith.constant 16 : i32
      %parallel_loop3A_472 = arith.constant 0 : i32
      scf.for %parallel_loop3A_620 = %parallel_loop3A_469 to %parallel_loop3A_470 step %parallel_loop3A_471  : i32 {
        %parallel_loop3A_621 = arith.constant 0 : i32
        %parallel_loop3A_622 = arith.constant 0 : i32
        %parallel_loop3A_623 = arith.constant 0 : i32
        %parallel_loop3A_624 = tpu.memref_slice %arg5[%parallel_loop3A_472, %parallel_loop3A_622, %parallel_loop3A_623] : memref<2x8x1024xf32, #tpu.memory_space<vmem>> -> memref<1x8x1024xf32, #tpu.memory_space<vmem>>
        %parallel_loop3A_625 = tpu.memref_squeeze %parallel_loop3A_624 : memref<1x8x1024xf32, #tpu.memory_space<vmem>> -> memref<8x1024xf32, #tpu.memory_space<vmem>>
        %parallel_loop3A_626 = arith.index_cast %parallel_loop3A_621 : i32 to index
        %parallel_loop3A_627 = arith.index_cast %parallel_loop3A_620 : i32 to index
        %parallel_loop3A_628 = tpu.vector_load %parallel_loop3A_625[%parallel_loop3A_626, %parallel_loop3A_627] {strides = array<i32>} : memref<8x1024xf32, #tpu.memory_space<vmem>>, vector<1x16xf32>,
        %parallel_loop3A_629 = vector.shape_cast %parallel_loop3A_628 : vector<1x16xf32> to vector<16xf32>
        %parallel_loop3A_630 = arith.constant 0 : i32
        %parallel_loop3A_631 = arith.constant 0 : i32
        %parallel_loop3A_632 = arith.constant 0 : i32
        %parallel_loop3A_633 = arith.index_cast %parallel_loop3A_630 : i32 to index
        %parallel_loop3A_634 = arith.index_cast %parallel_loop3A_631 : i32 to index
        %parallel_loop3A_635 = arith.index_cast %parallel_loop3A_632 : i32 to index
        %parallel_loop3A_636 = arith.index_cast %parallel_loop3A_620 : i32 to index
        %parallel_loop3A_637 = tpu.vector_load %arg6[%parallel_loop3A_633, %parallel_loop3A_634, %parallel_loop3A_635, %parallel_loop3A_636] {strides = array<i32>} : memref<2x4x8x1024xf32, #tpu.memory_space<vmem>>, vector<1x1x1x16xf32>,
        %parallel_loop3A_638 = vector.shape_cast %parallel_loop3A_637 : vector<1x1x1x16xf32> to vector<16xf32>
        %parallel_loop3A_639 = vector.shape_cast %parallel_loop3A_629 : vector<16xf32> to vector<1x1x1x16xf32>
        tpu.vector_store %arg6[%parallel_loop3A_633, %parallel_loop3A_634, %parallel_loop3A_635, %parallel_loop3A_636], %parallel_loop3A_639 {add = true, strides = array<i32>} : memref<2x4x8x1024xf32, #tpu.memory_space<vmem>>, vector<1x1x1x16xf32>,
        %parallel_loop3A_640 = arith.constant 0 : i32
        %parallel_loop3A_641 = arith.constant 1 : i32
        %parallel_loop3A_642 = arith.constant 0 : i32
        %parallel_loop3A_643 = arith.index_cast %parallel_loop3A_640 : i32 to index
        %parallel_loop3A_644 = arith.index_cast %parallel_loop3A_641 : i32 to index
        %parallel_loop3A_645 = arith.index_cast %parallel_loop3A_642 : i32 to index
        %parallel_loop3A_646 = arith.index_cast %parallel_loop3A_620 : i32 to index
        %parallel_loop3A_647 = tpu.vector_load %arg6[%parallel_loop3A_643, %parallel_loop3A_644, %parallel_loop3A_645, %parallel_loop3A_646] {strides = array<i32>} : memref<2x4x8x1024xf32, #tpu.memory_space<vmem>>, vector<1x1x1x16xf32>,
        %parallel_loop3A_648 = vector.shape_cast %parallel_loop3A_647 : vector<1x1x1x16xf32> to vector<16xf32>
        %parallel_loop3A_649 = vector.shape_cast %parallel_loop3A_629 : vector<16xf32> to vector<1x1x1x16xf32>
        tpu.vector_store %arg6[%parallel_loop3A_643, %parallel_loop3A_644, %parallel_loop3A_645, %parallel_loop3A_646], %parallel_loop3A_649 {add = true, strides = array<i32>} : memref<2x4x8x1024xf32, #tpu.memory_space<vmem>>, vector<1x1x1x16xf32>,
        %parallel_loop3A_650 = arith.constant 0 : i32
        %parallel_loop3A_651 = arith.constant 2 : i32
        %parallel_loop3A_652 = arith.constant 0 : i32
        %parallel_loop3A_653 = arith.index_cast %parallel_loop3A_650 : i32 to index
        %parallel_loop3A_654 = arith.index_cast %parallel_loop3A_651 : i32 to index
        %parallel_loop3A_655 = arith.index_cast %parallel_loop3A_652 : i32 to index
        %parallel_loop3A_656 = arith.index_cast %parallel_loop3A_620 : i32 to index
        %parallel_loop3A_657 = tpu.vector_load %arg6[%parallel_loop3A_653, %parallel_loop3A_654, %parallel_loop3A_655, %parallel_loop3A_656] {strides = array<i32>} : memref<2x4x8x1024xf32, #tpu.memory_space<vmem>>, vector<1x1x1x16xf32>,
        %parallel_loop3A_658 = vector.shape_cast %parallel_loop3A_657 : vector<1x1x1x16xf32> to vector<16xf32>
        %parallel_loop3A_659 = vector.shape_cast %parallel_loop3A_629 : vector<16xf32> to vector<1x1x1x16xf32>
        tpu.vector_store %arg6[%parallel_loop3A_653, %parallel_loop3A_654, %parallel_loop3A_655, %parallel_loop3A_656], %parallel_loop3A_659 {add = true, strides = array<i32>} : memref<2x4x8x1024xf32, #tpu.memory_space<vmem>>, vector<1x1x1x16xf32>,
        %parallel_loop3A_660 = arith.constant 0 : i32
        %parallel_loop3A_661 = arith.constant 3 : i32
        %parallel_loop3A_662 = arith.constant 0 : i32
        %parallel_loop3A_663 = arith.index_cast %parallel_loop3A_660 : i32 to index
        %parallel_loop3A_664 = arith.index_cast %parallel_loop3A_661 : i32 to index
        %parallel_loop3A_665 = arith.index_cast %parallel_loop3A_662 : i32 to index
        %parallel_loop3A_666 = arith.index_cast %parallel_loop3A_620 : i32 to index
        %parallel_loop3A_667 = tpu.vector_load %arg6[%parallel_loop3A_663, %parallel_loop3A_664, %parallel_loop3A_665, %parallel_loop3A_666] {strides = array<i32>} : memref<2x4x8x1024xf32, #tpu.memory_space<vmem>>, vector<1x1x1x16xf32>,
        %parallel_loop3A_668 = vector.shape_cast %parallel_loop3A_667 : vector<1x1x1x16xf32> to vector<16xf32>
        %parallel_loop3A_669 = vector.shape_cast %parallel_loop3A_629 : vector<16xf32> to vector<1x1x1x16xf32>
        tpu.vector_store %arg6[%parallel_loop3A_663, %parallel_loop3A_664, %parallel_loop3A_665, %parallel_loop3A_666], %parallel_loop3A_669 {add = true, strides = array<i32>} : memref<2x4x8x1024xf32, #tpu.memory_space<vmem>>, vector<1x1x1x16xf32>,
      } {sc.loop_unroll_factor = 4 : i64, sc.parallel_access}
      %parallel_loop3A_473 = arith.constant 0 : i32
      %parallel_loop3A_474 = arith.constant 1024 : i32
      %parallel_loop3A_475 = arith.constant 16 : i32
      %parallel_loop3A_476 = arith.constant 0 : i32
      scf.for %parallel_loop3A_620 = %parallel_loop3A_473 to %parallel_loop3A_474 step %parallel_loop3A_475  : i32 {
        %parallel_loop3A_621 = arith.constant 1 : i32
        %parallel_loop3A_622 = arith.constant 0 : i32
        %parallel_loop3A_623 = arith.constant 0 : i32
        %parallel_loop3A_624 = tpu.memref_slice %arg5[%parallel_loop3A_476, %parallel_loop3A_622, %parallel_loop3A_623] : memref<2x8x1024xf32, #tpu.memory_space<vmem>> -> memref<1x8x1024xf32, #tpu.memory_space<vmem>>
        %parallel_loop3A_625 = tpu.memref_squeeze %parallel_loop3A_624 : memref<1x8x1024xf32, #tpu.memory_space<vmem>> -> memref<8x1024xf32, #tpu.memory_space<vmem>>
        %parallel_loop3A_626 = arith.index_cast %parallel_loop3A_621 : i32 to index
        %parallel_loop3A_627 = arith.index_cast %parallel_loop3A_620 : i32 to index
        %parallel_loop3A_628 = tpu.vector_load %parallel_loop3A_625[%parallel_loop3A_626, %parallel_loop3A_627] {strides = array<i32>} : memref<8x1024xf32, #tpu.memory_space<vmem>>, vector<1x16xf32>,
        %parallel_loop3A_629 = vector.shape_cast %parallel_loop3A_628 : vector<1x16xf32> to vector<16xf32>
        %parallel_loop3A_630 = arith.constant 0 : i32
        %parallel_loop3A_631 = arith.constant 0 : i32
        %parallel_loop3A_632 = arith.constant 1 : i32
        %parallel_loop3A_633 = arith.index_cast %parallel_loop3A_630 : i32 to index
        %parallel_loop3A_634 = arith.index_cast %parallel_loop3A_631 : i32 to index
        %parallel_loop3A_635 = arith.index_cast %parallel_loop3A_632 : i32 to index
        %parallel_loop3A_636 = arith.index_cast %parallel_loop3A_620 : i32 to index
        %parallel_loop3A_637 = tpu.vector_load %arg6[%parallel_loop3A_633, %parallel_loop3A_634, %parallel_loop3A_635, %parallel_loop3A_636] {strides = array<i32>} : memref<2x4x8x1024xf32, #tpu.memory_space<vmem>>, vector<1x1x1x16xf32>,
        %parallel_loop3A_638 = vector.shape_cast %parallel_loop3A_637 : vector<1x1x1x16xf32> to vector<16xf32>
        %parallel_loop3A_639 = vector.shape_cast %parallel_loop3A_629 : vector<16xf32> to vector<1x1x1x16xf32>
        tpu.vector_store %arg6[%parallel_loop3A_633, %parallel_loop3A_634, %parallel_loop3A_635, %parallel_loop3A_636], %parallel_loop3A_639 {add = true, strides = array<i32>} : memref<2x4x8x1024xf32, #tpu.memory_space<vmem>>, vector<1x1x1x16xf32>,
        %parallel_loop3A_640 = arith.constant 0 : i32
        %parallel_loop3A_641 = arith.constant 1 : i32
        %parallel_loop3A_642 = arith.constant 1 : i32
        %parallel_loop3A_643 = arith.index_cast %parallel_loop3A_640 : i32 to index
        %parallel_loop3A_644 = arith.index_cast %parallel_loop3A_641 : i32 to index
        %parallel_loop3A_645 = arith.index_cast %parallel_loop3A_642 : i32 to index
        %parallel_loop3A_646 = arith.index_cast %parallel_loop3A_620 : i32 to index
        %parallel_loop3A_647 = tpu.vector_load %arg6[%parallel_loop3A_643, %parallel_loop3A_644, %parallel_loop3A_645, %parallel_loop3A_646] {strides = array<i32>} : memref<2x4x8x1024xf32, #tpu.memory_space<vmem>>, vector<1x1x1x16xf32>,
        %parallel_loop3A_648 = vector.shape_cast %parallel_loop3A_647 : vector<1x1x1x16xf32> to vector<16xf32>
        %parallel_loop3A_649 = vector.shape_cast %parallel_loop3A_629 : vector<16xf32> to vector<1x1x1x16xf32>
        tpu.vector_store %arg6[%parallel_loop3A_643, %parallel_loop3A_644, %parallel_loop3A_645, %parallel_loop3A_646], %parallel_loop3A_649 {add = true, strides = array<i32>} : memref<2x4x8x1024xf32, #tpu.memory_space<vmem>>, vector<1x1x1x16xf32>,
        %parallel_loop3A_650 = arith.constant 0 : i32
        %parallel_loop3A_651 = arith.constant 2 : i32
        %parallel_loop3A_652 = arith.constant 1 : i32
        %parallel_loop3A_653 = arith.index_cast %parallel_loop3A_650 : i32 to index
        %parallel_loop3A_654 = arith.index_cast %parallel_loop3A_651 : i32 to index
        %parallel_loop3A_655 = arith.index_cast %parallel_loop3A_652 : i32 to index
        %parallel_loop3A_656 = arith.index_cast %parallel_loop3A_620 : i32 to index
        %parallel_loop3A_657 = tpu.vector_load %arg6[%parallel_loop3A_653, %parallel_loop3A_654, %parallel_loop3A_655, %parallel_loop3A_656] {strides = array<i32>} : memref<2x4x8x1024xf32, #tpu.memory_space<vmem>>, vector<1x1x1x16xf32>,
        %parallel_loop3A_658 = vector.shape_cast %parallel_loop3A_657 : vector<1x1x1x16xf32> to vector<16xf32>
        %parallel_loop3A_659 = vector.shape_cast %parallel_loop3A_629 : vector<16xf32> to vector<1x1x1x16xf32>
        tpu.vector_store %arg6[%parallel_loop3A_653, %parallel_loop3A_654, %parallel_loop3A_655, %parallel_loop3A_656], %parallel_loop3A_659 {add = true, strides = array<i32>} : memref<2x4x8x1024xf32, #tpu.memory_space<vmem>>, vector<1x1x1x16xf32>,
        %parallel_loop3A_660 = arith.constant 0 : i32
        %parallel_loop3A_661 = arith.constant 3 : i32
        %parallel_loop3A_662 = arith.constant 1 : i32
        %parallel_loop3A_663 = arith.index_cast %parallel_loop3A_660 : i32 to index
        %parallel_loop3A_664 = arith.index_cast %parallel_loop3A_661 : i32 to index
        %parallel_loop3A_665 = arith.index_cast %parallel_loop3A_662 : i32 to index
        %parallel_loop3A_666 = arith.index_cast %parallel_loop3A_620 : i32 to index
        %parallel_loop3A_667 = tpu.vector_load %arg6[%parallel_loop3A_663, %parallel_loop3A_664, %parallel_loop3A_665, %parallel_loop3A_666] {strides = array<i32>} : memref<2x4x8x1024xf32, #tpu.memory_space<vmem>>, vector<1x1x1x16xf32>,
        %parallel_loop3A_668 = vector.shape_cast %parallel_loop3A_667 : vector<1x1x1x16xf32> to vector<16xf32>
        %parallel_loop3A_669 = vector.shape_cast %parallel_loop3A_629 : vector<16xf32> to vector<1x1x1x16xf32>
        tpu.vector_store %arg6[%parallel_loop3A_663, %parallel_loop3A_664, %parallel_loop3A_665, %parallel_loop3A_666], %parallel_loop3A_669 {add = true, strides = array<i32>} : memref<2x4x8x1024xf32, #tpu.memory_space<vmem>>, vector<1x1x1x16xf32>,
      } {sc.loop_unroll_factor = 4 : i64, sc.parallel_access}
      %parallel_loop3A_477 = arith.constant 0 : i32
      %parallel_loop3A_478 = arith.constant 1024 : i32
      %parallel_loop3A_479 = arith.constant 16 : i32
      %parallel_loop3A_480 = arith.constant 0 : i32
      scf.for %parallel_loop3A_620 = %parallel_loop3A_477 to %parallel_loop3A_478 step %parallel_loop3A_479  : i32 {
        %parallel_loop3A_621 = arith.constant 2 : i32
        %parallel_loop3A_622 = arith.constant 0 : i32
        %parallel_loop3A_623 = arith.constant 0 : i32
        %parallel_loop3A_624 = tpu.memref_slice %arg5[%parallel_loop3A_480, %parallel_loop3A_622, %parallel_loop3A_623] : memref<2x8x1024xf32, #tpu.memory_space<vmem>> -> memref<1x8x1024xf32, #tpu.memory_space<vmem>>
        %parallel_loop3A_625 = tpu.memref_squeeze %parallel_loop3A_624 : memref<1x8x1024xf32, #tpu.memory_space<vmem>> -> memref<8x1024xf32, #tpu.memory_space<vmem>>
        %parallel_loop3A_626 = arith.index_cast %parallel_loop3A_621 : i32 to index
        %parallel_loop3A_627 = arith.index_cast %parallel_loop3A_620 : i32 to index
        %parallel_loop3A_628 = tpu.vector_load %parallel_loop3A_625[%parallel_loop3A_626, %parallel_loop3A_627] {strides = array<i32>} : memref<8x1024xf32, #tpu.memory_space<vmem>>, vector<1x16xf32>,
        %parallel_loop3A_629 = vector.shape_cast %parallel_loop3A_628 : vector<1x16xf32> to vector<16xf32>
        %parallel_loop3A_630 = arith.constant 0 : i32
        %parallel_loop3A_631 = arith.constant 0 : i32
        %parallel_loop3A_632 = arith.constant 2 : i32
        %parallel_loop3A_633 = arith.index_cast %parallel_loop3A_630 : i32 to index
        %parallel_loop3A_634 = arith.index_cast %parallel_loop3A_631 : i32 to index
        %parallel_loop3A_635 = arith.index_cast %parallel_loop3A_632 : i32 to index
        %parallel_loop3A_636 = arith.index_cast %parallel_loop3A_620 : i32 to index
        %parallel_loop3A_637 = tpu.vector_load %arg6[%parallel_loop3A_633, %parallel_loop3A_634, %parallel_loop3A_635, %parallel_loop3A_636] {strides = array<i32>} : memref<2x4x8x1024xf32, #tpu.memory_space<vmem>>, vector<1x1x1x16xf32>,
        %parallel_loop3A_638 = vector.shape_cast %parallel_loop3A_637 : vector<1x1x1x16xf32> to vector<16xf32>
        %parallel_loop3A_639 = vector.shape_cast %parallel_loop3A_629 : vector<16xf32> to vector<1x1x1x16xf32>
        tpu.vector_store %arg6[%parallel_loop3A_633, %parallel_loop3A_634, %parallel_loop3A_635, %parallel_loop3A_636], %parallel_loop3A_639 {add = true, strides = array<i32>} : memref<2x4x8x1024xf32, #tpu.memory_space<vmem>>, vector<1x1x1x16xf32>,
        %parallel_loop3A_640 = arith.constant 0 : i32
        %parallel_loop3A_641 = arith.constant 1 : i32
        %parallel_loop3A_642 = arith.constant 2 : i32
        %parallel_loop3A_643 = arith.index_cast %parallel_loop3A_640 : i32 to index
        %parallel_loop3A_644 = arith.index_cast %parallel_loop3A_641 : i32 to index
        %parallel_loop3A_645 = arith.index_cast %parallel_loop3A_642 : i32 to index
        %parallel_loop3A_646 = arith.index_cast %parallel_loop3A_620 : i32 to index
        %parallel_loop3A_647 = tpu.vector_load %arg6[%parallel_loop3A_643, %parallel_loop3A_644, %parallel_loop3A_645, %parallel_loop3A_646] {strides = array<i32>} : memref<2x4x8x1024xf32, #tpu.memory_space<vmem>>, vector<1x1x1x16xf32>,
        %parallel_loop3A_648 = vector.shape_cast %parallel_loop3A_647 : vector<1x1x1x16xf32> to vector<16xf32>
        %parallel_loop3A_649 = vector.shape_cast %parallel_loop3A_629 : vector<16xf32> to vector<1x1x1x16xf32>
        tpu.vector_store %arg6[%parallel_loop3A_643, %parallel_loop3A_644, %parallel_loop3A_645, %parallel_loop3A_646], %parallel_loop3A_649 {add = true, strides = array<i32>} : memref<2x4x8x1024xf32, #tpu.memory_space<vmem>>, vector<1x1x1x16xf32>,
        %parallel_loop3A_650 = arith.constant 0 : i32
        %parallel_loop3A_651 = arith.constant 2 : i32
        %parallel_loop3A_652 = arith.constant 2 : i32
        %parallel_loop3A_653 = arith.index_cast %parallel_loop3A_650 : i32 to index
        %parallel_loop3A_654 = arith.index_cast %parallel_loop3A_651 : i32 to index
        %parallel_loop3A_655 = arith.index_cast %parallel_loop3A_652 : i32 to index
        %parallel_loop3A_656 = arith.index_cast %parallel_loop3A_620 : i32 to index
        %parallel_loop3A_657 = tpu.vector_load %arg6[%parallel_loop3A_653, %parallel_loop3A_654, %parallel_loop3A_655, %parallel_loop3A_656] {strides = array<i32>} : memref<2x4x8x1024xf32, #tpu.memory_space<vmem>>, vector<1x1x1x16xf32>,
        %parallel_loop3A_658 = vector.shape_cast %parallel_loop3A_657 : vector<1x1x1x16xf32> to vector<16xf32>
        %parallel_loop3A_659 = vector.shape_cast %parallel_loop3A_629 : vector<16xf32> to vector<1x1x1x16xf32>
        tpu.vector_store %arg6[%parallel_loop3A_653, %parallel_loop3A_654, %parallel_loop3A_655, %parallel_loop3A_656], %parallel_loop3A_659 {add = true, strides = array<i32>} : memref<2x4x8x1024xf32, #tpu.memory_space<vmem>>, vector<1x1x1x16xf32>,
        %parallel_loop3A_660 = arith.constant 0 : i32
        %parallel_loop3A_661 = arith.constant 3 : i32
        %parallel_loop3A_662 = arith.constant 2 : i32
        %parallel_loop3A_663 = arith.index_cast %parallel_loop3A_660 : i32 to index
        %parallel_loop3A_664 = arith.index_cast %parallel_loop3A_661 : i32 to index
        %parallel_loop3A_665 = arith.index_cast %parallel_loop3A_662 : i32 to index
        %parallel_loop3A_666 = arith.index_cast %parallel_loop3A_620 : i32 to index
        %parallel_loop3A_667 = tpu.vector_load %arg6[%parallel_loop3A_663, %parallel_loop3A_664, %parallel_loop3A_665, %parallel_loop3A_666] {strides = array<i32>} : memref<2x4x8x1024xf32, #tpu.memory_space<vmem>>, vector<1x1x1x16xf32>,
        %parallel_loop3A_668 = vector.shape_cast %parallel_loop3A_667 : vector<1x1x1x16xf32> to vector<16xf32>
        %parallel_loop3A_669 = vector.shape_cast %parallel_loop3A_629 : vector<16xf32> to vector<1x1x1x16xf32>
        tpu.vector_store %arg6[%parallel_loop3A_663, %parallel_loop3A_664, %parallel_loop3A_665, %parallel_loop3A_666], %parallel_loop3A_669 {add = true, strides = array<i32>} : memref<2x4x8x1024xf32, #tpu.memory_space<vmem>>, vector<1x1x1x16xf32>,
      } {sc.loop_unroll_factor = 4 : i64, sc.parallel_access}
      %parallel_loop3A_481 = arith.constant 0 : i32
      %parallel_loop3A_482 = arith.constant 1024 : i32
      %parallel_loop3A_483 = arith.constant 16 : i32
      %parallel_loop3A_484 = arith.constant 0 : i32
      scf.for %parallel_loop3A_620 = %parallel_loop3A_481 to %parallel_loop3A_482 step %parallel_loop3A_483  : i32 {
        %parallel_loop3A_621 = arith.constant 3 : i32
        %parallel_loop3A_622 = arith.constant 0 : i32
        %parallel_loop3A_623 = arith.constant 0 : i32
        %parallel_loop3A_624 = tpu.memref_slice %arg5[%parallel_loop3A_484, %parallel_loop3A_622, %parallel_loop3A_623] : memref<2x8x1024xf32, #tpu.memory_space<vmem>> -> memref<1x8x1024xf32, #tpu.memory_space<vmem>>
        %parallel_loop3A_625 = tpu.memref_squeeze %parallel_loop3A_624 : memref<1x8x1024xf32, #tpu.memory_space<vmem>> -> memref<8x1024xf32, #tpu.memory_space<vmem>>
        %parallel_loop3A_626 = arith.index_cast %parallel_loop3A_621 : i32 to index
        %parallel_loop3A_627 = arith.index_cast %parallel_loop3A_620 : i32 to index
        %parallel_loop3A_628 = tpu.vector_load %parallel_loop3A_625[%parallel_loop3A_626, %parallel_loop3A_627] {strides = array<i32>} : memref<8x1024xf32, #tpu.memory_space<vmem>>, vector<1x16xf32>,
        %parallel_loop3A_629 = vector.shape_cast %parallel_loop3A_628 : vector<1x16xf32> to vector<16xf32>
        %parallel_loop3A_630 = arith.constant 0 : i32
        %parallel_loop3A_631 = arith.constant 0 : i32
        %parallel_loop3A_632 = arith.constant 3 : i32
        %parallel_loop3A_633 = arith.index_cast %parallel_loop3A_630 : i32 to index
        %parallel_loop3A_634 = arith.index_cast %parallel_loop3A_631 : i32 to index
        %parallel_loop3A_635 = arith.index_cast %parallel_loop3A_632 : i32 to index
        %parallel_loop3A_636 = arith.index_cast %parallel_loop3A_620 : i32 to index
        %parallel_loop3A_637 = tpu.vector_load %arg6[%parallel_loop3A_633, %parallel_loop3A_634, %parallel_loop3A_635, %parallel_loop3A_636] {strides = array<i32>} : memref<2x4x8x1024xf32, #tpu.memory_space<vmem>>, vector<1x1x1x16xf32>,
        %parallel_loop3A_638 = vector.shape_cast %parallel_loop3A_637 : vector<1x1x1x16xf32> to vector<16xf32>
        %parallel_loop3A_639 = vector.shape_cast %parallel_loop3A_629 : vector<16xf32> to vector<1x1x1x16xf32>
        tpu.vector_store %arg6[%parallel_loop3A_633, %parallel_loop3A_634, %parallel_loop3A_635, %parallel_loop3A_636], %parallel_loop3A_639 {add = true, strides = array<i32>} : memref<2x4x8x1024xf32, #tpu.memory_space<vmem>>, vector<1x1x1x16xf32>,
        %parallel_loop3A_640 = arith.constant 0 : i32
        %parallel_loop3A_641 = arith.constant 1 : i32
        %parallel_loop3A_642 = arith.constant 3 : i32
        %parallel_loop3A_643 = arith.index_cast %parallel_loop3A_640 : i32 to index
        %parallel_loop3A_644 = arith.index_cast %parallel_loop3A_641 : i32 to index
        %parallel_loop3A_645 = arith.index_cast %parallel_loop3A_642 : i32 to index
        %parallel_loop3A_646 = arith.index_cast %parallel_loop3A_620 : i32 to index
        %parallel_loop3A_647 = tpu.vector_load %arg6[%parallel_loop3A_643, %parallel_loop3A_644, %parallel_loop3A_645, %parallel_loop3A_646] {strides = array<i32>} : memref<2x4x8x1024xf32, #tpu.memory_space<vmem>>, vector<1x1x1x16xf32>,
        %parallel_loop3A_648 = vector.shape_cast %parallel_loop3A_647 : vector<1x1x1x16xf32> to vector<16xf32>
        %parallel_loop3A_649 = vector.shape_cast %parallel_loop3A_629 : vector<16xf32> to vector<1x1x1x16xf32>
        tpu.vector_store %arg6[%parallel_loop3A_643, %parallel_loop3A_644, %parallel_loop3A_645, %parallel_loop3A_646], %parallel_loop3A_649 {add = true, strides = array<i32>} : memref<2x4x8x1024xf32, #tpu.memory_space<vmem>>, vector<1x1x1x16xf32>,
        %parallel_loop3A_650 = arith.constant 0 : i32
        %parallel_loop3A_651 = arith.constant 2 : i32
        %parallel_loop3A_652 = arith.constant 3 : i32
        %parallel_loop3A_653 = arith.index_cast %parallel_loop3A_650 : i32 to index
        %parallel_loop3A_654 = arith.index_cast %parallel_loop3A_651 : i32 to index
        %parallel_loop3A_655 = arith.index_cast %parallel_loop3A_652 : i32 to index
        %parallel_loop3A_656 = arith.index_cast %parallel_loop3A_620 : i32 to index
        %parallel_loop3A_657 = tpu.vector_load %arg6[%parallel_loop3A_653, %parallel_loop3A_654, %parallel_loop3A_655, %parallel_loop3A_656] {strides = array<i32>} : memref<2x4x8x1024xf32, #tpu.memory_space<vmem>>, vector<1x1x1x16xf32>,
        %parallel_loop3A_658 = vector.shape_cast %parallel_loop3A_657 : vector<1x1x1x16xf32> to vector<16xf32>
        %parallel_loop3A_659 = vector.shape_cast %parallel_loop3A_629 : vector<16xf32> to vector<1x1x1x16xf32>
        tpu.vector_store %arg6[%parallel_loop3A_653, %parallel_loop3A_654, %parallel_loop3A_655, %parallel_loop3A_656], %parallel_loop3A_659 {add = true, strides = array<i32>} : memref<2x4x8x1024xf32, #tpu.memory_space<vmem>>, vector<1x1x1x16xf32>,
        %parallel_loop3A_660 = arith.constant 0 : i32
        %parallel_loop3A_661 = arith.constant 3 : i32
        %parallel_loop3A_662 = arith.constant 3 : i32
        %parallel_loop3A_663 = arith.index_cast %parallel_loop3A_660 : i32 to index
        %parallel_loop3A_664 = arith.index_cast %parallel_loop3A_661 : i32 to index
        %parallel_loop3A_665 = arith.index_cast %parallel_loop3A_662 : i32 to index
        %parallel_loop3A_666 = arith.index_cast %parallel_loop3A_620 : i32 to index
        %parallel_loop3A_667 = tpu.vector_load %arg6[%parallel_loop3A_663, %parallel_loop3A_664, %parallel_loop3A_665, %parallel_loop3A_666] {strides = array<i32>} : memref<2x4x8x1024xf32, #tpu.memory_space<vmem>>, vector<1x1x1x16xf32>,
        %parallel_loop3A_668 = vector.shape_cast %parallel_loop3A_667 : vector<1x1x1x16xf32> to vector<16xf32>
        %parallel_loop3A_669 = vector.shape_cast %parallel_loop3A_629 : vector<16xf32> to vector<1x1x1x16xf32>
        tpu.vector_store %arg6[%parallel_loop3A_663, %parallel_loop3A_664, %parallel_loop3A_665, %parallel_loop3A_666], %parallel_loop3A_669 {add = true, strides = array<i32>} : memref<2x4x8x1024xf32, #tpu.memory_space<vmem>>, vector<1x1x1x16xf32>,
      } {sc.loop_unroll_factor = 4 : i64, sc.parallel_access}
      %parallel_loop3A_485 = arith.constant 0 : i32
      %parallel_loop3A_486 = arith.constant 1024 : i32
      %parallel_loop3A_487 = arith.constant 16 : i32
      %parallel_loop3A_488 = arith.constant 0 : i32
      scf.for %parallel_loop3A_620 = %parallel_loop3A_485 to %parallel_loop3A_486 step %parallel_loop3A_487  : i32 {
        %parallel_loop3A_621 = arith.constant 4 : i32
        %parallel_loop3A_622 = arith.constant 0 : i32
        %parallel_loop3A_623 = arith.constant 0 : i32
        %parallel_loop3A_624 = tpu.memref_slice %arg5[%parallel_loop3A_488, %parallel_loop3A_622, %parallel_loop3A_623] : memref<2x8x1024xf32, #tpu.memory_space<vmem>> -> memref<1x8x1024xf32, #tpu.memory_space<vmem>>
        %parallel_loop3A_625 = tpu.memref_squeeze %parallel_loop3A_624 : memref<1x8x1024xf32, #tpu.memory_space<vmem>> -> memref<8x1024xf32, #tpu.memory_space<vmem>>
        %parallel_loop3A_626 = arith.index_cast %parallel_loop3A_621 : i32 to index
        %parallel_loop3A_627 = arith.index_cast %parallel_loop3A_620 : i32 to index
        %parallel_loop3A_628 = tpu.vector_load %parallel_loop3A_625[%parallel_loop3A_626, %parallel_loop3A_627] {strides = array<i32>} : memref<8x1024xf32, #tpu.memory_space<vmem>>, vector<1x16xf32>,
        %parallel_loop3A_629 = vector.shape_cast %parallel_loop3A_628 : vector<1x16xf32> to vector<16xf32>
        %parallel_loop3A_630 = arith.constant 0 : i32
        %parallel_loop3A_631 = arith.constant 0 : i32
        %parallel_loop3A_632 = arith.constant 4 : i32
        %parallel_loop3A_633 = arith.index_cast %parallel_loop3A_630 : i32 to index
        %parallel_loop3A_634 = arith.index_cast %parallel_loop3A_631 : i32 to index
        %parallel_loop3A_635 = arith.index_cast %parallel_loop3A_632 : i32 to index
        %parallel_loop3A_636 = arith.index_cast %parallel_loop3A_620 : i32 to index
        %parallel_loop3A_637 = tpu.vector_load %arg6[%parallel_loop3A_633, %parallel_loop3A_634, %parallel_loop3A_635, %parallel_loop3A_636] {strides = array<i32>} : memref<2x4x8x1024xf32, #tpu.memory_space<vmem>>, vector<1x1x1x16xf32>,
        %parallel_loop3A_638 = vector.shape_cast %parallel_loop3A_637 : vector<1x1x1x16xf32> to vector<16xf32>
        %parallel_loop3A_639 = vector.shape_cast %parallel_loop3A_629 : vector<16xf32> to vector<1x1x1x16xf32>
        tpu.vector_store %arg6[%parallel_loop3A_633, %parallel_loop3A_634, %parallel_loop3A_635, %parallel_loop3A_636], %parallel_loop3A_639 {add = true, strides = array<i32>} : memref<2x4x8x1024xf32, #tpu.memory_space<vmem>>, vector<1x1x1x16xf32>,
        %parallel_loop3A_640 = arith.constant 0 : i32
        %parallel_loop3A_641 = arith.constant 1 : i32
        %parallel_loop3A_642 = arith.constant 4 : i32
        %parallel_loop3A_643 = arith.index_cast %parallel_loop3A_640 : i32 to index
        %parallel_loop3A_644 = arith.index_cast %parallel_loop3A_641 : i32 to index
        %parallel_loop3A_645 = arith.index_cast %parallel_loop3A_642 : i32 to index
        %parallel_loop3A_646 = arith.index_cast %parallel_loop3A_620 : i32 to index
        %parallel_loop3A_647 = tpu.vector_load %arg6[%parallel_loop3A_643, %parallel_loop3A_644, %parallel_loop3A_645, %parallel_loop3A_646] {strides = array<i32>} : memref<2x4x8x1024xf32, #tpu.memory_space<vmem>>, vector<1x1x1x16xf32>,
        %parallel_loop3A_648 = vector.shape_cast %parallel_loop3A_647 : vector<1x1x1x16xf32> to vector<16xf32>
        %parallel_loop3A_649 = vector.shape_cast %parallel_loop3A_629 : vector<16xf32> to vector<1x1x1x16xf32>
        tpu.vector_store %arg6[%parallel_loop3A_643, %parallel_loop3A_644, %parallel_loop3A_645, %parallel_loop3A_646], %parallel_loop3A_649 {add = true, strides = array<i32>} : memref<2x4x8x1024xf32, #tpu.memory_space<vmem>>, vector<1x1x1x16xf32>,
        %parallel_loop3A_650 = arith.constant 0 : i32
        %parallel_loop3A_651 = arith.constant 2 : i32
        %parallel_loop3A_652 = arith.constant 4 : i32
        %parallel_loop3A_653 = arith.index_cast %parallel_loop3A_650 : i32 to index
        %parallel_loop3A_654 = arith.index_cast %parallel_loop3A_651 : i32 to index
        %parallel_loop3A_655 = arith.index_cast %parallel_loop3A_652 : i32 to index
        %parallel_loop3A_656 = arith.index_cast %parallel_loop3A_620 : i32 to index
        %parallel_loop3A_657 = tpu.vector_load %arg6[%parallel_loop3A_653, %parallel_loop3A_654, %parallel_loop3A_655, %parallel_loop3A_656] {strides = array<i32>} : memref<2x4x8x1024xf32, #tpu.memory_space<vmem>>, vector<1x1x1x16xf32>,
        %parallel_loop3A_658 = vector.shape_cast %parallel_loop3A_657 : vector<1x1x1x16xf32> to vector<16xf32>
        %parallel_loop3A_659 = vector.shape_cast %parallel_loop3A_629 : vector<16xf32> to vector<1x1x1x16xf32>
        tpu.vector_store %arg6[%parallel_loop3A_653, %parallel_loop3A_654, %parallel_loop3A_655, %parallel_loop3A_656], %parallel_loop3A_659 {add = true, strides = array<i32>} : memref<2x4x8x1024xf32, #tpu.memory_space<vmem>>, vector<1x1x1x16xf32>,
        %parallel_loop3A_660 = arith.constant 0 : i32
        %parallel_loop3A_661 = arith.constant 3 : i32
        %parallel_loop3A_662 = arith.constant 4 : i32
        %parallel_loop3A_663 = arith.index_cast %parallel_loop3A_660 : i32 to index
        %parallel_loop3A_664 = arith.index_cast %parallel_loop3A_661 : i32 to index
        %parallel_loop3A_665 = arith.index_cast %parallel_loop3A_662 : i32 to index
        %parallel_loop3A_666 = arith.index_cast %parallel_loop3A_620 : i32 to index
        %parallel_loop3A_667 = tpu.vector_load %arg6[%parallel_loop3A_663, %parallel_loop3A_664, %parallel_loop3A_665, %parallel_loop3A_666] {strides = array<i32>} : memref<2x4x8x1024xf32, #tpu.memory_space<vmem>>, vector<1x1x1x16xf32>,
        %parallel_loop3A_668 = vector.shape_cast %parallel_loop3A_667 : vector<1x1x1x16xf32> to vector<16xf32>
        %parallel_loop3A_669 = vector.shape_cast %parallel_loop3A_629 : vector<16xf32> to vector<1x1x1x16xf32>
        tpu.vector_store %arg6[%parallel_loop3A_663, %parallel_loop3A_664, %parallel_loop3A_665, %parallel_loop3A_666], %parallel_loop3A_669 {add = true, strides = array<i32>} : memref<2x4x8x1024xf32, #tpu.memory_space<vmem>>, vector<1x1x1x16xf32>,
      } {sc.loop_unroll_factor = 4 : i64, sc.parallel_access}
      %parallel_loop3A_489 = arith.constant 0 : i32
      %parallel_loop3A_490 = arith.constant 1024 : i32
      %parallel_loop3A_491 = arith.constant 16 : i32
      %parallel_loop3A_492 = arith.constant 0 : i32
      scf.for %parallel_loop3A_620 = %parallel_loop3A_489 to %parallel_loop3A_490 step %parallel_loop3A_491  : i32 {
        %parallel_loop3A_621 = arith.constant 5 : i32
        %parallel_loop3A_622 = arith.constant 0 : i32
        %parallel_loop3A_623 = arith.constant 0 : i32
        %parallel_loop3A_624 = tpu.memref_slice %arg5[%parallel_loop3A_492, %parallel_loop3A_622, %parallel_loop3A_623] : memref<2x8x1024xf32, #tpu.memory_space<vmem>> -> memref<1x8x1024xf32, #tpu.memory_space<vmem>>
        %parallel_loop3A_625 = tpu.memref_squeeze %parallel_loop3A_624 : memref<1x8x1024xf32, #tpu.memory_space<vmem>> -> memref<8x1024xf32, #tpu.memory_space<vmem>>
        %parallel_loop3A_626 = arith.index_cast %parallel_loop3A_621 : i32 to index
        %parallel_loop3A_627 = arith.index_cast %parallel_loop3A_620 : i32 to index
        %parallel_loop3A_628 = tpu.vector_load %parallel_loop3A_625[%parallel_loop3A_626, %parallel_loop3A_627] {strides = array<i32>} : memref<8x1024xf32, #tpu.memory_space<vmem>>, vector<1x16xf32>,
        %parallel_loop3A_629 = vector.shape_cast %parallel_loop3A_628 : vector<1x16xf32> to vector<16xf32>
        %parallel_loop3A_630 = arith.constant 0 : i32
        %parallel_loop3A_631 = arith.constant 0 : i32
        %parallel_loop3A_632 = arith.constant 5 : i32
        %parallel_loop3A_633 = arith.index_cast %parallel_loop3A_630 : i32 to index
        %parallel_loop3A_634 = arith.index_cast %parallel_loop3A_631 : i32 to index
        %parallel_loop3A_635 = arith.index_cast %parallel_loop3A_632 : i32 to index
        %parallel_loop3A_636 = arith.index_cast %parallel_loop3A_620 : i32 to index
        %parallel_loop3A_637 = tpu.vector_load %arg6[%parallel_loop3A_633, %parallel_loop3A_634, %parallel_loop3A_635, %parallel_loop3A_636] {strides = array<i32>} : memref<2x4x8x1024xf32, #tpu.memory_space<vmem>>, vector<1x1x1x16xf32>,
        %parallel_loop3A_638 = vector.shape_cast %parallel_loop3A_637 : vector<1x1x1x16xf32> to vector<16xf32>
        %parallel_loop3A_639 = vector.shape_cast %parallel_loop3A_629 : vector<16xf32> to vector<1x1x1x16xf32>
        tpu.vector_store %arg6[%parallel_loop3A_633, %parallel_loop3A_634, %parallel_loop3A_635, %parallel_loop3A_636], %parallel_loop3A_639 {add = true, strides = array<i32>} : memref<2x4x8x1024xf32, #tpu.memory_space<vmem>>, vector<1x1x1x16xf32>,
        %parallel_loop3A_640 = arith.constant 0 : i32
        %parallel_loop3A_641 = arith.constant 1 : i32
        %parallel_loop3A_642 = arith.constant 5 : i32
        %parallel_loop3A_643 = arith.index_cast %parallel_loop3A_640 : i32 to index
        %parallel_loop3A_644 = arith.index_cast %parallel_loop3A_641 : i32 to index
        %parallel_loop3A_645 = arith.index_cast %parallel_loop3A_642 : i32 to index
        %parallel_loop3A_646 = arith.index_cast %parallel_loop3A_620 : i32 to index
        %parallel_loop3A_647 = tpu.vector_load %arg6[%parallel_loop3A_643, %parallel_loop3A_644, %parallel_loop3A_645, %parallel_loop3A_646] {strides = array<i32>} : memref<2x4x8x1024xf32, #tpu.memory_space<vmem>>, vector<1x1x1x16xf32>,
        %parallel_loop3A_648 = vector.shape_cast %parallel_loop3A_647 : vector<1x1x1x16xf32> to vector<16xf32>
        %parallel_loop3A_649 = vector.shape_cast %parallel_loop3A_629 : vector<16xf32> to vector<1x1x1x16xf32>
        tpu.vector_store %arg6[%parallel_loop3A_643, %parallel_loop3A_644, %parallel_loop3A_645, %parallel_loop3A_646], %parallel_loop3A_649 {add = true, strides = array<i32>} : memref<2x4x8x1024xf32, #tpu.memory_space<vmem>>, vector<1x1x1x16xf32>,
        %parallel_loop3A_650 = arith.constant 0 : i32
        %parallel_loop3A_651 = arith.constant 2 : i32
        %parallel_loop3A_652 = arith.constant 5 : i32
        %parallel_loop3A_653 = arith.index_cast %parallel_loop3A_650 : i32 to index
        %parallel_loop3A_654 = arith.index_cast %parallel_loop3A_651 : i32 to index
        %parallel_loop3A_655 = arith.index_cast %parallel_loop3A_652 : i32 to index
        %parallel_loop3A_656 = arith.index_cast %parallel_loop3A_620 : i32 to index
        %parallel_loop3A_657 = tpu.vector_load %arg6[%parallel_loop3A_653, %parallel_loop3A_654, %parallel_loop3A_655, %parallel_loop3A_656] {strides = array<i32>} : memref<2x4x8x1024xf32, #tpu.memory_space<vmem>>, vector<1x1x1x16xf32>,
        %parallel_loop3A_658 = vector.shape_cast %parallel_loop3A_657 : vector<1x1x1x16xf32> to vector<16xf32>
        %parallel_loop3A_659 = vector.shape_cast %parallel_loop3A_629 : vector<16xf32> to vector<1x1x1x16xf32>
        tpu.vector_store %arg6[%parallel_loop3A_653, %parallel_loop3A_654, %parallel_loop3A_655, %parallel_loop3A_656], %parallel_loop3A_659 {add = true, strides = array<i32>} : memref<2x4x8x1024xf32, #tpu.memory_space<vmem>>, vector<1x1x1x16xf32>,
        %parallel_loop3A_660 = arith.constant 0 : i32
        %parallel_loop3A_661 = arith.constant 3 : i32
        %parallel_loop3A_662 = arith.constant 5 : i32
        %parallel_loop3A_663 = arith.index_cast %parallel_loop3A_660 : i32 to index
        %parallel_loop3A_664 = arith.index_cast %parallel_loop3A_661 : i32 to index
        %parallel_loop3A_665 = arith.index_cast %parallel_loop3A_662 : i32 to index
        %parallel_loop3A_666 = arith.index_cast %parallel_loop3A_620 : i32 to index
        %parallel_loop3A_667 = tpu.vector_load %arg6[%parallel_loop3A_663, %parallel_loop3A_664, %parallel_loop3A_665, %parallel_loop3A_666] {strides = array<i32>} : memref<2x4x8x1024xf32, #tpu.memory_space<vmem>>, vector<1x1x1x16xf32>,
        %parallel_loop3A_668 = vector.shape_cast %parallel_loop3A_667 : vector<1x1x1x16xf32> to vector<16xf32>
        %parallel_loop3A_669 = vector.shape_cast %parallel_loop3A_629 : vector<16xf32> to vector<1x1x1x16xf32>
        tpu.vector_store %arg6[%parallel_loop3A_663, %parallel_loop3A_664, %parallel_loop3A_665, %parallel_loop3A_666], %parallel_loop3A_669 {add = true, strides = array<i32>} : memref<2x4x8x1024xf32, #tpu.memory_space<vmem>>, vector<1x1x1x16xf32>,
      } {sc.loop_unroll_factor = 4 : i64, sc.parallel_access}
      %parallel_loop3A_493 = arith.constant 0 : i32
      %parallel_loop3A_494 = arith.constant 1024 : i32
      %parallel_loop3A_495 = arith.constant 16 : i32
      %parallel_loop3A_496 = arith.constant 0 : i32
      scf.for %parallel_loop3A_620 = %parallel_loop3A_493 to %parallel_loop3A_494 step %parallel_loop3A_495  : i32 {
        %parallel_loop3A_621 = arith.constant 6 : i32
        %parallel_loop3A_622 = arith.constant 0 : i32
        %parallel_loop3A_623 = arith.constant 0 : i32
        %parallel_loop3A_624 = tpu.memref_slice %arg5[%parallel_loop3A_496, %parallel_loop3A_622, %parallel_loop3A_623] : memref<2x8x1024xf32, #tpu.memory_space<vmem>> -> memref<1x8x1024xf32, #tpu.memory_space<vmem>>
        %parallel_loop3A_625 = tpu.memref_squeeze %parallel_loop3A_624 : memref<1x8x1024xf32, #tpu.memory_space<vmem>> -> memref<8x1024xf32, #tpu.memory_space<vmem>>
        %parallel_loop3A_626 = arith.index_cast %parallel_loop3A_621 : i32 to index
        %parallel_loop3A_627 = arith.index_cast %parallel_loop3A_620 : i32 to index
        %parallel_loop3A_628 = tpu.vector_load %parallel_loop3A_625[%parallel_loop3A_626, %parallel_loop3A_627] {strides = array<i32>} : memref<8x1024xf32, #tpu.memory_space<vmem>>, vector<1x16xf32>,
        %parallel_loop3A_629 = vector.shape_cast %parallel_loop3A_628 : vector<1x16xf32> to vector<16xf32>
        %parallel_loop3A_630 = arith.constant 0 : i32
        %parallel_loop3A_631 = arith.constant 0 : i32
        %parallel_loop3A_632 = arith.constant 6 : i32
        %parallel_loop3A_633 = arith.index_cast %parallel_loop3A_630 : i32 to index
        %parallel_loop3A_634 = arith.index_cast %parallel_loop3A_631 : i32 to index
        %parallel_loop3A_635 = arith.index_cast %parallel_loop3A_632 : i32 to index
        %parallel_loop3A_636 = arith.index_cast %parallel_loop3A_620 : i32 to index
        %parallel_loop3A_637 = tpu.vector_load %arg6[%parallel_loop3A_633, %parallel_loop3A_634, %parallel_loop3A_635, %parallel_loop3A_636] {strides = array<i32>} : memref<2x4x8x1024xf32, #tpu.memory_space<vmem>>, vector<1x1x1x16xf32>,
        %parallel_loop3A_638 = vector.shape_cast %parallel_loop3A_637 : vector<1x1x1x16xf32> to vector<16xf32>
        %parallel_loop3A_639 = vector.shape_cast %parallel_loop3A_629 : vector<16xf32> to vector<1x1x1x16xf32>
        tpu.vector_store %arg6[%parallel_loop3A_633, %parallel_loop3A_634, %parallel_loop3A_635, %parallel_loop3A_636], %parallel_loop3A_639 {add = true, strides = array<i32>} : memref<2x4x8x1024xf32, #tpu.memory_space<vmem>>, vector<1x1x1x16xf32>,
        %parallel_loop3A_640 = arith.constant 0 : i32
        %parallel_loop3A_641 = arith.constant 1 : i32
        %parallel_loop3A_642 = arith.constant 6 : i32
        %parallel_loop3A_643 = arith.index_cast %parallel_loop3A_640 : i32 to index
        %parallel_loop3A_644 = arith.index_cast %parallel_loop3A_641 : i32 to index
        %parallel_loop3A_645 = arith.index_cast %parallel_loop3A_642 : i32 to index
        %parallel_loop3A_646 = arith.index_cast %parallel_loop3A_620 : i32 to index
        %parallel_loop3A_647 = tpu.vector_load %arg6[%parallel_loop3A_643, %parallel_loop3A_644, %parallel_loop3A_645, %parallel_loop3A_646] {strides = array<i32>} : memref<2x4x8x1024xf32, #tpu.memory_space<vmem>>, vector<1x1x1x16xf32>,
        %parallel_loop3A_648 = vector.shape_cast %parallel_loop3A_647 : vector<1x1x1x16xf32> to vector<16xf32>
        %parallel_loop3A_649 = vector.shape_cast %parallel_loop3A_629 : vector<16xf32> to vector<1x1x1x16xf32>
        tpu.vector_store %arg6[%parallel_loop3A_643, %parallel_loop3A_644, %parallel_loop3A_645, %parallel_loop3A_646], %parallel_loop3A_649 {add = true, strides = array<i32>} : memref<2x4x8x1024xf32, #tpu.memory_space<vmem>>, vector<1x1x1x16xf32>,
        %parallel_loop3A_650 = arith.constant 0 : i32
        %parallel_loop3A_651 = arith.constant 2 : i32
        %parallel_loop3A_652 = arith.constant 6 : i32
        %parallel_loop3A_653 = arith.index_cast %parallel_loop3A_650 : i32 to index
        %parallel_loop3A_654 = arith.index_cast %parallel_loop3A_651 : i32 to index
        %parallel_loop3A_655 = arith.index_cast %parallel_loop3A_652 : i32 to index
        %parallel_loop3A_656 = arith.index_cast %parallel_loop3A_620 : i32 to index
        %parallel_loop3A_657 = tpu.vector_load %arg6[%parallel_loop3A_653, %parallel_loop3A_654, %parallel_loop3A_655, %parallel_loop3A_656] {strides = array<i32>} : memref<2x4x8x1024xf32, #tpu.memory_space<vmem>>, vector<1x1x1x16xf32>,
        %parallel_loop3A_658 = vector.shape_cast %parallel_loop3A_657 : vector<1x1x1x16xf32> to vector<16xf32>
        %parallel_loop3A_659 = vector.shape_cast %parallel_loop3A_629 : vector<16xf32> to vector<1x1x1x16xf32>
        tpu.vector_store %arg6[%parallel_loop3A_653, %parallel_loop3A_654, %parallel_loop3A_655, %parallel_loop3A_656], %parallel_loop3A_659 {add = true, strides = array<i32>} : memref<2x4x8x1024xf32, #tpu.memory_space<vmem>>, vector<1x1x1x16xf32>,
        %parallel_loop3A_660 = arith.constant 0 : i32
        %parallel_loop3A_661 = arith.constant 3 : i32
        %parallel_loop3A_662 = arith.constant 6 : i32
        %parallel_loop3A_663 = arith.index_cast %parallel_loop3A_660 : i32 to index
        %parallel_loop3A_664 = arith.index_cast %parallel_loop3A_661 : i32 to index
        %parallel_loop3A_665 = arith.index_cast %parallel_loop3A_662 : i32 to index
        %parallel_loop3A_666 = arith.index_cast %parallel_loop3A_620 : i32 to index
        %parallel_loop3A_667 = tpu.vector_load %arg6[%parallel_loop3A_663, %parallel_loop3A_664, %parallel_loop3A_665, %parallel_loop3A_666] {strides = array<i32>} : memref<2x4x8x1024xf32, #tpu.memory_space<vmem>>, vector<1x1x1x16xf32>,
        %parallel_loop3A_668 = vector.shape_cast %parallel_loop3A_667 : vector<1x1x1x16xf32> to vector<16xf32>
        %parallel_loop3A_669 = vector.shape_cast %parallel_loop3A_629 : vector<16xf32> to vector<1x1x1x16xf32>
        tpu.vector_store %arg6[%parallel_loop3A_663, %parallel_loop3A_664, %parallel_loop3A_665, %parallel_loop3A_666], %parallel_loop3A_669 {add = true, strides = array<i32>} : memref<2x4x8x1024xf32, #tpu.memory_space<vmem>>, vector<1x1x1x16xf32>,
      } {sc.loop_unroll_factor = 4 : i64, sc.parallel_access}
      %parallel_loop3A_497 = arith.constant 0 : i32
      %parallel_loop3A_498 = arith.constant 1024 : i32
      %parallel_loop3A_499 = arith.constant 16 : i32
      %parallel_loop3A_500 = arith.constant 0 : i32
      scf.for %parallel_loop3A_620 = %parallel_loop3A_497 to %parallel_loop3A_498 step %parallel_loop3A_499  : i32 {
        %parallel_loop3A_621 = arith.constant 7 : i32
        %parallel_loop3A_622 = arith.constant 0 : i32
        %parallel_loop3A_623 = arith.constant 0 : i32
        %parallel_loop3A_624 = tpu.memref_slice %arg5[%parallel_loop3A_500, %parallel_loop3A_622, %parallel_loop3A_623] : memref<2x8x1024xf32, #tpu.memory_space<vmem>> -> memref<1x8x1024xf32, #tpu.memory_space<vmem>>
        %parallel_loop3A_625 = tpu.memref_squeeze %parallel_loop3A_624 : memref<1x8x1024xf32, #tpu.memory_space<vmem>> -> memref<8x1024xf32, #tpu.memory_space<vmem>>
        %parallel_loop3A_626 = arith.index_cast %parallel_loop3A_621 : i32 to index
        %parallel_loop3A_627 = arith.index_cast %parallel_loop3A_620 : i32 to index
        %parallel_loop3A_628 = tpu.vector_load %parallel_loop3A_625[%parallel_loop3A_626, %parallel_loop3A_627] {strides = array<i32>} : memref<8x1024xf32, #tpu.memory_space<vmem>>, vector<1x16xf32>,
        %parallel_loop3A_629 = vector.shape_cast %parallel_loop3A_628 : vector<1x16xf32> to vector<16xf32>
        %parallel_loop3A_630 = arith.constant 0 : i32
        %parallel_loop3A_631 = arith.constant 0 : i32
        %parallel_loop3A_632 = arith.constant 7 : i32
        %parallel_loop3A_633 = arith.index_cast %parallel_loop3A_630 : i32 to index
        %parallel_loop3A_634 = arith.index_cast %parallel_loop3A_631 : i32 to index
        %parallel_loop3A_635 = arith.index_cast %parallel_loop3A_632 : i32 to index
        %parallel_loop3A_636 = arith.index_cast %parallel_loop3A_620 : i32 to index
        %parallel_loop3A_637 = tpu.vector_load %arg6[%parallel_loop3A_633, %parallel_loop3A_634, %parallel_loop3A_635, %parallel_loop3A_636] {strides = array<i32>} : memref<2x4x8x1024xf32, #tpu.memory_space<vmem>>, vector<1x1x1x16xf32>,
        %parallel_loop3A_638 = vector.shape_cast %parallel_loop3A_637 : vector<1x1x1x16xf32> to vector<16xf32>
        %parallel_loop3A_639 = vector.shape_cast %parallel_loop3A_629 : vector<16xf32> to vector<1x1x1x16xf32>
        tpu.vector_store %arg6[%parallel_loop3A_633, %parallel_loop3A_634, %parallel_loop3A_635, %parallel_loop3A_636], %parallel_loop3A_639 {add = true, strides = array<i32>} : memref<2x4x8x1024xf32, #tpu.memory_space<vmem>>, vector<1x1x1x16xf32>,
        %parallel_loop3A_640 = arith.constant 0 : i32
        %parallel_loop3A_641 = arith.constant 1 : i32
        %parallel_loop3A_642 = arith.constant 7 : i32
        %parallel_loop3A_643 = arith.index_cast %parallel_loop3A_640 : i32 to index
        %parallel_loop3A_644 = arith.index_cast %parallel_loop3A_641 : i32 to index
        %parallel_loop3A_645 = arith.index_cast %parallel_loop3A_642 : i32 to index
        %parallel_loop3A_646 = arith.index_cast %parallel_loop3A_620 : i32 to index
        %parallel_loop3A_647 = tpu.vector_load %arg6[%parallel_loop3A_643, %parallel_loop3A_644, %parallel_loop3A_645, %parallel_loop3A_646] {strides = array<i32>} : memref<2x4x8x1024xf32, #tpu.memory_space<vmem>>, vector<1x1x1x16xf32>,
        %parallel_loop3A_648 = vector.shape_cast %parallel_loop3A_647 : vector<1x1x1x16xf32> to vector<16xf32>
        %parallel_loop3A_649 = vector.shape_cast %parallel_loop3A_629 : vector<16xf32> to vector<1x1x1x16xf32>
        tpu.vector_store %arg6[%parallel_loop3A_643, %parallel_loop3A_644, %parallel_loop3A_645, %parallel_loop3A_646], %parallel_loop3A_649 {add = true, strides = array<i32>} : memref<2x4x8x1024xf32, #tpu.memory_space<vmem>>, vector<1x1x1x16xf32>,
        %parallel_loop3A_650 = arith.constant 0 : i32
        %parallel_loop3A_651 = arith.constant 2 : i32
        %parallel_loop3A_652 = arith.constant 7 : i32
        %parallel_loop3A_653 = arith.index_cast %parallel_loop3A_650 : i32 to index
        %parallel_loop3A_654 = arith.index_cast %parallel_loop3A_651 : i32 to index
        %parallel_loop3A_655 = arith.index_cast %parallel_loop3A_652 : i32 to index
        %parallel_loop3A_656 = arith.index_cast %parallel_loop3A_620 : i32 to index
        %parallel_loop3A_657 = tpu.vector_load %arg6[%parallel_loop3A_653, %parallel_loop3A_654, %parallel_loop3A_655, %parallel_loop3A_656] {strides = array<i32>} : memref<2x4x8x1024xf32, #tpu.memory_space<vmem>>, vector<1x1x1x16xf32>,
        %parallel_loop3A_658 = vector.shape_cast %parallel_loop3A_657 : vector<1x1x1x16xf32> to vector<16xf32>
        %parallel_loop3A_659 = vector.shape_cast %parallel_loop3A_629 : vector<16xf32> to vector<1x1x1x16xf32>
        tpu.vector_store %arg6[%parallel_loop3A_653, %parallel_loop3A_654, %parallel_loop3A_655, %parallel_loop3A_656], %parallel_loop3A_659 {add = true, strides = array<i32>} : memref<2x4x8x1024xf32, #tpu.memory_space<vmem>>, vector<1x1x1x16xf32>,
        %parallel_loop3A_660 = arith.constant 0 : i32
        %parallel_loop3A_661 = arith.constant 3 : i32
        %parallel_loop3A_662 = arith.constant 7 : i32
        %parallel_loop3A_663 = arith.index_cast %parallel_loop3A_660 : i32 to index
        %parallel_loop3A_664 = arith.index_cast %parallel_loop3A_661 : i32 to index
        %parallel_loop3A_665 = arith.index_cast %parallel_loop3A_662 : i32 to index
        %parallel_loop3A_666 = arith.index_cast %parallel_loop3A_620 : i32 to index
        %parallel_loop3A_667 = tpu.vector_load %arg6[%parallel_loop3A_663, %parallel_loop3A_664, %parallel_loop3A_665, %parallel_loop3A_666] {strides = array<i32>} : memref<2x4x8x1024xf32, #tpu.memory_space<vmem>>, vector<1x1x1x16xf32>,
        %parallel_loop3A_668 = vector.shape_cast %parallel_loop3A_667 : vector<1x1x1x16xf32> to vector<16xf32>
        %parallel_loop3A_669 = vector.shape_cast %parallel_loop3A_629 : vector<16xf32> to vector<1x1x1x16xf32>
        tpu.vector_store %arg6[%parallel_loop3A_663, %parallel_loop3A_664, %parallel_loop3A_665, %parallel_loop3A_666], %parallel_loop3A_669 {add = true, strides = array<i32>} : memref<2x4x8x1024xf32, #tpu.memory_space<vmem>>, vector<1x1x1x16xf32>,
      } {sc.loop_unroll_factor = 4 : i64, sc.parallel_access}
      %dma_start3A_501 = arith.constant 0 : i32
      %dma_start3A_502 = arith.constant 0 : i32
      %dma_start3A_503 = arith.constant 0 : i32
      %dma_start3A_504 = arith.constant 0 : i32
      %dma_start3A_505 = arith.constant 0 : i32
      %dma_start3A_506 = tpu.memref_slice %arg6[%dma_start3A_501, %dma_start3A_503, %dma_start3A_504, %dma_start3A_505] : memref<2x4x8x1024xf32, #tpu.memory_space<vmem>> -> memref<1x4x8x1024xf32, #tpu.memory_space<vmem>>
      %dma_start3A_507 = tpu.memref_squeeze %dma_start3A_506 : memref<1x4x8x1024xf32, #tpu.memory_space<vmem>> -> memref<4x8x1024xf32, #tpu.memory_space<vmem>>
      %dma_start3A_508 = arith.constant 0 : i32
      %dma_start3A_509 = arith.constant 2048 : i32
      %dma_start3A_510 = tpu.memref_slice %arg4[%dma_start3A_508, %add3A_91, %dma_start3A_509] : memref<4x8192x4096xf32, #tpu.memory_space<hbm>> -> memref<4x8x1024xf32, #tpu.memory_space<hbm>>
      %dma_start3A_511 = tpu.memref_slice %arg9[%dma_start3A_502] : memref<2x!tpu.dma_semaphore, #tpu.memory_space<semaphore_mem>> -> memref<1x!tpu.dma_semaphore, #tpu.memory_space<semaphore_mem>>
      %dma_start3A_512 = tpu.memref_squeeze %dma_start3A_511 : memref<1x!tpu.dma_semaphore, #tpu.memory_space<semaphore_mem>> -> memref<!tpu.dma_semaphore, #tpu.memory_space<semaphore_mem>>
      %dma_start3A_513 = arith.constant 0 : i32
      %dma_start3A_514 = arith.constant 2048 : i32
      %dma_start3A_515 = tpu.memref_slice %arg4[%dma_start3A_513, %add3A_91, %dma_start3A_514] : memref<4x8192x4096xf32, #tpu.memory_space<hbm>> -> memref<4x8x1024xf32, #tpu.memory_space<hbm>>
      %dma_start3A_516 = arith.constant 0 : i32
      %dma_start3A_517 = arith.constant 0 : i32
      %dma_start3A_518 = arith.constant 0 : i32
      %dma_start3A_519 = tpu.memref_slice %arg6[%dma_start3A_501, %dma_start3A_516, %dma_start3A_517, %dma_start3A_518] : memref<2x4x8x1024xf32, #tpu.memory_space<vmem>> -> memref<1x4x8x1024xf32, #tpu.memory_space<vmem>>
      %dma_start3A_520 = tpu.memref_squeeze %dma_start3A_519 : memref<1x4x8x1024xf32, #tpu.memory_space<vmem>> -> memref<4x8x1024xf32, #tpu.memory_space<vmem>>
      tpu.enqueue_dma source(%dma_start3A_520 : memref<4x8x1024xf32, #tpu.memory_space<vmem>>) target(%dma_start3A_515 : memref<4x8x1024xf32, #tpu.memory_space<hbm>>) target_semaphore(%dma_start3A_512 : memref<!tpu.dma_semaphore, #tpu.memory_space<semaphore_mem>>)
      %add3A_521 = arith.constant 1 : i32
      %add3A_522 = arith.addi %scan3A_87, %add3A_521 : i32
      %lt3A = arith.constant 32 : i32
      %lt3A_523 = arith.cmpi slt, %add3A_522, %lt3A : i32
      %convert_element_type3A_524 = arith.extui %lt3A_523 : i1 to i32
      %cond3A_525 = arith.constant 0 : i32
      %cond3A_526 = arith.cmpi ne, %convert_element_type3A_524, %cond3A_525 : i32
      scf.if %cond3A_526 {
        %dma_wait3A_620 = arith.constant 0 : i32
        %dma_wait3A_621 = arith.constant 0 : i32
        %dma_wait3A_622 = arith.constant 0 : i32
        %dma_wait3A_623 = arith.constant 0 : i32
        %dma_wait3A_624 = arith.constant 0 : i32
        %dma_wait3A_625 = tpu.memref_slice %arg6[%dma_wait3A_620, %dma_wait3A_622, %dma_wait3A_623, %dma_wait3A_624] : memref<2x4x8x1024xf32, #tpu.memory_space<vmem>> -> memref<1x4x8x1024xf32, #tpu.memory_space<vmem>>
        %dma_wait3A_626 = tpu.memref_squeeze %dma_wait3A_625 : memref<1x4x8x1024xf32, #tpu.memory_space<vmem>> -> memref<4x8x1024xf32, #tpu.memory_space<vmem>>
        %dma_wait3A_627 = arith.constant 0 : i32
        %dma_wait3A_628 = arith.constant 0 : i32
        %dma_wait3A_629 = arith.constant 0 : i32
        %dma_wait3A_630 = tpu.memref_slice %arg4[%dma_wait3A_627, %dma_wait3A_628, %dma_wait3A_629] : memref<4x8192x4096xf32, #tpu.memory_space<hbm>> -> memref<4x8x1024xf32, #tpu.memory_space<hbm>>
        %dma_wait3A_631 = tpu.memref_slice %arg9[%dma_wait3A_621] : memref<2x!tpu.dma_semaphore, #tpu.memory_space<semaphore_mem>> -> memref<1x!tpu.dma_semaphore, #tpu.memory_space<semaphore_mem>>
        %dma_wait3A_632 = tpu.memref_squeeze %dma_wait3A_631 : memref<1x!tpu.dma_semaphore, #tpu.memory_space<semaphore_mem>> -> memref<!tpu.dma_semaphore, #tpu.memory_space<semaphore_mem>>
        %dma_wait3A_633 = arith.constant 0 : i32
        %dma_wait3A_634 = arith.constant 0 : i32
        %dma_wait3A_635 = arith.constant 0 : i32
        %dma_wait3A_636 = tpu.memref_slice %arg4[%dma_wait3A_633, %dma_wait3A_634, %dma_wait3A_635] : memref<4x8192x4096xf32, #tpu.memory_space<hbm>> -> memref<4x8x1024xf32, #tpu.memory_space<hbm>>
        %dma_wait3A_637 = arith.constant 0 : i32
        %dma_wait3A_638 = arith.constant 0 : i32
        %dma_wait3A_639 = arith.constant 0 : i32
        %dma_wait3A_640 = tpu.memref_slice %arg6[%dma_wait3A_620, %dma_wait3A_637, %dma_wait3A_638, %dma_wait3A_639] : memref<2x4x8x1024xf32, #tpu.memory_space<vmem>> -> memref<1x4x8x1024xf32, #tpu.memory_space<vmem>>
        %dma_wait3A_641 = tpu.memref_squeeze %dma_wait3A_640 : memref<1x4x8x1024xf32, #tpu.memory_space<vmem>> -> memref<4x8x1024xf32, #tpu.memory_space<vmem>>
        tpu.wait_dma2 semaphore(%dma_wait3A_632 : memref<!tpu.dma_semaphore, #tpu.memory_space<semaphore_mem>>) src(%dma_wait3A_641 : memref<4x8x1024xf32, #tpu.memory_space<vmem>>) dst(%dma_wait3A_636 : memref<4x8x1024xf32, #tpu.memory_space<hbm>>)
        %add3A_642 = arith.constant 8 : i32
        %add3A_643 = arith.addi %add3A_91, %add3A_642 : i32
        %dma_start3A_644 = arith.constant 0 : i32
        %dma_start3A_645 = arith.constant 0 : i32
        %dma_start3A_646 = arith.constant 0 : i32
        %dma_start3A_647 = arith.constant 0 : i32
        %dma_start3A_648 = tpu.memref_slice %arg5[%dma_start3A_644, %dma_start3A_646, %dma_start3A_647] : memref<2x8x1024xf32, #tpu.memory_space<vmem>> -> memref<1x8x1024xf32, #tpu.memory_space<vmem>>
        %dma_start3A_649 = tpu.memref_squeeze %dma_start3A_648 : memref<1x8x1024xf32, #tpu.memory_space<vmem>> -> memref<8x1024xf32, #tpu.memory_space<vmem>>
        %dma_start3A_650 = arith.constant 0 : i32
        %dma_start3A_651 = tpu.memref_slice %arg3[%add3A_643, %dma_start3A_650] : memref<8192x4096xf32, #tpu.memory_space<hbm>> -> memref<8x1024xf32, #tpu.memory_space<hbm>>
        %dma_start3A_652 = tpu.memref_slice %arg7[%dma_start3A_645] : memref<2x!tpu.dma_semaphore, #tpu.memory_space<semaphore_mem>> -> memref<1x!tpu.dma_semaphore, #tpu.memory_space<semaphore_mem>>
        %dma_start3A_653 = tpu.memref_squeeze %dma_start3A_652 : memref<1x!tpu.dma_semaphore, #tpu.memory_space<semaphore_mem>> -> memref<!tpu.dma_semaphore, #tpu.memory_space<semaphore_mem>>
        %dma_start3A_654 = arith.constant 0 : i32
        %dma_start3A_655 = arith.constant 0 : i32
        %dma_start3A_656 = tpu.memref_slice %arg5[%dma_start3A_644, %dma_start3A_654, %dma_start3A_655] : memref<2x8x1024xf32, #tpu.memory_space<vmem>> -> memref<1x8x1024xf32, #tpu.memory_space<vmem>>
        %dma_start3A_657 = tpu.memref_squeeze %dma_start3A_656 : memref<1x8x1024xf32, #tpu.memory_space<vmem>> -> memref<8x1024xf32, #tpu.memory_space<vmem>>
        %dma_start3A_658 = arith.constant 0 : i32
        %dma_start3A_659 = tpu.memref_slice %arg3[%add3A_643, %dma_start3A_658] : memref<8192x4096xf32, #tpu.memory_space<hbm>> -> memref<8x1024xf32, #tpu.memory_space<hbm>>
        tpu.enqueue_dma source(%dma_start3A_659 : memref<8x1024xf32, #tpu.memory_space<hbm>>) target(%dma_start3A_657 : memref<8x1024xf32, #tpu.memory_space<vmem>>) target_semaphore(%dma_start3A_653 : memref<!tpu.dma_semaphore, #tpu.memory_space<semaphore_mem>>)
        %dma_start3A_660 = arith.constant 0 : i32
        %dma_start3A_661 = arith.constant 0 : i32
        %dma_start3A_662 = arith.constant 0 : i32
        %dma_start3A_663 = arith.constant 0 : i32
        %dma_start3A_664 = arith.constant 0 : i32
        %dma_start3A_665 = tpu.memref_slice %arg6[%dma_start3A_660, %dma_start3A_662, %dma_start3A_663, %dma_start3A_664] : memref<2x4x8x1024xf32, #tpu.memory_space<vmem>> -> memref<1x4x8x1024xf32, #tpu.memory_space<vmem>>
        %dma_start3A_666 = tpu.memref_squeeze %dma_start3A_665 : memref<1x4x8x1024xf32, #tpu.memory_space<vmem>> -> memref<4x8x1024xf32, #tpu.memory_space<vmem>>
        %dma_start3A_667 = arith.constant 0 : i32
        %dma_start3A_668 = arith.constant 0 : i32
        %dma_start3A_669 = tpu.memref_slice %arg2[%dma_start3A_667, %add3A_643, %dma_start3A_668] : memref<4x8192x4096xf32, #tpu.memory_space<hbm>> -> memref<4x8x1024xf32, #tpu.memory_space<hbm>>
        %dma_start3A_670 = tpu.memref_slice %arg8[%dma_start3A_661] : memref<2x!tpu.dma_semaphore, #tpu.memory_space<semaphore_mem>> -> memref<1x!tpu.dma_semaphore, #tpu.memory_space<semaphore_mem>>
        %dma_start3A_671 = tpu.memref_squeeze %dma_start3A_670 : memref<1x!tpu.dma_semaphore, #tpu.memory_space<semaphore_mem>> -> memref<!tpu.dma_semaphore, #tpu.memory_space<semaphore_mem>>
        %dma_start3A_672 = arith.constant 0 : i32
        %dma_start3A_673 = arith.constant 0 : i32
        %dma_start3A_674 = arith.constant 0 : i32
        %dma_start3A_675 = tpu.memref_slice %arg6[%dma_start3A_660, %dma_start3A_672, %dma_start3A_673, %dma_start3A_674] : memref<2x4x8x1024xf32, #tpu.memory_space<vmem>> -> memref<1x4x8x1024xf32, #tpu.memory_space<vmem>>
        %dma_start3A_676 = tpu.memref_squeeze %dma_start3A_675 : memref<1x4x8x1024xf32, #tpu.memory_space<vmem>> -> memref<4x8x1024xf32, #tpu.memory_space<vmem>>
        %dma_start3A_677 = arith.constant 0 : i32
        %dma_start3A_678 = arith.constant 0 : i32
        %dma_start3A_679 = tpu.memref_slice %arg2[%dma_start3A_677, %add3A_643, %dma_start3A_678] : memref<4x8192x4096xf32, #tpu.memory_space<hbm>> -> memref<4x8x1024xf32, #tpu.memory_space<hbm>>
        tpu.enqueue_dma source(%dma_start3A_679 : memref<4x8x1024xf32, #tpu.memory_space<hbm>>) target(%dma_start3A_676 : memref<4x8x1024xf32, #tpu.memory_space<vmem>>) target_semaphore(%dma_start3A_671 : memref<!tpu.dma_semaphore, #tpu.memory_space<semaphore_mem>>)
      } else {
      }
      %dma_wait3A_527 = arith.constant 1 : i32
      %dma_wait3A_528 = arith.constant 1 : i32
      %dma_wait3A_529 = arith.constant 0 : i32
      %dma_wait3A_530 = arith.constant 0 : i32
      %dma_wait3A_531 = tpu.memref_slice %arg5[%dma_wait3A_527, %dma_wait3A_529, %dma_wait3A_530] : memref<2x8x1024xf32, #tpu.memory_space<vmem>> -> memref<1x8x1024xf32, #tpu.memory_space<vmem>>
      %dma_wait3A_532 = tpu.memref_squeeze %dma_wait3A_531 : memref<1x8x1024xf32, #tpu.memory_space<vmem>> -> memref<8x1024xf32, #tpu.memory_space<vmem>>
      %dma_wait3A_533 = arith.constant 0 : i32
      %dma_wait3A_534 = arith.constant 0 : i32
      %dma_wait3A_535 = tpu.memref_slice %arg3[%dma_wait3A_533, %dma_wait3A_534] : memref<8192x4096xf32, #tpu.memory_space<hbm>> -> memref<8x1024xf32, #tpu.memory_space<hbm>>
      %dma_wait3A_536 = tpu.memref_slice %arg7[%dma_wait3A_528] : memref<2x!tpu.dma_semaphore, #tpu.memory_space<semaphore_mem>> -> memref<1x!tpu.dma_semaphore, #tpu.memory_space<semaphore_mem>>
      %dma_wait3A_537 = tpu.memref_squeeze %dma_wait3A_536 : memref<1x!tpu.dma_semaphore, #tpu.memory_space<semaphore_mem>> -> memref<!tpu.dma_semaphore, #tpu.memory_space<semaphore_mem>>
      %dma_wait3A_538 = arith.constant 0 : i32
      %dma_wait3A_539 = arith.constant 0 : i32
      %dma_wait3A_540 = tpu.memref_slice %arg5[%dma_wait3A_527, %dma_wait3A_538, %dma_wait3A_539] : memref<2x8x1024xf32, #tpu.memory_space<vmem>> -> memref<1x8x1024xf32, #tpu.memory_space<vmem>>
      %dma_wait3A_541 = tpu.memref_squeeze %dma_wait3A_540 : memref<1x8x1024xf32, #tpu.memory_space<vmem>> -> memref<8x1024xf32, #tpu.memory_space<vmem>>
      %dma_wait3A_542 = arith.constant 0 : i32
      %dma_wait3A_543 = arith.constant 0 : i32
      %dma_wait3A_544 = tpu.memref_slice %arg3[%dma_wait3A_542, %dma_wait3A_543] : memref<8192x4096xf32, #tpu.memory_space<hbm>> -> memref<8x1024xf32, #tpu.memory_space<hbm>>
      tpu.wait_dma2 semaphore(%dma_wait3A_537 : memref<!tpu.dma_semaphore, #tpu.memory_space<semaphore_mem>>) src(%dma_wait3A_544 : memref<8x1024xf32, #tpu.memory_space<hbm>>) dst(%dma_wait3A_541 : memref<8x1024xf32, #tpu.memory_space<vmem>>)
      %dma_wait3A_545 = arith.constant 1 : i32
      %dma_wait3A_546 = arith.constant 1 : i32
      %dma_wait3A_547 = arith.constant 0 : i32
      %dma_wait3A_548 = arith.constant 0 : i32
      %dma_wait3A_549 = arith.constant 0 : i32
      %dma_wait3A_550 = tpu.memref_slice %arg6[%dma_wait3A_545, %dma_wait3A_547, %dma_wait3A_548, %dma_wait3A_549] : memref<2x4x8x1024xf32, #tpu.memory_space<vmem>> -> memref<1x4x8x1024xf32, #tpu.memory_space<vmem>>
      %dma_wait3A_551 = tpu.memref_squeeze %dma_wait3A_550 : memref<1x4x8x1024xf32, #tpu.memory_space<vmem>> -> memref<4x8x1024xf32, #tpu.memory_space<vmem>>
      %dma_wait3A_552 = arith.constant 0 : i32
      %dma_wait3A_553 = arith.constant 0 : i32
      %dma_wait3A_554 = arith.constant 0 : i32
      %dma_wait3A_555 = tpu.memref_slice %arg2[%dma_wait3A_552, %dma_wait3A_553, %dma_wait3A_554] : memref<4x8192x4096xf32, #tpu.memory_space<hbm>> -> memref<4x8x1024xf32, #tpu.memory_space<hbm>>
      %dma_wait3A_556 = tpu.memref_slice %arg8[%dma_wait3A_546] : memref<2x!tpu.dma_semaphore, #tpu.memory_space<semaphore_mem>> -> memref<1x!tpu.dma_semaphore, #tpu.memory_space<semaphore_mem>>
      %dma_wait3A_557 = tpu.memref_squeeze %dma_wait3A_556 : memref<1x!tpu.dma_semaphore, #tpu.memory_space<semaphore_mem>> -> memref<!tpu.dma_semaphore, #tpu.memory_space<semaphore_mem>>
      %dma_wait3A_558 = arith.constant 0 : i32
      %dma_wait3A_559 = arith.constant 0 : i32
      %dma_wait3A_560 = arith.constant 0 : i32
      %dma_wait3A_561 = tpu.memref_slice %arg6[%dma_wait3A_545, %dma_wait3A_558, %dma_wait3A_559, %dma_wait3A_560] : memref<2x4x8x1024xf32, #tpu.memory_space<vmem>> -> memref<1x4x8x1024xf32, #tpu.memory_space<vmem>>
      %dma_wait3A_562 = tpu.memref_squeeze %dma_wait3A_561 : memref<1x4x8x1024xf32, #tpu.memory_space<vmem>> -> memref<4x8x1024xf32, #tpu.memory_space<vmem>>
      %dma_wait3A_563 = arith.constant 0 : i32
      %dma_wait3A_564 = arith.constant 0 : i32
      %dma_wait3A_565 = arith.constant 0 : i32
      %dma_wait3A_566 = tpu.memref_slice %arg2[%dma_wait3A_563, %dma_wait3A_564, %dma_wait3A_565] : memref<4x8192x4096xf32, #tpu.memory_space<hbm>> -> memref<4x8x1024xf32, #tpu.memory_space<hbm>>
      tpu.wait_dma2 semaphore(%dma_wait3A_557 : memref<!tpu.dma_semaphore, #tpu.memory_space<semaphore_mem>>) src(%dma_wait3A_566 : memref<4x8x1024xf32, #tpu.memory_space<hbm>>) dst(%dma_wait3A_562 : memref<4x8x1024xf32, #tpu.memory_space<vmem>>)
      %parallel_loop3A_567 = arith.constant 0 : i32
      %parallel_loop3A_568 = arith.constant 1024 : i32
      %parallel_loop3A_569 = arith.constant 16 : i32
      %parallel_loop3A_570 = arith.constant 1 : i32
      scf.for %parallel_loop3A_620 = %parallel_loop3A_567 to %parallel_loop3A_568 step %parallel_loop3A_569  : i32 {
        %parallel_loop3A_621 = arith.constant 0 : i32
        %parallel_loop3A_622 = arith.constant 0 : i32
        %parallel_loop3A_623 = arith.constant 0 : i32
        %parallel_loop3A_624 = tpu.memref_slice %arg5[%parallel_loop3A_570, %parallel_loop3A_622, %parallel_loop3A_623] : memref<2x8x1024xf32, #tpu.memory_space<vmem>> -> memref<1x8x1024xf32, #tpu.memory_space<vmem>>
        %parallel_loop3A_625 = tpu.memref_squeeze %parallel_loop3A_624 : memref<1x8x1024xf32, #tpu.memory_space<vmem>> -> memref<8x1024xf32, #tpu.memory_space<vmem>>
        %parallel_loop3A_626 = arith.index_cast %parallel_loop3A_621 : i32 to index
        %parallel_loop3A_627 = arith.index_cast %parallel_loop3A_620 : i32 to index
        %parallel_loop3A_628 = tpu.vector_load %parallel_loop3A_625[%parallel_loop3A_626, %parallel_loop3A_627] {strides = array<i32>} : memref<8x1024xf32, #tpu.memory_space<vmem>>, vector<1x16xf32>,
        %parallel_loop3A_629 = vector.shape_cast %parallel_loop3A_628 : vector<1x16xf32> to vector<16xf32>
        %parallel_loop3A_630 = arith.constant 1 : i32
        %parallel_loop3A_631 = arith.constant 0 : i32
        %parallel_loop3A_632 = arith.constant 0 : i32
        %parallel_loop3A_633 = arith.index_cast %parallel_loop3A_630 : i32 to index
        %parallel_loop3A_634 = arith.index_cast %parallel_loop3A_631 : i32 to index
        %parallel_loop3A_635 = arith.index_cast %parallel_loop3A_632 : i32 to index
        %parallel_loop3A_636 = arith.index_cast %parallel_loop3A_620 : i32 to index
        %parallel_loop3A_637 = tpu.vector_load %arg6[%parallel_loop3A_633, %parallel_loop3A_634, %parallel_loop3A_635, %parallel_loop3A_636] {strides = array<i32>} : memref<2x4x8x1024xf32, #tpu.memory_space<vmem>>, vector<1x1x1x16xf32>,
        %parallel_loop3A_638 = vector.shape_cast %parallel_loop3A_637 : vector<1x1x1x16xf32> to vector<16xf32>
        %parallel_loop3A_639 = vector.shape_cast %parallel_loop3A_629 : vector<16xf32> to vector<1x1x1x16xf32>
        tpu.vector_store %arg6[%parallel_loop3A_633, %parallel_loop3A_634, %parallel_loop3A_635, %parallel_loop3A_636], %parallel_loop3A_639 {add = true, strides = array<i32>} : memref<2x4x8x1024xf32, #tpu.memory_space<vmem>>, vector<1x1x1x16xf32>,
        %parallel_loop3A_640 = arith.constant 1 : i32
        %parallel_loop3A_641 = arith.constant 1 : i32
        %parallel_loop3A_642 = arith.constant 0 : i32
        %parallel_loop3A_643 = arith.index_cast %parallel_loop3A_640 : i32 to index
        %parallel_loop3A_644 = arith.index_cast %parallel_loop3A_641 : i32 to index
        %parallel_loop3A_645 = arith.index_cast %parallel_loop3A_642 : i32 to index
        %parallel_loop3A_646 = arith.index_cast %parallel_loop3A_620 : i32 to index
        %parallel_loop3A_647 = tpu.vector_load %arg6[%parallel_loop3A_643, %parallel_loop3A_644, %parallel_loop3A_645, %parallel_loop3A_646] {strides = array<i32>} : memref<2x4x8x1024xf32, #tpu.memory_space<vmem>>, vector<1x1x1x16xf32>,
        %parallel_loop3A_648 = vector.shape_cast %parallel_loop3A_647 : vector<1x1x1x16xf32> to vector<16xf32>
        %parallel_loop3A_649 = vector.shape_cast %parallel_loop3A_629 : vector<16xf32> to vector<1x1x1x16xf32>
        tpu.vector_store %arg6[%parallel_loop3A_643, %parallel_loop3A_644, %parallel_loop3A_645, %parallel_loop3A_646], %parallel_loop3A_649 {add = true, strides = array<i32>} : memref<2x4x8x1024xf32, #tpu.memory_space<vmem>>, vector<1x1x1x16xf32>,
        %parallel_loop3A_650 = arith.constant 1 : i32
        %parallel_loop3A_651 = arith.constant 2 : i32
        %parallel_loop3A_652 = arith.constant 0 : i32
        %parallel_loop3A_653 = arith.index_cast %parallel_loop3A_650 : i32 to index
        %parallel_loop3A_654 = arith.index_cast %parallel_loop3A_651 : i32 to index
        %parallel_loop3A_655 = arith.index_cast %parallel_loop3A_652 : i32 to index
        %parallel_loop3A_656 = arith.index_cast %parallel_loop3A_620 : i32 to index
        %parallel_loop3A_657 = tpu.vector_load %arg6[%parallel_loop3A_653, %parallel_loop3A_654, %parallel_loop3A_655, %parallel_loop3A_656] {strides = array<i32>} : memref<2x4x8x1024xf32, #tpu.memory_space<vmem>>, vector<1x1x1x16xf32>,
        %parallel_loop3A_658 = vector.shape_cast %parallel_loop3A_657 : vector<1x1x1x16xf32> to vector<16xf32>
        %parallel_loop3A_659 = vector.shape_cast %parallel_loop3A_629 : vector<16xf32> to vector<1x1x1x16xf32>
        tpu.vector_store %arg6[%parallel_loop3A_653, %parallel_loop3A_654, %parallel_loop3A_655, %parallel_loop3A_656], %parallel_loop3A_659 {add = true, strides = array<i32>} : memref<2x4x8x1024xf32, #tpu.memory_space<vmem>>, vector<1x1x1x16xf32>,
        %parallel_loop3A_660 = arith.constant 1 : i32
        %parallel_loop3A_661 = arith.constant 3 : i32
        %parallel_loop3A_662 = arith.constant 0 : i32
        %parallel_loop3A_663 = arith.index_cast %parallel_loop3A_660 : i32 to index
        %parallel_loop3A_664 = arith.index_cast %parallel_loop3A_661 : i32 to index
        %parallel_loop3A_665 = arith.index_cast %parallel_loop3A_662 : i32 to index
        %parallel_loop3A_666 = arith.index_cast %parallel_loop3A_620 : i32 to index
        %parallel_loop3A_667 = tpu.vector_load %arg6[%parallel_loop3A_663, %parallel_loop3A_664, %parallel_loop3A_665, %parallel_loop3A_666] {strides = array<i32>} : memref<2x4x8x1024xf32, #tpu.memory_space<vmem>>, vector<1x1x1x16xf32>,
        %parallel_loop3A_668 = vector.shape_cast %parallel_loop3A_667 : vector<1x1x1x16xf32> to vector<16xf32>
        %parallel_loop3A_669 = vector.shape_cast %parallel_loop3A_629 : vector<16xf32> to vector<1x1x1x16xf32>
        tpu.vector_store %arg6[%parallel_loop3A_663, %parallel_loop3A_664, %parallel_loop3A_665, %parallel_loop3A_666], %parallel_loop3A_669 {add = true, strides = array<i32>} : memref<2x4x8x1024xf32, #tpu.memory_space<vmem>>, vector<1x1x1x16xf32>,
      } {sc.loop_unroll_factor = 4 : i64, sc.parallel_access}
      %parallel_loop3A_571 = arith.constant 0 : i32
      %parallel_loop3A_572 = arith.constant 1024 : i32
      %parallel_loop3A_573 = arith.constant 16 : i32
      %parallel_loop3A_574 = arith.constant 1 : i32
      scf.for %parallel_loop3A_620 = %parallel_loop3A_571 to %parallel_loop3A_572 step %parallel_loop3A_573  : i32 {
        %parallel_loop3A_621 = arith.constant 1 : i32
        %parallel_loop3A_622 = arith.constant 0 : i32
        %parallel_loop3A_623 = arith.constant 0 : i32
        %parallel_loop3A_624 = tpu.memref_slice %arg5[%parallel_loop3A_574, %parallel_loop3A_622, %parallel_loop3A_623] : memref<2x8x1024xf32, #tpu.memory_space<vmem>> -> memref<1x8x1024xf32, #tpu.memory_space<vmem>>
        %parallel_loop3A_625 = tpu.memref_squeeze %parallel_loop3A_624 : memref<1x8x1024xf32, #tpu.memory_space<vmem>> -> memref<8x1024xf32, #tpu.memory_space<vmem>>
        %parallel_loop3A_626 = arith.index_cast %parallel_loop3A_621 : i32 to index
        %parallel_loop3A_627 = arith.index_cast %parallel_loop3A_620 : i32 to index
        %parallel_loop3A_628 = tpu.vector_load %parallel_loop3A_625[%parallel_loop3A_626, %parallel_loop3A_627] {strides = array<i32>} : memref<8x1024xf32, #tpu.memory_space<vmem>>, vector<1x16xf32>,
        %parallel_loop3A_629 = vector.shape_cast %parallel_loop3A_628 : vector<1x16xf32> to vector<16xf32>
        %parallel_loop3A_630 = arith.constant 1 : i32
        %parallel_loop3A_631 = arith.constant 0 : i32
        %parallel_loop3A_632 = arith.constant 1 : i32
        %parallel_loop3A_633 = arith.index_cast %parallel_loop3A_630 : i32 to index
        %parallel_loop3A_634 = arith.index_cast %parallel_loop3A_631 : i32 to index
        %parallel_loop3A_635 = arith.index_cast %parallel_loop3A_632 : i32 to index
        %parallel_loop3A_636 = arith.index_cast %parallel_loop3A_620 : i32 to index
        %parallel_loop3A_637 = tpu.vector_load %arg6[%parallel_loop3A_633, %parallel_loop3A_634, %parallel_loop3A_635, %parallel_loop3A_636] {strides = array<i32>} : memref<2x4x8x1024xf32, #tpu.memory_space<vmem>>, vector<1x1x1x16xf32>,
        %parallel_loop3A_638 = vector.shape_cast %parallel_loop3A_637 : vector<1x1x1x16xf32> to vector<16xf32>
        %parallel_loop3A_639 = vector.shape_cast %parallel_loop3A_629 : vector<16xf32> to vector<1x1x1x16xf32>
        tpu.vector_store %arg6[%parallel_loop3A_633, %parallel_loop3A_634, %parallel_loop3A_635, %parallel_loop3A_636], %parallel_loop3A_639 {add = true, strides = array<i32>} : memref<2x4x8x1024xf32, #tpu.memory_space<vmem>>, vector<1x1x1x16xf32>,
        %parallel_loop3A_640 = arith.constant 1 : i32
        %parallel_loop3A_641 = arith.constant 1 : i32
        %parallel_loop3A_642 = arith.constant 1 : i32
        %parallel_loop3A_643 = arith.index_cast %parallel_loop3A_640 : i32 to index
        %parallel_loop3A_644 = arith.index_cast %parallel_loop3A_641 : i32 to index
        %parallel_loop3A_645 = arith.index_cast %parallel_loop3A_642 : i32 to index
        %parallel_loop3A_646 = arith.index_cast %parallel_loop3A_620 : i32 to index
        %parallel_loop3A_647 = tpu.vector_load %arg6[%parallel_loop3A_643, %parallel_loop3A_644, %parallel_loop3A_645, %parallel_loop3A_646] {strides = array<i32>} : memref<2x4x8x1024xf32, #tpu.memory_space<vmem>>, vector<1x1x1x16xf32>,
        %parallel_loop3A_648 = vector.shape_cast %parallel_loop3A_647 : vector<1x1x1x16xf32> to vector<16xf32>
        %parallel_loop3A_649 = vector.shape_cast %parallel_loop3A_629 : vector<16xf32> to vector<1x1x1x16xf32>
        tpu.vector_store %arg6[%parallel_loop3A_643, %parallel_loop3A_644, %parallel_loop3A_645, %parallel_loop3A_646], %parallel_loop3A_649 {add = true, strides = array<i32>} : memref<2x4x8x1024xf32, #tpu.memory_space<vmem>>, vector<1x1x1x16xf32>,
        %parallel_loop3A_650 = arith.constant 1 : i32
        %parallel_loop3A_651 = arith.constant 2 : i32
        %parallel_loop3A_652 = arith.constant 1 : i32
        %parallel_loop3A_653 = arith.index_cast %parallel_loop3A_650 : i32 to index
        %parallel_loop3A_654 = arith.index_cast %parallel_loop3A_651 : i32 to index
        %parallel_loop3A_655 = arith.index_cast %parallel_loop3A_652 : i32 to index
        %parallel_loop3A_656 = arith.index_cast %parallel_loop3A_620 : i32 to index
        %parallel_loop3A_657 = tpu.vector_load %arg6[%parallel_loop3A_653, %parallel_loop3A_654, %parallel_loop3A_655, %parallel_loop3A_656] {strides = array<i32>} : memref<2x4x8x1024xf32, #tpu.memory_space<vmem>>, vector<1x1x1x16xf32>,
        %parallel_loop3A_658 = vector.shape_cast %parallel_loop3A_657 : vector<1x1x1x16xf32> to vector<16xf32>
        %parallel_loop3A_659 = vector.shape_cast %parallel_loop3A_629 : vector<16xf32> to vector<1x1x1x16xf32>
        tpu.vector_store %arg6[%parallel_loop3A_653, %parallel_loop3A_654, %parallel_loop3A_655, %parallel_loop3A_656], %parallel_loop3A_659 {add = true, strides = array<i32>} : memref<2x4x8x1024xf32, #tpu.memory_space<vmem>>, vector<1x1x1x16xf32>,
        %parallel_loop3A_660 = arith.constant 1 : i32
        %parallel_loop3A_661 = arith.constant 3 : i32
        %parallel_loop3A_662 = arith.constant 1 : i32
        %parallel_loop3A_663 = arith.index_cast %parallel_loop3A_660 : i32 to index
        %parallel_loop3A_664 = arith.index_cast %parallel_loop3A_661 : i32 to index
        %parallel_loop3A_665 = arith.index_cast %parallel_loop3A_662 : i32 to index
        %parallel_loop3A_666 = arith.index_cast %parallel_loop3A_620 : i32 to index
        %parallel_loop3A_667 = tpu.vector_load %arg6[%parallel_loop3A_663, %parallel_loop3A_664, %parallel_loop3A_665, %parallel_loop3A_666] {strides = array<i32>} : memref<2x4x8x1024xf32, #tpu.memory_space<vmem>>, vector<1x1x1x16xf32>,
        %parallel_loop3A_668 = vector.shape_cast %parallel_loop3A_667 : vector<1x1x1x16xf32> to vector<16xf32>
        %parallel_loop3A_669 = vector.shape_cast %parallel_loop3A_629 : vector<16xf32> to vector<1x1x1x16xf32>
        tpu.vector_store %arg6[%parallel_loop3A_663, %parallel_loop3A_664, %parallel_loop3A_665, %parallel_loop3A_666], %parallel_loop3A_669 {add = true, strides = array<i32>} : memref<2x4x8x1024xf32, #tpu.memory_space<vmem>>, vector<1x1x1x16xf32>,
      } {sc.loop_unroll_factor = 4 : i64, sc.parallel_access}
      %parallel_loop3A_575 = arith.constant 0 : i32
      %parallel_loop3A_576 = arith.constant 1024 : i32
      %parallel_loop3A_577 = arith.constant 16 : i32
      %parallel_loop3A_578 = arith.constant 1 : i32
      scf.for %parallel_loop3A_620 = %parallel_loop3A_575 to %parallel_loop3A_576 step %parallel_loop3A_577  : i32 {
        %parallel_loop3A_621 = arith.constant 2 : i32
        %parallel_loop3A_622 = arith.constant 0 : i32
        %parallel_loop3A_623 = arith.constant 0 : i32
        %parallel_loop3A_624 = tpu.memref_slice %arg5[%parallel_loop3A_578, %parallel_loop3A_622, %parallel_loop3A_623] : memref<2x8x1024xf32, #tpu.memory_space<vmem>> -> memref<1x8x1024xf32, #tpu.memory_space<vmem>>
        %parallel_loop3A_625 = tpu.memref_squeeze %parallel_loop3A_624 : memref<1x8x1024xf32, #tpu.memory_space<vmem>> -> memref<8x1024xf32, #tpu.memory_space<vmem>>
        %parallel_loop3A_626 = arith.index_cast %parallel_loop3A_621 : i32 to index
        %parallel_loop3A_627 = arith.index_cast %parallel_loop3A_620 : i32 to index
        %parallel_loop3A_628 = tpu.vector_load %parallel_loop3A_625[%parallel_loop3A_626, %parallel_loop3A_627] {strides = array<i32>} : memref<8x1024xf32, #tpu.memory_space<vmem>>, vector<1x16xf32>,
        %parallel_loop3A_629 = vector.shape_cast %parallel_loop3A_628 : vector<1x16xf32> to vector<16xf32>
        %parallel_loop3A_630 = arith.constant 1 : i32
        %parallel_loop3A_631 = arith.constant 0 : i32
        %parallel_loop3A_632 = arith.constant 2 : i32
        %parallel_loop3A_633 = arith.index_cast %parallel_loop3A_630 : i32 to index
        %parallel_loop3A_634 = arith.index_cast %parallel_loop3A_631 : i32 to index
        %parallel_loop3A_635 = arith.index_cast %parallel_loop3A_632 : i32 to index
        %parallel_loop3A_636 = arith.index_cast %parallel_loop3A_620 : i32 to index
        %parallel_loop3A_637 = tpu.vector_load %arg6[%parallel_loop3A_633, %parallel_loop3A_634, %parallel_loop3A_635, %parallel_loop3A_636] {strides = array<i32>} : memref<2x4x8x1024xf32, #tpu.memory_space<vmem>>, vector<1x1x1x16xf32>,
        %parallel_loop3A_638 = vector.shape_cast %parallel_loop3A_637 : vector<1x1x1x16xf32> to vector<16xf32>
        %parallel_loop3A_639 = vector.shape_cast %parallel_loop3A_629 : vector<16xf32> to vector<1x1x1x16xf32>
        tpu.vector_store %arg6[%parallel_loop3A_633, %parallel_loop3A_634, %parallel_loop3A_635, %parallel_loop3A_636], %parallel_loop3A_639 {add = true, strides = array<i32>} : memref<2x4x8x1024xf32, #tpu.memory_space<vmem>>, vector<1x1x1x16xf32>,
        %parallel_loop3A_640 = arith.constant 1 : i32
        %parallel_loop3A_641 = arith.constant 1 : i32
        %parallel_loop3A_642 = arith.constant 2 : i32
        %parallel_loop3A_643 = arith.index_cast %parallel_loop3A_640 : i32 to index
        %parallel_loop3A_644 = arith.index_cast %parallel_loop3A_641 : i32 to index
        %parallel_loop3A_645 = arith.index_cast %parallel_loop3A_642 : i32 to index
        %parallel_loop3A_646 = arith.index_cast %parallel_loop3A_620 : i32 to index
        %parallel_loop3A_647 = tpu.vector_load %arg6[%parallel_loop3A_643, %parallel_loop3A_644, %parallel_loop3A_645, %parallel_loop3A_646] {strides = array<i32>} : memref<2x4x8x1024xf32, #tpu.memory_space<vmem>>, vector<1x1x1x16xf32>,
        %parallel_loop3A_648 = vector.shape_cast %parallel_loop3A_647 : vector<1x1x1x16xf32> to vector<16xf32>
        %parallel_loop3A_649 = vector.shape_cast %parallel_loop3A_629 : vector<16xf32> to vector<1x1x1x16xf32>
        tpu.vector_store %arg6[%parallel_loop3A_643, %parallel_loop3A_644, %parallel_loop3A_645, %parallel_loop3A_646], %parallel_loop3A_649 {add = true, strides = array<i32>} : memref<2x4x8x1024xf32, #tpu.memory_space<vmem>>, vector<1x1x1x16xf32>,
        %parallel_loop3A_650 = arith.constant 1 : i32
        %parallel_loop3A_651 = arith.constant 2 : i32
        %parallel_loop3A_652 = arith.constant 2 : i32
        %parallel_loop3A_653 = arith.index_cast %parallel_loop3A_650 : i32 to index
        %parallel_loop3A_654 = arith.index_cast %parallel_loop3A_651 : i32 to index
        %parallel_loop3A_655 = arith.index_cast %parallel_loop3A_652 : i32 to index
        %parallel_loop3A_656 = arith.index_cast %parallel_loop3A_620 : i32 to index
        %parallel_loop3A_657 = tpu.vector_load %arg6[%parallel_loop3A_653, %parallel_loop3A_654, %parallel_loop3A_655, %parallel_loop3A_656] {strides = array<i32>} : memref<2x4x8x1024xf32, #tpu.memory_space<vmem>>, vector<1x1x1x16xf32>,
        %parallel_loop3A_658 = vector.shape_cast %parallel_loop3A_657 : vector<1x1x1x16xf32> to vector<16xf32>
        %parallel_loop3A_659 = vector.shape_cast %parallel_loop3A_629 : vector<16xf32> to vector<1x1x1x16xf32>
        tpu.vector_store %arg6[%parallel_loop3A_653, %parallel_loop3A_654, %parallel_loop3A_655, %parallel_loop3A_656], %parallel_loop3A_659 {add = true, strides = array<i32>} : memref<2x4x8x1024xf32, #tpu.memory_space<vmem>>, vector<1x1x1x16xf32>,
        %parallel_loop3A_660 = arith.constant 1 : i32
        %parallel_loop3A_661 = arith.constant 3 : i32
        %parallel_loop3A_662 = arith.constant 2 : i32
        %parallel_loop3A_663 = arith.index_cast %parallel_loop3A_660 : i32 to index
        %parallel_loop3A_664 = arith.index_cast %parallel_loop3A_661 : i32 to index
        %parallel_loop3A_665 = arith.index_cast %parallel_loop3A_662 : i32 to index
        %parallel_loop3A_666 = arith.index_cast %parallel_loop3A_620 : i32 to index
        %parallel_loop3A_667 = tpu.vector_load %arg6[%parallel_loop3A_663, %parallel_loop3A_664, %parallel_loop3A_665, %parallel_loop3A_666] {strides = array<i32>} : memref<2x4x8x1024xf32, #tpu.memory_space<vmem>>, vector<1x1x1x16xf32>,
        %parallel_loop3A_668 = vector.shape_cast %parallel_loop3A_667 : vector<1x1x1x16xf32> to vector<16xf32>
        %parallel_loop3A_669 = vector.shape_cast %parallel_loop3A_629 : vector<16xf32> to vector<1x1x1x16xf32>
        tpu.vector_store %arg6[%parallel_loop3A_663, %parallel_loop3A_664, %parallel_loop3A_665, %parallel_loop3A_666], %parallel_loop3A_669 {add = true, strides = array<i32>} : memref<2x4x8x1024xf32, #tpu.memory_space<vmem>>, vector<1x1x1x16xf32>,
      } {sc.loop_unroll_factor = 4 : i64, sc.parallel_access}
      %parallel_loop3A_579 = arith.constant 0 : i32
      %parallel_loop3A_580 = arith.constant 1024 : i32
      %parallel_loop3A_581 = arith.constant 16 : i32
      %parallel_loop3A_582 = arith.constant 1 : i32
      scf.for %parallel_loop3A_620 = %parallel_loop3A_579 to %parallel_loop3A_580 step %parallel_loop3A_581  : i32 {
        %parallel_loop3A_621 = arith.constant 3 : i32
        %parallel_loop3A_622 = arith.constant 0 : i32
        %parallel_loop3A_623 = arith.constant 0 : i32
        %parallel_loop3A_624 = tpu.memref_slice %arg5[%parallel_loop3A_582, %parallel_loop3A_622, %parallel_loop3A_623] : memref<2x8x1024xf32, #tpu.memory_space<vmem>> -> memref<1x8x1024xf32, #tpu.memory_space<vmem>>
        %parallel_loop3A_625 = tpu.memref_squeeze %parallel_loop3A_624 : memref<1x8x1024xf32, #tpu.memory_space<vmem>> -> memref<8x1024xf32, #tpu.memory_space<vmem>>
        %parallel_loop3A_626 = arith.index_cast %parallel_loop3A_621 : i32 to index
        %parallel_loop3A_627 = arith.index_cast %parallel_loop3A_620 : i32 to index
        %parallel_loop3A_628 = tpu.vector_load %parallel_loop3A_625[%parallel_loop3A_626, %parallel_loop3A_627] {strides = array<i32>} : memref<8x1024xf32, #tpu.memory_space<vmem>>, vector<1x16xf32>,
        %parallel_loop3A_629 = vector.shape_cast %parallel_loop3A_628 : vector<1x16xf32> to vector<16xf32>
        %parallel_loop3A_630 = arith.constant 1 : i32
        %parallel_loop3A_631 = arith.constant 0 : i32
        %parallel_loop3A_632 = arith.constant 3 : i32
        %parallel_loop3A_633 = arith.index_cast %parallel_loop3A_630 : i32 to index
        %parallel_loop3A_634 = arith.index_cast %parallel_loop3A_631 : i32 to index
        %parallel_loop3A_635 = arith.index_cast %parallel_loop3A_632 : i32 to index
        %parallel_loop3A_636 = arith.index_cast %parallel_loop3A_620 : i32 to index
        %parallel_loop3A_637 = tpu.vector_load %arg6[%parallel_loop3A_633, %parallel_loop3A_634, %parallel_loop3A_635, %parallel_loop3A_636] {strides = array<i32>} : memref<2x4x8x1024xf32, #tpu.memory_space<vmem>>, vector<1x1x1x16xf32>,
        %parallel_loop3A_638 = vector.shape_cast %parallel_loop3A_637 : vector<1x1x1x16xf32> to vector<16xf32>
        %parallel_loop3A_639 = vector.shape_cast %parallel_loop3A_629 : vector<16xf32> to vector<1x1x1x16xf32>
        tpu.vector_store %arg6[%parallel_loop3A_633, %parallel_loop3A_634, %parallel_loop3A_635, %parallel_loop3A_636], %parallel_loop3A_639 {add = true, strides = array<i32>} : memref<2x4x8x1024xf32, #tpu.memory_space<vmem>>, vector<1x1x1x16xf32>,
        %parallel_loop3A_640 = arith.constant 1 : i32
        %parallel_loop3A_641 = arith.constant 1 : i32
        %parallel_loop3A_642 = arith.constant 3 : i32
        %parallel_loop3A_643 = arith.index_cast %parallel_loop3A_640 : i32 to index
        %parallel_loop3A_644 = arith.index_cast %parallel_loop3A_641 : i32 to index
        %parallel_loop3A_645 = arith.index_cast %parallel_loop3A_642 : i32 to index
        %parallel_loop3A_646 = arith.index_cast %parallel_loop3A_620 : i32 to index
        %parallel_loop3A_647 = tpu.vector_load %arg6[%parallel_loop3A_643, %parallel_loop3A_644, %parallel_loop3A_645, %parallel_loop3A_646] {strides = array<i32>} : memref<2x4x8x1024xf32, #tpu.memory_space<vmem>>, vector<1x1x1x16xf32>,
        %parallel_loop3A_648 = vector.shape_cast %parallel_loop3A_647 : vector<1x1x1x16xf32> to vector<16xf32>
        %parallel_loop3A_649 = vector.shape_cast %parallel_loop3A_629 : vector<16xf32> to vector<1x1x1x16xf32>
        tpu.vector_store %arg6[%parallel_loop3A_643, %parallel_loop3A_644, %parallel_loop3A_645, %parallel_loop3A_646], %parallel_loop3A_649 {add = true, strides = array<i32>} : memref<2x4x8x1024xf32, #tpu.memory_space<vmem>>, vector<1x1x1x16xf32>,
        %parallel_loop3A_650 = arith.constant 1 : i32
        %parallel_loop3A_651 = arith.constant 2 : i32
        %parallel_loop3A_652 = arith.constant 3 : i32
        %parallel_loop3A_653 = arith.index_cast %parallel_loop3A_650 : i32 to index
        %parallel_loop3A_654 = arith.index_cast %parallel_loop3A_651 : i32 to index
        %parallel_loop3A_655 = arith.index_cast %parallel_loop3A_652 : i32 to index
        %parallel_loop3A_656 = arith.index_cast %parallel_loop3A_620 : i32 to index
        %parallel_loop3A_657 = tpu.vector_load %arg6[%parallel_loop3A_653, %parallel_loop3A_654, %parallel_loop3A_655, %parallel_loop3A_656] {strides = array<i32>} : memref<2x4x8x1024xf32, #tpu.memory_space<vmem>>, vector<1x1x1x16xf32>,
        %parallel_loop3A_658 = vector.shape_cast %parallel_loop3A_657 : vector<1x1x1x16xf32> to vector<16xf32>
        %parallel_loop3A_659 = vector.shape_cast %parallel_loop3A_629 : vector<16xf32> to vector<1x1x1x16xf32>
        tpu.vector_store %arg6[%parallel_loop3A_653, %parallel_loop3A_654, %parallel_loop3A_655, %parallel_loop3A_656], %parallel_loop3A_659 {add = true, strides = array<i32>} : memref<2x4x8x1024xf32, #tpu.memory_space<vmem>>, vector<1x1x1x16xf32>,
        %parallel_loop3A_660 = arith.constant 1 : i32
        %parallel_loop3A_661 = arith.constant 3 : i32
        %parallel_loop3A_662 = arith.constant 3 : i32
        %parallel_loop3A_663 = arith.index_cast %parallel_loop3A_660 : i32 to index
        %parallel_loop3A_664 = arith.index_cast %parallel_loop3A_661 : i32 to index
        %parallel_loop3A_665 = arith.index_cast %parallel_loop3A_662 : i32 to index
        %parallel_loop3A_666 = arith.index_cast %parallel_loop3A_620 : i32 to index
        %parallel_loop3A_667 = tpu.vector_load %arg6[%parallel_loop3A_663, %parallel_loop3A_664, %parallel_loop3A_665, %parallel_loop3A_666] {strides = array<i32>} : memref<2x4x8x1024xf32, #tpu.memory_space<vmem>>, vector<1x1x1x16xf32>,
        %parallel_loop3A_668 = vector.shape_cast %parallel_loop3A_667 : vector<1x1x1x16xf32> to vector<16xf32>
        %parallel_loop3A_669 = vector.shape_cast %parallel_loop3A_629 : vector<16xf32> to vector<1x1x1x16xf32>
        tpu.vector_store %arg6[%parallel_loop3A_663, %parallel_loop3A_664, %parallel_loop3A_665, %parallel_loop3A_666], %parallel_loop3A_669 {add = true, strides = array<i32>} : memref<2x4x8x1024xf32, #tpu.memory_space<vmem>>, vector<1x1x1x16xf32>,
      } {sc.loop_unroll_factor = 4 : i64, sc.parallel_access}
      %parallel_loop3A_583 = arith.constant 0 : i32
      %parallel_loop3A_584 = arith.constant 1024 : i32
      %parallel_loop3A_585 = arith.constant 16 : i32
      %parallel_loop3A_586 = arith.constant 1 : i32
      scf.for %parallel_loop3A_620 = %parallel_loop3A_583 to %parallel_loop3A_584 step %parallel_loop3A_585  : i32 {
        %parallel_loop3A_621 = arith.constant 4 : i32
        %parallel_loop3A_622 = arith.constant 0 : i32
        %parallel_loop3A_623 = arith.constant 0 : i32
        %parallel_loop3A_624 = tpu.memref_slice %arg5[%parallel_loop3A_586, %parallel_loop3A_622, %parallel_loop3A_623] : memref<2x8x1024xf32, #tpu.memory_space<vmem>> -> memref<1x8x1024xf32, #tpu.memory_space<vmem>>
        %parallel_loop3A_625 = tpu.memref_squeeze %parallel_loop3A_624 : memref<1x8x1024xf32, #tpu.memory_space<vmem>> -> memref<8x1024xf32, #tpu.memory_space<vmem>>
        %parallel_loop3A_626 = arith.index_cast %parallel_loop3A_621 : i32 to index
        %parallel_loop3A_627 = arith.index_cast %parallel_loop3A_620 : i32 to index
        %parallel_loop3A_628 = tpu.vector_load %parallel_loop3A_625[%parallel_loop3A_626, %parallel_loop3A_627] {strides = array<i32>} : memref<8x1024xf32, #tpu.memory_space<vmem>>, vector<1x16xf32>,
        %parallel_loop3A_629 = vector.shape_cast %parallel_loop3A_628 : vector<1x16xf32> to vector<16xf32>
        %parallel_loop3A_630 = arith.constant 1 : i32
        %parallel_loop3A_631 = arith.constant 0 : i32
        %parallel_loop3A_632 = arith.constant 4 : i32
        %parallel_loop3A_633 = arith.index_cast %parallel_loop3A_630 : i32 to index
        %parallel_loop3A_634 = arith.index_cast %parallel_loop3A_631 : i32 to index
        %parallel_loop3A_635 = arith.index_cast %parallel_loop3A_632 : i32 to index
        %parallel_loop3A_636 = arith.index_cast %parallel_loop3A_620 : i32 to index
        %parallel_loop3A_637 = tpu.vector_load %arg6[%parallel_loop3A_633, %parallel_loop3A_634, %parallel_loop3A_635, %parallel_loop3A_636] {strides = array<i32>} : memref<2x4x8x1024xf32, #tpu.memory_space<vmem>>, vector<1x1x1x16xf32>,
        %parallel_loop3A_638 = vector.shape_cast %parallel_loop3A_637 : vector<1x1x1x16xf32> to vector<16xf32>
        %parallel_loop3A_639 = vector.shape_cast %parallel_loop3A_629 : vector<16xf32> to vector<1x1x1x16xf32>
        tpu.vector_store %arg6[%parallel_loop3A_633, %parallel_loop3A_634, %parallel_loop3A_635, %parallel_loop3A_636], %parallel_loop3A_639 {add = true, strides = array<i32>} : memref<2x4x8x1024xf32, #tpu.memory_space<vmem>>, vector<1x1x1x16xf32>,
        %parallel_loop3A_640 = arith.constant 1 : i32
        %parallel_loop3A_641 = arith.constant 1 : i32
        %parallel_loop3A_642 = arith.constant 4 : i32
        %parallel_loop3A_643 = arith.index_cast %parallel_loop3A_640 : i32 to index
        %parallel_loop3A_644 = arith.index_cast %parallel_loop3A_641 : i32 to index
        %parallel_loop3A_645 = arith.index_cast %parallel_loop3A_642 : i32 to index
        %parallel_loop3A_646 = arith.index_cast %parallel_loop3A_620 : i32 to index
        %parallel_loop3A_647 = tpu.vector_load %arg6[%parallel_loop3A_643, %parallel_loop3A_644, %parallel_loop3A_645, %parallel_loop3A_646] {strides = array<i32>} : memref<2x4x8x1024xf32, #tpu.memory_space<vmem>>, vector<1x1x1x16xf32>,
        %parallel_loop3A_648 = vector.shape_cast %parallel_loop3A_647 : vector<1x1x1x16xf32> to vector<16xf32>
        %parallel_loop3A_649 = vector.shape_cast %parallel_loop3A_629 : vector<16xf32> to vector<1x1x1x16xf32>
        tpu.vector_store %arg6[%parallel_loop3A_643, %parallel_loop3A_644, %parallel_loop3A_645, %parallel_loop3A_646], %parallel_loop3A_649 {add = true, strides = array<i32>} : memref<2x4x8x1024xf32, #tpu.memory_space<vmem>>, vector<1x1x1x16xf32>,
        %parallel_loop3A_650 = arith.constant 1 : i32
        %parallel_loop3A_651 = arith.constant 2 : i32
        %parallel_loop3A_652 = arith.constant 4 : i32
        %parallel_loop3A_653 = arith.index_cast %parallel_loop3A_650 : i32 to index
        %parallel_loop3A_654 = arith.index_cast %parallel_loop3A_651 : i32 to index
        %parallel_loop3A_655 = arith.index_cast %parallel_loop3A_652 : i32 to index
        %parallel_loop3A_656 = arith.index_cast %parallel_loop3A_620 : i32 to index
        %parallel_loop3A_657 = tpu.vector_load %arg6[%parallel_loop3A_653, %parallel_loop3A_654, %parallel_loop3A_655, %parallel_loop3A_656] {strides = array<i32>} : memref<2x4x8x1024xf32, #tpu.memory_space<vmem>>, vector<1x1x1x16xf32>,
        %parallel_loop3A_658 = vector.shape_cast %parallel_loop3A_657 : vector<1x1x1x16xf32> to vector<16xf32>
        %parallel_loop3A_659 = vector.shape_cast %parallel_loop3A_629 : vector<16xf32> to vector<1x1x1x16xf32>
        tpu.vector_store %arg6[%parallel_loop3A_653, %parallel_loop3A_654, %parallel_loop3A_655, %parallel_loop3A_656], %parallel_loop3A_659 {add = true, strides = array<i32>} : memref<2x4x8x1024xf32, #tpu.memory_space<vmem>>, vector<1x1x1x16xf32>,
        %parallel_loop3A_660 = arith.constant 1 : i32
        %parallel_loop3A_661 = arith.constant 3 : i32
        %parallel_loop3A_662 = arith.constant 4 : i32
        %parallel_loop3A_663 = arith.index_cast %parallel_loop3A_660 : i32 to index
        %parallel_loop3A_664 = arith.index_cast %parallel_loop3A_661 : i32 to index
        %parallel_loop3A_665 = arith.index_cast %parallel_loop3A_662 : i32 to index
        %parallel_loop3A_666 = arith.index_cast %parallel_loop3A_620 : i32 to index
        %parallel_loop3A_667 = tpu.vector_load %arg6[%parallel_loop3A_663, %parallel_loop3A_664, %parallel_loop3A_665, %parallel_loop3A_666] {strides = array<i32>} : memref<2x4x8x1024xf32, #tpu.memory_space<vmem>>, vector<1x1x1x16xf32>,
        %parallel_loop3A_668 = vector.shape_cast %parallel_loop3A_667 : vector<1x1x1x16xf32> to vector<16xf32>
        %parallel_loop3A_669 = vector.shape_cast %parallel_loop3A_629 : vector<16xf32> to vector<1x1x1x16xf32>
        tpu.vector_store %arg6[%parallel_loop3A_663, %parallel_loop3A_664, %parallel_loop3A_665, %parallel_loop3A_666], %parallel_loop3A_669 {add = true, strides = array<i32>} : memref<2x4x8x1024xf32, #tpu.memory_space<vmem>>, vector<1x1x1x16xf32>,
      } {sc.loop_unroll_factor = 4 : i64, sc.parallel_access}
      %parallel_loop3A_587 = arith.constant 0 : i32
      %parallel_loop3A_588 = arith.constant 1024 : i32
      %parallel_loop3A_589 = arith.constant 16 : i32
      %parallel_loop3A_590 = arith.constant 1 : i32
      scf.for %parallel_loop3A_620 = %parallel_loop3A_587 to %parallel_loop3A_588 step %parallel_loop3A_589  : i32 {
        %parallel_loop3A_621 = arith.constant 5 : i32
        %parallel_loop3A_622 = arith.constant 0 : i32
        %parallel_loop3A_623 = arith.constant 0 : i32
        %parallel_loop3A_624 = tpu.memref_slice %arg5[%parallel_loop3A_590, %parallel_loop3A_622, %parallel_loop3A_623] : memref<2x8x1024xf32, #tpu.memory_space<vmem>> -> memref<1x8x1024xf32, #tpu.memory_space<vmem>>
        %parallel_loop3A_625 = tpu.memref_squeeze %parallel_loop3A_624 : memref<1x8x1024xf32, #tpu.memory_space<vmem>> -> memref<8x1024xf32, #tpu.memory_space<vmem>>
        %parallel_loop3A_626 = arith.index_cast %parallel_loop3A_621 : i32 to index
        %parallel_loop3A_627 = arith.index_cast %parallel_loop3A_620 : i32 to index
        %parallel_loop3A_628 = tpu.vector_load %parallel_loop3A_625[%parallel_loop3A_626, %parallel_loop3A_627] {strides = array<i32>} : memref<8x1024xf32, #tpu.memory_space<vmem>>, vector<1x16xf32>,
        %parallel_loop3A_629 = vector.shape_cast %parallel_loop3A_628 : vector<1x16xf32> to vector<16xf32>
        %parallel_loop3A_630 = arith.constant 1 : i32
        %parallel_loop3A_631 = arith.constant 0 : i32
        %parallel_loop3A_632 = arith.constant 5 : i32
        %parallel_loop3A_633 = arith.index_cast %parallel_loop3A_630 : i32 to index
        %parallel_loop3A_634 = arith.index_cast %parallel_loop3A_631 : i32 to index
        %parallel_loop3A_635 = arith.index_cast %parallel_loop3A_632 : i32 to index
        %parallel_loop3A_636 = arith.index_cast %parallel_loop3A_620 : i32 to index
        %parallel_loop3A_637 = tpu.vector_load %arg6[%parallel_loop3A_633, %parallel_loop3A_634, %parallel_loop3A_635, %parallel_loop3A_636] {strides = array<i32>} : memref<2x4x8x1024xf32, #tpu.memory_space<vmem>>, vector<1x1x1x16xf32>,
        %parallel_loop3A_638 = vector.shape_cast %parallel_loop3A_637 : vector<1x1x1x16xf32> to vector<16xf32>
        %parallel_loop3A_639 = vector.shape_cast %parallel_loop3A_629 : vector<16xf32> to vector<1x1x1x16xf32>
        tpu.vector_store %arg6[%parallel_loop3A_633, %parallel_loop3A_634, %parallel_loop3A_635, %parallel_loop3A_636], %parallel_loop3A_639 {add = true, strides = array<i32>} : memref<2x4x8x1024xf32, #tpu.memory_space<vmem>>, vector<1x1x1x16xf32>,
        %parallel_loop3A_640 = arith.constant 1 : i32
        %parallel_loop3A_641 = arith.constant 1 : i32
        %parallel_loop3A_642 = arith.constant 5 : i32
        %parallel_loop3A_643 = arith.index_cast %parallel_loop3A_640 : i32 to index
        %parallel_loop3A_644 = arith.index_cast %parallel_loop3A_641 : i32 to index
        %parallel_loop3A_645 = arith.index_cast %parallel_loop3A_642 : i32 to index
        %parallel_loop3A_646 = arith.index_cast %parallel_loop3A_620 : i32 to index
        %parallel_loop3A_647 = tpu.vector_load %arg6[%parallel_loop3A_643, %parallel_loop3A_644, %parallel_loop3A_645, %parallel_loop3A_646] {strides = array<i32>} : memref<2x4x8x1024xf32, #tpu.memory_space<vmem>>, vector<1x1x1x16xf32>,
        %parallel_loop3A_648 = vector.shape_cast %parallel_loop3A_647 : vector<1x1x1x16xf32> to vector<16xf32>
        %parallel_loop3A_649 = vector.shape_cast %parallel_loop3A_629 : vector<16xf32> to vector<1x1x1x16xf32>
        tpu.vector_store %arg6[%parallel_loop3A_643, %parallel_loop3A_644, %parallel_loop3A_645, %parallel_loop3A_646], %parallel_loop3A_649 {add = true, strides = array<i32>} : memref<2x4x8x1024xf32, #tpu.memory_space<vmem>>, vector<1x1x1x16xf32>,
        %parallel_loop3A_650 = arith.constant 1 : i32
        %parallel_loop3A_651 = arith.constant 2 : i32
        %parallel_loop3A_652 = arith.constant 5 : i32
        %parallel_loop3A_653 = arith.index_cast %parallel_loop3A_650 : i32 to index
        %parallel_loop3A_654 = arith.index_cast %parallel_loop3A_651 : i32 to index
        %parallel_loop3A_655 = arith.index_cast %parallel_loop3A_652 : i32 to index
        %parallel_loop3A_656 = arith.index_cast %parallel_loop3A_620 : i32 to index
        %parallel_loop3A_657 = tpu.vector_load %arg6[%parallel_loop3A_653, %parallel_loop3A_654, %parallel_loop3A_655, %parallel_loop3A_656] {strides = array<i32>} : memref<2x4x8x1024xf32, #tpu.memory_space<vmem>>, vector<1x1x1x16xf32>,
        %parallel_loop3A_658 = vector.shape_cast %parallel_loop3A_657 : vector<1x1x1x16xf32> to vector<16xf32>
        %parallel_loop3A_659 = vector.shape_cast %parallel_loop3A_629 : vector<16xf32> to vector<1x1x1x16xf32>
        tpu.vector_store %arg6[%parallel_loop3A_653, %parallel_loop3A_654, %parallel_loop3A_655, %parallel_loop3A_656], %parallel_loop3A_659 {add = true, strides = array<i32>} : memref<2x4x8x1024xf32, #tpu.memory_space<vmem>>, vector<1x1x1x16xf32>,
        %parallel_loop3A_660 = arith.constant 1 : i32
        %parallel_loop3A_661 = arith.constant 3 : i32
        %parallel_loop3A_662 = arith.constant 5 : i32
        %parallel_loop3A_663 = arith.index_cast %parallel_loop3A_660 : i32 to index
        %parallel_loop3A_664 = arith.index_cast %parallel_loop3A_661 : i32 to index
        %parallel_loop3A_665 = arith.index_cast %parallel_loop3A_662 : i32 to index
        %parallel_loop3A_666 = arith.index_cast %parallel_loop3A_620 : i32 to index
        %parallel_loop3A_667 = tpu.vector_load %arg6[%parallel_loop3A_663, %parallel_loop3A_664, %parallel_loop3A_665, %parallel_loop3A_666] {strides = array<i32>} : memref<2x4x8x1024xf32, #tpu.memory_space<vmem>>, vector<1x1x1x16xf32>,
        %parallel_loop3A_668 = vector.shape_cast %parallel_loop3A_667 : vector<1x1x1x16xf32> to vector<16xf32>
        %parallel_loop3A_669 = vector.shape_cast %parallel_loop3A_629 : vector<16xf32> to vector<1x1x1x16xf32>
        tpu.vector_store %arg6[%parallel_loop3A_663, %parallel_loop3A_664, %parallel_loop3A_665, %parallel_loop3A_666], %parallel_loop3A_669 {add = true, strides = array<i32>} : memref<2x4x8x1024xf32, #tpu.memory_space<vmem>>, vector<1x1x1x16xf32>,
      } {sc.loop_unroll_factor = 4 : i64, sc.parallel_access}
      %parallel_loop3A_591 = arith.constant 0 : i32
      %parallel_loop3A_592 = arith.constant 1024 : i32
      %parallel_loop3A_593 = arith.constant 16 : i32
      %parallel_loop3A_594 = arith.constant 1 : i32
      scf.for %parallel_loop3A_620 = %parallel_loop3A_591 to %parallel_loop3A_592 step %parallel_loop3A_593  : i32 {
        %parallel_loop3A_621 = arith.constant 6 : i32
        %parallel_loop3A_622 = arith.constant 0 : i32
        %parallel_loop3A_623 = arith.constant 0 : i32
        %parallel_loop3A_624 = tpu.memref_slice %arg5[%parallel_loop3A_594, %parallel_loop3A_622, %parallel_loop3A_623] : memref<2x8x1024xf32, #tpu.memory_space<vmem>> -> memref<1x8x1024xf32, #tpu.memory_space<vmem>>
        %parallel_loop3A_625 = tpu.memref_squeeze %parallel_loop3A_624 : memref<1x8x1024xf32, #tpu.memory_space<vmem>> -> memref<8x1024xf32, #tpu.memory_space<vmem>>
        %parallel_loop3A_626 = arith.index_cast %parallel_loop3A_621 : i32 to index
        %parallel_loop3A_627 = arith.index_cast %parallel_loop3A_620 : i32 to index
        %parallel_loop3A_628 = tpu.vector_load %parallel_loop3A_625[%parallel_loop3A_626, %parallel_loop3A_627] {strides = array<i32>} : memref<8x1024xf32, #tpu.memory_space<vmem>>, vector<1x16xf32>,
        %parallel_loop3A_629 = vector.shape_cast %parallel_loop3A_628 : vector<1x16xf32> to vector<16xf32>
        %parallel_loop3A_630 = arith.constant 1 : i32
        %parallel_loop3A_631 = arith.constant 0 : i32
        %parallel_loop3A_632 = arith.constant 6 : i32
        %parallel_loop3A_633 = arith.index_cast %parallel_loop3A_630 : i32 to index
        %parallel_loop3A_634 = arith.index_cast %parallel_loop3A_631 : i32 to index
        %parallel_loop3A_635 = arith.index_cast %parallel_loop3A_632 : i32 to index
        %parallel_loop3A_636 = arith.index_cast %parallel_loop3A_620 : i32 to index
        %parallel_loop3A_637 = tpu.vector_load %arg6[%parallel_loop3A_633, %parallel_loop3A_634, %parallel_loop3A_635, %parallel_loop3A_636] {strides = array<i32>} : memref<2x4x8x1024xf32, #tpu.memory_space<vmem>>, vector<1x1x1x16xf32>,
        %parallel_loop3A_638 = vector.shape_cast %parallel_loop3A_637 : vector<1x1x1x16xf32> to vector<16xf32>
        %parallel_loop3A_639 = vector.shape_cast %parallel_loop3A_629 : vector<16xf32> to vector<1x1x1x16xf32>
        tpu.vector_store %arg6[%parallel_loop3A_633, %parallel_loop3A_634, %parallel_loop3A_635, %parallel_loop3A_636], %parallel_loop3A_639 {add = true, strides = array<i32>} : memref<2x4x8x1024xf32, #tpu.memory_space<vmem>>, vector<1x1x1x16xf32>,
        %parallel_loop3A_640 = arith.constant 1 : i32
        %parallel_loop3A_641 = arith.constant 1 : i32
        %parallel_loop3A_642 = arith.constant 6 : i32
        %parallel_loop3A_643 = arith.index_cast %parallel_loop3A_640 : i32 to index
        %parallel_loop3A_644 = arith.index_cast %parallel_loop3A_641 : i32 to index
        %parallel_loop3A_645 = arith.index_cast %parallel_loop3A_642 : i32 to index
        %parallel_loop3A_646 = arith.index_cast %parallel_loop3A_620 : i32 to index
        %parallel_loop3A_647 = tpu.vector_load %arg6[%parallel_loop3A_643, %parallel_loop3A_644, %parallel_loop3A_645, %parallel_loop3A_646] {strides = array<i32>} : memref<2x4x8x1024xf32, #tpu.memory_space<vmem>>, vector<1x1x1x16xf32>,
        %parallel_loop3A_648 = vector.shape_cast %parallel_loop3A_647 : vector<1x1x1x16xf32> to vector<16xf32>
        %parallel_loop3A_649 = vector.shape_cast %parallel_loop3A_629 : vector<16xf32> to vector<1x1x1x16xf32>
        tpu.vector_store %arg6[%parallel_loop3A_643, %parallel_loop3A_644, %parallel_loop3A_645, %parallel_loop3A_646], %parallel_loop3A_649 {add = true, strides = array<i32>} : memref<2x4x8x1024xf32, #tpu.memory_space<vmem>>, vector<1x1x1x16xf32>,
        %parallel_loop3A_650 = arith.constant 1 : i32
        %parallel_loop3A_651 = arith.constant 2 : i32
        %parallel_loop3A_652 = arith.constant 6 : i32
        %parallel_loop3A_653 = arith.index_cast %parallel_loop3A_650 : i32 to index
        %parallel_loop3A_654 = arith.index_cast %parallel_loop3A_651 : i32 to index
        %parallel_loop3A_655 = arith.index_cast %parallel_loop3A_652 : i32 to index
        %parallel_loop3A_656 = arith.index_cast %parallel_loop3A_620 : i32 to index
        %parallel_loop3A_657 = tpu.vector_load %arg6[%parallel_loop3A_653, %parallel_loop3A_654, %parallel_loop3A_655, %parallel_loop3A_656] {strides = array<i32>} : memref<2x4x8x1024xf32, #tpu.memory_space<vmem>>, vector<1x1x1x16xf32>,
        %parallel_loop3A_658 = vector.shape_cast %parallel_loop3A_657 : vector<1x1x1x16xf32> to vector<16xf32>
        %parallel_loop3A_659 = vector.shape_cast %parallel_loop3A_629 : vector<16xf32> to vector<1x1x1x16xf32>
        tpu.vector_store %arg6[%parallel_loop3A_653, %parallel_loop3A_654, %parallel_loop3A_655, %parallel_loop3A_656], %parallel_loop3A_659 {add = true, strides = array<i32>} : memref<2x4x8x1024xf32, #tpu.memory_space<vmem>>, vector<1x1x1x16xf32>,
        %parallel_loop3A_660 = arith.constant 1 : i32
        %parallel_loop3A_661 = arith.constant 3 : i32
        %parallel_loop3A_662 = arith.constant 6 : i32
        %parallel_loop3A_663 = arith.index_cast %parallel_loop3A_660 : i32 to index
        %parallel_loop3A_664 = arith.index_cast %parallel_loop3A_661 : i32 to index
        %parallel_loop3A_665 = arith.index_cast %parallel_loop3A_662 : i32 to index
        %parallel_loop3A_666 = arith.index_cast %parallel_loop3A_620 : i32 to index
        %parallel_loop3A_667 = tpu.vector_load %arg6[%parallel_loop3A_663, %parallel_loop3A_664, %parallel_loop3A_665, %parallel_loop3A_666] {strides = array<i32>} : memref<2x4x8x1024xf32, #tpu.memory_space<vmem>>, vector<1x1x1x16xf32>,
        %parallel_loop3A_668 = vector.shape_cast %parallel_loop3A_667 : vector<1x1x1x16xf32> to vector<16xf32>
        %parallel_loop3A_669 = vector.shape_cast %parallel_loop3A_629 : vector<16xf32> to vector<1x1x1x16xf32>
        tpu.vector_store %arg6[%parallel_loop3A_663, %parallel_loop3A_664, %parallel_loop3A_665, %parallel_loop3A_666], %parallel_loop3A_669 {add = true, strides = array<i32>} : memref<2x4x8x1024xf32, #tpu.memory_space<vmem>>, vector<1x1x1x16xf32>,
      } {sc.loop_unroll_factor = 4 : i64, sc.parallel_access}
      %parallel_loop3A_595 = arith.constant 0 : i32
      %parallel_loop3A_596 = arith.constant 1024 : i32
      %parallel_loop3A_597 = arith.constant 16 : i32
      %parallel_loop3A_598 = arith.constant 1 : i32
      scf.for %parallel_loop3A_620 = %parallel_loop3A_595 to %parallel_loop3A_596 step %parallel_loop3A_597  : i32 {
        %parallel_loop3A_621 = arith.constant 7 : i32
        %parallel_loop3A_622 = arith.constant 0 : i32
        %parallel_loop3A_623 = arith.constant 0 : i32
        %parallel_loop3A_624 = tpu.memref_slice %arg5[%parallel_loop3A_598, %parallel_loop3A_622, %parallel_loop3A_623] : memref<2x8x1024xf32, #tpu.memory_space<vmem>> -> memref<1x8x1024xf32, #tpu.memory_space<vmem>>
        %parallel_loop3A_625 = tpu.memref_squeeze %parallel_loop3A_624 : memref<1x8x1024xf32, #tpu.memory_space<vmem>> -> memref<8x1024xf32, #tpu.memory_space<vmem>>
        %parallel_loop3A_626 = arith.index_cast %parallel_loop3A_621 : i32 to index
        %parallel_loop3A_627 = arith.index_cast %parallel_loop3A_620 : i32 to index
        %parallel_loop3A_628 = tpu.vector_load %parallel_loop3A_625[%parallel_loop3A_626, %parallel_loop3A_627] {strides = array<i32>} : memref<8x1024xf32, #tpu.memory_space<vmem>>, vector<1x16xf32>,
        %parallel_loop3A_629 = vector.shape_cast %parallel_loop3A_628 : vector<1x16xf32> to vector<16xf32>
        %parallel_loop3A_630 = arith.constant 1 : i32
        %parallel_loop3A_631 = arith.constant 0 : i32
        %parallel_loop3A_632 = arith.constant 7 : i32
        %parallel_loop3A_633 = arith.index_cast %parallel_loop3A_630 : i32 to index
        %parallel_loop3A_634 = arith.index_cast %parallel_loop3A_631 : i32 to index
        %parallel_loop3A_635 = arith.index_cast %parallel_loop3A_632 : i32 to index
        %parallel_loop3A_636 = arith.index_cast %parallel_loop3A_620 : i32 to index
        %parallel_loop3A_637 = tpu.vector_load %arg6[%parallel_loop3A_633, %parallel_loop3A_634, %parallel_loop3A_635, %parallel_loop3A_636] {strides = array<i32>} : memref<2x4x8x1024xf32, #tpu.memory_space<vmem>>, vector<1x1x1x16xf32>,
        %parallel_loop3A_638 = vector.shape_cast %parallel_loop3A_637 : vector<1x1x1x16xf32> to vector<16xf32>
        %parallel_loop3A_639 = vector.shape_cast %parallel_loop3A_629 : vector<16xf32> to vector<1x1x1x16xf32>
        tpu.vector_store %arg6[%parallel_loop3A_633, %parallel_loop3A_634, %parallel_loop3A_635, %parallel_loop3A_636], %parallel_loop3A_639 {add = true, strides = array<i32>} : memref<2x4x8x1024xf32, #tpu.memory_space<vmem>>, vector<1x1x1x16xf32>,
        %parallel_loop3A_640 = arith.constant 1 : i32
        %parallel_loop3A_641 = arith.constant 1 : i32
        %parallel_loop3A_642 = arith.constant 7 : i32
        %parallel_loop3A_643 = arith.index_cast %parallel_loop3A_640 : i32 to index
        %parallel_loop3A_644 = arith.index_cast %parallel_loop3A_641 : i32 to index
        %parallel_loop3A_645 = arith.index_cast %parallel_loop3A_642 : i32 to index
        %parallel_loop3A_646 = arith.index_cast %parallel_loop3A_620 : i32 to index
        %parallel_loop3A_647 = tpu.vector_load %arg6[%parallel_loop3A_643, %parallel_loop3A_644, %parallel_loop3A_645, %parallel_loop3A_646] {strides = array<i32>} : memref<2x4x8x1024xf32, #tpu.memory_space<vmem>>, vector<1x1x1x16xf32>,
        %parallel_loop3A_648 = vector.shape_cast %parallel_loop3A_647 : vector<1x1x1x16xf32> to vector<16xf32>
        %parallel_loop3A_649 = vector.shape_cast %parallel_loop3A_629 : vector<16xf32> to vector<1x1x1x16xf32>
        tpu.vector_store %arg6[%parallel_loop3A_643, %parallel_loop3A_644, %parallel_loop3A_645, %parallel_loop3A_646], %parallel_loop3A_649 {add = true, strides = array<i32>} : memref<2x4x8x1024xf32, #tpu.memory_space<vmem>>, vector<1x1x1x16xf32>,
        %parallel_loop3A_650 = arith.constant 1 : i32
        %parallel_loop3A_651 = arith.constant 2 : i32
        %parallel_loop3A_652 = arith.constant 7 : i32
        %parallel_loop3A_653 = arith.index_cast %parallel_loop3A_650 : i32 to index
        %parallel_loop3A_654 = arith.index_cast %parallel_loop3A_651 : i32 to index
        %parallel_loop3A_655 = arith.index_cast %parallel_loop3A_652 : i32 to index
        %parallel_loop3A_656 = arith.index_cast %parallel_loop3A_620 : i32 to index
        %parallel_loop3A_657 = tpu.vector_load %arg6[%parallel_loop3A_653, %parallel_loop3A_654, %parallel_loop3A_655, %parallel_loop3A_656] {strides = array<i32>} : memref<2x4x8x1024xf32, #tpu.memory_space<vmem>>, vector<1x1x1x16xf32>,
        %parallel_loop3A_658 = vector.shape_cast %parallel_loop3A_657 : vector<1x1x1x16xf32> to vector<16xf32>
        %parallel_loop3A_659 = vector.shape_cast %parallel_loop3A_629 : vector<16xf32> to vector<1x1x1x16xf32>
        tpu.vector_store %arg6[%parallel_loop3A_653, %parallel_loop3A_654, %parallel_loop3A_655, %parallel_loop3A_656], %parallel_loop3A_659 {add = true, strides = array<i32>} : memref<2x4x8x1024xf32, #tpu.memory_space<vmem>>, vector<1x1x1x16xf32>,
        %parallel_loop3A_660 = arith.constant 1 : i32
        %parallel_loop3A_661 = arith.constant 3 : i32
        %parallel_loop3A_662 = arith.constant 7 : i32
        %parallel_loop3A_663 = arith.index_cast %parallel_loop3A_660 : i32 to index
        %parallel_loop3A_664 = arith.index_cast %parallel_loop3A_661 : i32 to index
        %parallel_loop3A_665 = arith.index_cast %parallel_loop3A_662 : i32 to index
        %parallel_loop3A_666 = arith.index_cast %parallel_loop3A_620 : i32 to index
        %parallel_loop3A_667 = tpu.vector_load %arg6[%parallel_loop3A_663, %parallel_loop3A_664, %parallel_loop3A_665, %parallel_loop3A_666] {strides = array<i32>} : memref<2x4x8x1024xf32, #tpu.memory_space<vmem>>, vector<1x1x1x16xf32>,
        %parallel_loop3A_668 = vector.shape_cast %parallel_loop3A_667 : vector<1x1x1x16xf32> to vector<16xf32>
        %parallel_loop3A_669 = vector.shape_cast %parallel_loop3A_629 : vector<16xf32> to vector<1x1x1x16xf32>
        tpu.vector_store %arg6[%parallel_loop3A_663, %parallel_loop3A_664, %parallel_loop3A_665, %parallel_loop3A_666], %parallel_loop3A_669 {add = true, strides = array<i32>} : memref<2x4x8x1024xf32, #tpu.memory_space<vmem>>, vector<1x1x1x16xf32>,
      } {sc.loop_unroll_factor = 4 : i64, sc.parallel_access}
      %dma_start3A_599 = arith.constant 1 : i32
      %dma_start3A_600 = arith.constant 1 : i32
      %dma_start3A_601 = arith.constant 0 : i32
      %dma_start3A_602 = arith.constant 0 : i32
      %dma_start3A_603 = arith.constant 0 : i32
      %dma_start3A_604 = tpu.memref_slice %arg6[%dma_start3A_599, %dma_start3A_601, %dma_start3A_602, %dma_start3A_603] : memref<2x4x8x1024xf32, #tpu.memory_space<vmem>> -> memref<1x4x8x1024xf32, #tpu.memory_space<vmem>>
      %dma_start3A_605 = tpu.memref_squeeze %dma_start3A_604 : memref<1x4x8x1024xf32, #tpu.memory_space<vmem>> -> memref<4x8x1024xf32, #tpu.memory_space<vmem>>
      %dma_start3A_606 = arith.constant 0 : i32
      %dma_start3A_607 = arith.constant 3072 : i32
      %dma_start3A_608 = tpu.memref_slice %arg4[%dma_start3A_606, %add3A_91, %dma_start3A_607] : memref<4x8192x4096xf32, #tpu.memory_space<hbm>> -> memref<4x8x1024xf32, #tpu.memory_space<hbm>>
      %dma_start3A_609 = tpu.memref_slice %arg9[%dma_start3A_600] : memref<2x!tpu.dma_semaphore, #tpu.memory_space<semaphore_mem>> -> memref<1x!tpu.dma_semaphore, #tpu.memory_space<semaphore_mem>>
      %dma_start3A_610 = tpu.memref_squeeze %dma_start3A_609 : memref<1x!tpu.dma_semaphore, #tpu.memory_space<semaphore_mem>> -> memref<!tpu.dma_semaphore, #tpu.memory_space<semaphore_mem>>
      %dma_start3A_611 = arith.constant 0 : i32
      %dma_start3A_612 = arith.constant 3072 : i32
      %dma_start3A_613 = tpu.memref_slice %arg4[%dma_start3A_611, %add3A_91, %dma_start3A_612] : memref<4x8192x4096xf32, #tpu.memory_space<hbm>> -> memref<4x8x1024xf32, #tpu.memory_space<hbm>>
      %dma_start3A_614 = arith.constant 0 : i32
      %dma_start3A_615 = arith.constant 0 : i32
      %dma_start3A_616 = arith.constant 0 : i32
      %dma_start3A_617 = tpu.memref_slice %arg6[%dma_start3A_599, %dma_start3A_614, %dma_start3A_615, %dma_start3A_616] : memref<2x4x8x1024xf32, #tpu.memory_space<vmem>> -> memref<1x4x8x1024xf32, #tpu.memory_space<vmem>>
      %dma_start3A_618 = tpu.memref_squeeze %dma_start3A_617 : memref<1x4x8x1024xf32, #tpu.memory_space<vmem>> -> memref<4x8x1024xf32, #tpu.memory_space<vmem>>
      tpu.enqueue_dma source(%dma_start3A_618 : memref<4x8x1024xf32, #tpu.memory_space<vmem>>) target(%dma_start3A_613 : memref<4x8x1024xf32, #tpu.memory_space<hbm>>) target_semaphore(%dma_start3A_610 : memref<!tpu.dma_semaphore, #tpu.memory_space<semaphore_mem>>)
      %scan3A_619 = arith.constant 0 : i32
      scf.yield %scan3A_619 : i32
    }
    %scan3A_43 = arith.constant 32 : i32
    %dma_wait3A = arith.constant 0 : i32
    %dma_wait3A_44 = arith.constant 0 : i32
    %dma_wait3A_45 = arith.constant 0 : i32
    %dma_wait3A_46 = arith.constant 0 : i32
    %dma_wait3A_47 = arith.constant 0 : i32
    %dma_wait3A_48 = tpu.memref_slice %arg6[%dma_wait3A, %dma_wait3A_45, %dma_wait3A_46, %dma_wait3A_47] : memref<2x4x8x1024xf32, #tpu.memory_space<vmem>> -> memref<1x4x8x1024xf32, #tpu.memory_space<vmem>>
    %dma_wait3A_49 = tpu.memref_squeeze %dma_wait3A_48 : memref<1x4x8x1024xf32, #tpu.memory_space<vmem>> -> memref<4x8x1024xf32, #tpu.memory_space<vmem>>
    %dma_wait3A_50 = arith.constant 0 : i32
    %dma_wait3A_51 = arith.constant 0 : i32
    %dma_wait3A_52 = arith.constant 0 : i32
    %dma_wait3A_53 = tpu.memref_slice %arg4[%dma_wait3A_50, %dma_wait3A_51, %dma_wait3A_52] : memref<4x8192x4096xf32, #tpu.memory_space<hbm>> -> memref<4x8x1024xf32, #tpu.memory_space<hbm>>
    %dma_wait3A_54 = tpu.memref_slice %arg9[%dma_wait3A_44] : memref<2x!tpu.dma_semaphore, #tpu.memory_space<semaphore_mem>> -> memref<1x!tpu.dma_semaphore, #tpu.memory_space<semaphore_mem>>
    %dma_wait3A_55 = tpu.memref_squeeze %dma_wait3A_54 : memref<1x!tpu.dma_semaphore, #tpu.memory_space<semaphore_mem>> -> memref<!tpu.dma_semaphore, #tpu.memory_space<semaphore_mem>>
    %dma_wait3A_56 = arith.constant 0 : i32
    %dma_wait3A_57 = arith.constant 0 : i32
    %dma_wait3A_58 = arith.constant 0 : i32
    %dma_wait3A_59 = tpu.memref_slice %arg4[%dma_wait3A_56, %dma_wait3A_57, %dma_wait3A_58] : memref<4x8192x4096xf32, #tpu.memory_space<hbm>> -> memref<4x8x1024xf32, #tpu.memory_space<hbm>>
    %dma_wait3A_60 = arith.constant 0 : i32
    %dma_wait3A_61 = arith.constant 0 : i32
    %dma_wait3A_62 = arith.constant 0 : i32
    %dma_wait3A_63 = tpu.memref_slice %arg6[%dma_wait3A, %dma_wait3A_60, %dma_wait3A_61, %dma_wait3A_62] : memref<2x4x8x1024xf32, #tpu.memory_space<vmem>> -> memref<1x4x8x1024xf32, #tpu.memory_space<vmem>>
    %dma_wait3A_64 = tpu.memref_squeeze %dma_wait3A_63 : memref<1x4x8x1024xf32, #tpu.memory_space<vmem>> -> memref<4x8x1024xf32, #tpu.memory_space<vmem>>
    tpu.wait_dma2 semaphore(%dma_wait3A_55 : memref<!tpu.dma_semaphore, #tpu.memory_space<semaphore_mem>>) src(%dma_wait3A_64 : memref<4x8x1024xf32, #tpu.memory_space<vmem>>) dst(%dma_wait3A_59 : memref<4x8x1024xf32, #tpu.memory_space<hbm>>)
    %dma_wait3A_65 = arith.constant 1 : i32
    %dma_wait3A_66 = arith.constant 1 : i32
    %dma_wait3A_67 = arith.constant 0 : i32
    %dma_wait3A_68 = arith.constant 0 : i32
    %dma_wait3A_69 = arith.constant 0 : i32
    %dma_wait3A_70 = tpu.memref_slice %arg6[%dma_wait3A_65, %dma_wait3A_67, %dma_wait3A_68, %dma_wait3A_69] : memref<2x4x8x1024xf32, #tpu.memory_space<vmem>> -> memref<1x4x8x1024xf32, #tpu.memory_space<vmem>>
    %dma_wait3A_71 = tpu.memref_squeeze %dma_wait3A_70 : memref<1x4x8x1024xf32, #tpu.memory_space<vmem>> -> memref<4x8x1024xf32, #tpu.memory_space<vmem>>
    %dma_wait3A_72 = arith.constant 0 : i32
    %dma_wait3A_73 = arith.constant 0 : i32
    %dma_wait3A_74 = arith.constant 0 : i32
    %dma_wait3A_75 = tpu.memref_slice %arg4[%dma_wait3A_72, %dma_wait3A_73, %dma_wait3A_74] : memref<4x8192x4096xf32, #tpu.memory_space<hbm>> -> memref<4x8x1024xf32, #tpu.memory_space<hbm>>
    %dma_wait3A_76 = tpu.memref_slice %arg9[%dma_wait3A_66] : memref<2x!tpu.dma_semaphore, #tpu.memory_space<semaphore_mem>> -> memref<1x!tpu.dma_semaphore, #tpu.memory_space<semaphore_mem>>
    %dma_wait3A_77 = tpu.memref_squeeze %dma_wait3A_76 : memref<1x!tpu.dma_semaphore, #tpu.memory_space<semaphore_mem>> -> memref<!tpu.dma_semaphore, #tpu.memory_space<semaphore_mem>>
    %dma_wait3A_78 = arith.constant 0 : i32
    %dma_wait3A_79 = arith.constant 0 : i32
    %dma_wait3A_80 = arith.constant 0 : i32
    %dma_wait3A_81 = tpu.memref_slice %arg4[%dma_wait3A_78, %dma_wait3A_79, %dma_wait3A_80] : memref<4x8192x4096xf32, #tpu.memory_space<hbm>> -> memref<4x8x1024xf32, #tpu.memory_space<hbm>>
    %dma_wait3A_82 = arith.constant 0 : i32
    %dma_wait3A_83 = arith.constant 0 : i32
    %dma_wait3A_84 = arith.constant 0 : i32
    %dma_wait3A_85 = tpu.memref_slice %arg6[%dma_wait3A_65, %dma_wait3A_82, %dma_wait3A_83, %dma_wait3A_84] : memref<2x4x8x1024xf32, #tpu.memory_space<vmem>> -> memref<1x4x8x1024xf32, #tpu.memory_space<vmem>>
    %dma_wait3A_86 = tpu.memref_squeeze %dma_wait3A_85 : memref<1x4x8x1024xf32, #tpu.memory_space<vmem>> -> memref<4x8x1024xf32, #tpu.memory_space<vmem>>
    tpu.wait_dma2 semaphore(%dma_wait3A_77 : memref<!tpu.dma_semaphore, #tpu.memory_space<semaphore_mem>>) src(%dma_wait3A_86 : memref<4x8x1024xf32, #tpu.memory_space<vmem>>) dst(%dma_wait3A_81 : memref<4x8x1024xf32, #tpu.memory_space<hbm>>)
    return
  }
}

</mosaic_0001>

<sc_bundles>
// kernel: kernel.3.cloned.1.call-start
scs
__scs_entry_jumppad:
0x0: {  	(pc) =	sbr.rel $0x88, $3  }
0x1: {  	(tag) =	ssettag $0x0;
	lr =	simm.s32 $0x1  }
0x2: {  	[smem:$0x3F9F] =	sst lr;
	_ =	strace $0xD0000000  }
0x3: {  	_ = 	snop  }
0x4: {  	_ = 	snop  }
0x5: {  	_ = 	snop  }
0x6: {  	_ = 	snop  }
0x7: {  	_ = 	snop  }
__scs_overlays_trampoline_lowered:
0x8: {  	[smem:$0x3FAE] =	sst s0  }
0x9: {  	[smem:$0x3FAF] =	sst s1  }
0xa: {  	[smem:$0x3FB0] =	sst s2  }
0xb: {  	[smem:$0x3FB1] =	sst s3  }
0xc: {  	[smem:$0x3FB2] =	sst s4  }
0xd: {  	[smem:$0x3FB3] =	sst s5  }
0xe: {  	[smem:$0x3FB4] =	sst s6  }
0xf: {  	[smem:$0x3FB5] =	sst s7  }
0x10: {  	[smem:$0x3FB6] =	sst s8  }
0x11: {  	[smem:$0x3FB7] =	sst s9;
	s0 =	simm.s32 @!p0 $0x0  }
0x12: {  	s1 =	sld [smem:$0x3F9D];
	s0 =	simm.s32 @p0 $0x1  }
0x13: {  	[smem:$0x3FB8] =	sst s0;
	s0 =	simm.s32 @!p1 $0x0  }
0x14: {  	s2 =	sld [smem:$0x3F9C];
	s0 =	simm.s32 @p1 $0x1  }
0x15: {  	[smem:$0x3FB9] =	sst s0;
	s0 =	simm.s32 @!p2 $0x0  }
0x16: {  	s3 =	sld [smem:$0x3FDB];
	s0 =	simm.s32 @p2 $0x1  }
0x17: {  	s4 =	simm.s32 $0x1BF5;
	[smem:$0x3FBB] =	sst s0  }
0x18: {  	s0 =	sld [smem:$0x3F9E];
	_ =	swait.ge [sflag:s4], $0x0  }
0x19: {  	s7 =	sld [smem:$0x3F9F]  }
0x1a: {  	s8 =	sadd.s32 $0xFFFFE003, lr  }
0x1b: {  	s9 =	sadd.s32 $0xFFFFFEF7, lr;
	s5 =	simm.s32 $0xFFFFFFFF;
	p2 =	slt.u32 s8, $0xFFFFF086  }
0x1c: {  	p1 =	slt.u32 s9, $0xF7A;
	s5 =	simm.s32 @!p2 $0x0  }
0x1d: {  	s5 =	simm.s32 @p1 $0x1;
	p0 =	seq.s32 s7, s2  }
0x1e: {  	s7 =	smul.u32 @!p0 $0xF7A, s2;
	p2 =	seq.s32 @!p0 s5, $0x0  }
0x1f: {  	s9 =	smul.u32 $0xF7A, s1;
	s8 =	simm.s32 @!p0 $0x1BF5;
	p2 =	por !p2, p0  }
0x20: {  	[sflag:s8] =	ssyncset.s32 @!p0 $0xFFFFF086;
	s6 =	sadd.s32 @!p0 s3, s7;
	s7 =	simm.s32 @!p0 $0x108  }
0x21: {  	s3 =	sadd.s32 s3, s9;
	s6 =	sadd.s32 @!p0 $0x88, s6;
	s7 =	simm.s32 @p2 $0x1082  }
0x22: {  	[simem:s7], [sflag:s8] =	dma.local @!p0 [hbm:s6], $0xF7A  }
0x23: {  	s9 =	sor.u32 $0xD0000000, s2;
	s6 =	simm.s32 $0x108;
	_ =	swait.ge @!p0 [sflag:s8], $0x0  }
0x24: {  	s3 =	sadd.s32 $0x88, s3;
	s6 =	simm.s32 @!p1 $0x1082;
	[sflag:s4] =	ssyncset.s32 $0xFFFFF086  }
0x25: {  	[simem:s6], [sflag:s4] =	dma.local [hbm:s3], $0xF7A  }
0x26: {  	[smem:$0x3F9F] =	sst s1;
	(tag) =	ssettag s2;
	_ =	strace s9  }
0x27: {  	s1 =	sld [smem:$0x3FAF]  }
0x28: {  	s2 =	sld [smem:$0x3FB0]  }
0x29: {  	s4 =	sld [smem:$0x3FB2]  }
0x2a: {  	p0 =	seq.s32 s5, $0x0;
	s5 =	sld [smem:$0x3FB3]  }
0x2b: {  	s6 =	sld [smem:$0x3FB4]  }
0x2c: {  	s7 =	sld [smem:$0x3FB5]  }
0x2d: {  	s3 =	simm.s32 $0x108;
	s8 =	sld [smem:$0x3FB6]  }
0x2e: {  	s3 =	simm.s32 @!p0 $0x1082;
	s9 =	sld [smem:$0x3FB7]  }
0x2f: {  	lr =	sadd.s32 s0, s3;
	s0 =	sld [smem:$0x3FAE]  }
0x30: {  	s3 =	sld [smem:$0x3FB1]  }
0x31: {  	[smem:$0x3FBA] =	sst s10  }
0x32: {  	s10 =	sld [smem:$0x3FB8];
	_ =	sdelay $0x3  }
0x33: {  	p0 =	seq.s32 s10, $0x1;
	s10 =	sld [smem:$0x3FBA];
	_ =	sdelay $0x3  }
0x34: {  	[smem:$0x3FBA] =	sst s10  }
0x35: {  	s10 =	sld [smem:$0x3FB9];
	_ =	sdelay $0x3  }
0x36: {  	p1 =	seq.s32 s10, $0x1;
	s10 =	sld [smem:$0x3FBA];
	_ =	sdelay $0x3  }
0x37: {  	[smem:$0x3FBA] =	sst s10  }
0x38: {  	s10 =	sld [smem:$0x3FBB]  }
0x39: {  	_ = 	snop;
	(pc) =	sbr.ind lr, $3  }
0x3a: {  	_ = 	snop  }
0x3b: {  	_ = 	snop  }
0x3c: {  	p2 =	seq.s32 s10, $0x1;
	s10 =	sld [smem:$0x3FBA]  }
0x3d: {  	_ =	shalt  }
0x3e: {  	_ =	shalt  }
0x3f: {  	_ =	shalt  }
0x40: {  	_ =	shalt  }
0x41: {  	_ =	shalt  }
0x42: {  	_ =	shalt  }
0x43: {  	_ =	shalt  }
0x44: {  	_ =	shalt  }
0x45: {  	_ =	shalt  }
0x46: {  	_ =	shalt  }
0x47: {  	_ =	shalt  }
0x48: {  	_ =	shalt  }
0x49: {  	_ =	shalt  }
0x4a: {  	_ =	shalt  }
0x4b: {  	_ =	shalt  }
0x4c: {  	_ =	shalt  }
0x4d: {  	_ =	shalt  }
0x4e: {  	_ =	shalt  }
0x4f: {  	_ =	shalt  }
0x50: {  	_ =	shalt  }
0x51: {  	_ =	shalt  }
0x52: {  	_ =	shalt  }
0x53: {  	_ =	shalt  }
0x54: {  	_ =	shalt  }
0x55: {  	_ =	shalt  }
0x56: {  	_ =	shalt  }
0x57: {  	_ =	shalt  }
0x58: {  	_ =	shalt  }
0x59: {  	_ =	shalt  }
0x5a: {  	_ =	shalt  }
0x5b: {  	_ =	shalt  }
0x5c: {  	_ =	shalt  }
0x5d: {  	_ =	shalt  }
0x5e: {  	_ =	shalt  }
0x5f: {  	_ =	shalt  }
0x60: {  	_ =	shalt  }
0x61: {  	_ =	shalt  }
0x62: {  	_ =	shalt  }
0x63: {  	_ =	shalt  }
0x64: {  	_ =	shalt  }
0x65: {  	_ =	shalt  }
0x66: {  	_ =	shalt  }
0x67: {  	_ =	shalt  }
0x68: {  	_ =	shalt  }
0x69: {  	_ =	shalt  }
0x6a: {  	_ =	shalt  }
0x6b: {  	_ =	shalt  }
0x6c: {  	_ =	shalt  }
0x6d: {  	_ =	shalt  }
0x6e: {  	_ =	shalt  }
0x6f: {  	_ =	shalt  }
0x70: {  	_ =	shalt  }
0x71: {  	_ =	shalt  }
0x72: {  	_ =	shalt  }
0x73: {  	_ =	shalt  }
0x74: {  	_ =	shalt  }
0x75: {  	_ =	shalt  }
0x76: {  	_ =	shalt  }
0x77: {  	_ =	shalt  }
0x78: {  	_ =	shalt  }
0x79: {  	_ =	shalt  }
0x7a: {  	_ =	shalt  }
0x7b: {  	_ =	shalt  }
0x7c: {  	_ =	shalt  }
0x7d: {  	_ =	shalt  }
0x7e: {  	_ =	shalt  }
0x7f: {  	_ =	shalt  }
0x80: {  	_ =	shalt  }
0x81: {  	_ =	shalt  }
0x82: {  	_ =	shalt  }
0x83: {  	_ =	shalt  }
0x84: {  	_ =	shalt  }
0x85: {  	_ =	shalt  }
0x86: {  	_ =	shalt  }
0x87: {  	_ =	shalt  }
.Lfunc_end0:
.L_simem_size_0:
called_computation_lowered:
.L_overlay_start_0:
0x88: {  	s2 =	sld [smem:$0x3FD9]  }
0x89: {  	s3 =	sld [smem:$0x3FFE];
	_ =	sdelay $0x1  }
0x8a: {  	s1 =	srdreg.scid  }
0x8b: {  	s0 =	sand.u32 $0x1, s1  }
0x8c: {  	s18 =	sshll.u32 s0, $0xA;
	s2 =	sadd.s32 s3, s2  }
0x8d: {  	s2 =	sadd.s32 s2, s18  }
0x8e: {  	[smem:$0x3FC6] =	sst s2  }
0x8f: {  	_ = 	snop  }
0x90: {  	s2 =	sld [smem:$0x3FC9]  }
0x91: {  	s19 =	sld [smem:$0x3FC8]  }
0x92: {  	s4 =	sld [smem:$0x3FD0];
	(tm) =	ssettm $0x1  }
0x93: {  	s5 =	sld [smem:$0x3FFB];
	_ =	sdelay $0x3  }
0x94: {  	_ =	strace s5  }
0x95: {  	s5 =	sld [smem:$0x3FFC];
	_ =	sdelay $0x3  }
0x96: {  	_ =	strace s5  }
0x97: {  	s5 =	sld [smem:$0x3FFD];
	_ =	sdelay $0x3  }
0x98: {  	_ =	strace s5  }
0x99: {  	_ =	strace $0x8FFFFFFF  }
0x9a: {  	s20 =	sld [smem:$0x3FDB];
	_ =	sdelay $0x1  }
0x9b: {  	s6 =	simm.s32 $_scs_section_size  }
0x9c: {  	s7 =	simm.s32 $_size__tile_overlayer_lowered;
	s8 =	simm.s32 $_tile_overlayer_lowered  }
0x9d: {  	s23 =	simm.s32 $0x1BFF;
	s22 =	sshll.u32 s8, $0x1;
	s5 =	sadd.s32 s6, s20  }
0x9e: {  	s9 =	simm.s32 $0x0;
	s21 =	sshll.u32 s7, $0x1;
	s7 =	sadd.s32 s22, s5  }
0x9f: {  	[timem:s9], [sflag:s23] =	dma.local [hbm:s7], s21  }
0xa0: {  	_ =	swait.ge [sflag:s23], s21  }
0xa1: {  	s6 =	ssub.s32 $0x0, s21;
	[sflag:s23] =	ssyncset.done $0x0  }
0xa2: {  	[sflag:s23] =	ssyncadd.s32 s6;
	_ =	sdelay $0x1  }
0xa3: {  	s24 =	simm.s32 $0x1B8B  }
0xa4: {  	_ =	swait.ge [sflag:s24], $0x1  }
0xa5: {  	[sflag:s24] =	ssyncset.done $0x0  }
0xa6: {  	s25 =	simm.s32 $0x1B8E;
	[sflag:s24] =	ssyncadd.s32 $0xFFFFFFFF  }
0xa7: {  	s26 =	simm.s32 $execute0_lowered;
	[smem:$0x3FD2] =	sst s25  }
0xa8: {  	s6 =	sshll.u32 s26, $0x1;
	_ =	strace $0x80000046;
	[dreg:$0x1] =	wrdreg $0xFFFFFFFF  }
0xa9: {  	s28 =	simm.s32 $_size_execute0_lowered;
	s5 =	sadd.s32 s5, s6;
	[dreg:$0x0] =	wrdreg $0x0  }
0xaa: {  	s6 =	sshll.u32 s28, $0x1;
	[dreg:$0x2] =	wrdreg s5  }
0xab: {  	[dreg:$0x3] =	wrdreg s6  }
0xac: {  	[dreg:$0x4] =	wrdreg $0xC0  }
0xad: {  	_ =	task [dreg:s9], $0x5FFFF  }
0xae: {  	[dreg:$0x1] =	wrdreg $0xFFFFFFFF  }
0xaf: {  	[dreg:$0x0] =	wrdreg $0x60  }
0xb0: {  	[dreg:$0x2] =	wrdreg s2  }
0xb1: {  	[dreg:$0x3] =	wrdreg s19  }
0xb2: {  	[dreg:$0x4] =	wrdreg s4  }
0xb3: {  	[dreg:$0x5] =	wrdreg $0x9  }
0xb4: {  	_ =	task.clear_ibuf [dreg:s9], $0x6FFFF;
	_ =	strace $0x90000046  }
0xb5: {  	s29 =	simm.s32 $0x9;
	_ =	strace $0x80000048  }
0xb6: {  	_ =	swait.ge [sflag:s29], $0x1  }
0xb7: {  	[sflag:s29] =	ssyncadd.s32 $0xFFFFFFFF  }
0xb8: {  	_ =	strace $0x90000048  }
0xb9: {  	_ =	sfence  }
0xba: {  	s30 =	sld [smem:$0x0];
	_ =	sdelay $0x2  }
0xbb: {  	s31 =	sshll.u32 s1, $0xD;
	s1 =	sshrl.u32 s1, $0x2  }
0xbc: {  	s3 =	sand.u32 $0x4000, s31;
	s1 =	sadd.s32 s1, s30  }
0xbd: {  	s0 =	sor.u32 s3, s0;
	s1 =	sshll.u32 s1, $0x11  }
0xbe: {  	s0 =	sor.u32 s1, s0  }
0xbf: {  	s0 =	sadd.s32 $0x8F2B, s0  }
0xc0: {  	[sflag:s0] =	ssyncadd.remote.s32 $0x1  }
0xc1: {  	_ =	sfence.sel $0xFFFF  }
0xc2: {  	[dreg:$0x0] =	wrdreg $0xFFFFFFFF;
	(pc) =	sbr.abs _section_cstart, $3  }
0xc3: {  	[dreg:$0x1] =	wrdreg $0xFFFFFFFF  }
0xc4: {  	_ =	task.clear_ibuf [dreg:s9], $0x2FFFF;
	_ =	strace $0x9FFFFFFF  }
0xc5: {  	(tm) =	ssettm $0x7FFFFFFF  }
tec
execute0_lowered:
.L_overlay_start_1:
0x0: {  	(tag) =	ssettag $0x1  }
0x1: {  	s1 =	rddreg [dreg:$0x0]  }
0x2: {  	s2 =	rddreg [dreg:$0x1]  }
0x3: {  	s3 =	simm.s32 $0x0;
	s0 =	srdreg.scid;
	s30 =	stileid.u32  }
0x4: {  	s10 =	simm.s32 $0x2000;
	[smem:$0x7FF] =	sst s3;
	s0 =	sand.u32 $0x1, s0  }
0x5: {  	s5 =	sshll.u32 s30, $0x12;
	s4 =	ssub.s32 $0x2, s0;
	s0 =	sshll.u32 s0, $0x11  }
0x6: {  	s11 =	simm.s32 $0x2000000;
	_ =	strace $0x80000047;
	s3 =	sor.u32 s0, s5  }
0x7: {  	s6 =	sshrl.u32 s4, $0x1;
	s2 =	sadd.s32 s2, s3;
	[dreg:$0x4] =	wrdreg s3  }
0x8: {  	s31 =	ssub.s32 s4, s6;
	s1 =	sadd.s32 s1, s3;
	[dreg:$0x5] =	wrdreg s2  }
0x9: {  	s18 =	simm.s32 $0x4;
	[dreg:$0x6] =	wrdreg s1;
	s0 =	smax.u32 s31, $0x1  }
0xa: {  	s3 =	simm.s32 $0x0;
	s2 =	simm.s32 $0xC000;
	[dreg:$0x7] =	wrdreg s0  }
.LBB2_1:
0xb: {  	[dreg:$0x8] =	wrdreg s3  }
0xc: {  	s0 =	simm.s32 $0x0;
	s1 =	rddreg [dreg:$0x5]  }
0xd: {  	[tilespmem:s0], [sflag:$0x1] =	stream.linear.gather [hbm4b:s1+s0], $0x2000, $0x38;
	[tilespmem:$0x14000] =	vst v63  }
0xe: {  	s30 =	rddreg [dreg:$0x6];
	s31 =	simm.s32 $0x4000;
	s21 =	simm.s32 $0x0  }
0xf: {  	[tilespmem:s31], [sflag:$0x3] =	stream.strided.gather [hbm4b:s30+s10], $0x8000, s11, s10, $0x38;
	[tilespmem:$0x14000] =	vst v63  }
.LBB2_2:
0x10: {  	p0 =	seq.s32 s21, $0x0  }
0x11: {  	s0 =	simm.s32 @!p0 $0x6  }
0x12: {  	_ =	swait.ge @!p0 [sflag:s0], $0x8000  }
0x13: {  	s4 =	sshll.u32 s21, $0xC;
	s1 =	rddreg [dreg:$0x4];
	[sflag:s0] =	ssyncset.done @!p0 $0x0  }
0x14: {  	s22 =	sadd.s32 s1, s4;
	[sflag:s0] =	ssyncadd.s32 @!p0 $0xFFFF8000  }
0x15: {  	s23 =	sor.u32 $0x400, s22;
	s0 =	rddreg [dreg:$0x1]  }
0x16: {  	s25 =	simm.s32 $0x0;
	s8 =	rddreg [dreg:$0x0];
	s0 =	sadd.s32 s0, s23  }
0x17: {  	[tilespmem:s10], [sflag:$0x2] =	stream.linear.gather [hbm4b:s0+s25], $0x2000, $0x38;
	[tilespmem:$0x14000] =	vst v63  }
0x18: {  	s9 =	simm.s32 $0x1;
	s0 =	sadd.s32 s8, s23  }
0x19: {  	[tilespmem:s2], [sflag:$0x4] =	stream.strided.gather [hbm4b:s0+s10], $0x8000, s11, s10, $0x38;
	[tilespmem:$0x14000] =	vst v63  }
0x1a: {  	_ =	swait.ge [sflag:s9], $0x2000  }
0x1b: {  	[sflag:s9] =	ssyncset.done $0x0  }
0x1c: {  	s12 =	simm.s32 $0x3;
	s0 =	simm.s32 $0x0;
	[sflag:s9] =	ssyncadd.s32 $0xFFFFE000  }
0x1d: {  	s13 =	sand.u32 $0x40, s0;
	_ =	swait.ge [sflag:s12], $0x8000  }
0x1e: {  	s24 =	sand.u32 $0x1C00, s25;
	s5 =	sor.u32 $0x30, s13;
	[sflag:s12] =	ssyncset.done $0x0  }
0x1f: {  	s7 =	sor.u32 $0x10, s13;
	s6 =	sor.u32 s5, s24;
	[sflag:s12] =	ssyncadd.s32 $0xFFFF8000  }
0x20: {  	s8 =	sor.u32 s7, s24;
	v0 =	vld [tilespmem:s6+$0x0]  }
0x21: {  	v2 =	vld [tilespmem:s8+$0x0]  }
0x22: {  	s16 =	sor.u32 $0x20, s13  }
0x23: {  	s17 =	sor.u32 s16, s24  }
0x24: {  	s6 =	sor.u32 $0x4000, s6;
	v1 =	vld [tilespmem:s17+$0x0]  }
0x25: {  	s9 =	sor.u32 $0x6000, s24;
	s8 =	sor.u32 $0x4000, s8;
	[tilespmem:s6+$0x0] =	vst.add.f32.msk $0xffff, v0  }
0x26: {  	s14 =	sor.u32 s5, s9;
	[tilespmem:s8+$0x0] =	vst.add.f32.msk $0xffff, v2  }
0x27: {  	s20 =	sor.u32 $0x8000, s24;
	s19 =	sor.u32 s7, s9;
	[tilespmem:s14+$0x0] =	vst.add.f32.msk $0xffff, v0  }
0x28: {  	s15 =	sor.u32 s5, s20;
	[tilespmem:s19+$0x0] =	vst.add.f32.msk $0xffff, v2  }
0x29: {  	s28 =	sor.u32 $0xA000, s24;
	s26 =	sor.u32 s7, s20;
	[tilespmem:s15+$0x0] =	vst.add.f32.msk $0xffff, v0  }
0x2a: {  	s5 =	sor.u32 s5, s28;
	[tilespmem:s26+$0x0] =	vst.add.f32.msk $0xffff, v2  }
0x2b: {  	s7 =	sor.u32 s7, s28;
	[tilespmem:s5+$0x0] =	vst.add.f32.msk $0xffff, v0  }
0x2c: {  	s29 =	sor.u32 s13, s24;
	[tilespmem:s7+$0x0] =	vst.add.f32.msk $0xffff, v2  }
0x2d: {  	s5 =	sor.u32 $0x4000, s17;
	v0 =	vld [tilespmem:s29+$0x0]  }
0x2e: {  	s4 =	simm.s32 $0x0;
	s30 =	sor.u32 s16, s9;
	[tilespmem:s5+$0x0] =	vst.add.f32.msk $0xffff, v1  }
0x2f: {  	s31 =	sor.u32 s16, s20;
	s6 =	sor.u32 s16, s28;
	s8 =	sor.u32 s13, s20;
	[tilespmem:s30+$0x0] =	vst.add.f32.msk $0xffff, v1  }
0x30: {  	s26 =	sor.u32 s13, s9;
	s7 =	sor.u32 $0x4000, s29;
	s5 =	sor.u32 s13, s28;
	[tilespmem:s31+$0x0] =	vst.add.f32.msk $0xffff, v1  }
.LBB2_3:
0x31: {  	s0 =	sadd.s32 $0x40, s0;
	[tilespmem:s6+$0x0] =	vst.add.f32.msk $0xffff, v1  }
0x32: {  	s4 =	sadd.s32 $0x200, s4;
	s9 =	sand.u32 $0x40, s0;
	[tilespmem:s7+$0x0] =	vst.add.f32.msk $0xffff, v0  }
0x33: {  	s6 =	sand.u32 $0x1C00, s4;
	s20 =	sor.u32 $0x10, s9;
	s28 =	sor.u32 $0x30, s9;
	[tilespmem:s26+$0x0] =	vst.add.f32.msk $0xffff, v0  }
0x34: {  	s29 =	sor.u32 $0x20, s9;
	s26 =	sor.u32 s20, s6;
	s30 =	sor.u32 s28, s6;
	[tilespmem:s8+$0x0] =	vst.add.f32.msk $0xffff, v0  }
0x35: {  	s8 =	sor.u32 s9, s6;
	s12 =	sor.u32 s29, s6;
	s31 =	sor.u32 $0x4000, s26;
	v2 =	vld [tilespmem:s30+$0x0]  }
0x36: {  	p0 =	slt.u32 s0, $0x3C0;
	s7 =	sor.u32 $0x4000, s8;
	s16 =	sor.u32 $0x4000, s12;
	v3 =	vld [tilespmem:s26+$0x0]  }
0x37: {  	v1 =	vld [tilespmem:s12+$0x0]  }
0x38: {  	v4 =	vld [tilespmem:s8+$0x0]  }
0x39: {  	s12 =	sor.u32 $0x4000, s30;
	s8 =	sor.u32 $0x6000, s6;
	[tilespmem:s5+$0x0] =	vst.add.f32.msk $0xffff, v0  }
0x3a: {  	s5 =	sor.u32 $0x8000, s6;
	s30 =	sor.u32 s20, s8;
	[tilespmem:s12+$0x0] =	vst.add.f32.msk $0xffff, v2;
	s12 =	sor.u32 s28, s8  }
0x3b: {  	s19 =	sor.u32 $0xA000, s6;
	s1 =	sor.u32 s20, s5;
	s6 =	sor.u32 s28, s5;
	[tilespmem:s12+$0x0] =	vst.add.f32.msk $0xffff, v2  }
0x3c: {  	s28 =	sor.u32 s28, s19;
	s12 =	sor.u32 s20, s19;
	s20 =	sor.u32 s29, s8;
	[tilespmem:s6+$0x0] =	vst.add.f32.msk $0xffff, v2  }
0x3d: {  	s26 =	sor.u32 s9, s8;
	s3 =	sor.u32 s29, s5;
	s6 =	sor.u32 s29, s19;
	[tilespmem:s28+$0x0] =	vst.add.f32.msk $0xffff, v2;
	v0 =	vmov v4  }
0x3e: {  	s8 =	sor.u32 s9, s5;
	s5 =	sor.u32 s9, s19;
	[tilespmem:s31+$0x0] =	vst.add.f32.msk $0xffff, v3  }
0x3f: {  	[tilespmem:s30+$0x0] =	vst.add.f32.msk $0xffff, v3  }
.Ltmp0:
0x40: {  	[tilespmem:s1+$0x0] =	vst.add.f32.msk $0xffff, v3;
	(pc) =	sbr.rel @p0 .LBB2_3-.Ltmp0, $4  }
0x41: {  	[tilespmem:s12+$0x0] =	vst.add.f32.msk $0xffff, v3  }
0x42: {  	[tilespmem:s16+$0x0] =	vst.add.f32.msk $0xffff, v1  }
0x43: {  	[tilespmem:s20+$0x0] =	vst.add.f32.msk $0xffff, v1  }
0x44: {  	[tilespmem:s3+$0x0] =	vst.add.f32.msk $0xffff, v1  }
0x45: {  	[tilespmem:s6+$0x0] =	vst.add.f32.msk $0xffff, v1  }
0x46: {  	[tilespmem:s7+$0x0] =	vst.add.f32.msk $0xffff, v0;
	s0 =	simm.s32 $0x0  }
0x47: {  	[tilespmem:s26+$0x0] =	vst.add.f32.msk $0xffff, v0;
	s1 =	sand.u32 $0x40, s0  }
0x48: {  	[tilespmem:s8+$0x0] =	vst.add.f32.msk $0xffff, v0;
	s3 =	sor.u32 $0x30, s1  }
0x49: {  	s7 =	sor.u32 $0x10, s1;
	[tilespmem:s5+$0x0] =	vst.add.f32.msk $0xffff, v0;
	s4 =	sor.u32 s3, s24  }
0x4a: {  	s13 =	sor.u32 $0x20, s1;
	s8 =	sor.u32 s7, s24;
	v2 =	vld [tilespmem:s4+$0x80]  }
0x4b: {  	s14 =	sor.u32 s13, s24;
	v3 =	vld [tilespmem:s8+$0x80]  }
0x4c: {  	v1 =	vld [tilespmem:s14+$0x80]  }
0x4d: {  	s9 =	sor.u32 s1, s24  }
0x4e: {  	v0 =	vld [tilespmem:s9+$0x80];
	s4 =	sor.u32 $0x4080, s4  }
0x4f: {  	s20 =	sor.u32 $0x4080, s8;
	[tilespmem:s4+$0x0] =	vst.add.f32.msk $0xffff, v2  }
0x50: {  	s12 =	sor.u32 $0x6080, s24;
	s29 =	sor.u32 $0x4080, s14;
	[tilespmem:s20+$0x0] =	vst.add.f32.msk $0xffff, v3  }
0x51: {  	s15 =	sor.u32 s3, s12;
	[tilespmem:s29+$0x0] =	vst.add.f32.msk $0xffff, v1  }
0x52: {  	s16 =	sor.u32 $0x8080, s24;
	s19 =	sor.u32 $0xA080, s24;
	s24 =	sor.u32 s7, s12;
	[tilespmem:s15+$0x0] =	vst.add.f32.msk $0xffff, v2  }
0x53: {  	s30 =	sor.u32 s13, s12;
	[tilespmem:s24+$0x0] =	vst.add.f32.msk $0xffff, v3  }
0x54: {  	s17 =	sor.u32 s3, s16;
	[tilespmem:s30+$0x0] =	vst.add.f32.msk $0xffff, v1  }
0x55: {  	s26 =	sor.u32 s7, s16;
	[tilespmem:s17+$0x0] =	vst.add.f32.msk $0xffff, v2  }
0x56: {  	s31 =	sor.u32 s13, s16;
	[tilespmem:s26+$0x0] =	vst.add.f32.msk $0xffff, v3  }
0x57: {  	s3 =	sor.u32 s3, s19;
	[tilespmem:s31+$0x0] =	vst.add.f32.msk $0xffff, v1  }
0x58: {  	s28 =	sor.u32 s7, s19;
	s7 =	sor.u32 s1, s12;
	s6 =	sor.u32 s13, s19;
	[tilespmem:s3+$0x0] =	vst.add.f32.msk $0xffff, v2  }
0x59: {  	s5 =	sor.u32 s1, s19;
	s8 =	sor.u32 s1, s16;
	s4 =	sor.u32 $0x4080, s9;
	[tilespmem:s28+$0x0] =	vst.add.f32.msk $0xffff, v3  }
.LBB2_5:
0x5a: {  	s0 =	sadd.s32 $0x40, s0;
	[tilespmem:s6+$0x0] =	vst.add.f32.msk $0xffff, v1  }
0x5b: {  	s25 =	sadd.s32 $0x200, s25;
	s1 =	sand.u32 $0x40, s0;
	[tilespmem:s4+$0x0] =	vst.add.f32.msk $0xffff, v0  }
0x5c: {  	s3 =	sand.u32 $0x1C00, s25;
	s6 =	sor.u32 $0x10, s1;
	s9 =	sor.u32 $0x30, s1;
	[tilespmem:s7+$0x0] =	vst.add.f32.msk $0xffff, v0  }
0x5d: {  	s12 =	sor.u32 $0x20, s1;
	s7 =	sor.u32 s6, s3;
	s16 =	sor.u32 s9, s3;
	[tilespmem:s8+$0x0] =	vst.add.f32.msk $0xffff, v0  }
0x5e: {  	s8 =	sor.u32 s1, s3;
	s20 =	sor.u32 s12, s3;
	s19 =	sor.u32 $0x4080, s7;
	v2 =	vld [tilespmem:s16+$0x80]  }
0x5f: {  	p0 =	slt.u32 s0, $0x3C0;
	s4 =	sor.u32 $0x4080, s8;
	s26 =	sor.u32 $0x4080, s20;
	v3 =	vld [tilespmem:s7+$0x80]  }
0x60: {  	v1 =	vld [tilespmem:s20+$0x80]  }
0x61: {  	s24 =	simm.s32 $0x0;
	v4 =	vld [tilespmem:s8+$0x80]  }
0x62: {  	s7 =	sor.u32 $0x6080, s3;
	s8 =	sor.u32 $0x4080, s16;
	[tilespmem:s5+$0x0] =	vst.add.f32.msk $0xffff, v0  }
0x63: {  	s16 =	sor.u32 s6, s7;
	s5 =	sor.u32 $0x8080, s3;
	[tilespmem:s8+$0x0] =	vst.add.f32.msk $0xffff, v2;
	s8 =	sor.u32 s9, s7  }
0x64: {  	s3 =	sor.u32 $0xA080, s3;
	s20 =	sor.u32 s6, s5;
	[tilespmem:s8+$0x0] =	vst.add.f32.msk $0xffff, v2;
	s8 =	sor.u32 s9, s5  }
0x65: {  	s29 =	sor.u32 s12, s7;
	s28 =	sor.u32 s6, s3;
	[tilespmem:s8+$0x0] =	vst.add.f32.msk $0xffff, v2;
	s8 =	sor.u32 s9, s3  }
0x66: {  	s7 =	sor.u32 s1, s7;
	s6 =	sor.u32 s12, s3;
	s9 =	sor.u32 s12, s5;
	[tilespmem:s8+$0x0] =	vst.add.f32.msk $0xffff, v2;
	v0 =	vmov v4  }
0x67: {  	s8 =	sor.u32 s1, s5;
	s5 =	sor.u32 s1, s3;
	[tilespmem:s19+$0x0] =	vst.add.f32.msk $0xffff, v3  }
0x68: {  	[tilespmem:s16+$0x0] =	vst.add.f32.msk $0xffff, v3  }
.Ltmp1:
0x69: {  	[tilespmem:s20+$0x0] =	vst.add.f32.msk $0xffff, v3;
	(pc) =	sbr.rel @p0 .LBB2_5-.Ltmp1, $4  }
0x6a: {  	[tilespmem:s28+$0x0] =	vst.add.f32.msk $0xffff, v3  }
0x6b: {  	[tilespmem:s26+$0x0] =	vst.add.f32.msk $0xffff, v1  }
0x6c: {  	[tilespmem:s29+$0x0] =	vst.add.f32.msk $0xffff, v1  }
0x6d: {  	[tilespmem:s9+$0x0] =	vst.add.f32.msk $0xffff, v1  }
0x6e: {  	[tilespmem:s6+$0x0] =	vst.add.f32.msk $0xffff, v1  }
0x6f: {  	[tilespmem:s4+$0x0] =	vst.add.f32.msk $0xffff, v0;
	s0 =	simm.s32 $0x0  }
0x70: {  	[tilespmem:s7+$0x0] =	vst.add.f32.msk $0xffff, v0;
	s1 =	sand.u32 $0x40, s0  }
0x71: {  	s25 =	sand.u32 $0x1C00, s24;
	[tilespmem:s8+$0x0] =	vst.add.f32.msk $0xffff, v0;
	s3 =	sor.u32 $0x30, s1  }
0x72: {  	s30 =	sor.u32 $0x10, s1;
	[tilespmem:s5+$0x0] =	vst.add.f32.msk $0xffff, v0;
	s29 =	sor.u32 s3, s25  }
0x73: {  	s2 =	sor.u32 $0x20, s1;
	s31 =	sor.u32 s30, s25;
	v2 =	vld [tilespmem:s29+$0x100]  }
0x74: {  	s13 =	sor.u32 s2, s25;
	v3 =	vld [tilespmem:s31+$0x100]  }
0x75: {  	v1 =	vld [tilespmem:s13+$0x100]  }
0x76: {  	s9 =	sor.u32 s1, s25  }
0x77: {  	v0 =	vld [tilespmem:s9+$0x100];
	s4 =	sor.u32 $0x4100, s29  }
0x78: {  	s17 =	sor.u32 $0x4100, s31;
	[tilespmem:s4+$0x0] =	vst.add.f32.msk $0xffff, v2  }
0x79: {  	s12 =	sor.u32 $0x6100, s25;
	s29 =	sor.u32 $0x4100, s13;
	[tilespmem:s17+$0x0] =	vst.add.f32.msk $0xffff, v3  }
0x7a: {  	s14 =	sor.u32 s3, s12;
	[tilespmem:s29+$0x0] =	vst.add.f32.msk $0xffff, v1  }
0x7b: {  	s16 =	sor.u32 $0x8100, s25;
	s19 =	sor.u32 $0xA100, s25;
	s20 =	sor.u32 s30, s12;
	[tilespmem:s14+$0x0] =	vst.add.f32.msk $0xffff, v2  }
0x7c: {  	s26 =	sor.u32 s30, s16;
	s28 =	sor.u32 s30, s19;
	s30 =	sor.u32 s2, s12;
	[tilespmem:s20+$0x0] =	vst.add.f32.msk $0xffff, v3  }
0x7d: {  	s15 =	sor.u32 s3, s16;
	[tilespmem:s30+$0x0] =	vst.add.f32.msk $0xffff, v1  }
0x7e: {  	[tilespmem:s15+$0x0] =	vst.add.f32.msk $0xffff, v2  }
0x7f: {  	s31 =	sor.u32 s2, s16;
	[tilespmem:s26+$0x0] =	vst.add.f32.msk $0xffff, v3  }
0x80: {  	s3 =	sor.u32 s3, s19;
	[tilespmem:s31+$0x0] =	vst.add.f32.msk $0xffff, v1  }
0x81: {  	s8 =	sor.u32 s1, s12;
	s7 =	sor.u32 s1, s19;
	s5 =	sor.u32 $0x4100, s9;
	[tilespmem:s3+$0x0] =	vst.add.f32.msk $0xffff, v2  }
0x82: {  	s6 =	sor.u32 s2, s19;
	s4 =	simm.s32 $0x0;
	s26 =	sor.u32 s1, s16;
	[tilespmem:s28+$0x0] =	vst.add.f32.msk $0xffff, v3  }
.LBB2_7:
0x83: {  	s0 =	sadd.s32 $0x40, s0;
	[tilespmem:s6+$0x0] =	vst.add.f32.msk $0xffff, v1  }
0x84: {  	s4 =	sadd.s32 $0x200, s4;
	s1 =	sand.u32 $0x40, s0;
	[tilespmem:s5+$0x0] =	vst.add.f32.msk $0xffff, v0  }
0x85: {  	s3 =	sand.u32 $0x1C00, s4;
	s6 =	sor.u32 $0x10, s1;
	s9 =	sor.u32 $0x30, s1;
	[tilespmem:s8+$0x0] =	vst.add.f32.msk $0xffff, v0  }
0x86: {  	s12 =	sor.u32 $0x20, s1;
	s8 =	sor.u32 s6, s3;
	s16 =	sor.u32 s9, s3;
	[tilespmem:s26+$0x0] =	vst.add.f32.msk $0xffff, v0  }
0x87: {  	s19 =	sor.u32 s1, s3;
	s26 =	sor.u32 s12, s3;
	s20 =	sor.u32 $0x4100, s8;
	v2 =	vld [tilespmem:s16+$0x100]  }
0x88: {  	p0 =	slt.u32 s0, $0x3C0;
	s5 =	sor.u32 $0x4100, s19;
	s28 =	sor.u32 $0x4100, s26;
	v3 =	vld [tilespmem:s8+$0x100]  }
0x89: {  	v1 =	vld [tilespmem:s26+$0x100]  }
0x8a: {  	v4 =	vld [tilespmem:s19+$0x100]  }
0x8b: {  	s16 =	sor.u32 $0x4100, s16;
	s8 =	sor.u32 $0x6100, s3;
	[tilespmem:s7+$0x0] =	vst.add.f32.msk $0xffff, v0  }
0x8c: {  	s19 =	sor.u32 s6, s8;
	s7 =	sor.u32 $0x8100, s3;
	[tilespmem:s16+$0x0] =	vst.add.f32.msk $0xffff, v2;
	s16 =	sor.u32 s9, s8  }
0x8d: {  	s3 =	sor.u32 $0xA100, s3;
	s29 =	sor.u32 s6, s7;
	[tilespmem:s16+$0x0] =	vst.add.f32.msk $0xffff, v2;
	s16 =	sor.u32 s9, s7  }
0x8e: {  	s31 =	sor.u32 s12, s8;
	s30 =	sor.u32 s6, s3;
	s9 =	sor.u32 s9, s3;
	[tilespmem:s16+$0x0] =	vst.add.f32.msk $0xffff, v2  }
0x8f: {  	s8 =	sor.u32 s1, s8;
	s6 =	sor.u32 s12, s3;
	s16 =	sor.u32 s12, s7;
	[tilespmem:s9+$0x0] =	vst.add.f32.msk $0xffff, v2;
	v0 =	vmov v4  }
0x90: {  	s26 =	sor.u32 s1, s7;
	s7 =	sor.u32 s1, s3;
	[tilespmem:s20+$0x0] =	vst.add.f32.msk $0xffff, v3  }
0x91: {  	[tilespmem:s19+$0x0] =	vst.add.f32.msk $0xffff, v3  }
.Ltmp2:
0x92: {  	[tilespmem:s29+$0x0] =	vst.add.f32.msk $0xffff, v3;
	(pc) =	sbr.rel @p0 .LBB2_7-.Ltmp2, $4  }
0x93: {  	[tilespmem:s30+$0x0] =	vst.add.f32.msk $0xffff, v3  }
0x94: {  	[tilespmem:s28+$0x0] =	vst.add.f32.msk $0xffff, v1  }
0x95: {  	[tilespmem:s31+$0x0] =	vst.add.f32.msk $0xffff, v1  }
0x96: {  	[tilespmem:s16+$0x0] =	vst.add.f32.msk $0xffff, v1  }
0x97: {  	[tilespmem:s6+$0x0] =	vst.add.f32.msk $0xffff, v1  }
0x98: {  	[tilespmem:s5+$0x0] =	vst.add.f32.msk $0xffff, v0;
	s0 =	simm.s32 $0x0  }
0x99: {  	[tilespmem:s8+$0x0] =	vst.add.f32.msk $0xffff, v0;
	s1 =	sand.u32 $0x40, s0  }
0x9a: {  	[tilespmem:s26+$0x0] =	vst.add.f32.msk $0xffff, v0;
	s3 =	sor.u32 $0x30, s1  }
0x9b: {  	s13 =	sor.u32 $0x20, s1;
	[tilespmem:s7+$0x0] =	vst.add.f32.msk $0xffff, v0;
	s4 =	sor.u32 s3, s25  }
0x9c: {  	s14 =	sor.u32 s13, s25;
	v2 =	vld [tilespmem:s4+$0x180]  }
0x9d: {  	s7 =	sor.u32 $0x10, s1;
	v1 =	vld [tilespmem:s14+$0x180]  }
0x9e: {  	s8 =	sor.u32 s7, s25  }
0x9f: {  	s9 =	sor.u32 s1, s25;
	v3 =	vld [tilespmem:s8+$0x180]  }
0xa0: {  	v0 =	vld [tilespmem:s9+$0x180];
	s4 =	sor.u32 $0x4180, s4  }
0xa1: {  	s12 =	sor.u32 $0x6180, s25;
	s29 =	sor.u32 $0x4180, s14;
	[tilespmem:s4+$0x0] =	vst.add.f32.msk $0xffff, v2  }
0xa2: {  	s15 =	sor.u32 s3, s12;
	[tilespmem:s29+$0x0] =	vst.add.f32.msk $0xffff, v1  }
0xa3: {  	s20 =	sor.u32 $0x4180, s8;
	[tilespmem:s15+$0x0] =	vst.add.f32.msk $0xffff, v2  }
0xa4: {  	s16 =	sor.u32 $0x8180, s25;
	s30 =	sor.u32 s13, s12;
	[tilespmem:s20+$0x0] =	vst.add.f32.msk $0xffff, v3  }
0xa5: {  	s17 =	sor.u32 s3, s16;
	[tilespmem:s30+$0x0] =	vst.add.f32.msk $0xffff, v1  }
0xa6: {  	s19 =	sor.u32 $0xA180, s25;
	s25 =	sor.u32 s7, s12;
	[tilespmem:s17+$0x0] =	vst.add.f32.msk $0xffff, v2  }
0xa7: {  	s31 =	sor.u32 s13, s16;
	[tilespmem:s25+$0x0] =	vst.add.f32.msk $0xffff, v3  }
0xa8: {  	s3 =	sor.u32 s3, s19;
	[tilespmem:s31+$0x0] =	vst.add.f32.msk $0xffff, v1  }
0xa9: {  	p0 =	por $0x0, $0x0;
	s26 =	sor.u32 s7, s16;
	[tilespmem:s3+$0x0] =	vst.add.f32.msk $0xffff, v2  }
0xaa: {  	s5 =	sor.u32 s1, s19;
	s6 =	sor.u32 s13, s19;
	s28 =	sor.u32 s7, s19;
	[tilespmem:s26+$0x0] =	vst.add.f32.msk $0xffff, v3  }
0xab: {  	s7 =	sor.u32 s1, s12;
	s8 =	sor.u32 s1, s16;
	s4 =	sor.u32 $0x4180, s9;
	[tilespmem:s28+$0x0] =	vst.add.f32.msk $0xffff, v3  }
.LBB2_9:
0xac: {  	s0 =	sadd.s32 $0x40, s0;
	[tilespmem:s6+$0x0] =	vst.add.f32.msk $0xffff, v1  }
0xad: {  	s24 =	sadd.s32 $0x200, s24;
	s1 =	sand.u32 $0x40, s0;
	[tilespmem:s4+$0x0] =	vst.add.f32.msk $0xffff, v0  }
0xae: {  	s3 =	sand.u32 $0x1C00, s24;
	s6 =	sor.u32 $0x10, s1;
	s9 =	sor.u32 $0x30, s1;
	[tilespmem:s7+$0x0] =	vst.add.f32.msk $0xffff, v0  }
0xaf: {  	s12 =	sor.u32 $0x20, s1;
	s7 =	sor.u32 s6, s3;
	s16 =	sor.u32 s9, s3;
	[tilespmem:s8+$0x0] =	vst.add.f32.msk $0xffff, v0  }
0xb0: {  	s8 =	sor.u32 s1, s3;
	s20 =	sor.u32 s12, s3;
	s19 =	sor.u32 $0x4180, s7;
	v2 =	vld [tilespmem:s16+$0x180]  }
0xb1: {  	p1 =	slt.u32 s0, $0x3C0;
	s4 =	sor.u32 $0x4180, s8;
	s26 =	sor.u32 $0x4180, s20;
	v3 =	vld [tilespmem:s7+$0x180]  }
0xb2: {  	v1 =	vld [tilespmem:s20+$0x180]  }
0xb3: {  	s25 =	simm.s32 $0x0;
	v4 =	vld [tilespmem:s8+$0x180]  }
0xb4: {  	s7 =	sor.u32 $0x6180, s3;
	s8 =	sor.u32 $0x4180, s16;
	[tilespmem:s5+$0x0] =	vst.add.f32.msk $0xffff, v0  }
0xb5: {  	s16 =	sor.u32 s6, s7;
	s5 =	sor.u32 $0x8180, s3;
	[tilespmem:s8+$0x0] =	vst.add.f32.msk $0xffff, v2;
	s8 =	sor.u32 s9, s7  }
0xb6: {  	s3 =	sor.u32 $0xA180, s3;
	s20 =	sor.u32 s6, s5;
	[tilespmem:s8+$0x0] =	vst.add.f32.msk $0xffff, v2;
	s8 =	sor.u32 s9, s5  }
0xb7: {  	s29 =	sor.u32 s12, s7;
	s28 =	sor.u32 s6, s3;
	[tilespmem:s8+$0x0] =	vst.add.f32.msk $0xffff, v2;
	s8 =	sor.u32 s9, s3  }
0xb8: {  	s7 =	sor.u32 s1, s7;
	s6 =	sor.u32 s12, s3;
	s9 =	sor.u32 s12, s5;
	[tilespmem:s8+$0x0] =	vst.add.f32.msk $0xffff, v2;
	v0 =	vmov v4  }
0xb9: {  	s8 =	sor.u32 s1, s5;
	s5 =	sor.u32 s1, s3;
	[tilespmem:s19+$0x0] =	vst.add.f32.msk $0xffff, v3  }
0xba: {  	[tilespmem:s16+$0x0] =	vst.add.f32.msk $0xffff, v3  }
.Ltmp3:
0xbb: {  	[tilespmem:s20+$0x0] =	vst.add.f32.msk $0xffff, v3;
	(pc) =	sbr.rel @p1 .LBB2_9-.Ltmp3, $4  }
0xbc: {  	[tilespmem:s28+$0x0] =	vst.add.f32.msk $0xffff, v3  }
0xbd: {  	[tilespmem:s26+$0x0] =	vst.add.f32.msk $0xffff, v1  }
0xbe: {  	[tilespmem:s29+$0x0] =	vst.add.f32.msk $0xffff, v1  }
0xbf: {  	[tilespmem:s9+$0x0] =	vst.add.f32.msk $0xffff, v1  }
0xc0: {  	s0 =	simm.s32 $0x1  }
0xc1: {  	[tilespmem:s6+$0x0] =	vst.add.f32.msk $0xffff, v1;
	s0 =	simm.s32 @!p0 $0x0  }
0xc2: {  	[tilespmem:s4+$0x0] =	vst.add.f32.msk $0xffff, v0;
	s0 =	sshll.u32 s0, $0x6  }
0xc3: {  	[tilespmem:s7+$0x0] =	vst.add.f32.msk $0xffff, v0;
	s24 =	sadd.s32 $0x0, s0  }
0xc4: {  	[tilespmem:s8+$0x0] =	vst.add.f32.msk $0xffff, v0;
	s28 =	sadd.s32 $0x30, s24  }
0xc5: {  	[tilespmem:s5+$0x0] =	vst.add.f32.msk $0xffff, v0;
	s29 =	sadd.s32 $0x10, s24;
	s1 =	sor.u32 $0x200, s28  }
0xc6: {  	s30 =	sadd.s32 $0x20, s24;
	s3 =	sor.u32 $0x200, s29;
	v2 =	vld [tilespmem:s1+$0x0]  }
0xc7: {  	s4 =	sor.u32 $0x200, s30;
	v3 =	vld [tilespmem:s3+$0x0]  }
0xc8: {  	v1 =	vld [tilespmem:s4+$0x0]  }
0xc9: {  	s31 =	sor.u32 $0x200, s24  }
0xca: {  	s0 =	simm.s32 $0x0;
	v0 =	vld [tilespmem:s31+$0x0]  }
0xcb: {  	s26 =	sand.u32 $0x1C00, s25;
	s5 =	sand.u32 $0x40, s0;
	[tilespmem:s1+$0x4000] =	vst.add.f32.msk $0xffff, v2  }
0xcc: {  	s6 =	sor.u32 $0x6200, s26;
	s20 =	sor.u32 $0x30, s5;
	[tilespmem:s3+$0x4000] =	vst.add.f32.msk $0xffff, v3  }
0xcd: {  	s13 =	sor.u32 $0x10, s5;
	s2 =	sor.u32 s20, s6;
	[tilespmem:s4+$0x4000] =	vst.add.f32.msk $0xffff, v1  }
0xce: {  	s17 =	sor.u32 $0x20, s5;
	s14 =	sor.u32 s13, s6;
	[tilespmem:s2+$0x0] =	vst.add.f32.msk $0xffff, v2  }
0xcf: {  	s12 =	sor.u32 $0x8200, s26;
	s19 =	sor.u32 s17, s6;
	[tilespmem:s14+$0x0] =	vst.add.f32.msk $0xffff, v3  }
0xd0: {  	s8 =	sor.u32 s20, s12;
	[tilespmem:s19+$0x0] =	vst.add.f32.msk $0xffff, v1  }
0xd1: {  	s16 =	sor.u32 $0xA200, s26;
	s15 =	sor.u32 s13, s12;
	[tilespmem:s8+$0x0] =	vst.add.f32.msk $0xffff, v2  }
0xd2: {  	p1 =	por !p0, !p0;
	s9 =	sor.u32 s20, s16;
	s7 =	sor.u32 s13, s16;
	[tilespmem:s15+$0x0] =	vst.add.f32.msk $0xffff, v3  }
0xd3: {  	s20 =	sor.u32 s17, s12;
	s4 =	simm.s32 $0x0;
	s8 =	sor.u32 s5, s6;
	[tilespmem:s9+$0x0] =	vst.add.f32.msk $0xffff, v2  }
0xd4: {  	[tilespmem:s7+$0x0] =	vst.add.f32.msk $0xffff, v3;
	s9 =	sor.u32 s17, s16;
	s7 =	sor.u32 s5, s12;
	s5 =	sor.u32 s5, s16  }
.LBB2_11:
0xd5: {  	s1 =	simm.s32 $0x1  }
0xd6: {  	[tilespmem:s20+$0x0] =	vst.add.f32.msk $0xffff, v1;
	s1 =	simm.s32 @!p1 $0x0  }
0xd7: {  	s4 =	sadd.s32 $0x200, s4;
	s1 =	sshll.u32 s1, $0x6;
	[tilespmem:s9+$0x0] =	vst.add.f32.msk $0xffff, v1  }
0xd8: {  	s1 =	sadd.s32 s1, s4;
	[tilespmem:s31+$0x4000] =	vst.add.f32.msk $0xffff, v0  }
0xd9: {  	s3 =	sadd.s32 $0x10, s1;
	s6 =	sadd.s32 $0x20, s1;
	s9 =	sadd.s32 $0x30, s1;
	[tilespmem:s8+$0x0] =	vst.add.f32.msk $0xffff, v0  }
0xda: {  	s3 =	sor.u32 $0x200, s3;
	s6 =	sor.u32 $0x200, s6;
	s8 =	sor.u32 $0x200, s9;
	[tilespmem:s7+$0x0] =	vst.add.f32.msk $0xffff, v0  }
0xdb: {  	s31 =	sor.u32 $0x200, s1;
	v2 =	vld [tilespmem:s8+$0x0]  }
0xdc: {  	v3 =	vld [tilespmem:s3+$0x0]  }
0xdd: {  	s0 =	sadd.s32 $0x40, s0;
	v1 =	vld [tilespmem:s6+$0x0]  }
0xde: {  	p2 =	slt.u32 s0, $0x3C0;
	s1 =	sand.u32 $0x40, s0;
	s7 =	sand.u32 $0x1C00, s4;
	v4 =	vld [tilespmem:s31+$0x0]  }
0xdf: {  	s9 =	sor.u32 $0x10, s1;
	s16 =	sor.u32 $0x30, s1;
	s12 =	sor.u32 $0x6200, s7;
	[tilespmem:s5+$0x0] =	vst.add.f32.msk $0xffff, v0  }
0xe0: {  	s19 =	sor.u32 $0x20, s1;
	s5 =	sor.u32 $0x8200, s7;
	[tilespmem:s8+$0x4000] =	vst.add.f32.msk $0xffff, v2;
	s8 =	sor.u32 s16, s12  }
0xe1: {  	s2 =	sor.u32 $0xA200, s7;
	s13 =	sor.u32 s9, s12;
	s7 =	sor.u32 s16, s5;
	[tilespmem:s8+$0x0] =	vst.add.f32.msk $0xffff, v2  }
0xe2: {  	s15 =	sor.u32 s9, s2;
	s14 =	sor.u32 s9, s5;
	[tilespmem:s7+$0x0] =	vst.add.f32.msk $0xffff, v2;
	s7 =	sor.u32 s16, s2  }
0xe3: {  	s20 =	sor.u32 s19, s5;
	s9 =	sor.u32 s19, s2;
	s16 =	sor.u32 s19, s12;
	[tilespmem:s7+$0x0] =	vst.add.f32.msk $0xffff, v2;
	v0 =	vmov v4  }
0xe4: {  	s8 =	sor.u32 s1, s12;
	s7 =	sor.u32 s1, s5;
	s5 =	sor.u32 s1, s2;
	[tilespmem:s3+$0x4000] =	vst.add.f32.msk $0xffff, v3  }
.Ltmp4:
0xe5: {  	[tilespmem:s13+$0x0] =	vst.add.f32.msk $0xffff, v3;
	(pc) =	sbr.rel @p2 .LBB2_11-.Ltmp4, $4  }
0xe6: {  	[tilespmem:s14+$0x0] =	vst.add.f32.msk $0xffff, v3  }
0xe7: {  	[tilespmem:s15+$0x0] =	vst.add.f32.msk $0xffff, v3  }
0xe8: {  	[tilespmem:s6+$0x4000] =	vst.add.f32.msk $0xffff, v1  }
0xe9: {  	p1 =	por !p1, !p1;
	[tilespmem:s16+$0x0] =	vst.add.f32.msk $0xffff, v1  }
0xea: {  	[tilespmem:s20+$0x0] =	vst.add.f32.msk $0xffff, v1  }
0xeb: {  	[tilespmem:s31+$0x4000] =	vst.add.f32.msk $0xffff, v0  }
0xec: {  	[tilespmem:s9+$0x0] =	vst.add.f32.msk $0xffff, v1  }
0xed: {  	[tilespmem:s8+$0x0] =	vst.add.f32.msk $0xffff, v0  }
0xee: {  	[tilespmem:s7+$0x0] =	vst.add.f32.msk $0xffff, v0  }
0xef: {  	s1 =	sor.u32 $0x280, s28;
	[tilespmem:s5+$0x0] =	vst.add.f32.msk $0xffff, v0  }
0xf0: {  	s2 =	sor.u32 $0x280, s29;
	v2 =	vld [tilespmem:s1+$0x0]  }
0xf1: {  	s3 =	sor.u32 $0x280, s30;
	v3 =	vld [tilespmem:s2+$0x0]  }
0xf2: {  	v1 =	vld [tilespmem:s3+$0x0]  }
0xf3: {  	s28 =	sor.u32 $0x280, s24  }
0xf4: {  	s0 =	simm.s32 $0x0;
	v0 =	vld [tilespmem:s28+$0x0]  }
0xf5: {  	s4 =	sand.u32 $0x40, s0;
	[tilespmem:s1+$0x4000] =	vst.add.f32.msk $0xffff, v2  }
0xf6: {  	s15 =	sor.u32 $0x6280, s26;
	s6 =	sor.u32 $0x30, s4;
	[tilespmem:s2+$0x4000] =	vst.add.f32.msk $0xffff, v3  }
0xf7: {  	s16 =	sor.u32 $0x8280, s26;
	s24 =	sor.u32 $0x10, s4;
	s17 =	sor.u32 s6, s15;
	[tilespmem:s3+$0x4000] =	vst.add.f32.msk $0xffff, v1  }
0xf8: {  	s12 =	sor.u32 $0xA280, s26;
	s30 =	sor.u32 $0x20, s4;
	s26 =	sor.u32 s24, s15;
	[tilespmem:s17+$0x0] =	vst.add.f32.msk $0xffff, v2  }
0xf9: {  	s31 =	sor.u32 s30, s15;
	[tilespmem:s26+$0x0] =	vst.add.f32.msk $0xffff, v3  }
0xfa: {  	s19 =	sor.u32 s6, s16;
	[tilespmem:s31+$0x0] =	vst.add.f32.msk $0xffff, v1  }
0xfb: {  	s29 =	sor.u32 s24, s16;
	[tilespmem:s19+$0x0] =	vst.add.f32.msk $0xffff, v2  }
0xfc: {  	p1 =	por !p0, !p0;
	s20 =	sor.u32 s6, s12;
	[tilespmem:s29+$0x0] =	vst.add.f32.msk $0xffff, v3  }
0xfd: {  	s7 =	sor.u32 s4, s15;
	s6 =	sor.u32 s24, s12;
	s8 =	sor.u32 s30, s12;
	[tilespmem:s20+$0x0] =	vst.add.f32.msk $0xffff, v2  }
0xfe: {  	s5 =	sor.u32 s4, s16;
	s4 =	sor.u32 s4, s12;
	[tilespmem:s6+$0x0] =	vst.add.f32.msk $0xffff, v3;
	s6 =	sor.u32 s30, s16  }
.LBB2_13:
0xff: {  	s1 =	simm.s32 $0x1  }
0x100: {  	[tilespmem:s6+$0x0] =	vst.add.f32.msk $0xffff, v1;
	s1 =	simm.s32 @!p1 $0x0  }
0x101: {  	s25 =	sadd.s32 $0x200, s25;
	s1 =	sshll.u32 s1, $0x6;
	[tilespmem:s8+$0x0] =	vst.add.f32.msk $0xffff, v1  }
0x102: {  	s1 =	sadd.s32 s1, s25;
	[tilespmem:s28+$0x4000] =	vst.add.f32.msk $0xffff, v0  }
0x103: {  	s2 =	sadd.s32 $0x10, s1;
	s3 =	sadd.s32 $0x20, s1;
	s6 =	sadd.s32 $0x30, s1;
	[tilespmem:s7+$0x0] =	vst.add.f32.msk $0xffff, v0  }
0x104: {  	s2 =	sor.u32 $0x280, s2;
	s3 =	sor.u32 $0x280, s3;
	s6 =	sor.u32 $0x280, s6;
	[tilespmem:s5+$0x0] =	vst.add.f32.msk $0xffff, v0  }
0x105: {  	s28 =	sor.u32 $0x280, s1;
	v2 =	vld [tilespmem:s6+$0x0]  }
0x106: {  	p0 =	por $0x0, $0x0;
	v3 =	vld [tilespmem:s2+$0x0]  }
0x107: {  	s0 =	sadd.s32 $0x40, s0;
	s24 =	simm.s32 $0x0;
	v1 =	vld [tilespmem:s3+$0x0]  }
0x108: {  	p2 =	slt.u32 s0, $0x3C0;
	s1 =	sand.u32 $0x40, s0;
	s5 =	sand.u32 $0x1C00, s25;
	v4 =	vld [tilespmem:s28+$0x0]  }
0x109: {  	s8 =	sor.u32 $0x10, s1;
	s9 =	sor.u32 $0x30, s1;
	s7 =	sor.u32 $0x6280, s5;
	[tilespmem:s4+$0x0] =	vst.add.f32.msk $0xffff, v0  }
0x10a: {  	s12 =	sor.u32 $0x20, s1;
	s4 =	sor.u32 $0x8280, s5;
	[tilespmem:s6+$0x4000] =	vst.add.f32.msk $0xffff, v2;
	s6 =	sor.u32 s9, s7  }
0x10b: {  	s13 =	sor.u32 $0xA280, s5;
	s14 =	sor.u32 s8, s7;
	s5 =	sor.u32 s9, s4;
	[tilespmem:s6+$0x0] =	vst.add.f32.msk $0xffff, v2  }
0x10c: {  	s16 =	sor.u32 s8, s13;
	s15 =	sor.u32 s8, s4;
	[tilespmem:s5+$0x0] =	vst.add.f32.msk $0xffff, v2;
	s5 =	sor.u32 s9, s13  }
0x10d: {  	s8 =	sor.u32 s12, s13;
	s6 =	sor.u32 s12, s4;
	s9 =	sor.u32 s12, s7;
	[tilespmem:s5+$0x0] =	vst.add.f32.msk $0xffff, v2;
	v0 =	vmov v4  }
0x10e: {  	s7 =	sor.u32 s1, s7;
	s5 =	sor.u32 s1, s4;
	s4 =	sor.u32 s1, s13;
	[tilespmem:s2+$0x4000] =	vst.add.f32.msk $0xffff, v3  }
.Ltmp5:
0x10f: {  	[tilespmem:s14+$0x0] =	vst.add.f32.msk $0xffff, v3;
	(pc) =	sbr.rel @p2 .LBB2_13-.Ltmp5, $4  }
0x110: {  	[tilespmem:s15+$0x0] =	vst.add.f32.msk $0xffff, v3  }
0x111: {  	[tilespmem:s16+$0x0] =	vst.add.f32.msk $0xffff, v3  }
0x112: {  	[tilespmem:s3+$0x4000] =	vst.add.f32.msk $0xffff, v1  }
0x113: {  	p1 =	por !p1, !p1;
	[tilespmem:s9+$0x0] =	vst.add.f32.msk $0xffff, v1  }
0x114: {  	[tilespmem:s6+$0x0] =	vst.add.f32.msk $0xffff, v1;
	s0 =	simm.s32 $0x1  }
0x115: {  	[tilespmem:s28+$0x4000] =	vst.add.f32.msk $0xffff, v0;
	s0 =	simm.s32 @!p0 $0x0  }
0x116: {  	[tilespmem:s8+$0x0] =	vst.add.f32.msk $0xffff, v1;
	s0 =	sshll.u32 s0, $0x6  }
0x117: {  	[tilespmem:s7+$0x0] =	vst.add.f32.msk $0xffff, v0;
	s1 =	sadd.s32 $0x0, s0  }
0x118: {  	[tilespmem:s5+$0x0] =	vst.add.f32.msk $0xffff, v0;
	s25 =	sadd.s32 $0x30, s1  }
0x119: {  	[tilespmem:s4+$0x0] =	vst.add.f32.msk $0xffff, v0;
	s28 =	sadd.s32 $0x10, s1;
	s2 =	sor.u32 $0x300, s25  }
0x11a: {  	s29 =	sadd.s32 $0x20, s1;
	s3 =	sor.u32 $0x300, s28;
	v2 =	vld [tilespmem:s2+$0x0]  }
0x11b: {  	s4 =	sor.u32 $0x300, s29;
	v3 =	vld [tilespmem:s3+$0x0]  }
0x11c: {  	v1 =	vld [tilespmem:s4+$0x0]  }
0x11d: {  	s30 =	sor.u32 $0x300, s1  }
0x11e: {  	s0 =	simm.s32 $0x0;
	v0 =	vld [tilespmem:s30+$0x0]  }
0x11f: {  	s26 =	sand.u32 $0x1C00, s24;
	s1 =	sand.u32 $0x40, s0;
	[tilespmem:s2+$0x4000] =	vst.add.f32.msk $0xffff, v2  }
0x120: {  	s5 =	sor.u32 $0x6300, s26;
	s8 =	sor.u32 $0x30, s1;
	[tilespmem:s3+$0x4000] =	vst.add.f32.msk $0xffff, v3  }
0x121: {  	s15 =	sor.u32 $0x10, s1;
	s9 =	sor.u32 s8, s5;
	[tilespmem:s4+$0x4000] =	vst.add.f32.msk $0xffff, v1  }
0x122: {  	s19 =	sor.u32 $0x20, s1;
	s16 =	sor.u32 s15, s5;
	[tilespmem:s9+$0x0] =	vst.add.f32.msk $0xffff, v2  }
0x123: {  	s7 =	sor.u32 $0x8300, s26;
	s31 =	sor.u32 s19, s5;
	[tilespmem:s16+$0x0] =	vst.add.f32.msk $0xffff, v3  }
0x124: {  	s13 =	sor.u32 s8, s7;
	[tilespmem:s31+$0x0] =	vst.add.f32.msk $0xffff, v1  }
0x125: {  	s12 =	sor.u32 $0xA300, s26;
	s17 =	sor.u32 s15, s7;
	[tilespmem:s13+$0x0] =	vst.add.f32.msk $0xffff, v2  }
0x126: {  	p1 =	por !p0, !p0;
	s14 =	sor.u32 s8, s12;
	s6 =	sor.u32 s15, s12;
	[tilespmem:s17+$0x0] =	vst.add.f32.msk $0xffff, v3  }
0x127: {  	s20 =	sor.u32 s19, s7;
	s8 =	sor.u32 s1, s5;
	s7 =	sor.u32 s1, s7;
	[tilespmem:s14+$0x0] =	vst.add.f32.msk $0xffff, v2  }
0x128: {  	s5 =	sor.u32 s1, s12;
	s4 =	simm.s32 $0x0;
	s9 =	sor.u32 s19, s12;
	[tilespmem:s6+$0x0] =	vst.add.f32.msk $0xffff, v3  }
.LBB2_15:
0x129: {  	s1 =	simm.s32 $0x1  }
0x12a: {  	[tilespmem:s20+$0x0] =	vst.add.f32.msk $0xffff, v1;
	s1 =	simm.s32 @!p1 $0x0  }
0x12b: {  	s4 =	sadd.s32 $0x200, s4;
	s1 =	sshll.u32 s1, $0x6;
	[tilespmem:s9+$0x0] =	vst.add.f32.msk $0xffff, v1  }
0x12c: {  	s1 =	sadd.s32 s1, s4;
	[tilespmem:s30+$0x4000] =	vst.add.f32.msk $0xffff, v0  }
0x12d: {  	s2 =	sadd.s32 $0x10, s1;
	s3 =	sadd.s32 $0x20, s1;
	s6 =	sadd.s32 $0x30, s1;
	[tilespmem:s8+$0x0] =	vst.add.f32.msk $0xffff, v0  }
0x12e: {  	s2 =	sor.u32 $0x300, s2;
	s3 =	sor.u32 $0x300, s3;
	s6 =	sor.u32 $0x300, s6;
	[tilespmem:s7+$0x0] =	vst.add.f32.msk $0xffff, v0  }
0x12f: {  	s30 =	sor.u32 $0x300, s1;
	v2 =	vld [tilespmem:s6+$0x0]  }
0x130: {  	v3 =	vld [tilespmem:s2+$0x0]  }
0x131: {  	s0 =	sadd.s32 $0x40, s0;
	v1 =	vld [tilespmem:s3+$0x0]  }
0x132: {  	p2 =	slt.u32 s0, $0x3C0;
	s1 =	sand.u32 $0x40, s0;
	s7 =	sand.u32 $0x1C00, s4;
	v4 =	vld [tilespmem:s30+$0x0]  }
0x133: {  	s9 =	sor.u32 $0x10, s1;
	s12 =	sor.u32 $0x30, s1;
	s8 =	sor.u32 $0x6300, s7;
	[tilespmem:s5+$0x0] =	vst.add.f32.msk $0xffff, v0  }
0x134: {  	s13 =	sor.u32 $0x20, s1;
	s5 =	sor.u32 $0x8300, s7;
	[tilespmem:s6+$0x4000] =	vst.add.f32.msk $0xffff, v2;
	s6 =	sor.u32 s12, s8  }
0x135: {  	s14 =	sor.u32 $0xA300, s7;
	s15 =	sor.u32 s9, s8;
	[tilespmem:s6+$0x0] =	vst.add.f32.msk $0xffff, v2;
	s6 =	sor.u32 s12, s5  }
0x136: {  	s19 =	sor.u32 s9, s14;
	s16 =	sor.u32 s9, s5;
	[tilespmem:s6+$0x0] =	vst.add.f32.msk $0xffff, v2;
	s6 =	sor.u32 s12, s14  }
0x137: {  	s20 =	sor.u32 s13, s5;
	s9 =	sor.u32 s13, s14;
	s12 =	sor.u32 s13, s8;
	[tilespmem:s6+$0x0] =	vst.add.f32.msk $0xffff, v2;
	v0 =	vmov v4  }
0x138: {  	s7 =	sor.u32 s1, s5;
	s5 =	sor.u32 s1, s14;
	s8 =	sor.u32 s1, s8;
	[tilespmem:s2+$0x4000] =	vst.add.f32.msk $0xffff, v3  }
.Ltmp6:
0x139: {  	[tilespmem:s15+$0x0] =	vst.add.f32.msk $0xffff, v3;
	(pc) =	sbr.rel @p2 .LBB2_15-.Ltmp6, $4  }
0x13a: {  	[tilespmem:s16+$0x0] =	vst.add.f32.msk $0xffff, v3  }
0x13b: {  	[tilespmem:s19+$0x0] =	vst.add.f32.msk $0xffff, v3  }
0x13c: {  	[tilespmem:s3+$0x4000] =	vst.add.f32.msk $0xffff, v1  }
0x13d: {  	p1 =	por !p1, !p1;
	[tilespmem:s12+$0x0] =	vst.add.f32.msk $0xffff, v1  }
0x13e: {  	[tilespmem:s20+$0x0] =	vst.add.f32.msk $0xffff, v1  }
0x13f: {  	[tilespmem:s30+$0x4000] =	vst.add.f32.msk $0xffff, v0  }
0x140: {  	[tilespmem:s9+$0x0] =	vst.add.f32.msk $0xffff, v1  }
0x141: {  	[tilespmem:s8+$0x0] =	vst.add.f32.msk $0xffff, v0  }
0x142: {  	[tilespmem:s7+$0x0] =	vst.add.f32.msk $0xffff, v0  }
0x143: {  	s1 =	sor.u32 $0x380, s25;
	[tilespmem:s5+$0x0] =	vst.add.f32.msk $0xffff, v0  }
0x144: {  	s2 =	sor.u32 $0x380, s28;
	v1 =	vld [tilespmem:s1+$0x0]  }
0x145: {  	s3 =	sor.u32 $0x380, s29;
	v2 =	vld [tilespmem:s2+$0x0]  }
0x146: {  	v0 =	vld [tilespmem:s3+$0x0];
	_ =	sdelay $0x1  }
0x147: {  	s0 =	simm.s32 $0x0  }
0x148: {  	s17 =	sand.u32 $0x40, s0;
	[tilespmem:s1+$0x4000] =	vst.add.f32.msk $0xffff, v1  }
0x149: {  	s19 =	sor.u32 $0x6380, s26;
	s4 =	sor.u32 $0x30, s17;
	[tilespmem:s2+$0x4000] =	vst.add.f32.msk $0xffff, v2  }
0x14a: {  	s29 =	sor.u32 $0x10, s17;
	s20 =	sor.u32 s4, s19;
	[tilespmem:s3+$0x4000] =	vst.add.f32.msk $0xffff, v0  }
0x14b: {  	s6 =	sor.u32 $0x8380, s26;
	s30 =	sor.u32 s29, s19;
	[tilespmem:s20+$0x0] =	vst.add.f32.msk $0xffff, v1  }
0x14c: {  	s25 =	sor.u32 s4, s6;
	[tilespmem:s30+$0x0] =	vst.add.f32.msk $0xffff, v2  }
0x14d: {  	s12 =	sor.u32 $0xA380, s26;
	s13 =	sor.u32 s29, s6;
	[tilespmem:s25+$0x0] =	vst.add.f32.msk $0xffff, v1  }
0x14e: {  	p0 =	por !p0, !p0;
	s26 =	sor.u32 s24, s0;
	s28 =	sor.u32 s4, s12;
	[tilespmem:s13+$0x0] =	vst.add.f32.msk $0xffff, v2  }
0x14f: {  	s31 =	sor.u32 $0x20, s17;
	s7 =	sor.u32 s17, s12;
	s4 =	sor.u32 $0x380, s26;
	[tilespmem:s28+$0x0] =	vst.add.f32.msk $0xffff, v1  }
0x150: {  	s9 =	sor.u32 s31, s19;
	s8 =	sor.u32 s31, s6;
	s1 =	sor.u32 s29, s12;
	v1 =	vld [tilespmem:s4+$0x0]  }
0x151: {  	s5 =	sor.u32 s17, s6;
	s6 =	sor.u32 s31, s12;
	s25 =	sor.u32 s17, s19;
	[tilespmem:s1+$0x0] =	vst.add.f32.msk $0xffff, v2  }
.LBB2_17:
0x152: {  	s1 =	simm.s32 $0x1  }
0x153: {  	[tilespmem:s9+$0x0] =	vst.add.f32.msk $0xffff, v0;
	s1 =	simm.s32 @!p0 $0x0  }
0x154: {  	s24 =	sadd.s32 $0x200, s24;
	s1 =	sshll.u32 s1, $0x6;
	[tilespmem:s8+$0x0] =	vst.add.f32.msk $0xffff, v0  }
0x155: {  	s1 =	sadd.s32 s1, s24;
	[tilespmem:s6+$0x0] =	vst.add.f32.msk $0xffff, v0  }
0x156: {  	s2 =	sadd.s32 $0x10, s1;
	s3 =	sadd.s32 $0x20, s1;
	s1 =	sadd.s32 $0x30, s1;
	[tilespmem:s4+$0x4000] =	vst.add.f32.msk $0xffff, v1  }
0x157: {  	s2 =	sor.u32 $0x380, s2;
	s3 =	sor.u32 $0x380, s3;
	s1 =	sor.u32 $0x380, s1;
	[tilespmem:s25+$0x0] =	vst.add.f32.msk $0xffff, v1  }
0x158: {  	v2 =	vld [tilespmem:s1+$0x0]  }
0x159: {  	s0 =	sadd.s32 $0x40, s0;
	v3 =	vld [tilespmem:s2+$0x0]  }
0x15a: {  	s12 =	sand.u32 $0x40, s0;
	v0 =	vld [tilespmem:s3+$0x0]  }
0x15b: {  	p1 =	slt.u32 s0, $0x3C0;
	s6 =	sand.u32 $0x1C00, s24;
	s4 =	sor.u32 s24, s0;
	[tilespmem:s5+$0x0] =	vst.add.f32.msk $0xffff, v1  }
0x15c: {  	s8 =	sor.u32 $0x30, s12;
	s4 =	sor.u32 $0x380, s4;
	s5 =	sor.u32 $0x6380, s6;
	[tilespmem:s7+$0x0] =	vst.add.f32.msk $0xffff, v1  }
0x15d: {  	s9 =	sor.u32 $0x10, s12;
	s7 =	sor.u32 $0x8380, s6;
	[tilespmem:s1+$0x4000] =	vst.add.f32.msk $0xffff, v2;
	s1 =	sor.u32 s8, s5  }
0x15e: {  	s13 =	sor.u32 $0xA380, s6;
	s6 =	sor.u32 $0x20, s12;
	[tilespmem:s1+$0x0] =	vst.add.f32.msk $0xffff, v2;
	s1 =	sor.u32 s8, s7  }
0x15f: {  	s14 =	sor.u32 s9, s5;
	s15 =	sor.u32 s9, s7;
	[tilespmem:s1+$0x0] =	vst.add.f32.msk $0xffff, v2;
	s1 =	sor.u32 s8, s13  }
0x160: {  	s16 =	sor.u32 s9, s13;
	s9 =	sor.u32 s6, s5;
	s8 =	sor.u32 s6, s7;
	[tilespmem:s1+$0x0] =	vst.add.f32.msk $0xffff, v2  }
0x161: {  	s25 =	sor.u32 s12, s5;
	s5 =	sor.u32 s12, s7;
	s6 =	sor.u32 s6, s13;
	v1 =	vld [tilespmem:s4+$0x0]  }
.Ltmp7:
0x162: {  	s7 =	sor.u32 s12, s13;
	[tilespmem:s2+$0x4000] =	vst.add.f32.msk $0xffff, v3;
	(pc) =	sbr.rel @p1 .LBB2_17-.Ltmp7, $4  }
0x163: {  	[tilespmem:s14+$0x0] =	vst.add.f32.msk $0xffff, v3  }
0x164: {  	[tilespmem:s15+$0x0] =	vst.add.f32.msk $0xffff, v3  }
0x165: {  	[tilespmem:s16+$0x0] =	vst.add.f32.msk $0xffff, v3  }
0x166: {  	p0 =	por !p0, !p0;
	[tilespmem:s3+$0x4000] =	vst.add.f32.msk $0xffff, v0  }
0x167: {  	[tilespmem:s9+$0x0] =	vst.add.f32.msk $0xffff, v0  }
0x168: {  	[tilespmem:s4+$0x4000] =	vst.add.f32.msk $0xffff, v1  }
0x169: {  	[tilespmem:s8+$0x0] =	vst.add.f32.msk $0xffff, v0  }
0x16a: {  	[tilespmem:s25+$0x0] =	vst.add.f32.msk $0xffff, v1  }
0x16b: {  	[tilespmem:s6+$0x0] =	vst.add.f32.msk $0xffff, v0  }
0x16c: {  	s0 =	rddreg [dreg:$0x2];
	[tilespmem:s5+$0x0] =	vst.add.f32.msk $0xffff, v1  }
0x16d: {  	s1 =	simm.s32 $0x4000;
	s31 =	simm.s32 $0x5;
	s0 =	sadd.s32 s0, s22;
	[tilespmem:s7+$0x0] =	vst.add.f32.msk $0xffff, v1  }
0x16e: {  	[hbm4b:s0+s10] =	stream.strided.scatter [tilespmem:s1], [sflag:$0x5], $0x8000, s11, s10, $0x38;
	[tilespmem:$0x14000] =	vst v63  }
0x16f: {  	_ =	swait.ge [sflag:s31], $0x8000  }
0x170: {  	[sflag:s31] =	ssyncset.done $0x0  }
0x171: {  	[sflag:s31] =	ssyncadd.s32 $0xFFFF8000  }
0x172: {  	s24 =	sor.u32 $0x800, s22;
	s0 =	rddreg [dreg:$0x1]  }
0x173: {  	s26 =	simm.s32 $0x0;
	s2 =	rddreg [dreg:$0x0];
	s0 =	sadd.s32 s0, s24  }
0x174: {  	[tilespmem:s26], [sflag:$0x1] =	stream.linear.gather [hbm4b:s0+s26], $0x2000, $0x38;
	[tilespmem:$0x14000] =	vst v63  }
0x175: {  	s3 =	simm.s32 $0x2;
	s0 =	sadd.s32 s2, s24  }
0x176: {  	[tilespmem:s1], [sflag:$0x3] =	stream.strided.gather [hbm4b:s0+s10], $0x8000, s11, s10, $0x38;
	[tilespmem:$0x14000] =	vst v63  }
0x177: {  	_ =	swait.ge [sflag:s3], $0x2000  }
0x178: {  	[sflag:s3] =	ssyncset.done $0x0  }
0x179: {  	s29 =	simm.s32 $0x0;
	[sflag:s3] =	ssyncadd.s32 $0xFFFFE000  }
0x17a: {  	s25 =	sand.u32 $0x1C00, s26;
	s0 =	sand.u32 $0x40, s29;
	_ =	swait.ge [sflag:s18], $0x8000  }
0x17b: {  	s28 =	sor.u32 $0x2000, s25;
	s4 =	sor.u32 $0x30, s0;
	[sflag:s18] =	ssyncset.done $0x0  }
0x17c: {  	s2 =	sor.u32 s4, s28;
	s3 =	sor.u32 $0x10, s0;
	[sflag:s18] =	ssyncadd.s32 $0xFFFF8000  }
0x17d: {  	s8 =	sor.u32 $0x20, s0;
	s7 =	sor.u32 s3, s28;
	v2 =	vld [tilespmem:s2+$0x0]  }
0x17e: {  	s31 =	sor.u32 s8, s28;
	v3 =	vld [tilespmem:s7+$0x0]  }
0x17f: {  	v1 =	vld [tilespmem:s31+$0x0]  }
0x180: {  	s6 =	sor.u32 s0, s28;
	s7 =	sor.u32 $0xC000, s25  }
0x181: {  	v0 =	vld [tilespmem:s6+$0x0];
	s12 =	sor.u32 s4, s7  }
0x182: {  	s16 =	sor.u32 s3, s7;
	[tilespmem:s12+$0x0] =	vst.add.f32.msk $0xffff, v2  }
0x183: {  	s9 =	sor.u32 $0xE000, s25;
	s20 =	sor.u32 s8, s7;
	[tilespmem:s16+$0x0] =	vst.add.f32.msk $0xffff, v3  }
0x184: {  	s14 =	sor.u32 s4, s9;
	[tilespmem:s20+$0x0] =	vst.add.f32.msk $0xffff, v1  }
0x185: {  	s17 =	sor.u32 s3, s9;
	[tilespmem:s14+$0x0] =	vst.add.f32.msk $0xffff, v2  }
0x186: {  	s13 =	sor.u32 $0x10000, s25;
	s30 =	sor.u32 s8, s9;
	[tilespmem:s17+$0x0] =	vst.add.f32.msk $0xffff, v3  }
0x187: {  	s15 =	sor.u32 s4, s13;
	[tilespmem:s30+$0x0] =	vst.add.f32.msk $0xffff, v1  }
0x188: {  	s19 =	sor.u32 s3, s13;
	[tilespmem:s15+$0x0] =	vst.add.f32.msk $0xffff, v2  }
0x189: {  	s31 =	sor.u32 s8, s13;
	s12 =	sor.u32 $0x12000, s25;
	[tilespmem:s19+$0x0] =	vst.add.f32.msk $0xffff, v3  }
0x18a: {  	s5 =	sor.u32 s0, s13;
	s1 =	sor.u32 s4, s12;
	[tilespmem:s31+$0x0] =	vst.add.f32.msk $0xffff, v1  }
0x18b: {  	s6 =	sor.u32 s0, s7;
	s7 =	sor.u32 s0, s9;
	s3 =	sor.u32 s3, s12;
	[tilespmem:s1+$0x0] =	vst.add.f32.msk $0xffff, v2  }
0x18c: {  	s8 =	sor.u32 s8, s12;
	s4 =	sor.u32 s0, s12;
	s0 =	simm.s32 $0x0;
	[tilespmem:s3+$0x0] =	vst.add.f32.msk $0xffff, v3  }
.LBB2_19:
0x18d: {  	s29 =	sadd.s32 $0x40, s29;
	[tilespmem:s8+$0x0] =	vst.add.f32.msk $0xffff, v1;
	s0 =	sadd.s32 $0x200, s0  }
0x18e: {  	s1 =	sand.u32 $0x40, s29;
	s2 =	sand.u32 $0x1C00, s0;
	[tilespmem:s6+$0x0] =	vst.add.f32.msk $0xffff, v0  }
0x18f: {  	s3 =	sor.u32 $0x2000, s2;
	s6 =	sor.u32 $0x10, s1;
	s8 =	sor.u32 $0x30, s1;
	[tilespmem:s7+$0x0] =	vst.add.f32.msk $0xffff, v0  }
0x190: {  	s9 =	sor.u32 $0x20, s1;
	s7 =	sor.u32 s6, s3;
	s12 =	sor.u32 s8, s3;
	[tilespmem:s5+$0x0] =	vst.add.f32.msk $0xffff, v0  }
0x191: {  	p0 =	slt.u32 s29, $0x3C0;
	s5 =	sor.u32 s1, s3;
	s3 =	sor.u32 s9, s3;
	v2 =	vld [tilespmem:s12+$0x0]  }
0x192: {  	v3 =	vld [tilespmem:s7+$0x0]  }
0x193: {  	v1 =	vld [tilespmem:s3+$0x0]  }
0x194: {  	s3 =	sor.u32 $0xC000, s2;
	v4 =	vld [tilespmem:s5+$0x0]  }
0x195: {  	s5 =	sor.u32 $0xE000, s2;
	s12 =	sor.u32 s6, s3;
	s7 =	sor.u32 s8, s3;
	[tilespmem:s4+$0x0] =	vst.add.f32.msk $0xffff, v0  }
0x196: {  	s4 =	sor.u32 $0x10000, s2;
	s13 =	sor.u32 s6, s5;
	[tilespmem:s7+$0x0] =	vst.add.f32.msk $0xffff, v2;
	s7 =	sor.u32 s8, s5  }
0x197: {  	s2 =	sor.u32 $0x12000, s2;
	s14 =	sor.u32 s6, s4;
	[tilespmem:s7+$0x0] =	vst.add.f32.msk $0xffff, v2;
	s7 =	sor.u32 s8, s4  }
0x198: {  	s16 =	sor.u32 s9, s3;
	s15 =	sor.u32 s6, s2;
	s6 =	sor.u32 s8, s2;
	[tilespmem:s7+$0x0] =	vst.add.f32.msk $0xffff, v2  }
0x199: {  	s19 =	sor.u32 s9, s5;
	s20 =	sor.u32 s9, s4;
	s8 =	sor.u32 s9, s2;
	[tilespmem:s6+$0x0] =	vst.add.f32.msk $0xffff, v2;
	v0 =	vmov v4  }
0x19a: {  	s7 =	sor.u32 s1, s5;
	s5 =	sor.u32 s1, s4;
	s6 =	sor.u32 s1, s3;
	[tilespmem:s12+$0x0] =	vst.add.f32.msk $0xffff, v3  }
0x19b: {  	s4 =	sor.u32 s1, s2;
	[tilespmem:s13+$0x0] =	vst.add.f32.msk $0xffff, v3  }
.Ltmp8:
0x19c: {  	[tilespmem:s14+$0x0] =	vst.add.f32.msk $0xffff, v3;
	(pc) =	sbr.rel @p0 .LBB2_19-.Ltmp8, $4  }
0x19d: {  	[tilespmem:s15+$0x0] =	vst.add.f32.msk $0xffff, v3  }
0x19e: {  	[tilespmem:s16+$0x0] =	vst.add.f32.msk $0xffff, v1  }
0x19f: {  	[tilespmem:s19+$0x0] =	vst.add.f32.msk $0xffff, v1  }
0x1a0: {  	[tilespmem:s20+$0x0] =	vst.add.f32.msk $0xffff, v1  }
0x1a1: {  	[tilespmem:s8+$0x0] =	vst.add.f32.msk $0xffff, v1  }
0x1a2: {  	[tilespmem:s6+$0x0] =	vst.add.f32.msk $0xffff, v0;
	s0 =	simm.s32 $0x0  }
0x1a3: {  	[tilespmem:s7+$0x0] =	vst.add.f32.msk $0xffff, v0;
	s1 =	sand.u32 $0x40, s0  }
0x1a4: {  	[tilespmem:s5+$0x0] =	vst.add.f32.msk $0xffff, v0;
	s2 =	sor.u32 $0x30, s1  }
0x1a5: {  	s5 =	sor.u32 $0x10, s1;
	[tilespmem:s4+$0x0] =	vst.add.f32.msk $0xffff, v0;
	s3 =	sor.u32 s2, s28  }
0x1a6: {  	s8 =	sor.u32 $0x20, s1;
	s7 =	sor.u32 s5, s28;
	v2 =	vld [tilespmem:s3+$0x80]  }
0x1a7: {  	s12 =	sor.u32 s8, s28;
	v3 =	vld [tilespmem:s7+$0x80]  }
0x1a8: {  	v1 =	vld [tilespmem:s12+$0x80]  }
0x1a9: {  	s14 =	sor.u32 $0xC080, s25;
	s13 =	sor.u32 s1, s28  }
0x1aa: {  	s16 =	sor.u32 s2, s14;
	v0 =	vld [tilespmem:s13+$0x80]  }
0x1ab: {  	s20 =	sor.u32 s5, s14;
	[tilespmem:s16+$0x0] =	vst.add.f32.msk $0xffff, v2  }
0x1ac: {  	s15 =	sor.u32 $0xE080, s25;
	s30 =	sor.u32 s8, s14;
	[tilespmem:s20+$0x0] =	vst.add.f32.msk $0xffff, v3  }
0x1ad: {  	s17 =	sor.u32 s2, s15;
	[tilespmem:s30+$0x0] =	vst.add.f32.msk $0xffff, v1  }
0x1ae: {  	s9 =	sor.u32 $0x10080, s25;
	s12 =	sor.u32 $0x12080, s25;
	s25 =	sor.u32 s5, s15;
	[tilespmem:s17+$0x0] =	vst.add.f32.msk $0xffff, v2  }
0x1af: {  	s31 =	sor.u32 s8, s15;
	[tilespmem:s25+$0x0] =	vst.add.f32.msk $0xffff, v3  }
0x1b0: {  	s19 =	sor.u32 s2, s9;
	[tilespmem:s31+$0x0] =	vst.add.f32.msk $0xffff, v1  }
0x1b1: {  	s28 =	sor.u32 s5, s9;
	[tilespmem:s19+$0x0] =	vst.add.f32.msk $0xffff, v2  }
0x1b2: {  	s13 =	sor.u32 s8, s9;
	[tilespmem:s28+$0x0] =	vst.add.f32.msk $0xffff, v3  }
0x1b3: {  	s2 =	sor.u32 s2, s12;
	[tilespmem:s13+$0x0] =	vst.add.f32.msk $0xffff, v1  }
0x1b4: {  	s6 =	sor.u32 s1, s14;
	s7 =	sor.u32 s1, s15;
	s29 =	sor.u32 s5, s12;
	[tilespmem:s2+$0x0] =	vst.add.f32.msk $0xffff, v2  }
0x1b5: {  	s8 =	sor.u32 s8, s12;
	s5 =	sor.u32 s1, s9;
	s4 =	sor.u32 s1, s12;
	[tilespmem:s29+$0x0] =	vst.add.f32.msk $0xffff, v3  }
.LBB2_21:
0x1b6: {  	s0 =	sadd.s32 $0x40, s0;
	[tilespmem:s8+$0x0] =	vst.add.f32.msk $0xffff, v1;
	s26 =	sadd.s32 $0x200, s26  }
0x1b7: {  	s1 =	sand.u32 $0x40, s0;
	s2 =	sand.u32 $0x1C00, s26;
	[tilespmem:s6+$0x0] =	vst.add.f32.msk $0xffff, v0  }
0x1b8: {  	s3 =	sor.u32 $0x2000, s2;
	s6 =	sor.u32 $0x10, s1;
	s8 =	sor.u32 $0x30, s1;
	[tilespmem:s7+$0x0] =	vst.add.f32.msk $0xffff, v0  }
0x1b9: {  	s9 =	sor.u32 $0x20, s1;
	s7 =	sor.u32 s6, s3;
	s12 =	sor.u32 s8, s3;
	[tilespmem:s5+$0x0] =	vst.add.f32.msk $0xffff, v0  }
0x1ba: {  	p0 =	slt.u32 s0, $0x3C0;
	s5 =	sor.u32 s1, s3;
	s3 =	sor.u32 s9, s3;
	v2 =	vld [tilespmem:s12+$0x80]  }
0x1bb: {  	v3 =	vld [tilespmem:s7+$0x80]  }
0x1bc: {  	v1 =	vld [tilespmem:s3+$0x80]  }
0x1bd: {  	s25 =	simm.s32 $0x0;
	s3 =	sor.u32 $0xC080, s2;
	v4 =	vld [tilespmem:s5+$0x80]  }
0x1be: {  	s5 =	sor.u32 $0xE080, s2;
	s12 =	sor.u32 s6, s3;
	s7 =	sor.u32 s8, s3;
	[tilespmem:s4+$0x0] =	vst.add.f32.msk $0xffff, v0  }
0x1bf: {  	s4 =	sor.u32 $0x10080, s2;
	s13 =	sor.u32 s6, s5;
	[tilespmem:s7+$0x0] =	vst.add.f32.msk $0xffff, v2;
	s7 =	sor.u32 s8, s5  }
0x1c0: {  	s2 =	sor.u32 $0x12080, s2;
	s14 =	sor.u32 s6, s4;
	[tilespmem:s7+$0x0] =	vst.add.f32.msk $0xffff, v2;
	s7 =	sor.u32 s8, s4  }
0x1c1: {  	s16 =	sor.u32 s9, s3;
	s15 =	sor.u32 s6, s2;
	s6 =	sor.u32 s8, s2;
	[tilespmem:s7+$0x0] =	vst.add.f32.msk $0xffff, v2  }
0x1c2: {  	s19 =	sor.u32 s9, s5;
	s20 =	sor.u32 s9, s4;
	s8 =	sor.u32 s9, s2;
	[tilespmem:s6+$0x0] =	vst.add.f32.msk $0xffff, v2;
	v0 =	vmov v4  }
0x1c3: {  	s7 =	sor.u32 s1, s5;
	s5 =	sor.u32 s1, s4;
	s6 =	sor.u32 s1, s3;
	[tilespmem:s12+$0x0] =	vst.add.f32.msk $0xffff, v3  }
0x1c4: {  	s4 =	sor.u32 s1, s2;
	[tilespmem:s13+$0x0] =	vst.add.f32.msk $0xffff, v3  }
.Ltmp9:
0x1c5: {  	[tilespmem:s14+$0x0] =	vst.add.f32.msk $0xffff, v3;
	(pc) =	sbr.rel @p0 .LBB2_21-.Ltmp9, $4  }
0x1c6: {  	[tilespmem:s15+$0x0] =	vst.add.f32.msk $0xffff, v3  }
0x1c7: {  	[tilespmem:s16+$0x0] =	vst.add.f32.msk $0xffff, v1  }
0x1c8: {  	[tilespmem:s19+$0x0] =	vst.add.f32.msk $0xffff, v1  }
0x1c9: {  	[tilespmem:s20+$0x0] =	vst.add.f32.msk $0xffff, v1  }
0x1ca: {  	[tilespmem:s8+$0x0] =	vst.add.f32.msk $0xffff, v1  }
0x1cb: {  	[tilespmem:s6+$0x0] =	vst.add.f32.msk $0xffff, v0;
	s29 =	simm.s32 $0x0  }
0x1cc: {  	s26 =	sand.u32 $0x1C00, s25;
	[tilespmem:s7+$0x0] =	vst.add.f32.msk $0xffff, v0;
	s0 =	sand.u32 $0x40, s29  }
0x1cd: {  	s28 =	sor.u32 $0x2000, s26;
	[tilespmem:s5+$0x0] =	vst.add.f32.msk $0xffff, v0;
	s1 =	sor.u32 $0x30, s0  }
0x1ce: {  	s3 =	sor.u32 $0x10, s0;
	[tilespmem:s4+$0x0] =	vst.add.f32.msk $0xffff, v0;
	s2 =	sor.u32 s1, s28  }
0x1cf: {  	s8 =	sor.u32 $0x20, s0;
	s7 =	sor.u32 s3, s28;
	v2 =	vld [tilespmem:s2+$0x100]  }
0x1d0: {  	s31 =	sor.u32 s8, s28;
	v3 =	vld [tilespmem:s7+$0x100]  }
0x1d1: {  	v1 =	vld [tilespmem:s31+$0x100]  }
0x1d2: {  	s6 =	sor.u32 s0, s28;
	s5 =	sor.u32 $0xC100, s26  }
0x1d3: {  	s13 =	sor.u32 s1, s5;
	v0 =	vld [tilespmem:s6+$0x100]  }
0x1d4: {  	s16 =	sor.u32 s3, s5;
	[tilespmem:s13+$0x0] =	vst.add.f32.msk $0xffff, v2  }
0x1d5: {  	s30 =	sor.u32 s8, s5;
	s7 =	sor.u32 $0xE100, s26;
	[tilespmem:s16+$0x0] =	vst.add.f32.msk $0xffff, v3  }
0x1d6: {  	s14 =	sor.u32 s1, s7;
	[tilespmem:s30+$0x0] =	vst.add.f32.msk $0xffff, v1  }
0x1d7: {  	s17 =	sor.u32 s3, s7;
	[tilespmem:s14+$0x0] =	vst.add.f32.msk $0xffff, v2  }
0x1d8: {  	s9 =	sor.u32 $0x10100, s26;
	s31 =	sor.u32 s8, s7;
	[tilespmem:s17+$0x0] =	vst.add.f32.msk $0xffff, v3  }
0x1d9: {  	s15 =	sor.u32 s1, s9;
	[tilespmem:s31+$0x0] =	vst.add.f32.msk $0xffff, v1  }
0x1da: {  	s19 =	sor.u32 s3, s9;
	[tilespmem:s15+$0x0] =	vst.add.f32.msk $0xffff, v2  }
0x1db: {  	s12 =	sor.u32 $0x12100, s26;
	s13 =	sor.u32 s8, s9;
	[tilespmem:s19+$0x0] =	vst.add.f32.msk $0xffff, v3  }
0x1dc: {  	s20 =	sor.u32 s3, s12;
	s1 =	sor.u32 s1, s12;
	[tilespmem:s13+$0x0] =	vst.add.f32.msk $0xffff, v1  }
0x1dd: {  	s4 =	sor.u32 s0, s12;
	s6 =	sor.u32 s0, s5;
	s5 =	sor.u32 s0, s9;
	[tilespmem:s1+$0x0] =	vst.add.f32.msk $0xffff, v2  }
0x1de: {  	s7 =	sor.u32 s0, s7;
	s0 =	simm.s32 $0x0;
	s8 =	sor.u32 s8, s12;
	[tilespmem:s20+$0x0] =	vst.add.f32.msk $0xffff, v3  }
.LBB2_23:
0x1df: {  	s29 =	sadd.s32 $0x40, s29;
	[tilespmem:s8+$0x0] =	vst.add.f32.msk $0xffff, v1;
	s0 =	sadd.s32 $0x200, s0  }
0x1e0: {  	s1 =	sand.u32 $0x40, s29;
	s2 =	sand.u32 $0x1C00, s0;
	[tilespmem:s6+$0x0] =	vst.add.f32.msk $0xffff, v0  }
0x1e1: {  	s3 =	sor.u32 $0x2000, s2;
	s6 =	sor.u32 $0x10, s1;
	s8 =	sor.u32 $0x30, s1;
	[tilespmem:s7+$0x0] =	vst.add.f32.msk $0xffff, v0  }
0x1e2: {  	s9 =	sor.u32 $0x20, s1;
	s7 =	sor.u32 s6, s3;
	s12 =	sor.u32 s8, s3;
	[tilespmem:s5+$0x0] =	vst.add.f32.msk $0xffff, v0  }
0x1e3: {  	p0 =	slt.u32 s29, $0x3C0;
	s5 =	sor.u32 s1, s3;
	s3 =	sor.u32 s9, s3;
	v2 =	vld [tilespmem:s12+$0x100]  }
0x1e4: {  	v3 =	vld [tilespmem:s7+$0x100]  }
0x1e5: {  	v1 =	vld [tilespmem:s3+$0x100]  }
0x1e6: {  	s3 =	sor.u32 $0xC100, s2;
	v4 =	vld [tilespmem:s5+$0x100]  }
0x1e7: {  	s5 =	sor.u32 $0xE100, s2;
	s12 =	sor.u32 s6, s3;
	s7 =	sor.u32 s8, s3;
	[tilespmem:s4+$0x0] =	vst.add.f32.msk $0xffff, v0  }
0x1e8: {  	s4 =	sor.u32 $0x10100, s2;
	s13 =	sor.u32 s6, s5;
	[tilespmem:s7+$0x0] =	vst.add.f32.msk $0xffff, v2;
	s7 =	sor.u32 s8, s5  }
0x1e9: {  	s2 =	sor.u32 $0x12100, s2;
	s14 =	sor.u32 s6, s4;
	[tilespmem:s7+$0x0] =	vst.add.f32.msk $0xffff, v2;
	s7 =	sor.u32 s8, s4  }
0x1ea: {  	s16 =	sor.u32 s9, s3;
	s15 =	sor.u32 s6, s2;
	s6 =	sor.u32 s8, s2;
	[tilespmem:s7+$0x0] =	vst.add.f32.msk $0xffff, v2  }
0x1eb: {  	s19 =	sor.u32 s9, s5;
	s20 =	sor.u32 s9, s4;
	s8 =	sor.u32 s9, s2;
	[tilespmem:s6+$0x0] =	vst.add.f32.msk $0xffff, v2;
	v0 =	vmov v4  }
0x1ec: {  	s7 =	sor.u32 s1, s5;
	s5 =	sor.u32 s1, s4;
	s6 =	sor.u32 s1, s3;
	[tilespmem:s12+$0x0] =	vst.add.f32.msk $0xffff, v3  }
0x1ed: {  	s4 =	sor.u32 s1, s2;
	[tilespmem:s13+$0x0] =	vst.add.f32.msk $0xffff, v3  }
.Ltmp10:
0x1ee: {  	[tilespmem:s14+$0x0] =	vst.add.f32.msk $0xffff, v3;
	(pc) =	sbr.rel @p0 .LBB2_23-.Ltmp10, $4  }
0x1ef: {  	[tilespmem:s15+$0x0] =	vst.add.f32.msk $0xffff, v3  }
0x1f0: {  	[tilespmem:s16+$0x0] =	vst.add.f32.msk $0xffff, v1  }
0x1f1: {  	[tilespmem:s19+$0x0] =	vst.add.f32.msk $0xffff, v1  }
0x1f2: {  	[tilespmem:s20+$0x0] =	vst.add.f32.msk $0xffff, v1  }
0x1f3: {  	[tilespmem:s8+$0x0] =	vst.add.f32.msk $0xffff, v1  }
0x1f4: {  	[tilespmem:s6+$0x0] =	vst.add.f32.msk $0xffff, v0;
	s0 =	simm.s32 $0x0  }
0x1f5: {  	[tilespmem:s7+$0x0] =	vst.add.f32.msk $0xffff, v0;
	s1 =	sand.u32 $0x40, s0  }
0x1f6: {  	[tilespmem:s5+$0x0] =	vst.add.f32.msk $0xffff, v0;
	s2 =	sor.u32 $0x30, s1  }
0x1f7: {  	s5 =	sor.u32 $0x10, s1;
	[tilespmem:s4+$0x0] =	vst.add.f32.msk $0xffff, v0;
	s3 =	sor.u32 s2, s28  }
0x1f8: {  	s8 =	sor.u32 $0x20, s1;
	s7 =	sor.u32 s5, s28;
	v2 =	vld [tilespmem:s3+$0x180]  }
0x1f9: {  	s12 =	sor.u32 s8, s28;
	v3 =	vld [tilespmem:s7+$0x180]  }
0x1fa: {  	v1 =	vld [tilespmem:s12+$0x180]  }
0x1fb: {  	s14 =	sor.u32 $0xC180, s26;
	s13 =	sor.u32 s1, s28  }
0x1fc: {  	s16 =	sor.u32 s2, s14;
	v0 =	vld [tilespmem:s13+$0x180]  }
0x1fd: {  	s20 =	sor.u32 s5, s14;
	[tilespmem:s16+$0x0] =	vst.add.f32.msk $0xffff, v2  }
0x1fe: {  	s15 =	sor.u32 $0xE180, s26;
	s30 =	sor.u32 s8, s14;
	[tilespmem:s20+$0x0] =	vst.add.f32.msk $0xffff, v3  }
0x1ff: {  	s17 =	sor.u32 s2, s15;
	[tilespmem:s30+$0x0] =	vst.add.f32.msk $0xffff, v1  }
0x200: {  	s9 =	sor.u32 $0x10180, s26;
	s12 =	sor.u32 $0x12180, s26;
	s26 =	sor.u32 s5, s15;
	[tilespmem:s17+$0x0] =	vst.add.f32.msk $0xffff, v2  }
0x201: {  	s31 =	sor.u32 s8, s15;
	[tilespmem:s26+$0x0] =	vst.add.f32.msk $0xffff, v3  }
0x202: {  	s19 =	sor.u32 s2, s9;
	[tilespmem:s31+$0x0] =	vst.add.f32.msk $0xffff, v1  }
0x203: {  	s28 =	sor.u32 s5, s9;
	[tilespmem:s19+$0x0] =	vst.add.f32.msk $0xffff, v2  }
0x204: {  	s13 =	sor.u32 s8, s9;
	[tilespmem:s28+$0x0] =	vst.add.f32.msk $0xffff, v3  }
0x205: {  	s2 =	sor.u32 s2, s12;
	[tilespmem:s13+$0x0] =	vst.add.f32.msk $0xffff, v1  }
0x206: {  	s7 =	sor.u32 s1, s15;
	s29 =	sor.u32 s5, s12;
	s6 =	sor.u32 s8, s12;
	[tilespmem:s2+$0x0] =	vst.add.f32.msk $0xffff, v2  }
0x207: {  	s8 =	sor.u32 s1, s14;
	s5 =	sor.u32 s1, s9;
	s4 =	sor.u32 s1, s12;
	[tilespmem:s29+$0x0] =	vst.add.f32.msk $0xffff, v3  }
.LBB2_25:
0x208: {  	s0 =	sadd.s32 $0x40, s0;
	[tilespmem:s6+$0x0] =	vst.add.f32.msk $0xffff, v1;
	s25 =	sadd.s32 $0x200, s25  }
0x209: {  	s1 =	sand.u32 $0x40, s0;
	s2 =	sand.u32 $0x1C00, s25;
	[tilespmem:s8+$0x0] =	vst.add.f32.msk $0xffff, v0  }
0x20a: {  	s3 =	sor.u32 $0x2000, s2;
	s6 =	sor.u32 $0x10, s1;
	s8 =	sor.u32 $0x30, s1;
	[tilespmem:s7+$0x0] =	vst.add.f32.msk $0xffff, v0  }
0x20b: {  	s9 =	sor.u32 $0x20, s1;
	s7 =	sor.u32 s6, s3;
	s12 =	sor.u32 s8, s3;
	[tilespmem:s5+$0x0] =	vst.add.f32.msk $0xffff, v0  }
0x20c: {  	p1 =	slt.u32 s0, $0x3C0;
	s5 =	sor.u32 s1, s3;
	s3 =	sor.u32 s9, s3;
	v2 =	vld [tilespmem:s12+$0x180]  }
0x20d: {  	v3 =	vld [tilespmem:s7+$0x180]  }
0x20e: {  	p0 =	por $0x0, $0x0;
	v1 =	vld [tilespmem:s3+$0x180]  }
0x20f: {  	s26 =	simm.s32 $0x0;
	s3 =	sor.u32 $0xC180, s2;
	v4 =	vld [tilespmem:s5+$0x180]  }
0x210: {  	s5 =	sor.u32 $0xE180, s2;
	s12 =	sor.u32 s6, s3;
	s7 =	sor.u32 s8, s3;
	[tilespmem:s4+$0x0] =	vst.add.f32.msk $0xffff, v0  }
0x211: {  	s4 =	sor.u32 $0x10180, s2;
	s13 =	sor.u32 s6, s5;
	[tilespmem:s7+$0x0] =	vst.add.f32.msk $0xffff, v2;
	s7 =	sor.u32 s8, s5  }
0x212: {  	s2 =	sor.u32 $0x12180, s2;
	s14 =	sor.u32 s6, s4;
	[tilespmem:s7+$0x0] =	vst.add.f32.msk $0xffff, v2;
	s7 =	sor.u32 s8, s4  }
0x213: {  	s16 =	sor.u32 s9, s3;
	s15 =	sor.u32 s6, s2;
	[tilespmem:s7+$0x0] =	vst.add.f32.msk $0xffff, v2;
	s7 =	sor.u32 s8, s2  }
0x214: {  	s19 =	sor.u32 s9, s5;
	s20 =	sor.u32 s9, s4;
	s6 =	sor.u32 s9, s2;
	[tilespmem:s7+$0x0] =	vst.add.f32.msk $0xffff, v2;
	v0 =	vmov v4  }
0x215: {  	s8 =	sor.u32 s1, s3;
	s7 =	sor.u32 s1, s5;
	s5 =	sor.u32 s1, s4;
	[tilespmem:s12+$0x0] =	vst.add.f32.msk $0xffff, v3  }
0x216: {  	s4 =	sor.u32 s1, s2;
	[tilespmem:s13+$0x0] =	vst.add.f32.msk $0xffff, v3  }
.Ltmp11:
0x217: {  	[tilespmem:s14+$0x0] =	vst.add.f32.msk $0xffff, v3;
	(pc) =	sbr.rel @p1 .LBB2_25-.Ltmp11, $4  }
0x218: {  	[tilespmem:s15+$0x0] =	vst.add.f32.msk $0xffff, v3  }
0x219: {  	[tilespmem:s16+$0x0] =	vst.add.f32.msk $0xffff, v1  }
0x21a: {  	[tilespmem:s19+$0x0] =	vst.add.f32.msk $0xffff, v1  }
0x21b: {  	[tilespmem:s20+$0x0] =	vst.add.f32.msk $0xffff, v1  }
0x21c: {  	s0 =	simm.s32 $0x1  }
0x21d: {  	[tilespmem:s6+$0x0] =	vst.add.f32.msk $0xffff, v1;
	s0 =	simm.s32 @!p0 $0x0  }
0x21e: {  	[tilespmem:s8+$0x0] =	vst.add.f32.msk $0xffff, v0;
	s0 =	sshll.u32 s0, $0x6  }
0x21f: {  	[tilespmem:s7+$0x0] =	vst.add.f32.msk $0xffff, v0;
	s25 =	sadd.s32 $0x0, s0  }
0x220: {  	[tilespmem:s5+$0x0] =	vst.add.f32.msk $0xffff, v0;
	s29 =	sadd.s32 $0x30, s25  }
0x221: {  	[tilespmem:s4+$0x0] =	vst.add.f32.msk $0xffff, v0;
	s30 =	sadd.s32 $0x10, s25;
	s19 =	sor.u32 $0x200, s29  }
0x222: {  	s31 =	sadd.s32 $0x20, s25;
	s1 =	sor.u32 $0x200, s30;
	v2 =	vld [tilespmem:s19+$0x2000]  }
0x223: {  	s28 =	sand.u32 $0x1C00, s26;
	s0 =	simm.s32 $0x0;
	s2 =	sor.u32 $0x200, s31;
	v3 =	vld [tilespmem:s1+$0x2000]  }
0x224: {  	s8 =	sor.u32 $0x10200, s28;
	s12 =	sor.u32 $0x12200, s28;
	s1 =	sand.u32 $0x40, s0;
	v1 =	vld [tilespmem:s2+$0x2000]  }
0x225: {  	s3 =	sor.u32 $0x200, s25;
	s2 =	sor.u32 $0xC200, s28;
	s20 =	sor.u32 $0x30, s1  }
0x226: {  	v0 =	vld [tilespmem:s3+$0x2000];
	s3 =	sor.u32 $0xE200, s28;
	s13 =	sor.u32 $0x10, s1;
	s6 =	sor.u32 s20, s2  }
0x227: {  	s16 =	sor.u32 $0x20, s1;
	s14 =	sor.u32 s13, s2;
	s15 =	sor.u32 s13, s3;
	[tilespmem:s6+$0x0] =	vst.add.f32.msk $0xffff, v2  }
0x228: {  	s17 =	sor.u32 s13, s8;
	s19 =	sor.u32 s13, s12;
	s13 =	sor.u32 s16, s2;
	[tilespmem:s14+$0x0] =	vst.add.f32.msk $0xffff, v3  }
0x229: {  	s7 =	sor.u32 s20, s3;
	[tilespmem:s13+$0x0] =	vst.add.f32.msk $0xffff, v1  }
0x22a: {  	[tilespmem:s7+$0x0] =	vst.add.f32.msk $0xffff, v2  }
0x22b: {  	s14 =	sor.u32 s16, s3;
	[tilespmem:s15+$0x0] =	vst.add.f32.msk $0xffff, v3  }
0x22c: {  	s9 =	sor.u32 s20, s8;
	[tilespmem:s14+$0x0] =	vst.add.f32.msk $0xffff, v1  }
0x22d: {  	[tilespmem:s9+$0x0] =	vst.add.f32.msk $0xffff, v2  }
0x22e: {  	p1 =	por !p0, !p0;
	s5 =	sor.u32 s1, s12;
	s4 =	sor.u32 s20, s12;
	[tilespmem:s17+$0x0] =	vst.add.f32.msk $0xffff, v3  }
0x22f: {  	s20 =	sor.u32 s16, s8;
	s8 =	sor.u32 s1, s8;
	s6 =	sor.u32 s16, s12;
	[tilespmem:s4+$0x0] =	vst.add.f32.msk $0xffff, v2  }
0x230: {  	s7 =	sor.u32 s1, s3;
	s9 =	sor.u32 s1, s2;
	[tilespmem:s19+$0x0] =	vst.add.f32.msk $0xffff, v3;
	s4 =	simm.s32 $0x0  }
.LBB2_27:
0x231: {  	s1 =	simm.s32 $0x1  }
0x232: {  	[tilespmem:s20+$0x0] =	vst.add.f32.msk $0xffff, v1;
	s1 =	simm.s32 @!p1 $0x0  }
0x233: {  	s4 =	sadd.s32 $0x200, s4;
	s1 =	sshll.u32 s1, $0x6;
	[tilespmem:s6+$0x0] =	vst.add.f32.msk $0xffff, v1  }
0x234: {  	s1 =	sadd.s32 s1, s4;
	[tilespmem:s9+$0x0] =	vst.add.f32.msk $0xffff, v0  }
0x235: {  	s2 =	sadd.s32 $0x10, s1;
	s3 =	sadd.s32 $0x20, s1;
	s6 =	sadd.s32 $0x30, s1;
	[tilespmem:s7+$0x0] =	vst.add.f32.msk $0xffff, v0  }
0x236: {  	s2 =	sor.u32 $0x200, s2;
	s3 =	sor.u32 $0x200, s3;
	s6 =	sor.u32 $0x200, s6;
	[tilespmem:s8+$0x0] =	vst.add.f32.msk $0xffff, v0  }
0x237: {  	s1 =	sor.u32 $0x200, s1;
	v2 =	vld [tilespmem:s6+$0x2000]  }
0x238: {  	s0 =	sadd.s32 $0x40, s0;
	v3 =	vld [tilespmem:s2+$0x2000]  }
0x239: {  	p2 =	slt.u32 s0, $0x3C0;
	s6 =	sand.u32 $0x1C00, s4;
	s2 =	sand.u32 $0x40, s0;
	v1 =	vld [tilespmem:s3+$0x2000]  }
0x23a: {  	s3 =	sor.u32 $0x10, s2;
	s7 =	sor.u32 $0x30, s2;
	v4 =	vld [tilespmem:s1+$0x2000];
	s1 =	sor.u32 $0xC200, s6  }
0x23b: {  	s8 =	sor.u32 $0xE200, s6;
	s12 =	sor.u32 $0x20, s2;
	s9 =	sor.u32 s7, s1;
	[tilespmem:s5+$0x0] =	vst.add.f32.msk $0xffff, v0  }
0x23c: {  	s5 =	sor.u32 $0x10200, s6;
	s13 =	sor.u32 s3, s1;
	[tilespmem:s9+$0x0] =	vst.add.f32.msk $0xffff, v2;
	s9 =	sor.u32 s7, s8  }
0x23d: {  	s14 =	sor.u32 $0x12200, s6;
	s15 =	sor.u32 s3, s8;
	s6 =	sor.u32 s7, s5;
	[tilespmem:s9+$0x0] =	vst.add.f32.msk $0xffff, v2  }
0x23e: {  	s16 =	sor.u32 s3, s5;
	s3 =	sor.u32 s3, s14;
	[tilespmem:s6+$0x0] =	vst.add.f32.msk $0xffff, v2;
	s6 =	sor.u32 s7, s14  }
0x23f: {  	s17 =	sor.u32 s12, s8;
	s19 =	sor.u32 s12, s1;
	s20 =	sor.u32 s12, s5;
	[tilespmem:s6+$0x0] =	vst.add.f32.msk $0xffff, v2;
	v0 =	vmov v4  }
0x240: {  	s9 =	sor.u32 s2, s1;
	s7 =	sor.u32 s2, s8;
	s6 =	sor.u32 s12, s14;
	[tilespmem:s13+$0x0] =	vst.add.f32.msk $0xffff, v3  }
.Ltmp12:
0x241: {  	s8 =	sor.u32 s2, s5;
	s5 =	sor.u32 s2, s14;
	[tilespmem:s15+$0x0] =	vst.add.f32.msk $0xffff, v3;
	(pc) =	sbr.rel @p2 .LBB2_27-.Ltmp12, $4  }
0x242: {  	[tilespmem:s16+$0x0] =	vst.add.f32.msk $0xffff, v3  }
0x243: {  	[tilespmem:s3+$0x0] =	vst.add.f32.msk $0xffff, v3  }
0x244: {  	[tilespmem:s19+$0x0] =	vst.add.f32.msk $0xffff, v1  }
0x245: {  	p1 =	por !p1, !p1;
	[tilespmem:s17+$0x0] =	vst.add.f32.msk $0xffff, v1  }
0x246: {  	[tilespmem:s20+$0x0] =	vst.add.f32.msk $0xffff, v1  }
0x247: {  	[tilespmem:s9+$0x0] =	vst.add.f32.msk $0xffff, v0  }
0x248: {  	[tilespmem:s6+$0x0] =	vst.add.f32.msk $0xffff, v1  }
0x249: {  	[tilespmem:s7+$0x0] =	vst.add.f32.msk $0xffff, v0  }
0x24a: {  	[tilespmem:s8+$0x0] =	vst.add.f32.msk $0xffff, v0  }
0x24b: {  	s0 =	sor.u32 $0x280, s29;
	[tilespmem:s5+$0x0] =	vst.add.f32.msk $0xffff, v0  }
0x24c: {  	s1 =	sor.u32 $0x280, s30;
	v2 =	vld [tilespmem:s0+$0x2000]  }
0x24d: {  	s2 =	sor.u32 $0x280, s31;
	s0 =	simm.s32 $0x0;
	v3 =	vld [tilespmem:s1+$0x2000]  }
0x24e: {  	s3 =	sor.u32 $0x280, s25;
	v1 =	vld [tilespmem:s2+$0x2000];
	s1 =	sand.u32 $0x40, s0  }
0x24f: {  	s15 =	sor.u32 $0xE280, s28;
	s8 =	sor.u32 $0xC280, s28;
	s4 =	sor.u32 $0x30, s1  }
0x250: {  	s17 =	sor.u32 $0x10280, s28;
	v0 =	vld [tilespmem:s3+$0x2000];
	s25 =	sor.u32 $0x10, s1;
	s16 =	sor.u32 s4, s8  }
0x251: {  	s12 =	sor.u32 $0x12280, s28;
	s31 =	sor.u32 $0x20, s1;
	s28 =	sor.u32 s25, s8;
	[tilespmem:s16+$0x0] =	vst.add.f32.msk $0xffff, v2  }
0x252: {  	s13 =	sor.u32 s31, s8;
	[tilespmem:s28+$0x0] =	vst.add.f32.msk $0xffff, v3  }
0x253: {  	s19 =	sor.u32 s4, s15;
	[tilespmem:s13+$0x0] =	vst.add.f32.msk $0xffff, v1  }
0x254: {  	s29 =	sor.u32 s25, s15;
	[tilespmem:s19+$0x0] =	vst.add.f32.msk $0xffff, v2  }
0x255: {  	s14 =	sor.u32 s31, s15;
	[tilespmem:s29+$0x0] =	vst.add.f32.msk $0xffff, v3  }
0x256: {  	s20 =	sor.u32 s4, s17;
	[tilespmem:s14+$0x0] =	vst.add.f32.msk $0xffff, v1  }
0x257: {  	s30 =	sor.u32 s25, s17;
	[tilespmem:s20+$0x0] =	vst.add.f32.msk $0xffff, v2  }
0x258: {  	p1 =	por !p0, !p0;
	s5 =	sor.u32 s1, s15;
	s4 =	sor.u32 s4, s12;
	[tilespmem:s30+$0x0] =	vst.add.f32.msk $0xffff, v3  }
0x259: {  	s7 =	sor.u32 s1, s17;
	s6 =	sor.u32 s25, s12;
	s9 =	sor.u32 s31, s17;
	[tilespmem:s4+$0x0] =	vst.add.f32.msk $0xffff, v2  }
0x25a: {  	s8 =	sor.u32 s1, s8;
	[tilespmem:s6+$0x0] =	vst.add.f32.msk $0xffff, v3;
	s6 =	sor.u32 s31, s12;
	s4 =	sor.u32 s1, s12  }
.LBB2_29:
0x25b: {  	s1 =	simm.s32 $0x1  }
0x25c: {  	[tilespmem:s9+$0x0] =	vst.add.f32.msk $0xffff, v1;
	s1 =	simm.s32 @!p1 $0x0  }
0x25d: {  	s26 =	sadd.s32 $0x200, s26;
	s1 =	sshll.u32 s1, $0x6;
	[tilespmem:s6+$0x0] =	vst.add.f32.msk $0xffff, v1  }
0x25e: {  	s1 =	sadd.s32 s1, s26;
	[tilespmem:s8+$0x0] =	vst.add.f32.msk $0xffff, v0  }
0x25f: {  	s2 =	sadd.s32 $0x10, s1;
	s3 =	sadd.s32 $0x20, s1;
	s6 =	sadd.s32 $0x30, s1;
	[tilespmem:s5+$0x0] =	vst.add.f32.msk $0xffff, v0  }
0x260: {  	s2 =	sor.u32 $0x280, s2;
	s3 =	sor.u32 $0x280, s3;
	s5 =	sor.u32 $0x280, s6;
	[tilespmem:s7+$0x0] =	vst.add.f32.msk $0xffff, v0  }
0x261: {  	p0 =	por $0x0, $0x0;
	s1 =	sor.u32 $0x280, s1;
	v2 =	vld [tilespmem:s5+$0x2000]  }
0x262: {  	s0 =	sadd.s32 $0x40, s0;
	s25 =	simm.s32 $0x0;
	v3 =	vld [tilespmem:s2+$0x2000]  }
0x263: {  	p2 =	slt.u32 s0, $0x3C0;
	s5 =	sand.u32 $0x1C00, s26;
	s2 =	sand.u32 $0x40, s0;
	v1 =	vld [tilespmem:s3+$0x2000]  }
0x264: {  	s3 =	sor.u32 $0x10, s2;
	s6 =	sor.u32 $0x30, s2;
	v4 =	vld [tilespmem:s1+$0x2000];
	s1 =	sor.u32 $0xC280, s5  }
0x265: {  	s7 =	sor.u32 $0xE280, s5;
	s12 =	sor.u32 $0x20, s2;
	s8 =	sor.u32 s6, s1;
	[tilespmem:s4+$0x0] =	vst.add.f32.msk $0xffff, v0  }
0x266: {  	s4 =	sor.u32 $0x10280, s5;
	s13 =	sor.u32 s3, s1;
	[tilespmem:s8+$0x0] =	vst.add.f32.msk $0xffff, v2;
	s8 =	sor.u32 s6, s7  }
0x267: {  	s14 =	sor.u32 $0x12280, s5;
	s15 =	sor.u32 s3, s7;
	s5 =	sor.u32 s6, s4;
	[tilespmem:s8+$0x0] =	vst.add.f32.msk $0xffff, v2  }
0x268: {  	s16 =	sor.u32 s3, s4;
	s3 =	sor.u32 s3, s14;
	[tilespmem:s5+$0x0] =	vst.add.f32.msk $0xffff, v2;
	s5 =	sor.u32 s6, s14  }
0x269: {  	s19 =	sor.u32 s12, s7;
	s17 =	sor.u32 s12, s1;
	s9 =	sor.u32 s12, s4;
	[tilespmem:s5+$0x0] =	vst.add.f32.msk $0xffff, v2;
	v0 =	vmov v4  }
0x26a: {  	s8 =	sor.u32 s2, s1;
	s6 =	sor.u32 s12, s14;
	s5 =	sor.u32 s2, s7;
	[tilespmem:s13+$0x0] =	vst.add.f32.msk $0xffff, v3  }
.Ltmp13:
0x26b: {  	s7 =	sor.u32 s2, s4;
	s4 =	sor.u32 s2, s14;
	[tilespmem:s15+$0x0] =	vst.add.f32.msk $0xffff, v3;
	(pc) =	sbr.rel @p2 .LBB2_29-.Ltmp13, $4  }
0x26c: {  	[tilespmem:s16+$0x0] =	vst.add.f32.msk $0xffff, v3  }
0x26d: {  	[tilespmem:s3+$0x0] =	vst.add.f32.msk $0xffff, v3  }
0x26e: {  	[tilespmem:s17+$0x0] =	vst.add.f32.msk $0xffff, v1  }
0x26f: {  	p1 =	por !p1, !p1;
	[tilespmem:s19+$0x0] =	vst.add.f32.msk $0xffff, v1  }
0x270: {  	[tilespmem:s9+$0x0] =	vst.add.f32.msk $0xffff, v1;
	s0 =	simm.s32 $0x1  }
0x271: {  	[tilespmem:s8+$0x0] =	vst.add.f32.msk $0xffff, v0;
	s0 =	simm.s32 @!p0 $0x0  }
0x272: {  	[tilespmem:s6+$0x0] =	vst.add.f32.msk $0xffff, v1;
	s0 =	sshll.u32 s0, $0x6  }
0x273: {  	[tilespmem:s5+$0x0] =	vst.add.f32.msk $0xffff, v0;
	s1 =	sadd.s32 $0x0, s0  }
0x274: {  	[tilespmem:s7+$0x0] =	vst.add.f32.msk $0xffff, v0;
	s28 =	sadd.s32 $0x30, s1  }
0x275: {  	[tilespmem:s4+$0x0] =	vst.add.f32.msk $0xffff, v0;
	s29 =	sadd.s32 $0x10, s1;
	s8 =	sor.u32 $0x300, s28  }
0x276: {  	s2 =	sor.u32 $0x300, s29;
	v2 =	vld [tilespmem:s8+$0x2000]  }
0x277: {  	s0 =	simm.s32 $0x0;
	s30 =	sadd.s32 $0x20, s1;
	v3 =	vld [tilespmem:s2+$0x2000]  }
0x278: {  	s26 =	sand.u32 $0x1C00, s25;
	s3 =	sor.u32 $0x300, s30;
	s2 =	sand.u32 $0x40, s0  }
0x279: {  	s1 =	sor.u32 $0x300, s1;
	v1 =	vld [tilespmem:s3+$0x2000];
	s3 =	sor.u32 $0xC300, s26;
	s9 =	sor.u32 $0x30, s2  }
0x27a: {  	v0 =	vld [tilespmem:s1+$0x2000];
	s15 =	sor.u32 $0x10, s2;
	s12 =	sor.u32 s9, s3  }
0x27b: {  	s1 =	sor.u32 $0xE300, s26;
	s16 =	sor.u32 s15, s3;
	[tilespmem:s12+$0x0] =	vst.add.f32.msk $0xffff, v2  }
0x27c: {  	s13 =	sor.u32 s9, s1;
	[tilespmem:s16+$0x0] =	vst.add.f32.msk $0xffff, v3  }
0x27d: {  	s8 =	sor.u32 $0x10300, s26;
	s17 =	sor.u32 s15, s1;
	[tilespmem:s13+$0x0] =	vst.add.f32.msk $0xffff, v2  }
0x27e: {  	s14 =	sor.u32 s9, s8;
	[tilespmem:s17+$0x0] =	vst.add.f32.msk $0xffff, v3  }
0x27f: {  	s19 =	sor.u32 $0x20, s2;
	s20 =	sor.u32 s15, s8;
	[tilespmem:s14+$0x0] =	vst.add.f32.msk $0xffff, v2  }
0x280: {  	s12 =	sor.u32 $0x12300, s26;
	s13 =	sor.u32 s19, s3;
	[tilespmem:s20+$0x0] =	vst.add.f32.msk $0xffff, v3  }
0x281: {  	p1 =	por !p0, !p0;
	s4 =	sor.u32 s9, s12;
	[tilespmem:s13+$0x0] =	vst.add.f32.msk $0xffff, v1  }
0x282: {  	s7 =	sor.u32 s2, s1;
	s31 =	sor.u32 s15, s12;
	s9 =	sor.u32 s2, s3;
	[tilespmem:s4+$0x0] =	vst.add.f32.msk $0xffff, v2  }
0x283: {  	s6 =	sor.u32 s19, s12;
	s5 =	sor.u32 s2, s12;
	s14 =	sor.u32 s19, s1;
	[tilespmem:s31+$0x0] =	vst.add.f32.msk $0xffff, v3  }
0x284: {  	s20 =	sor.u32 s19, s8;
	s8 =	sor.u32 s2, s8;
	[tilespmem:s14+$0x0] =	vst.add.f32.msk $0xffff, v1;
	s4 =	simm.s32 $0x0  }
.LBB2_31:
0x285: {  	s1 =	simm.s32 $0x1  }
0x286: {  	[tilespmem:s20+$0x0] =	vst.add.f32.msk $0xffff, v1;
	s1 =	simm.s32 @!p1 $0x0  }
0x287: {  	s4 =	sadd.s32 $0x200, s4;
	s1 =	sshll.u32 s1, $0x6;
	[tilespmem:s6+$0x0] =	vst.add.f32.msk $0xffff, v1  }
0x288: {  	s1 =	sadd.s32 s1, s4;
	[tilespmem:s9+$0x0] =	vst.add.f32.msk $0xffff, v0  }
0x289: {  	s2 =	sadd.s32 $0x10, s1;
	s3 =	sadd.s32 $0x20, s1;
	s6 =	sadd.s32 $0x30, s1;
	[tilespmem:s7+$0x0] =	vst.add.f32.msk $0xffff, v0  }
0x28a: {  	s2 =	sor.u32 $0x300, s2;
	s3 =	sor.u32 $0x300, s3;
	s6 =	sor.u32 $0x300, s6;
	[tilespmem:s8+$0x0] =	vst.add.f32.msk $0xffff, v0  }
0x28b: {  	s1 =	sor.u32 $0x300, s1;
	v2 =	vld [tilespmem:s6+$0x2000]  }
0x28c: {  	s0 =	sadd.s32 $0x40, s0;
	v3 =	vld [tilespmem:s2+$0x2000]  }
0x28d: {  	p2 =	slt.u32 s0, $0x3C0;
	s6 =	sand.u32 $0x1C00, s4;
	s2 =	sand.u32 $0x40, s0;
	v1 =	vld [tilespmem:s3+$0x2000]  }
0x28e: {  	s3 =	sor.u32 $0x10, s2;
	s7 =	sor.u32 $0x30, s2;
	v4 =	vld [tilespmem:s1+$0x2000];
	s1 =	sor.u32 $0xC300, s6  }
0x28f: {  	s8 =	sor.u32 $0xE300, s6;
	s12 =	sor.u32 $0x20, s2;
	s9 =	sor.u32 s7, s1;
	[tilespmem:s5+$0x0] =	vst.add.f32.msk $0xffff, v0  }
0x290: {  	s5 =	sor.u32 $0x10300, s6;
	s13 =	sor.u32 s3, s1;
	[tilespmem:s9+$0x0] =	vst.add.f32.msk $0xffff, v2;
	s9 =	sor.u32 s7, s8  }
0x291: {  	s14 =	sor.u32 $0x12300, s6;
	s15 =	sor.u32 s3, s8;
	s6 =	sor.u32 s7, s5;
	[tilespmem:s9+$0x0] =	vst.add.f32.msk $0xffff, v2  }
0x292: {  	s16 =	sor.u32 s3, s5;
	s3 =	sor.u32 s3, s14;
	[tilespmem:s6+$0x0] =	vst.add.f32.msk $0xffff, v2;
	s6 =	sor.u32 s7, s14  }
0x293: {  	s19 =	sor.u32 s12, s8;
	s17 =	sor.u32 s12, s1;
	s20 =	sor.u32 s12, s5;
	[tilespmem:s6+$0x0] =	vst.add.f32.msk $0xffff, v2;
	v0 =	vmov v4  }
0x294: {  	s9 =	sor.u32 s2, s1;
	s7 =	sor.u32 s2, s8;
	s6 =	sor.u32 s12, s14;
	[tilespmem:s13+$0x0] =	vst.add.f32.msk $0xffff, v3  }
.Ltmp14:
0x295: {  	s8 =	sor.u32 s2, s5;
	s5 =	sor.u32 s2, s14;
	[tilespmem:s15+$0x0] =	vst.add.f32.msk $0xffff, v3;
	(pc) =	sbr.rel @p2 .LBB2_31-.Ltmp14, $4  }
0x296: {  	[tilespmem:s16+$0x0] =	vst.add.f32.msk $0xffff, v3  }
0x297: {  	[tilespmem:s3+$0x0] =	vst.add.f32.msk $0xffff, v3  }
0x298: {  	[tilespmem:s17+$0x0] =	vst.add.f32.msk $0xffff, v1  }
0x299: {  	p1 =	por !p1, !p1;
	[tilespmem:s19+$0x0] =	vst.add.f32.msk $0xffff, v1  }
0x29a: {  	[tilespmem:s20+$0x0] =	vst.add.f32.msk $0xffff, v1  }
0x29b: {  	[tilespmem:s9+$0x0] =	vst.add.f32.msk $0xffff, v0  }
0x29c: {  	[tilespmem:s6+$0x0] =	vst.add.f32.msk $0xffff, v1  }
0x29d: {  	[tilespmem:s7+$0x0] =	vst.add.f32.msk $0xffff, v0  }
0x29e: {  	[tilespmem:s8+$0x0] =	vst.add.f32.msk $0xffff, v0  }
0x29f: {  	s0 =	sor.u32 $0x380, s28;
	[tilespmem:s5+$0x0] =	vst.add.f32.msk $0xffff, v0  }
0x2a0: {  	s1 =	sor.u32 $0x380, s29;
	v2 =	vld [tilespmem:s0+$0x2000]  }
0x2a1: {  	s2 =	sor.u32 $0x380, s30;
	s9 =	sor.u32 $0xC380, s26;
	s0 =	simm.s32 $0x0;
	v3 =	vld [tilespmem:s1+$0x2000]  }
0x2a2: {  	s15 =	sor.u32 $0xE380, s26;
	v1 =	vld [tilespmem:s2+$0x2000];
	s1 =	sand.u32 $0x40, s0;
	s3 =	sor.u32 s25, s0  }
0x2a3: {  	s17 =	sor.u32 $0x10380, s26;
	s8 =	sor.u32 $0x380, s3;
	s4 =	sor.u32 $0x30, s1  }
0x2a4: {  	s12 =	sor.u32 $0x12380, s26;
	s26 =	sor.u32 $0x10, s1;
	v0 =	vld [tilespmem:s8+$0x2000];
	s16 =	sor.u32 s4, s9  }
0x2a5: {  	s31 =	sor.u32 $0x20, s1;
	s28 =	sor.u32 s26, s9;
	[tilespmem:s16+$0x0] =	vst.add.f32.msk $0xffff, v2  }
0x2a6: {  	s13 =	sor.u32 s31, s9;
	[tilespmem:s28+$0x0] =	vst.add.f32.msk $0xffff, v3  }
0x2a7: {  	s19 =	sor.u32 s4, s15;
	[tilespmem:s13+$0x0] =	vst.add.f32.msk $0xffff, v1  }
0x2a8: {  	s29 =	sor.u32 s26, s15;
	[tilespmem:s19+$0x0] =	vst.add.f32.msk $0xffff, v2  }
0x2a9: {  	s14 =	sor.u32 s31, s15;
	[tilespmem:s29+$0x0] =	vst.add.f32.msk $0xffff, v3  }
0x2aa: {  	s20 =	sor.u32 s4, s17;
	[tilespmem:s14+$0x0] =	vst.add.f32.msk $0xffff, v1  }
0x2ab: {  	s30 =	sor.u32 s26, s17;
	[tilespmem:s20+$0x0] =	vst.add.f32.msk $0xffff, v2  }
0x2ac: {  	p0 =	por !p0, !p0;
	s5 =	sor.u32 s1, s9;
	s4 =	sor.u32 s4, s12;
	[tilespmem:s30+$0x0] =	vst.add.f32.msk $0xffff, v3  }
0x2ad: {  	s7 =	sor.u32 s1, s17;
	s6 =	sor.u32 s26, s12;
	s9 =	sor.u32 s31, s17;
	[tilespmem:s4+$0x0] =	vst.add.f32.msk $0xffff, v2  }
0x2ae: {  	s8 =	sor.u32 s1, s15;
	[tilespmem:s6+$0x0] =	vst.add.f32.msk $0xffff, v3;
	s6 =	sor.u32 s31, s12;
	s4 =	sor.u32 s1, s12  }
.LBB2_33:
0x2af: {  	s1 =	simm.s32 $0x1  }
0x2b0: {  	[tilespmem:s9+$0x0] =	vst.add.f32.msk $0xffff, v1;
	s1 =	simm.s32 @!p0 $0x0  }
0x2b1: {  	s25 =	sadd.s32 $0x200, s25;
	s1 =	sshll.u32 s1, $0x6;
	[tilespmem:s6+$0x0] =	vst.add.f32.msk $0xffff, v1  }
0x2b2: {  	s1 =	sadd.s32 s1, s25;
	[tilespmem:s5+$0x0] =	vst.add.f32.msk $0xffff, v0  }
0x2b3: {  	s2 =	sadd.s32 $0x10, s1;
	s3 =	sadd.s32 $0x20, s1;
	s1 =	sadd.s32 $0x30, s1;
	[tilespmem:s8+$0x0] =	vst.add.f32.msk $0xffff, v0  }
0x2b4: {  	s2 =	sor.u32 $0x380, s2;
	s3 =	sor.u32 $0x380, s3;
	s1 =	sor.u32 $0x380, s1;
	[tilespmem:s7+$0x0] =	vst.add.f32.msk $0xffff, v0  }
0x2b5: {  	s0 =	sadd.s32 $0x40, s0;
	v2 =	vld [tilespmem:s1+$0x2000]  }
0x2b6: {  	p1 =	slt.u32 s0, $0x3C0;
	s1 =	sand.u32 $0x40, s0;
	v3 =	vld [tilespmem:s2+$0x2000]  }
0x2b7: {  	s5 =	sor.u32 s25, s0;
	s2 =	sand.u32 $0x1C00, s25;
	s6 =	sor.u32 $0x30, s1;
	v1 =	vld [tilespmem:s3+$0x2000]  }
0x2b8: {  	s8 =	sor.u32 $0x20, s1;
	s3 =	sor.u32 $0x380, s5;
	s5 =	sor.u32 $0xC380, s2;
	[tilespmem:s4+$0x0] =	vst.add.f32.msk $0xffff, v0  }
0x2b9: {  	s4 =	sor.u32 $0x10, s1;
	s7 =	sor.u32 s6, s5;
	v0 =	vld [tilespmem:s3+$0x2000];
	s3 =	sor.u32 $0xE380, s2  }
0x2ba: {  	s12 =	sor.u32 $0x10380, s2;
	s16 =	sor.u32 s8, s5;
	[tilespmem:s7+$0x0] =	vst.add.f32.msk $0xffff, v2;
	s7 =	sor.u32 s6, s3  }
0x2bb: {  	s2 =	sor.u32 $0x12380, s2;
	s9 =	sor.u32 s4, s5;
	[tilespmem:s7+$0x0] =	vst.add.f32.msk $0xffff, v2;
	s7 =	sor.u32 s6, s12  }
0x2bc: {  	s14 =	sor.u32 s4, s12;
	s13 =	sor.u32 s4, s3;
	s6 =	sor.u32 s6, s2;
	[tilespmem:s7+$0x0] =	vst.add.f32.msk $0xffff, v2  }
0x2bd: {  	s5 =	sor.u32 s1, s5;
	s15 =	sor.u32 s4, s2;
	s17 =	sor.u32 s8, s3;
	[tilespmem:s6+$0x0] =	vst.add.f32.msk $0xffff, v2  }
0x2be: {  	s4 =	sor.u32 s1, s2;
	s6 =	sor.u32 s8, s2;
	[tilespmem:s9+$0x0] =	vst.add.f32.msk $0xffff, v3;
	s9 =	sor.u32 s8, s12  }
.Ltmp15:
0x2bf: {  	s7 =	sor.u32 s1, s12;
	s8 =	sor.u32 s1, s3;
	[tilespmem:s13+$0x0] =	vst.add.f32.msk $0xffff, v3;
	(pc) =	sbr.rel @p1 .LBB2_33-.Ltmp15, $4  }
0x2c0: {  	[tilespmem:s14+$0x0] =	vst.add.f32.msk $0xffff, v3  }
0x2c1: {  	[tilespmem:s15+$0x0] =	vst.add.f32.msk $0xffff, v3  }
0x2c2: {  	[tilespmem:s16+$0x0] =	vst.add.f32.msk $0xffff, v1  }
0x2c3: {  	p0 =	por !p0, !p0;
	[tilespmem:s17+$0x0] =	vst.add.f32.msk $0xffff, v1  }
0x2c4: {  	[tilespmem:s9+$0x0] =	vst.add.f32.msk $0xffff, v1  }
0x2c5: {  	[tilespmem:s5+$0x0] =	vst.add.f32.msk $0xffff, v0  }
0x2c6: {  	[tilespmem:s6+$0x0] =	vst.add.f32.msk $0xffff, v1  }
0x2c7: {  	[tilespmem:s8+$0x0] =	vst.add.f32.msk $0xffff, v0  }
0x2c8: {  	s0 =	rddreg [dreg:$0x2];
	[tilespmem:s7+$0x0] =	vst.add.f32.msk $0xffff, v0  }
0x2c9: {  	s1 =	simm.s32 $0xC000;
	s3 =	simm.s32 $0x6;
	s0 =	sadd.s32 s0, s23;
	[tilespmem:s4+$0x0] =	vst.add.f32.msk $0xffff, v0  }
0x2ca: {  	[hbm4b:s0+s10] =	stream.strided.scatter [tilespmem:s1], [sflag:$0x6], $0x8000, s11, s10, $0x38;
	[tilespmem:$0x14000] =	vst v63  }
0x2cb: {  	_ =	swait.ge [sflag:s3], $0x8000  }
0x2cc: {  	[sflag:s3] =	ssyncset.done $0x0  }
0x2cd: {  	[sflag:s3] =	ssyncadd.s32 $0xFFFF8000  }
0x2ce: {  	s23 =	sor.u32 $0xC00, s22;
	s0 =	rddreg [dreg:$0x1]  }
0x2cf: {  	s26 =	simm.s32 $0x0;
	s4 =	rddreg [dreg:$0x0];
	s0 =	sadd.s32 s0, s23  }
0x2d0: {  	[tilespmem:s10], [sflag:$0x2] =	stream.linear.gather [hbm4b:s0+s26], $0x2000, $0x38;
	[tilespmem:$0x14000] =	vst v63  }
0x2d1: {  	s5 =	simm.s32 $0x1;
	s0 =	sadd.s32 s4, s23  }
0x2d2: {  	[tilespmem:s1], [sflag:$0x4] =	stream.strided.gather [hbm4b:s0+s10], $0x8000, s11, s10, $0x38;
	[tilespmem:$0x14000] =	vst v63  }
0x2d3: {  	_ =	swait.ge [sflag:s5], $0x2000  }
0x2d4: {  	[sflag:s5] =	ssyncset.done $0x0  }
0x2d5: {  	s3 =	simm.s32 $0x3;
	s0 =	simm.s32 $0x0;
	[sflag:s5] =	ssyncadd.s32 $0xFFFFE000  }
0x2d6: {  	s1 =	sand.u32 $0x40, s0;
	_ =	swait.ge [sflag:s3], $0x8000  }
0x2d7: {  	s25 =	sand.u32 $0x1C00, s26;
	s2 =	sor.u32 $0x30, s1;
	[sflag:s3] =	ssyncset.done $0x0  }
0x2d8: {  	s7 =	sor.u32 $0x10, s1;
	s6 =	sor.u32 s2, s25;
	[sflag:s3] =	ssyncadd.s32 $0xFFFF8000  }
0x2d9: {  	s8 =	sor.u32 s7, s25;
	v0 =	vld [tilespmem:s6+$0x0]  }
0x2da: {  	v2 =	vld [tilespmem:s8+$0x0]  }
0x2db: {  	s16 =	sor.u32 $0x20, s1  }
0x2dc: {  	s17 =	sor.u32 s16, s25  }
0x2dd: {  	s3 =	sor.u32 $0x4000, s6;
	v1 =	vld [tilespmem:s17+$0x0]  }
0x2de: {  	s9 =	sor.u32 $0x6000, s25;
	s5 =	sor.u32 $0x4000, s8;
	[tilespmem:s3+$0x0] =	vst.add.f32.msk $0xffff, v0  }
0x2df: {  	s13 =	sor.u32 s2, s9;
	[tilespmem:s5+$0x0] =	vst.add.f32.msk $0xffff, v2  }
0x2e0: {  	s12 =	sor.u32 $0x8000, s25;
	s19 =	sor.u32 s7, s9;
	[tilespmem:s13+$0x0] =	vst.add.f32.msk $0xffff, v0  }
0x2e1: {  	s15 =	sor.u32 s2, s12;
	[tilespmem:s19+$0x0] =	vst.add.f32.msk $0xffff, v2  }
0x2e2: {  	s14 =	sor.u32 $0xA000, s25;
	s20 =	sor.u32 s7, s12;
	[tilespmem:s15+$0x0] =	vst.add.f32.msk $0xffff, v0  }
0x2e3: {  	s2 =	sor.u32 s2, s14;
	[tilespmem:s20+$0x0] =	vst.add.f32.msk $0xffff, v2  }
0x2e4: {  	s4 =	sor.u32 s7, s14;
	[tilespmem:s2+$0x0] =	vst.add.f32.msk $0xffff, v0  }
0x2e5: {  	s29 =	sor.u32 s1, s25;
	[tilespmem:s4+$0x0] =	vst.add.f32.msk $0xffff, v2  }
0x2e6: {  	s2 =	sor.u32 $0x4000, s17;
	v0 =	vld [tilespmem:s29+$0x0]  }
0x2e7: {  	s28 =	sor.u32 s1, s9;
	s30 =	sor.u32 s16, s9;
	[tilespmem:s2+$0x0] =	vst.add.f32.msk $0xffff, v1  }
0x2e8: {  	s31 =	sor.u32 s16, s12;
	s7 =	sor.u32 $0x4000, s29;
	s6 =	sor.u32 s16, s14;
	[tilespmem:s30+$0x0] =	vst.add.f32.msk $0xffff, v1  }
0x2e9: {  	s8 =	sor.u32 s1, s12;
	s5 =	sor.u32 s1, s14;
	s4 =	simm.s32 $0x0;
	[tilespmem:s31+$0x0] =	vst.add.f32.msk $0xffff, v1  }
.LBB2_35:
0x2ea: {  	s0 =	sadd.s32 $0x40, s0;
	[tilespmem:s6+$0x0] =	vst.add.f32.msk $0xffff, v1  }
0x2eb: {  	s4 =	sadd.s32 $0x200, s4;
	s1 =	sand.u32 $0x40, s0;
	[tilespmem:s7+$0x0] =	vst.add.f32.msk $0xffff, v0  }
0x2ec: {  	s2 =	sand.u32 $0x1C00, s4;
	s3 =	sor.u32 $0x10, s1;
	s6 =	sor.u32 $0x30, s1;
	[tilespmem:s28+$0x0] =	vst.add.f32.msk $0xffff, v0  }
0x2ed: {  	s12 =	sor.u32 $0x20, s1;
	s9 =	sor.u32 s3, s2;
	s13 =	sor.u32 s6, s2;
	[tilespmem:s8+$0x0] =	vst.add.f32.msk $0xffff, v0  }
0x2ee: {  	s8 =	sor.u32 s1, s2;
	s15 =	sor.u32 s12, s2;
	s14 =	sor.u32 $0x4000, s9;
	v2 =	vld [tilespmem:s13+$0x0]  }
0x2ef: {  	p0 =	slt.u32 s0, $0x3C0;
	s7 =	sor.u32 $0x4000, s8;
	v3 =	vld [tilespmem:s9+$0x0];
	s9 =	sor.u32 $0x4000, s15  }
0x2f0: {  	v1 =	vld [tilespmem:s15+$0x0]  }
0x2f1: {  	v4 =	vld [tilespmem:s8+$0x0]  }
0x2f2: {  	s13 =	sor.u32 $0x4000, s13;
	s8 =	sor.u32 $0x6000, s2;
	[tilespmem:s5+$0x0] =	vst.add.f32.msk $0xffff, v0  }
0x2f3: {  	s5 =	sor.u32 $0x8000, s2;
	s15 =	sor.u32 s3, s8;
	[tilespmem:s13+$0x0] =	vst.add.f32.msk $0xffff, v2;
	s13 =	sor.u32 s6, s8  }
0x2f4: {  	s2 =	sor.u32 $0xA000, s2;
	s16 =	sor.u32 s3, s5;
	[tilespmem:s13+$0x0] =	vst.add.f32.msk $0xffff, v2;
	s13 =	sor.u32 s6, s5  }
0x2f5: {  	s17 =	sor.u32 s12, s8;
	s3 =	sor.u32 s3, s2;
	[tilespmem:s13+$0x0] =	vst.add.f32.msk $0xffff, v2;
	s13 =	sor.u32 s6, s2  }
0x2f6: {  	s28 =	sor.u32 s1, s8;
	s19 =	sor.u32 s12, s5;
	s6 =	sor.u32 s12, s2;
	[tilespmem:s13+$0x0] =	vst.add.f32.msk $0xffff, v2;
	v0 =	vmov v4  }
0x2f7: {  	s8 =	sor.u32 s1, s5;
	s5 =	sor.u32 s1, s2;
	[tilespmem:s14+$0x0] =	vst.add.f32.msk $0xffff, v3  }
0x2f8: {  	[tilespmem:s15+$0x0] =	vst.add.f32.msk $0xffff, v3  }
.Ltmp16:
0x2f9: {  	[tilespmem:s16+$0x0] =	vst.add.f32.msk $0xffff, v3;
	(pc) =	sbr.rel @p0 .LBB2_35-.Ltmp16, $4  }
0x2fa: {  	[tilespmem:s3+$0x0] =	vst.add.f32.msk $0xffff, v3  }
0x2fb: {  	[tilespmem:s9+$0x0] =	vst.add.f32.msk $0xffff, v1  }
0x2fc: {  	[tilespmem:s17+$0x0] =	vst.add.f32.msk $0xffff, v1  }
0x2fd: {  	[tilespmem:s19+$0x0] =	vst.add.f32.msk $0xffff, v1  }
0x2fe: {  	[tilespmem:s6+$0x0] =	vst.add.f32.msk $0xffff, v1  }
0x2ff: {  	[tilespmem:s7+$0x0] =	vst.add.f32.msk $0xffff, v0;
	s0 =	simm.s32 $0x0  }
0x300: {  	[tilespmem:s28+$0x0] =	vst.add.f32.msk $0xffff, v0;
	s1 =	sand.u32 $0x40, s0  }
0x301: {  	[tilespmem:s8+$0x0] =	vst.add.f32.msk $0xffff, v0;
	s2 =	sor.u32 $0x30, s1  }
0x302: {  	s4 =	sor.u32 $0x10, s1;
	[tilespmem:s5+$0x0] =	vst.add.f32.msk $0xffff, v0;
	s3 =	sor.u32 s2, s25  }
0x303: {  	s6 =	sor.u32 $0x20, s1;
	s8 =	sor.u32 s4, s25;
	v2 =	vld [tilespmem:s3+$0x80]  }
0x304: {  	s14 =	sor.u32 s6, s25;
	v3 =	vld [tilespmem:s8+$0x80]  }
0x305: {  	v1 =	vld [tilespmem:s14+$0x80]  }
0x306: {  	s15 =	sor.u32 s1, s25  }
0x307: {  	v0 =	vld [tilespmem:s15+$0x80];
	s3 =	sor.u32 $0x4080, s3  }
0x308: {  	s19 =	sor.u32 $0x4080, s8;
	[tilespmem:s3+$0x0] =	vst.add.f32.msk $0xffff, v2  }
0x309: {  	s9 =	sor.u32 $0x6080, s25;
	s29 =	sor.u32 $0x4080, s14;
	[tilespmem:s19+$0x0] =	vst.add.f32.msk $0xffff, v3  }
0x30a: {  	s16 =	sor.u32 s2, s9;
	[tilespmem:s29+$0x0] =	vst.add.f32.msk $0xffff, v1  }
0x30b: {  	s20 =	sor.u32 s4, s9;
	[tilespmem:s16+$0x0] =	vst.add.f32.msk $0xffff, v2  }
0x30c: {  	s12 =	sor.u32 $0x8080, s25;
	s30 =	sor.u32 s6, s9;
	[tilespmem:s20+$0x0] =	vst.add.f32.msk $0xffff, v3  }
0x30d: {  	s17 =	sor.u32 s2, s12;
	[tilespmem:s30+$0x0] =	vst.add.f32.msk $0xffff, v1  }
0x30e: {  	s13 =	sor.u32 $0xA080, s25;
	s25 =	sor.u32 s4, s12;
	[tilespmem:s17+$0x0] =	vst.add.f32.msk $0xffff, v2  }
0x30f: {  	s31 =	sor.u32 s6, s12;
	[tilespmem:s25+$0x0] =	vst.add.f32.msk $0xffff, v3  }
0x310: {  	s2 =	sor.u32 s2, s13;
	[tilespmem:s31+$0x0] =	vst.add.f32.msk $0xffff, v1  }
0x311: {  	s7 =	sor.u32 s1, s9;
	s28 =	sor.u32 s4, s13;
	s4 =	sor.u32 $0x4080, s15;
	[tilespmem:s2+$0x0] =	vst.add.f32.msk $0xffff, v2  }
0x312: {  	s6 =	sor.u32 s6, s13;
	s5 =	sor.u32 s1, s13;
	s8 =	sor.u32 s1, s12;
	[tilespmem:s28+$0x0] =	vst.add.f32.msk $0xffff, v3  }
.LBB2_37:
0x313: {  	s0 =	sadd.s32 $0x40, s0;
	[tilespmem:s6+$0x0] =	vst.add.f32.msk $0xffff, v1  }
0x314: {  	s26 =	sadd.s32 $0x200, s26;
	s1 =	sand.u32 $0x40, s0;
	[tilespmem:s4+$0x0] =	vst.add.f32.msk $0xffff, v0  }
0x315: {  	s2 =	sand.u32 $0x1C00, s26;
	s3 =	sor.u32 $0x10, s1;
	s6 =	sor.u32 $0x30, s1;
	[tilespmem:s7+$0x0] =	vst.add.f32.msk $0xffff, v0  }
0x316: {  	s9 =	sor.u32 $0x20, s1;
	s7 =	sor.u32 s3, s2;
	s12 =	sor.u32 s6, s2;
	[tilespmem:s8+$0x0] =	vst.add.f32.msk $0xffff, v0  }
0x317: {  	s8 =	sor.u32 s1, s2;
	s14 =	sor.u32 s9, s2;
	s13 =	sor.u32 $0x4080, s7;
	v2 =	vld [tilespmem:s12+$0x80]  }
0x318: {  	p0 =	slt.u32 s0, $0x3C0;
	s4 =	sor.u32 $0x4080, s8;
	s15 =	sor.u32 $0x4080, s14;
	v3 =	vld [tilespmem:s7+$0x80]  }
0x319: {  	v1 =	vld [tilespmem:s14+$0x80]  }
0x31a: {  	s25 =	simm.s32 $0x0;
	v4 =	vld [tilespmem:s8+$0x80]  }
0x31b: {  	s7 =	sor.u32 $0x6080, s2;
	s8 =	sor.u32 $0x4080, s12;
	[tilespmem:s5+$0x0] =	vst.add.f32.msk $0xffff, v0  }
0x31c: {  	s12 =	sor.u32 s3, s7;
	s5 =	sor.u32 $0x8080, s2;
	[tilespmem:s8+$0x0] =	vst.add.f32.msk $0xffff, v2;
	s8 =	sor.u32 s6, s7  }
0x31d: {  	s2 =	sor.u32 $0xA080, s2;
	s14 =	sor.u32 s3, s5;
	[tilespmem:s8+$0x0] =	vst.add.f32.msk $0xffff, v2;
	s8 =	sor.u32 s6, s5  }
0x31e: {  	s16 =	sor.u32 s9, s7;
	s3 =	sor.u32 s3, s2;
	[tilespmem:s8+$0x0] =	vst.add.f32.msk $0xffff, v2;
	s8 =	sor.u32 s6, s2  }
0x31f: {  	s7 =	sor.u32 s1, s7;
	s17 =	sor.u32 s9, s5;
	s6 =	sor.u32 s9, s2;
	[tilespmem:s8+$0x0] =	vst.add.f32.msk $0xffff, v2;
	v0 =	vmov v4  }
0x320: {  	s8 =	sor.u32 s1, s5;
	s5 =	sor.u32 s1, s2;
	[tilespmem:s13+$0x0] =	vst.add.f32.msk $0xffff, v3  }
0x321: {  	[tilespmem:s12+$0x0] =	vst.add.f32.msk $0xffff, v3  }
.Ltmp17:
0x322: {  	[tilespmem:s14+$0x0] =	vst.add.f32.msk $0xffff, v3;
	(pc) =	sbr.rel @p0 .LBB2_37-.Ltmp17, $4  }
0x323: {  	[tilespmem:s3+$0x0] =	vst.add.f32.msk $0xffff, v3  }
0x324: {  	[tilespmem:s15+$0x0] =	vst.add.f32.msk $0xffff, v1  }
0x325: {  	[tilespmem:s16+$0x0] =	vst.add.f32.msk $0xffff, v1  }
0x326: {  	[tilespmem:s17+$0x0] =	vst.add.f32.msk $0xffff, v1  }
0x327: {  	[tilespmem:s6+$0x0] =	vst.add.f32.msk $0xffff, v1  }
0x328: {  	[tilespmem:s4+$0x0] =	vst.add.f32.msk $0xffff, v0;
	s0 =	simm.s32 $0x0  }
0x329: {  	[tilespmem:s7+$0x0] =	vst.add.f32.msk $0xffff, v0;
	s1 =	sand.u32 $0x40, s0  }
0x32a: {  	s26 =	sand.u32 $0x1C00, s25;
	[tilespmem:s8+$0x0] =	vst.add.f32.msk $0xffff, v0;
	s2 =	sor.u32 $0x30, s1  }
0x32b: {  	s20 =	sor.u32 $0x10, s1;
	[tilespmem:s5+$0x0] =	vst.add.f32.msk $0xffff, v0;
	s3 =	sor.u32 s2, s26  }
0x32c: {  	s6 =	sor.u32 $0x20, s1;
	s29 =	sor.u32 s20, s26;
	v2 =	vld [tilespmem:s3+$0x100]  }
0x32d: {  	s30 =	sor.u32 s6, s26;
	v3 =	vld [tilespmem:s29+$0x100]  }
0x32e: {  	v1 =	vld [tilespmem:s30+$0x100]  }
0x32f: {  	s31 =	sor.u32 s1, s26  }
0x330: {  	v0 =	vld [tilespmem:s31+$0x100];
	s3 =	sor.u32 $0x4100, s3  }
0x331: {  	s16 =	sor.u32 $0x4100, s29;
	[tilespmem:s3+$0x0] =	vst.add.f32.msk $0xffff, v2  }
0x332: {  	s9 =	sor.u32 $0x6100, s26;
	s29 =	sor.u32 $0x4100, s30;
	[tilespmem:s16+$0x0] =	vst.add.f32.msk $0xffff, v3  }
0x333: {  	s14 =	sor.u32 s2, s9;
	[tilespmem:s29+$0x0] =	vst.add.f32.msk $0xffff, v1  }
0x334: {  	s17 =	sor.u32 s20, s9;
	[tilespmem:s14+$0x0] =	vst.add.f32.msk $0xffff, v2  }
0x335: {  	s12 =	sor.u32 $0x8100, s26;
	s30 =	sor.u32 s6, s9;
	[tilespmem:s17+$0x0] =	vst.add.f32.msk $0xffff, v3  }
0x336: {  	s15 =	sor.u32 s2, s12;
	[tilespmem:s30+$0x0] =	vst.add.f32.msk $0xffff, v1  }
0x337: {  	s19 =	sor.u32 s20, s12;
	[tilespmem:s15+$0x0] =	vst.add.f32.msk $0xffff, v2  }
0x338: {  	s13 =	sor.u32 $0xA100, s26;
	s5 =	sor.u32 $0x4100, s31;
	s31 =	sor.u32 s6, s12;
	[tilespmem:s19+$0x0] =	vst.add.f32.msk $0xffff, v3  }
0x339: {  	s2 =	sor.u32 s2, s13;
	[tilespmem:s31+$0x0] =	vst.add.f32.msk $0xffff, v1  }
0x33a: {  	s4 =	simm.s32 $0x0;
	s8 =	sor.u32 s1, s9;
	s20 =	sor.u32 s20, s13;
	[tilespmem:s2+$0x0] =	vst.add.f32.msk $0xffff, v2  }
0x33b: {  	s28 =	sor.u32 s1, s12;
	s7 =	sor.u32 s1, s13;
	s6 =	sor.u32 s6, s13;
	[tilespmem:s20+$0x0] =	vst.add.f32.msk $0xffff, v3  }
.LBB2_39:
0x33c: {  	s0 =	sadd.s32 $0x40, s0;
	[tilespmem:s6+$0x0] =	vst.add.f32.msk $0xffff, v1  }
0x33d: {  	s4 =	sadd.s32 $0x200, s4;
	s1 =	sand.u32 $0x40, s0;
	[tilespmem:s5+$0x0] =	vst.add.f32.msk $0xffff, v0  }
0x33e: {  	s2 =	sand.u32 $0x1C00, s4;
	s3 =	sor.u32 $0x10, s1;
	s6 =	sor.u32 $0x30, s1;
	[tilespmem:s8+$0x0] =	vst.add.f32.msk $0xffff, v0  }
0x33f: {  	s9 =	sor.u32 $0x20, s1;
	s8 =	sor.u32 s3, s2;
	s12 =	sor.u32 s6, s2;
	[tilespmem:s28+$0x0] =	vst.add.f32.msk $0xffff, v0  }
0x340: {  	s13 =	sor.u32 s1, s2;
	s15 =	sor.u32 s9, s2;
	s14 =	sor.u32 $0x4100, s8;
	v2 =	vld [tilespmem:s12+$0x100]  }
0x341: {  	p0 =	slt.u32 s0, $0x3C0;
	s5 =	sor.u32 $0x4100, s13;
	s16 =	sor.u32 $0x4100, s15;
	v3 =	vld [tilespmem:s8+$0x100]  }
0x342: {  	v1 =	vld [tilespmem:s15+$0x100]  }
0x343: {  	v4 =	vld [tilespmem:s13+$0x100]  }
0x344: {  	s12 =	sor.u32 $0x4100, s12;
	s8 =	sor.u32 $0x6100, s2;
	[tilespmem:s7+$0x0] =	vst.add.f32.msk $0xffff, v0  }
0x345: {  	s13 =	sor.u32 s3, s8;
	s7 =	sor.u32 $0x8100, s2;
	[tilespmem:s12+$0x0] =	vst.add.f32.msk $0xffff, v2;
	s12 =	sor.u32 s6, s8  }
0x346: {  	s2 =	sor.u32 $0xA100, s2;
	s15 =	sor.u32 s3, s7;
	[tilespmem:s12+$0x0] =	vst.add.f32.msk $0xffff, v2;
	s12 =	sor.u32 s6, s7  }
0x347: {  	s17 =	sor.u32 s9, s8;
	s3 =	sor.u32 s3, s2;
	[tilespmem:s12+$0x0] =	vst.add.f32.msk $0xffff, v2;
	s12 =	sor.u32 s6, s2  }
0x348: {  	s8 =	sor.u32 s1, s8;
	s19 =	sor.u32 s9, s7;
	s6 =	sor.u32 s9, s2;
	[tilespmem:s12+$0x0] =	vst.add.f32.msk $0xffff, v2;
	v0 =	vmov v4  }
0x349: {  	s28 =	sor.u32 s1, s7;
	s7 =	sor.u32 s1, s2;
	[tilespmem:s14+$0x0] =	vst.add.f32.msk $0xffff, v3  }
0x34a: {  	[tilespmem:s13+$0x0] =	vst.add.f32.msk $0xffff, v3  }
.Ltmp18:
0x34b: {  	[tilespmem:s15+$0x0] =	vst.add.f32.msk $0xffff, v3;
	(pc) =	sbr.rel @p0 .LBB2_39-.Ltmp18, $4  }
0x34c: {  	[tilespmem:s3+$0x0] =	vst.add.f32.msk $0xffff, v3  }
0x34d: {  	[tilespmem:s16+$0x0] =	vst.add.f32.msk $0xffff, v1  }
0x34e: {  	[tilespmem:s17+$0x0] =	vst.add.f32.msk $0xffff, v1  }
0x34f: {  	[tilespmem:s19+$0x0] =	vst.add.f32.msk $0xffff, v1  }
0x350: {  	[tilespmem:s6+$0x0] =	vst.add.f32.msk $0xffff, v1  }
0x351: {  	[tilespmem:s5+$0x0] =	vst.add.f32.msk $0xffff, v0;
	s0 =	simm.s32 $0x0  }
0x352: {  	[tilespmem:s8+$0x0] =	vst.add.f32.msk $0xffff, v0;
	s1 =	sand.u32 $0x40, s0  }
0x353: {  	[tilespmem:s28+$0x0] =	vst.add.f32.msk $0xffff, v0;
	s2 =	sor.u32 $0x30, s1  }
0x354: {  	s4 =	sor.u32 $0x10, s1;
	[tilespmem:s7+$0x0] =	vst.add.f32.msk $0xffff, v0;
	s3 =	sor.u32 s2, s26  }
0x355: {  	s6 =	sor.u32 $0x20, s1;
	s8 =	sor.u32 s4, s26;
	v2 =	vld [tilespmem:s3+$0x180]  }
0x356: {  	s14 =	sor.u32 s6, s26;
	v3 =	vld [tilespmem:s8+$0x180]  }
0x357: {  	v1 =	vld [tilespmem:s14+$0x180]  }
0x358: {  	s15 =	sor.u32 s1, s26  }
0x359: {  	v0 =	vld [tilespmem:s15+$0x180];
	s3 =	sor.u32 $0x4180, s3  }
0x35a: {  	s19 =	sor.u32 $0x4180, s8;
	[tilespmem:s3+$0x0] =	vst.add.f32.msk $0xffff, v2  }
0x35b: {  	s9 =	sor.u32 $0x6180, s26;
	s29 =	sor.u32 $0x4180, s14;
	[tilespmem:s19+$0x0] =	vst.add.f32.msk $0xffff, v3  }
0x35c: {  	s16 =	sor.u32 s2, s9;
	[tilespmem:s29+$0x0] =	vst.add.f32.msk $0xffff, v1  }
0x35d: {  	s20 =	sor.u32 s4, s9;
	[tilespmem:s16+$0x0] =	vst.add.f32.msk $0xffff, v2  }
0x35e: {  	s12 =	sor.u32 $0x8180, s26;
	s30 =	sor.u32 s6, s9;
	[tilespmem:s20+$0x0] =	vst.add.f32.msk $0xffff, v3  }
0x35f: {  	s17 =	sor.u32 s2, s12;
	[tilespmem:s30+$0x0] =	vst.add.f32.msk $0xffff, v1  }
0x360: {  	s13 =	sor.u32 $0xA180, s26;
	s26 =	sor.u32 s4, s12;
	[tilespmem:s17+$0x0] =	vst.add.f32.msk $0xffff, v2  }
0x361: {  	s31 =	sor.u32 s6, s12;
	[tilespmem:s26+$0x0] =	vst.add.f32.msk $0xffff, v3  }
0x362: {  	s2 =	sor.u32 s2, s13;
	[tilespmem:s31+$0x0] =	vst.add.f32.msk $0xffff, v1  }
0x363: {  	s5 =	sor.u32 s1, s13;
	s28 =	sor.u32 s4, s13;
	s4 =	sor.u32 $0x4180, s15;
	[tilespmem:s2+$0x0] =	vst.add.f32.msk $0xffff, v2  }
0x364: {  	s7 =	sor.u32 s1, s9;
	s6 =	sor.u32 s6, s13;
	s8 =	sor.u32 s1, s12;
	[tilespmem:s28+$0x0] =	vst.add.f32.msk $0xffff, v3  }
.LBB2_41:
0x365: {  	s0 =	sadd.s32 $0x40, s0;
	[tilespmem:s6+$0x0] =	vst.add.f32.msk $0xffff, v1  }
0x366: {  	s25 =	sadd.s32 $0x200, s25;
	s1 =	sand.u32 $0x40, s0;
	[tilespmem:s4+$0x0] =	vst.add.f32.msk $0xffff, v0  }
0x367: {  	s2 =	sand.u32 $0x1C00, s25;
	s3 =	sor.u32 $0x10, s1;
	s6 =	sor.u32 $0x30, s1;
	[tilespmem:s7+$0x0] =	vst.add.f32.msk $0xffff, v0  }
0x368: {  	s9 =	sor.u32 $0x20, s1;
	s7 =	sor.u32 s3, s2;
	s12 =	sor.u32 s6, s2;
	[tilespmem:s8+$0x0] =	vst.add.f32.msk $0xffff, v0  }
0x369: {  	s8 =	sor.u32 s1, s2;
	s14 =	sor.u32 s9, s2;
	s13 =	sor.u32 $0x4180, s7;
	v2 =	vld [tilespmem:s12+$0x180]  }
0x36a: {  	p1 =	slt.u32 s0, $0x3C0;
	s4 =	sor.u32 $0x4180, s8;
	s15 =	sor.u32 $0x4180, s14;
	v3 =	vld [tilespmem:s7+$0x180]  }
0x36b: {  	v1 =	vld [tilespmem:s14+$0x180]  }
0x36c: {  	s26 =	simm.s32 $0x0;
	p0 =	por $0x0, $0x0;
	v4 =	vld [tilespmem:s8+$0x180]  }
0x36d: {  	s7 =	sor.u32 $0x6180, s2;
	s8 =	sor.u32 $0x4180, s12;
	[tilespmem:s5+$0x0] =	vst.add.f32.msk $0xffff, v0  }
0x36e: {  	s12 =	sor.u32 s3, s7;
	s5 =	sor.u32 $0x8180, s2;
	[tilespmem:s8+$0x0] =	vst.add.f32.msk $0xffff, v2;
	s8 =	sor.u32 s6, s7  }
0x36f: {  	s2 =	sor.u32 $0xA180, s2;
	s14 =	sor.u32 s3, s5;
	[tilespmem:s8+$0x0] =	vst.add.f32.msk $0xffff, v2;
	s8 =	sor.u32 s6, s5  }
0x370: {  	s16 =	sor.u32 s9, s7;
	s3 =	sor.u32 s3, s2;
	[tilespmem:s8+$0x0] =	vst.add.f32.msk $0xffff, v2;
	s8 =	sor.u32 s6, s2  }
0x371: {  	s7 =	sor.u32 s1, s7;
	s17 =	sor.u32 s9, s5;
	s6 =	sor.u32 s9, s2;
	[tilespmem:s8+$0x0] =	vst.add.f32.msk $0xffff, v2;
	v0 =	vmov v4  }
0x372: {  	s8 =	sor.u32 s1, s5;
	s5 =	sor.u32 s1, s2;
	[tilespmem:s13+$0x0] =	vst.add.f32.msk $0xffff, v3  }
0x373: {  	[tilespmem:s12+$0x0] =	vst.add.f32.msk $0xffff, v3  }
.Ltmp19:
0x374: {  	[tilespmem:s14+$0x0] =	vst.add.f32.msk $0xffff, v3;
	(pc) =	sbr.rel @p1 .LBB2_41-.Ltmp19, $4  }
0x375: {  	[tilespmem:s3+$0x0] =	vst.add.f32.msk $0xffff, v3  }
0x376: {  	[tilespmem:s15+$0x0] =	vst.add.f32.msk $0xffff, v1  }
0x377: {  	[tilespmem:s16+$0x0] =	vst.add.f32.msk $0xffff, v1  }
0x378: {  	[tilespmem:s17+$0x0] =	vst.add.f32.msk $0xffff, v1  }
0x379: {  	s0 =	simm.s32 $0x1  }
0x37a: {  	[tilespmem:s6+$0x0] =	vst.add.f32.msk $0xffff, v1;
	s0 =	simm.s32 @!p0 $0x0  }
0x37b: {  	[tilespmem:s4+$0x0] =	vst.add.f32.msk $0xffff, v0;
	s0 =	sshll.u32 s0, $0x6  }
0x37c: {  	[tilespmem:s7+$0x0] =	vst.add.f32.msk $0xffff, v0;
	s25 =	sadd.s32 $0x0, s0  }
0x37d: {  	[tilespmem:s8+$0x0] =	vst.add.f32.msk $0xffff, v0;
	s29 =	sadd.s32 $0x30, s25  }
0x37e: {  	[tilespmem:s5+$0x0] =	vst.add.f32.msk $0xffff, v0;
	s30 =	sadd.s32 $0x10, s25;
	s1 =	sor.u32 $0x200, s29  }
0x37f: {  	s31 =	sadd.s32 $0x20, s25;
	s2 =	sor.u32 $0x200, s30;
	v2 =	vld [tilespmem:s1+$0x0]  }
0x380: {  	s3 =	sor.u32 $0x200, s31;
	v3 =	vld [tilespmem:s2+$0x0]  }
0x381: {  	v1 =	vld [tilespmem:s3+$0x0]  }
0x382: {  	s4 =	sor.u32 $0x200, s25  }
0x383: {  	s0 =	simm.s32 $0x0;
	v0 =	vld [tilespmem:s4+$0x0]  }
0x384: {  	s28 =	sand.u32 $0x1C00, s26;
	s5 =	sand.u32 $0x40, s0;
	[tilespmem:s1+$0x4000] =	vst.add.f32.msk $0xffff, v2  }
0x385: {  	s7 =	sor.u32 $0x6200, s28;
	s19 =	sor.u32 $0x30, s5;
	[tilespmem:s2+$0x4000] =	vst.add.f32.msk $0xffff, v3  }
0x386: {  	s12 =	sor.u32 $0xA200, s28;
	s14 =	sor.u32 $0x10, s5;
	s20 =	sor.u32 s19, s7;
	[tilespmem:s3+$0x4000] =	vst.add.f32.msk $0xffff, v1  }
0x387: {  	s8 =	sor.u32 $0x8200, s28;
	s17 =	sor.u32 $0x20, s5;
	s15 =	sor.u32 s14, s7;
	[tilespmem:s20+$0x0] =	vst.add.f32.msk $0xffff, v2  }
0x388: {  	s9 =	sor.u32 s19, s8;
	s13 =	sor.u32 s19, s12;
	s19 =	sor.u32 s17, s7;
	[tilespmem:s15+$0x0] =	vst.add.f32.msk $0xffff, v3  }
0x389: {  	[tilespmem:s19+$0x0] =	vst.add.f32.msk $0xffff, v1  }
0x38a: {  	s16 =	sor.u32 s14, s8;
	[tilespmem:s9+$0x0] =	vst.add.f32.msk $0xffff, v2  }
0x38b: {  	p1 =	por !p0, !p0;
	s6 =	sor.u32 s17, s8;
	[tilespmem:s16+$0x0] =	vst.add.f32.msk $0xffff, v3  }
0x38c: {  	s8 =	sor.u32 s5, s8;
	s20 =	sor.u32 s17, s12;
	s9 =	sor.u32 s14, s12;
	[tilespmem:s13+$0x0] =	vst.add.f32.msk $0xffff, v2  }
0x38d: {  	[tilespmem:s9+$0x0] =	vst.add.f32.msk $0xffff, v3;
	s9 =	sor.u32 s5, s7;
	s7 =	sor.u32 s5, s12;
	s5 =	simm.s32 $0x0  }
.LBB2_43:
0x38e: {  	s1 =	simm.s32 $0x1  }
0x38f: {  	[tilespmem:s6+$0x0] =	vst.add.f32.msk $0xffff, v1;
	s1 =	simm.s32 @!p1 $0x0  }
0x390: {  	s5 =	sadd.s32 $0x200, s5;
	s1 =	sshll.u32 s1, $0x6;
	[tilespmem:s20+$0x0] =	vst.add.f32.msk $0xffff, v1  }
0x391: {  	s1 =	sadd.s32 s1, s5;
	[tilespmem:s4+$0x4000] =	vst.add.f32.msk $0xffff, v0  }
0x392: {  	s2 =	sadd.s32 $0x10, s1;
	s3 =	sadd.s32 $0x20, s1;
	s4 =	sadd.s32 $0x30, s1;
	[tilespmem:s9+$0x0] =	vst.add.f32.msk $0xffff, v0  }
0x393: {  	s2 =	sor.u32 $0x200, s2;
	s3 =	sor.u32 $0x200, s3;
	s6 =	sor.u32 $0x200, s4;
	[tilespmem:s8+$0x0] =	vst.add.f32.msk $0xffff, v0  }
0x394: {  	s4 =	sor.u32 $0x200, s1;
	v2 =	vld [tilespmem:s6+$0x0]  }
0x395: {  	v3 =	vld [tilespmem:s2+$0x0]  }
0x396: {  	s0 =	sadd.s32 $0x40, s0;
	v1 =	vld [tilespmem:s3+$0x0]  }
0x397: {  	p2 =	slt.u32 s0, $0x3C0;
	s1 =	sand.u32 $0x40, s0;
	s8 =	sand.u32 $0x1C00, s5;
	v4 =	vld [tilespmem:s4+$0x0]  }
0x398: {  	s9 =	sor.u32 $0x6200, s8;
	s12 =	sor.u32 $0x10, s1;
	s13 =	sor.u32 $0x30, s1;
	[tilespmem:s7+$0x0] =	vst.add.f32.msk $0xffff, v0  }
0x399: {  	s14 =	sor.u32 $0x20, s1;
	s7 =	sor.u32 $0x8200, s8;
	[tilespmem:s6+$0x4000] =	vst.add.f32.msk $0xffff, v2;
	s6 =	sor.u32 s13, s9  }
0x39a: {  	s15 =	sor.u32 $0xA200, s8;
	s16 =	sor.u32 s12, s9;
	[tilespmem:s6+$0x0] =	vst.add.f32.msk $0xffff, v2;
	s6 =	sor.u32 s13, s7  }
0x39b: {  	s8 =	sor.u32 s13, s15;
	s17 =	sor.u32 s12, s7;
	s12 =	sor.u32 s12, s15;
	[tilespmem:s6+$0x0] =	vst.add.f32.msk $0xffff, v2  }
0x39c: {  	s20 =	sor.u32 s14, s15;
	s13 =	sor.u32 s14, s9;
	s6 =	sor.u32 s14, s7;
	[tilespmem:s8+$0x0] =	vst.add.f32.msk $0xffff, v2;
	v0 =	vmov v4  }
0x39d: {  	s9 =	sor.u32 s1, s9;
	s8 =	sor.u32 s1, s7;
	s7 =	sor.u32 s1, s15;
	[tilespmem:s2+$0x4000] =	vst.add.f32.msk $0xffff, v3  }
.Ltmp20:
0x39e: {  	[tilespmem:s16+$0x0] =	vst.add.f32.msk $0xffff, v3;
	(pc) =	sbr.rel @p2 .LBB2_43-.Ltmp20, $4  }
0x39f: {  	[tilespmem:s17+$0x0] =	vst.add.f32.msk $0xffff, v3  }
0x3a0: {  	[tilespmem:s12+$0x0] =	vst.add.f32.msk $0xffff, v3  }
0x3a1: {  	[tilespmem:s3+$0x4000] =	vst.add.f32.msk $0xffff, v1  }
0x3a2: {  	p1 =	por !p1, !p1;
	[tilespmem:s13+$0x0] =	vst.add.f32.msk $0xffff, v1  }
0x3a3: {  	[tilespmem:s6+$0x0] =	vst.add.f32.msk $0xffff, v1  }
0x3a4: {  	[tilespmem:s4+$0x4000] =	vst.add.f32.msk $0xffff, v0  }
0x3a5: {  	[tilespmem:s20+$0x0] =	vst.add.f32.msk $0xffff, v1  }
0x3a6: {  	[tilespmem:s9+$0x0] =	vst.add.f32.msk $0xffff, v0  }
0x3a7: {  	[tilespmem:s8+$0x0] =	vst.add.f32.msk $0xffff, v0  }
0x3a8: {  	s1 =	sor.u32 $0x280, s29;
	[tilespmem:s7+$0x0] =	vst.add.f32.msk $0xffff, v0  }
0x3a9: {  	s2 =	sor.u32 $0x280, s30;
	v2 =	vld [tilespmem:s1+$0x0]  }
0x3aa: {  	s3 =	sor.u32 $0x280, s31;
	v3 =	vld [tilespmem:s2+$0x0]  }
0x3ab: {  	v1 =	vld [tilespmem:s3+$0x0]  }
0x3ac: {  	s29 =	sor.u32 $0x280, s25  }
0x3ad: {  	s0 =	simm.s32 $0x0;
	v0 =	vld [tilespmem:s29+$0x0]  }
0x3ae: {  	s13 =	sand.u32 $0x40, s0;
	[tilespmem:s1+$0x4000] =	vst.add.f32.msk $0xffff, v2  }
0x3af: {  	s5 =	sor.u32 $0x6280, s28;
	s14 =	sor.u32 $0x30, s13;
	[tilespmem:s2+$0x4000] =	vst.add.f32.msk $0xffff, v3  }
0x3b0: {  	s20 =	sor.u32 $0x10, s13;
	s16 =	sor.u32 s14, s5;
	[tilespmem:s3+$0x4000] =	vst.add.f32.msk $0xffff, v1  }
0x3b1: {  	s30 =	sor.u32 $0x20, s13;
	s25 =	sor.u32 s20, s5;
	[tilespmem:s16+$0x0] =	vst.add.f32.msk $0xffff, v2  }
0x3b2: {  	s15 =	sor.u32 $0x8280, s28;
	s31 =	sor.u32 s30, s5;
	[tilespmem:s25+$0x0] =	vst.add.f32.msk $0xffff, v3  }
0x3b3: {  	s17 =	sor.u32 s14, s15;
	[tilespmem:s31+$0x0] =	vst.add.f32.msk $0xffff, v1  }
0x3b4: {  	s12 =	sor.u32 $0xA280, s28;
	s28 =	sor.u32 s20, s15;
	[tilespmem:s17+$0x0] =	vst.add.f32.msk $0xffff, v2  }
0x3b5: {  	p1 =	por !p0, !p0;
	s19 =	sor.u32 s14, s12;
	[tilespmem:s28+$0x0] =	vst.add.f32.msk $0xffff, v3  }
0x3b6: {  	s4 =	sor.u32 s13, s12;
	s6 =	sor.u32 s20, s12;
	s8 =	sor.u32 s30, s12;
	[tilespmem:s19+$0x0] =	vst.add.f32.msk $0xffff, v2  }
0x3b7: {  	s7 =	sor.u32 s13, s5;
	s5 =	sor.u32 s13, s15;
	[tilespmem:s6+$0x0] =	vst.add.f32.msk $0xffff, v3;
	s6 =	sor.u32 s30, s15  }
.LBB2_45:
0x3b8: {  	s1 =	simm.s32 $0x1  }
0x3b9: {  	[tilespmem:s6+$0x0] =	vst.add.f32.msk $0xffff, v1;
	s1 =	simm.s32 @!p1 $0x0  }
0x3ba: {  	s26 =	sadd.s32 $0x200, s26;
	s1 =	sshll.u32 s1, $0x6;
	[tilespmem:s8+$0x0] =	vst.add.f32.msk $0xffff, v1  }
0x3bb: {  	s1 =	sadd.s32 s1, s26;
	[tilespmem:s29+$0x4000] =	vst.add.f32.msk $0xffff, v0  }
0x3bc: {  	s2 =	sadd.s32 $0x10, s1;
	s3 =	sadd.s32 $0x20, s1;
	s6 =	sadd.s32 $0x30, s1;
	[tilespmem:s7+$0x0] =	vst.add.f32.msk $0xffff, v0  }
0x3bd: {  	s2 =	sor.u32 $0x280, s2;
	s3 =	sor.u32 $0x280, s3;
	s6 =	sor.u32 $0x280, s6;
	[tilespmem:s5+$0x0] =	vst.add.f32.msk $0xffff, v0  }
0x3be: {  	s29 =	sor.u32 $0x280, s1;
	v2 =	vld [tilespmem:s6+$0x0]  }
0x3bf: {  	p0 =	por $0x0, $0x0;
	v3 =	vld [tilespmem:s2+$0x0]  }
0x3c0: {  	s0 =	sadd.s32 $0x40, s0;
	s25 =	simm.s32 $0x0;
	v1 =	vld [tilespmem:s3+$0x0]  }
0x3c1: {  	p2 =	slt.u32 s0, $0x3C0;
	s1 =	sand.u32 $0x40, s0;
	s5 =	sand.u32 $0x1C00, s26;
	v4 =	vld [tilespmem:s29+$0x0]  }
0x3c2: {  	s8 =	sor.u32 $0x10, s1;
	s9 =	sor.u32 $0x30, s1;
	s7 =	sor.u32 $0x6280, s5;
	[tilespmem:s4+$0x0] =	vst.add.f32.msk $0xffff, v0  }
0x3c3: {  	s12 =	sor.u32 $0x20, s1;
	s4 =	sor.u32 $0x8280, s5;
	[tilespmem:s6+$0x4000] =	vst.add.f32.msk $0xffff, v2;
	s6 =	sor.u32 s9, s7  }
0x3c4: {  	s13 =	sor.u32 $0xA280, s5;
	s14 =	sor.u32 s8, s7;
	s5 =	sor.u32 s9, s4;
	[tilespmem:s6+$0x0] =	vst.add.f32.msk $0xffff, v2  }
0x3c5: {  	s16 =	sor.u32 s8, s13;
	s15 =	sor.u32 s8, s4;
	[tilespmem:s5+$0x0] =	vst.add.f32.msk $0xffff, v2;
	s5 =	sor.u32 s9, s13  }
0x3c6: {  	s8 =	sor.u32 s12, s13;
	s6 =	sor.u32 s12, s4;
	s9 =	sor.u32 s12, s7;
	[tilespmem:s5+$0x0] =	vst.add.f32.msk $0xffff, v2;
	v0 =	vmov v4  }
0x3c7: {  	s7 =	sor.u32 s1, s7;
	s5 =	sor.u32 s1, s4;
	s4 =	sor.u32 s1, s13;
	[tilespmem:s2+$0x4000] =	vst.add.f32.msk $0xffff, v3  }
.Ltmp21:
0x3c8: {  	[tilespmem:s14+$0x0] =	vst.add.f32.msk $0xffff, v3;
	(pc) =	sbr.rel @p2 .LBB2_45-.Ltmp21, $4  }
0x3c9: {  	[tilespmem:s15+$0x0] =	vst.add.f32.msk $0xffff, v3  }
0x3ca: {  	[tilespmem:s16+$0x0] =	vst.add.f32.msk $0xffff, v3  }
0x3cb: {  	[tilespmem:s3+$0x4000] =	vst.add.f32.msk $0xffff, v1  }
0x3cc: {  	p1 =	por !p1, !p1;
	[tilespmem:s9+$0x0] =	vst.add.f32.msk $0xffff, v1  }
0x3cd: {  	[tilespmem:s6+$0x0] =	vst.add.f32.msk $0xffff, v1;
	s0 =	simm.s32 $0x1  }
0x3ce: {  	[tilespmem:s29+$0x4000] =	vst.add.f32.msk $0xffff, v0;
	s0 =	simm.s32 @!p0 $0x0  }
0x3cf: {  	[tilespmem:s8+$0x0] =	vst.add.f32.msk $0xffff, v1;
	s0 =	sshll.u32 s0, $0x6  }
0x3d0: {  	[tilespmem:s7+$0x0] =	vst.add.f32.msk $0xffff, v0;
	s1 =	sadd.s32 $0x0, s0  }
0x3d1: {  	[tilespmem:s5+$0x0] =	vst.add.f32.msk $0xffff, v0;
	s26 =	sadd.s32 $0x30, s1  }
0x3d2: {  	[tilespmem:s4+$0x0] =	vst.add.f32.msk $0xffff, v0;
	s29 =	sadd.s32 $0x10, s1;
	s2 =	sor.u32 $0x300, s26  }
0x3d3: {  	s30 =	sadd.s32 $0x20, s1;
	s3 =	sor.u32 $0x300, s29;
	v2 =	vld [tilespmem:s2+$0x0]  }
0x3d4: {  	s5 =	sor.u32 $0x300, s30;
	v3 =	vld [tilespmem:s3+$0x0]  }
0x3d5: {  	v1 =	vld [tilespmem:s5+$0x0]  }
0x3d6: {  	s4 =	sor.u32 $0x300, s1  }
0x3d7: {  	s0 =	simm.s32 $0x0;
	v0 =	vld [tilespmem:s4+$0x0]  }
0x3d8: {  	s28 =	sand.u32 $0x1C00, s25;
	s1 =	sand.u32 $0x40, s0;
	[tilespmem:s2+$0x4000] =	vst.add.f32.msk $0xffff, v2  }
0x3d9: {  	s7 =	sor.u32 $0x6300, s28;
	s9 =	sor.u32 $0x30, s1;
	[tilespmem:s3+$0x4000] =	vst.add.f32.msk $0xffff, v3  }
0x3da: {  	s16 =	sor.u32 $0x10, s1;
	s13 =	sor.u32 s9, s7;
	[tilespmem:s5+$0x4000] =	vst.add.f32.msk $0xffff, v1  }
0x3db: {  	s20 =	sor.u32 $0x20, s1;
	s17 =	sor.u32 s16, s7;
	[tilespmem:s13+$0x0] =	vst.add.f32.msk $0xffff, v2  }
0x3dc: {  	s8 =	sor.u32 $0x8300, s28;
	s31 =	sor.u32 s20, s7;
	[tilespmem:s17+$0x0] =	vst.add.f32.msk $0xffff, v3  }
0x3dd: {  	s14 =	sor.u32 s9, s8;
	[tilespmem:s31+$0x0] =	vst.add.f32.msk $0xffff, v1  }
0x3de: {  	s12 =	sor.u32 $0xA300, s28;
	s19 =	sor.u32 s16, s8;
	[tilespmem:s14+$0x0] =	vst.add.f32.msk $0xffff, v2  }
0x3df: {  	p1 =	por !p0, !p0;
	s15 =	sor.u32 s9, s12;
	s9 =	sor.u32 s16, s12;
	[tilespmem:s19+$0x0] =	vst.add.f32.msk $0xffff, v3  }
0x3e0: {  	s6 =	sor.u32 s20, s8;
	s20 =	sor.u32 s20, s12;
	s8 =	sor.u32 s1, s8;
	[tilespmem:s15+$0x0] =	vst.add.f32.msk $0xffff, v2  }
0x3e1: {  	s5 =	simm.s32 $0x0;
	[tilespmem:s9+$0x0] =	vst.add.f32.msk $0xffff, v3;
	s9 =	sor.u32 s1, s7;
	s7 =	sor.u32 s1, s12  }
.LBB2_47:
0x3e2: {  	s1 =	simm.s32 $0x1  }
0x3e3: {  	[tilespmem:s6+$0x0] =	vst.add.f32.msk $0xffff, v1;
	s1 =	simm.s32 @!p1 $0x0  }
0x3e4: {  	s5 =	sadd.s32 $0x200, s5;
	s1 =	sshll.u32 s1, $0x6;
	[tilespmem:s20+$0x0] =	vst.add.f32.msk $0xffff, v1  }
0x3e5: {  	s1 =	sadd.s32 s1, s5;
	[tilespmem:s4+$0x4000] =	vst.add.f32.msk $0xffff, v0  }
0x3e6: {  	s2 =	sadd.s32 $0x10, s1;
	s3 =	sadd.s32 $0x20, s1;
	s4 =	sadd.s32 $0x30, s1;
	[tilespmem:s9+$0x0] =	vst.add.f32.msk $0xffff, v0  }
0x3e7: {  	s2 =	sor.u32 $0x300, s2;
	s3 =	sor.u32 $0x300, s3;
	s6 =	sor.u32 $0x300, s4;
	[tilespmem:s8+$0x0] =	vst.add.f32.msk $0xffff, v0  }
0x3e8: {  	s4 =	sor.u32 $0x300, s1;
	v2 =	vld [tilespmem:s6+$0x0]  }
0x3e9: {  	v3 =	vld [tilespmem:s2+$0x0]  }
0x3ea: {  	s0 =	sadd.s32 $0x40, s0;
	v1 =	vld [tilespmem:s3+$0x0]  }
0x3eb: {  	p2 =	slt.u32 s0, $0x3C0;
	s1 =	sand.u32 $0x40, s0;
	s8 =	sand.u32 $0x1C00, s5;
	v4 =	vld [tilespmem:s4+$0x0]  }
0x3ec: {  	s9 =	sor.u32 $0x6300, s8;
	s12 =	sor.u32 $0x10, s1;
	s13 =	sor.u32 $0x30, s1;
	[tilespmem:s7+$0x0] =	vst.add.f32.msk $0xffff, v0  }
0x3ed: {  	s14 =	sor.u32 $0x20, s1;
	s7 =	sor.u32 $0x8300, s8;
	[tilespmem:s6+$0x4000] =	vst.add.f32.msk $0xffff, v2;
	s6 =	sor.u32 s13, s9  }
0x3ee: {  	s15 =	sor.u32 $0xA300, s8;
	s16 =	sor.u32 s12, s9;
	[tilespmem:s6+$0x0] =	vst.add.f32.msk $0xffff, v2;
	s6 =	sor.u32 s13, s7  }
0x3ef: {  	s8 =	sor.u32 s13, s15;
	s17 =	sor.u32 s12, s7;
	s12 =	sor.u32 s12, s15;
	[tilespmem:s6+$0x0] =	vst.add.f32.msk $0xffff, v2  }
0x3f0: {  	s20 =	sor.u32 s14, s15;
	s13 =	sor.u32 s14, s9;
	s6 =	sor.u32 s14, s7;
	[tilespmem:s8+$0x0] =	vst.add.f32.msk $0xffff, v2;
	v0 =	vmov v4  }
0x3f1: {  	s9 =	sor.u32 s1, s9;
	s8 =	sor.u32 s1, s7;
	s7 =	sor.u32 s1, s15;
	[tilespmem:s2+$0x4000] =	vst.add.f32.msk $0xffff, v3  }
.Ltmp22:
0x3f2: {  	[tilespmem:s16+$0x0] =	vst.add.f32.msk $0xffff, v3;
	(pc) =	sbr.rel @p2 .LBB2_47-.Ltmp22, $4  }
0x3f3: {  	[tilespmem:s17+$0x0] =	vst.add.f32.msk $0xffff, v3  }
0x3f4: {  	[tilespmem:s12+$0x0] =	vst.add.f32.msk $0xffff, v3  }
0x3f5: {  	[tilespmem:s3+$0x4000] =	vst.add.f32.msk $0xffff, v1  }
0x3f6: {  	p1 =	por !p1, !p1;
	[tilespmem:s13+$0x0] =	vst.add.f32.msk $0xffff, v1  }
0x3f7: {  	[tilespmem:s6+$0x0] =	vst.add.f32.msk $0xffff, v1  }
0x3f8: {  	[tilespmem:s4+$0x4000] =	vst.add.f32.msk $0xffff, v0  }
0x3f9: {  	[tilespmem:s20+$0x0] =	vst.add.f32.msk $0xffff, v1  }
0x3fa: {  	[tilespmem:s9+$0x0] =	vst.add.f32.msk $0xffff, v0  }
0x3fb: {  	[tilespmem:s8+$0x0] =	vst.add.f32.msk $0xffff, v0  }
0x3fc: {  	s1 =	sor.u32 $0x380, s26;
	[tilespmem:s7+$0x0] =	vst.add.f32.msk $0xffff, v0  }
0x3fd: {  	s2 =	sor.u32 $0x380, s29;
	v1 =	vld [tilespmem:s1+$0x0]  }
0x3fe: {  	s3 =	sor.u32 $0x380, s30;
	v2 =	vld [tilespmem:s2+$0x0]  }
0x3ff: {  	v0 =	vld [tilespmem:s3+$0x0];
	_ =	sdelay $0x1  }
0x400: {  	s0 =	simm.s32 $0x0  }
0x401: {  	s15 =	sand.u32 $0x40, s0;
	[tilespmem:s1+$0x4000] =	vst.add.f32.msk $0xffff, v1  }
0x402: {  	s5 =	sor.u32 $0x6380, s28;
	s16 =	sor.u32 $0x30, s15;
	[tilespmem:s2+$0x4000] =	vst.add.f32.msk $0xffff, v2  }
0x403: {  	s29 =	sor.u32 $0x10, s15;
	s19 =	sor.u32 s16, s5;
	[tilespmem:s3+$0x4000] =	vst.add.f32.msk $0xffff, v0  }
0x404: {  	s17 =	sor.u32 $0x8380, s28;
	s30 =	sor.u32 s29, s5;
	[tilespmem:s19+$0x0] =	vst.add.f32.msk $0xffff, v1  }
0x405: {  	s20 =	sor.u32 s16, s17;
	[tilespmem:s30+$0x0] =	vst.add.f32.msk $0xffff, v2  }
0x406: {  	s12 =	sor.u32 $0xA380, s28;
	s13 =	sor.u32 s29, s17;
	[tilespmem:s20+$0x0] =	vst.add.f32.msk $0xffff, v1  }
0x407: {  	p0 =	por !p0, !p0;
	s26 =	sor.u32 s25, s0;
	s28 =	sor.u32 s16, s12;
	[tilespmem:s13+$0x0] =	vst.add.f32.msk $0xffff, v2  }
0x408: {  	s4 =	sor.u32 $0x380, s26;
	s31 =	sor.u32 $0x20, s15;
	s26 =	sor.u32 s15, s5;
	[tilespmem:s28+$0x0] =	vst.add.f32.msk $0xffff, v1  }
0x409: {  	s9 =	sor.u32 s31, s5;
	s8 =	sor.u32 s31, s17;
	s1 =	sor.u32 s29, s12;
	v1 =	vld [tilespmem:s4+$0x0]  }
0x40a: {  	s5 =	sor.u32 s15, s17;
	s6 =	sor.u32 s31, s12;
	s7 =	sor.u32 s15, s12;
	[tilespmem:s1+$0x0] =	vst.add.f32.msk $0xffff, v2  }
.LBB2_49:
0x40b: {  	s1 =	simm.s32 $0x1  }
0x40c: {  	[tilespmem:s9+$0x0] =	vst.add.f32.msk $0xffff, v0;
	s1 =	simm.s32 @!p0 $0x0  }
0x40d: {  	s25 =	sadd.s32 $0x200, s25;
	s1 =	sshll.u32 s1, $0x6;
	[tilespmem:s8+$0x0] =	vst.add.f32.msk $0xffff, v0  }
0x40e: {  	s1 =	sadd.s32 s1, s25;
	[tilespmem:s6+$0x0] =	vst.add.f32.msk $0xffff, v0  }
0x40f: {  	s2 =	sadd.s32 $0x10, s1;
	s3 =	sadd.s32 $0x20, s1;
	s1 =	sadd.s32 $0x30, s1;
	[tilespmem:s4+$0x4000] =	vst.add.f32.msk $0xffff, v1  }
0x410: {  	s2 =	sor.u32 $0x380, s2;
	s3 =	sor.u32 $0x380, s3;
	s1 =	sor.u32 $0x380, s1;
	[tilespmem:s26+$0x0] =	vst.add.f32.msk $0xffff, v1  }
0x411: {  	v2 =	vld [tilespmem:s1+$0x0]  }
0x412: {  	s0 =	sadd.s32 $0x40, s0;
	v3 =	vld [tilespmem:s2+$0x0]  }
0x413: {  	s12 =	sand.u32 $0x40, s0;
	v0 =	vld [tilespmem:s3+$0x0]  }
0x414: {  	p1 =	slt.u32 s0, $0x3C0;
	s6 =	sand.u32 $0x1C00, s25;
	s4 =	sor.u32 s25, s0;
	[tilespmem:s5+$0x0] =	vst.add.f32.msk $0xffff, v1  }
0x415: {  	s8 =	sor.u32 $0x30, s12;
	s4 =	sor.u32 $0x380, s4;
	s5 =	sor.u32 $0x6380, s6;
	[tilespmem:s7+$0x0] =	vst.add.f32.msk $0xffff, v1  }
0x416: {  	s9 =	sor.u32 $0x10, s12;
	s7 =	sor.u32 $0x8380, s6;
	[tilespmem:s1+$0x4000] =	vst.add.f32.msk $0xffff, v2;
	s1 =	sor.u32 s8, s5  }
0x417: {  	s13 =	sor.u32 $0xA380, s6;
	s6 =	sor.u32 $0x20, s12;
	[tilespmem:s1+$0x0] =	vst.add.f32.msk $0xffff, v2;
	s1 =	sor.u32 s8, s7  }
0x418: {  	s14 =	sor.u32 s9, s5;
	s15 =	sor.u32 s9, s7;
	[tilespmem:s1+$0x0] =	vst.add.f32.msk $0xffff, v2;
	s1 =	sor.u32 s8, s13  }
0x419: {  	s16 =	sor.u32 s9, s13;
	s9 =	sor.u32 s6, s5;
	s8 =	sor.u32 s6, s7;
	[tilespmem:s1+$0x0] =	vst.add.f32.msk $0xffff, v2  }
0x41a: {  	s26 =	sor.u32 s12, s5;
	s5 =	sor.u32 s12, s7;
	s6 =	sor.u32 s6, s13;
	v1 =	vld [tilespmem:s4+$0x0]  }
.Ltmp23:
0x41b: {  	s7 =	sor.u32 s12, s13;
	[tilespmem:s2+$0x4000] =	vst.add.f32.msk $0xffff, v3;
	(pc) =	sbr.rel @p1 .LBB2_49-.Ltmp23, $4  }
0x41c: {  	[tilespmem:s14+$0x0] =	vst.add.f32.msk $0xffff, v3  }
0x41d: {  	[tilespmem:s15+$0x0] =	vst.add.f32.msk $0xffff, v3  }
0x41e: {  	[tilespmem:s16+$0x0] =	vst.add.f32.msk $0xffff, v3  }
0x41f: {  	p0 =	por !p0, !p0;
	[tilespmem:s3+$0x4000] =	vst.add.f32.msk $0xffff, v0  }
0x420: {  	[tilespmem:s9+$0x0] =	vst.add.f32.msk $0xffff, v0  }
0x421: {  	[tilespmem:s4+$0x4000] =	vst.add.f32.msk $0xffff, v1  }
0x422: {  	[tilespmem:s8+$0x0] =	vst.add.f32.msk $0xffff, v0  }
0x423: {  	[tilespmem:s26+$0x0] =	vst.add.f32.msk $0xffff, v1  }
0x424: {  	[tilespmem:s6+$0x0] =	vst.add.f32.msk $0xffff, v0  }
0x425: {  	s0 =	rddreg [dreg:$0x2];
	[tilespmem:s5+$0x0] =	vst.add.f32.msk $0xffff, v1  }
0x426: {  	s1 =	simm.s32 $0x4000;
	p0 =	seq.s32 s21, $0x1F;
	s0 =	sadd.s32 s0, s24;
	[tilespmem:s7+$0x0] =	vst.add.f32.msk $0xffff, v1  }
0x427: {  	[hbm4b:s0+s10] =	stream.strided.scatter [tilespmem:s1], [sflag:$0x5], $0x8000, s11, s10, $0x38;
	[tilespmem:$0x14000] =	vst v63  }
0x428: {  	s0 =	simm.s32 @!p0 $0x5  }
0x429: {  	_ =	swait.ge @!p0 [sflag:s0], $0x8000  }
0x42a: {  	[sflag:s0] =	ssyncset.done @!p0 $0x0  }
0x42b: {  	[sflag:s0] =	ssyncadd.s32 @!p0 $0xFFFF8000  }
0x42c: {  	s1 =	sadd.s32 @!p0 $0x1000, s22;
	s0 =	rddreg [dreg:$0x1]  }
0x42d: {  	s2 =	simm.s32 @!p0 $0x0;
	s0 =	sadd.s32 @!p0 s0, s1  }
0x42e: {  	[tilespmem:s2], [sflag:$0x1] =	stream.linear.gather @!p0 [hbm4b:s0+s2], $0x2000, $0x38;
	[tilespmem:$0x14000] =	vst v63  }
0x42f: {  	s28 =	simm.s32 $0x2;
	s3 =	simm.s32 @!p0 $0x4000;
	s0 =	rddreg [dreg:$0x0]  }
0x430: {  	s2 =	simm.s32 @!p0 $0x2000000;
	s0 =	sadd.s32 @!p0 s0, s1;
	s1 =	simm.s32 @!p0 $0x2000  }
0x431: {  	[tilespmem:s3], [sflag:$0x3] =	stream.strided.gather @!p0 [hbm4b:s0+s1], $0x8000, s2, s1, $0x38;
	[tilespmem:$0x14000] =	vst v63  }
0x432: {  	_ =	swait.ge [sflag:s28], $0x2000  }
0x433: {  	[sflag:s28] =	ssyncset.done $0x0  }
0x434: {  	s24 =	simm.s32 $0x0;
	s26 =	simm.s32 $0x0;
	[sflag:s28] =	ssyncadd.s32 $0xFFFFE000  }
0x435: {  	s22 =	sand.u32 $0x1C00, s24;
	s0 =	sand.u32 $0x40, s26;
	_ =	swait.ge [sflag:s18], $0x8000  }
0x436: {  	s25 =	sor.u32 $0x2000, s22;
	s29 =	sor.u32 $0x30, s0;
	[sflag:s18] =	ssyncset.done $0x0  }
0x437: {  	s31 =	sor.u32 $0x10, s0;
	s30 =	sor.u32 s29, s25;
	[sflag:s18] =	ssyncadd.s32 $0xFFFF8000  }
0x438: {  	s4 =	sor.u32 $0x20, s0;
	s6 =	sor.u32 s31, s25;
	v2 =	vld [tilespmem:s30+$0x0]  }
0x439: {  	s7 =	sor.u32 s4, s25;
	v3 =	vld [tilespmem:s6+$0x0]  }
0x43a: {  	v1 =	vld [tilespmem:s7+$0x0]  }
0x43b: {  	s9 =	sor.u32 $0xC000, s22;
	s8 =	sor.u32 s0, s25  }
0x43c: {  	s13 =	sor.u32 $0xE000, s22;
	s15 =	sor.u32 $0x10000, s22;
	s14 =	sor.u32 s29, s9;
	v0 =	vld [tilespmem:s8+$0x0]  }
0x43d: {  	s12 =	sor.u32 $0x12000, s22;
	s16 =	sor.u32 s29, s13;
	s19 =	sor.u32 s31, s9;
	[tilespmem:s14+$0x0] =	vst.add.f32.msk $0xffff, v2  }
0x43e: {  	s17 =	sor.u32 s29, s15;
	s1 =	sor.u32 s29, s12;
	s29 =	sor.u32 s4, s9;
	[tilespmem:s19+$0x0] =	vst.add.f32.msk $0xffff, v3  }
0x43f: {  	[tilespmem:s29+$0x0] =	vst.add.f32.msk $0xffff, v1  }
0x440: {  	s20 =	sor.u32 s31, s13;
	[tilespmem:s16+$0x0] =	vst.add.f32.msk $0xffff, v2  }
0x441: {  	s30 =	sor.u32 s4, s13;
	[tilespmem:s20+$0x0] =	vst.add.f32.msk $0xffff, v3  }
0x442: {  	[tilespmem:s30+$0x0] =	vst.add.f32.msk $0xffff, v1  }
0x443: {  	s28 =	sor.u32 s31, s15;
	[tilespmem:s17+$0x0] =	vst.add.f32.msk $0xffff, v2  }
0x444: {  	s3 =	sor.u32 s31, s12;
	s31 =	sor.u32 s4, s15;
	[tilespmem:s28+$0x0] =	vst.add.f32.msk $0xffff, v3  }
0x445: {  	s21 =	sadd.s32 $0x1, s21;
	[tilespmem:s31+$0x0] =	vst.add.f32.msk $0xffff, v1  }
0x446: {  	s5 =	sor.u32 s0, s15;
	s6 =	sor.u32 s4, s12;
	s8 =	sor.u32 s0, s9;
	[tilespmem:s1+$0x0] =	vst.add.f32.msk $0xffff, v2  }
0x447: {  	s7 =	sor.u32 s0, s13;
	s4 =	sor.u32 s0, s12;
	s0 =	simm.s32 $0x0;
	[tilespmem:s3+$0x0] =	vst.add.f32.msk $0xffff, v3  }
.LBB2_51:
0x448: {  	s26 =	sadd.s32 $0x40, s26;
	[tilespmem:s6+$0x0] =	vst.add.f32.msk $0xffff, v1;
	s0 =	sadd.s32 $0x200, s0  }
0x449: {  	s1 =	sand.u32 $0x40, s26;
	s2 =	sand.u32 $0x1C00, s0;
	[tilespmem:s8+$0x0] =	vst.add.f32.msk $0xffff, v0  }
0x44a: {  	s3 =	sor.u32 $0x2000, s2;
	s6 =	sor.u32 $0x10, s1;
	s8 =	sor.u32 $0x30, s1;
	[tilespmem:s7+$0x0] =	vst.add.f32.msk $0xffff, v0  }
0x44b: {  	s9 =	sor.u32 $0x20, s1;
	s7 =	sor.u32 s6, s3;
	s12 =	sor.u32 s8, s3;
	[tilespmem:s5+$0x0] =	vst.add.f32.msk $0xffff, v0  }
0x44c: {  	p0 =	slt.u32 s26, $0x3C0;
	s5 =	sor.u32 s1, s3;
	s3 =	sor.u32 s9, s3;
	v2 =	vld [tilespmem:s12+$0x0]  }
0x44d: {  	v3 =	vld [tilespmem:s7+$0x0]  }
0x44e: {  	v1 =	vld [tilespmem:s3+$0x0]  }
0x44f: {  	s3 =	sor.u32 $0xC000, s2;
	v4 =	vld [tilespmem:s5+$0x0]  }
0x450: {  	s5 =	sor.u32 $0xE000, s2;
	s12 =	sor.u32 s6, s3;
	s7 =	sor.u32 s8, s3;
	[tilespmem:s4+$0x0] =	vst.add.f32.msk $0xffff, v0  }
0x451: {  	s4 =	sor.u32 $0x10000, s2;
	s13 =	sor.u32 s6, s5;
	[tilespmem:s7+$0x0] =	vst.add.f32.msk $0xffff, v2;
	s7 =	sor.u32 s8, s5  }
0x452: {  	s2 =	sor.u32 $0x12000, s2;
	s14 =	sor.u32 s6, s4;
	[tilespmem:s7+$0x0] =	vst.add.f32.msk $0xffff, v2;
	s7 =	sor.u32 s8, s4  }
0x453: {  	s16 =	sor.u32 s9, s3;
	s15 =	sor.u32 s6, s2;
	[tilespmem:s7+$0x0] =	vst.add.f32.msk $0xffff, v2;
	s7 =	sor.u32 s8, s2  }
0x454: {  	s17 =	sor.u32 s9, s5;
	s19 =	sor.u32 s9, s4;
	s6 =	sor.u32 s9, s2;
	[tilespmem:s7+$0x0] =	vst.add.f32.msk $0xffff, v2;
	v0 =	vmov v4  }
0x455: {  	s8 =	sor.u32 s1, s3;
	s7 =	sor.u32 s1, s5;
	s5 =	sor.u32 s1, s4;
	[tilespmem:s12+$0x0] =	vst.add.f32.msk $0xffff, v3  }
0x456: {  	s4 =	sor.u32 s1, s2;
	[tilespmem:s13+$0x0] =	vst.add.f32.msk $0xffff, v3  }
.Ltmp24:
0x457: {  	[tilespmem:s14+$0x0] =	vst.add.f32.msk $0xffff, v3;
	(pc) =	sbr.rel @p0 .LBB2_51-.Ltmp24, $4  }
0x458: {  	[tilespmem:s15+$0x0] =	vst.add.f32.msk $0xffff, v3  }
0x459: {  	[tilespmem:s16+$0x0] =	vst.add.f32.msk $0xffff, v1  }
0x45a: {  	[tilespmem:s17+$0x0] =	vst.add.f32.msk $0xffff, v1  }
0x45b: {  	[tilespmem:s19+$0x0] =	vst.add.f32.msk $0xffff, v1  }
0x45c: {  	[tilespmem:s6+$0x0] =	vst.add.f32.msk $0xffff, v1  }
0x45d: {  	[tilespmem:s8+$0x0] =	vst.add.f32.msk $0xffff, v0;
	s0 =	simm.s32 $0x0  }
0x45e: {  	[tilespmem:s7+$0x0] =	vst.add.f32.msk $0xffff, v0;
	s1 =	sand.u32 $0x40, s0  }
0x45f: {  	[tilespmem:s5+$0x0] =	vst.add.f32.msk $0xffff, v0;
	s2 =	sor.u32 $0x30, s1  }
0x460: {  	s5 =	sor.u32 $0x10, s1;
	[tilespmem:s4+$0x0] =	vst.add.f32.msk $0xffff, v0;
	s3 =	sor.u32 s2, s25  }
0x461: {  	s8 =	sor.u32 $0x20, s1;
	s7 =	sor.u32 s5, s25;
	v2 =	vld [tilespmem:s3+$0x80]  }
0x462: {  	s14 =	sor.u32 s8, s25;
	v3 =	vld [tilespmem:s7+$0x80]  }
0x463: {  	v1 =	vld [tilespmem:s14+$0x80]  }
0x464: {  	s16 =	sor.u32 $0xC080, s22;
	s15 =	sor.u32 s1, s25  }
0x465: {  	s19 =	sor.u32 s2, s16;
	v0 =	vld [tilespmem:s15+$0x80]  }
0x466: {  	s25 =	sor.u32 s5, s16;
	[tilespmem:s19+$0x0] =	vst.add.f32.msk $0xffff, v2  }
0x467: {  	s17 =	sor.u32 $0xE080, s22;
	s30 =	sor.u32 s8, s16;
	[tilespmem:s25+$0x0] =	vst.add.f32.msk $0xffff, v3  }
0x468: {  	s20 =	sor.u32 s2, s17;
	[tilespmem:s30+$0x0] =	vst.add.f32.msk $0xffff, v1  }
0x469: {  	s26 =	sor.u32 s5, s17;
	[tilespmem:s20+$0x0] =	vst.add.f32.msk $0xffff, v2  }
0x46a: {  	s9 =	sor.u32 $0x10080, s22;
	s31 =	sor.u32 s8, s17;
	[tilespmem:s26+$0x0] =	vst.add.f32.msk $0xffff, v3  }
0x46b: {  	s12 =	sor.u32 $0x12080, s22;
	s22 =	sor.u32 s2, s9;
	[tilespmem:s31+$0x0] =	vst.add.f32.msk $0xffff, v1  }
0x46c: {  	s28 =	sor.u32 s5, s9;
	[tilespmem:s22+$0x0] =	vst.add.f32.msk $0xffff, v2  }
0x46d: {  	s13 =	sor.u32 s8, s9;
	[tilespmem:s28+$0x0] =	vst.add.f32.msk $0xffff, v3  }
0x46e: {  	s2 =	sor.u32 s2, s12;
	[tilespmem:s13+$0x0] =	vst.add.f32.msk $0xffff, v1  }
0x46f: {  	s6 =	sor.u32 s1, s16;
	s29 =	sor.u32 s5, s12;
	s8 =	sor.u32 s8, s12;
	[tilespmem:s2+$0x0] =	vst.add.f32.msk $0xffff, v2  }
0x470: {  	s5 =	sor.u32 s1, s9;
	s4 =	sor.u32 s1, s12;
	s7 =	sor.u32 s1, s17;
	[tilespmem:s29+$0x0] =	vst.add.f32.msk $0xffff, v3  }
.LBB2_53:
0x471: {  	s0 =	sadd.s32 $0x40, s0;
	[tilespmem:s8+$0x0] =	vst.add.f32.msk $0xffff, v1;
	s24 =	sadd.s32 $0x200, s24  }
0x472: {  	s1 =	sand.u32 $0x40, s0;
	s2 =	sand.u32 $0x1C00, s24;
	[tilespmem:s6+$0x0] =	vst.add.f32.msk $0xffff, v0  }
0x473: {  	s3 =	sor.u32 $0x2000, s2;
	s6 =	sor.u32 $0x10, s1;
	s8 =	sor.u32 $0x30, s1;
	[tilespmem:s7+$0x0] =	vst.add.f32.msk $0xffff, v0  }
0x474: {  	s9 =	sor.u32 $0x20, s1;
	s7 =	sor.u32 s6, s3;
	s12 =	sor.u32 s8, s3;
	[tilespmem:s5+$0x0] =	vst.add.f32.msk $0xffff, v0  }
0x475: {  	p0 =	slt.u32 s0, $0x3C0;
	s5 =	sor.u32 s1, s3;
	s3 =	sor.u32 s9, s3;
	v2 =	vld [tilespmem:s12+$0x80]  }
0x476: {  	v3 =	vld [tilespmem:s7+$0x80]  }
0x477: {  	v1 =	vld [tilespmem:s3+$0x80]  }
0x478: {  	s22 =	simm.s32 $0x0;
	s3 =	sor.u32 $0xC080, s2;
	v4 =	vld [tilespmem:s5+$0x80]  }
0x479: {  	s5 =	sor.u32 $0xE080, s2;
	s12 =	sor.u32 s6, s3;
	s7 =	sor.u32 s8, s3;
	[tilespmem:s4+$0x0] =	vst.add.f32.msk $0xffff, v0  }
0x47a: {  	s4 =	sor.u32 $0x10080, s2;
	s13 =	sor.u32 s6, s5;
	[tilespmem:s7+$0x0] =	vst.add.f32.msk $0xffff, v2;
	s7 =	sor.u32 s8, s5  }
0x47b: {  	s2 =	sor.u32 $0x12080, s2;
	s14 =	sor.u32 s6, s4;
	[tilespmem:s7+$0x0] =	vst.add.f32.msk $0xffff, v2;
	s7 =	sor.u32 s8, s4  }
0x47c: {  	s16 =	sor.u32 s9, s3;
	s15 =	sor.u32 s6, s2;
	s6 =	sor.u32 s8, s2;
	[tilespmem:s7+$0x0] =	vst.add.f32.msk $0xffff, v2  }
0x47d: {  	s17 =	sor.u32 s9, s5;
	s19 =	sor.u32 s9, s4;
	s8 =	sor.u32 s9, s2;
	[tilespmem:s6+$0x0] =	vst.add.f32.msk $0xffff, v2;
	v0 =	vmov v4  }
0x47e: {  	s7 =	sor.u32 s1, s5;
	s5 =	sor.u32 s1, s4;
	s6 =	sor.u32 s1, s3;
	[tilespmem:s12+$0x0] =	vst.add.f32.msk $0xffff, v3  }
0x47f: {  	s4 =	sor.u32 s1, s2;
	[tilespmem:s13+$0x0] =	vst.add.f32.msk $0xffff, v3  }
.Ltmp25:
0x480: {  	[tilespmem:s14+$0x0] =	vst.add.f32.msk $0xffff, v3;
	(pc) =	sbr.rel @p0 .LBB2_53-.Ltmp25, $4  }
0x481: {  	[tilespmem:s15+$0x0] =	vst.add.f32.msk $0xffff, v3  }
0x482: {  	[tilespmem:s16+$0x0] =	vst.add.f32.msk $0xffff, v1  }
0x483: {  	[tilespmem:s17+$0x0] =	vst.add.f32.msk $0xffff, v1  }
0x484: {  	[tilespmem:s19+$0x0] =	vst.add.f32.msk $0xffff, v1  }
0x485: {  	[tilespmem:s8+$0x0] =	vst.add.f32.msk $0xffff, v1  }
0x486: {  	[tilespmem:s6+$0x0] =	vst.add.f32.msk $0xffff, v0;
	s0 =	simm.s32 $0x0  }
0x487: {  	s24 =	sand.u32 $0x1C00, s22;
	[tilespmem:s7+$0x0] =	vst.add.f32.msk $0xffff, v0;
	s1 =	sand.u32 $0x40, s0  }
0x488: {  	s25 =	sor.u32 $0x2000, s24;
	[tilespmem:s5+$0x0] =	vst.add.f32.msk $0xffff, v0;
	s2 =	sor.u32 $0x30, s1  }
0x489: {  	s5 =	sor.u32 $0x10, s1;
	[tilespmem:s4+$0x0] =	vst.add.f32.msk $0xffff, v0;
	s3 =	sor.u32 s2, s25  }
0x48a: {  	s9 =	sor.u32 $0x20, s1;
	s8 =	sor.u32 s5, s25;
	v2 =	vld [tilespmem:s3+$0x100]  }
0x48b: {  	s31 =	sor.u32 s9, s25;
	v3 =	vld [tilespmem:s8+$0x100]  }
0x48c: {  	v1 =	vld [tilespmem:s31+$0x100]  }
0x48d: {  	s7 =	sor.u32 s1, s25;
	s8 =	sor.u32 $0xC100, s24  }
0x48e: {  	v0 =	vld [tilespmem:s7+$0x100];
	s16 =	sor.u32 s2, s8  }
0x48f: {  	s20 =	sor.u32 s5, s8;
	[tilespmem:s16+$0x0] =	vst.add.f32.msk $0xffff, v2  }
0x490: {  	s15 =	sor.u32 $0xE100, s24;
	s30 =	sor.u32 s9, s8;
	[tilespmem:s20+$0x0] =	vst.add.f32.msk $0xffff, v3  }
0x491: {  	s17 =	sor.u32 s2, s15;
	[tilespmem:s30+$0x0] =	vst.add.f32.msk $0xffff, v1  }
0x492: {  	s26 =	sor.u32 s5, s15;
	[tilespmem:s17+$0x0] =	vst.add.f32.msk $0xffff, v2  }
0x493: {  	s12 =	sor.u32 $0x10100, s24;
	s31 =	sor.u32 s9, s15;
	[tilespmem:s26+$0x0] =	vst.add.f32.msk $0xffff, v3  }
0x494: {  	s19 =	sor.u32 s2, s12;
	[tilespmem:s31+$0x0] =	vst.add.f32.msk $0xffff, v1  }
0x495: {  	s28 =	sor.u32 s5, s12;
	[tilespmem:s19+$0x0] =	vst.add.f32.msk $0xffff, v2  }
0x496: {  	s13 =	sor.u32 $0x12100, s24;
	s14 =	sor.u32 s9, s12;
	[tilespmem:s28+$0x0] =	vst.add.f32.msk $0xffff, v3  }
0x497: {  	s29 =	sor.u32 s5, s13;
	s2 =	sor.u32 s2, s13;
	[tilespmem:s14+$0x0] =	vst.add.f32.msk $0xffff, v1  }
0x498: {  	s4 =	simm.s32 $0x0;
	s7 =	sor.u32 s1, s12;
	s9 =	sor.u32 s9, s13;
	[tilespmem:s2+$0x0] =	vst.add.f32.msk $0xffff, v2  }
0x499: {  	s6 =	sor.u32 s1, s8;
	s8 =	sor.u32 s1, s15;
	s5 =	sor.u32 s1, s13;
	[tilespmem:s29+$0x0] =	vst.add.f32.msk $0xffff, v3  }
.LBB2_55:
0x49a: {  	s0 =	sadd.s32 $0x40, s0;
	[tilespmem:s9+$0x0] =	vst.add.f32.msk $0xffff, v1;
	s4 =	sadd.s32 $0x200, s4  }
0x49b: {  	s1 =	sand.u32 $0x40, s0;
	s2 =	sand.u32 $0x1C00, s4;
	[tilespmem:s6+$0x0] =	vst.add.f32.msk $0xffff, v0  }
0x49c: {  	s3 =	sor.u32 $0x2000, s2;
	s6 =	sor.u32 $0x10, s1;
	s9 =	sor.u32 $0x30, s1;
	[tilespmem:s8+$0x0] =	vst.add.f32.msk $0xffff, v0  }
0x49d: {  	s12 =	sor.u32 $0x20, s1;
	s8 =	sor.u32 s6, s3;
	s13 =	sor.u32 s9, s3;
	[tilespmem:s7+$0x0] =	vst.add.f32.msk $0xffff, v0  }
0x49e: {  	p0 =	slt.u32 s0, $0x3C0;
	s7 =	sor.u32 s1, s3;
	s3 =	sor.u32 s12, s3;
	v2 =	vld [tilespmem:s13+$0x100]  }
0x49f: {  	v3 =	vld [tilespmem:s8+$0x100]  }
0x4a0: {  	v1 =	vld [tilespmem:s3+$0x100]  }
0x4a1: {  	s3 =	sor.u32 $0xC100, s2;
	v4 =	vld [tilespmem:s7+$0x100]  }
0x4a2: {  	s7 =	sor.u32 $0xE100, s2;
	s13 =	sor.u32 s6, s3;
	s8 =	sor.u32 s9, s3;
	[tilespmem:s5+$0x0] =	vst.add.f32.msk $0xffff, v0  }
0x4a3: {  	s5 =	sor.u32 $0x10100, s2;
	s14 =	sor.u32 s6, s7;
	[tilespmem:s8+$0x0] =	vst.add.f32.msk $0xffff, v2;
	s8 =	sor.u32 s9, s7  }
0x4a4: {  	s2 =	sor.u32 $0x12100, s2;
	s15 =	sor.u32 s6, s5;
	[tilespmem:s8+$0x0] =	vst.add.f32.msk $0xffff, v2;
	s8 =	sor.u32 s9, s5  }
0x4a5: {  	s17 =	sor.u32 s12, s3;
	s16 =	sor.u32 s6, s2;
	s6 =	sor.u32 s9, s2;
	[tilespmem:s8+$0x0] =	vst.add.f32.msk $0xffff, v2  }
0x4a6: {  	s19 =	sor.u32 s12, s7;
	s20 =	sor.u32 s12, s5;
	s9 =	sor.u32 s12, s2;
	[tilespmem:s6+$0x0] =	vst.add.f32.msk $0xffff, v2;
	v0 =	vmov v4  }
0x4a7: {  	s8 =	sor.u32 s1, s7;
	s7 =	sor.u32 s1, s5;
	s6 =	sor.u32 s1, s3;
	[tilespmem:s13+$0x0] =	vst.add.f32.msk $0xffff, v3  }
0x4a8: {  	s5 =	sor.u32 s1, s2;
	[tilespmem:s14+$0x0] =	vst.add.f32.msk $0xffff, v3  }
.Ltmp26:
0x4a9: {  	[tilespmem:s15+$0x0] =	vst.add.f32.msk $0xffff, v3;
	(pc) =	sbr.rel @p0 .LBB2_55-.Ltmp26, $4  }
0x4aa: {  	[tilespmem:s16+$0x0] =	vst.add.f32.msk $0xffff, v3  }
0x4ab: {  	[tilespmem:s17+$0x0] =	vst.add.f32.msk $0xffff, v1  }
0x4ac: {  	[tilespmem:s19+$0x0] =	vst.add.f32.msk $0xffff, v1  }
0x4ad: {  	[tilespmem:s20+$0x0] =	vst.add.f32.msk $0xffff, v1  }
0x4ae: {  	[tilespmem:s9+$0x0] =	vst.add.f32.msk $0xffff, v1  }
0x4af: {  	[tilespmem:s6+$0x0] =	vst.add.f32.msk $0xffff, v0;
	s0 =	simm.s32 $0x0  }
0x4b0: {  	[tilespmem:s8+$0x0] =	vst.add.f32.msk $0xffff, v0;
	s1 =	sand.u32 $0x40, s0  }
0x4b1: {  	[tilespmem:s7+$0x0] =	vst.add.f32.msk $0xffff, v0;
	s2 =	sor.u32 $0x30, s1  }
0x4b2: {  	s4 =	sor.u32 $0x10, s1;
	[tilespmem:s5+$0x0] =	vst.add.f32.msk $0xffff, v0;
	s3 =	sor.u32 s2, s25  }
0x4b3: {  	s9 =	sor.u32 $0x20, s1;
	s8 =	sor.u32 s4, s25;
	v2 =	vld [tilespmem:s3+$0x180]  }
0x4b4: {  	s13 =	sor.u32 s9, s25;
	v3 =	vld [tilespmem:s8+$0x180]  }
0x4b5: {  	v1 =	vld [tilespmem:s13+$0x180]  }
0x4b6: {  	s15 =	sor.u32 $0xC180, s24;
	s14 =	sor.u32 s1, s25  }
0x4b7: {  	s17 =	sor.u32 s2, s15;
	v0 =	vld [tilespmem:s14+$0x180]  }
0x4b8: {  	s25 =	sor.u32 s4, s15;
	[tilespmem:s17+$0x0] =	vst.add.f32.msk $0xffff, v2  }
0x4b9: {  	s16 =	sor.u32 $0xE180, s24;
	s30 =	sor.u32 s9, s15;
	[tilespmem:s25+$0x0] =	vst.add.f32.msk $0xffff, v3  }
0x4ba: {  	s20 =	sor.u32 s2, s16;
	[tilespmem:s30+$0x0] =	vst.add.f32.msk $0xffff, v1  }
0x4bb: {  	s26 =	sor.u32 s4, s16;
	[tilespmem:s20+$0x0] =	vst.add.f32.msk $0xffff, v2  }
0x4bc: {  	s19 =	sor.u32 $0x10180, s24;
	s31 =	sor.u32 s9, s16;
	[tilespmem:s26+$0x0] =	vst.add.f32.msk $0xffff, v3  }
0x4bd: {  	s12 =	sor.u32 $0x12180, s24;
	s24 =	sor.u32 s2, s19;
	[tilespmem:s31+$0x0] =	vst.add.f32.msk $0xffff, v1  }
0x4be: {  	s28 =	sor.u32 s4, s19;
	[tilespmem:s24+$0x0] =	vst.add.f32.msk $0xffff, v2  }
0x4bf: {  	s13 =	sor.u32 s9, s19;
	[tilespmem:s28+$0x0] =	vst.add.f32.msk $0xffff, v3  }
0x4c0: {  	s2 =	sor.u32 s2, s12;
	[tilespmem:s13+$0x0] =	vst.add.f32.msk $0xffff, v1  }
0x4c1: {  	s6 =	sor.u32 s1, s15;
	s7 =	sor.u32 s1, s16;
	s29 =	sor.u32 s4, s12;
	[tilespmem:s2+$0x0] =	vst.add.f32.msk $0xffff, v2  }
0x4c2: {  	s5 =	sor.u32 s1, s19;
	s4 =	sor.u32 s1, s12;
	s8 =	sor.u32 s9, s12;
	[tilespmem:s29+$0x0] =	vst.add.f32.msk $0xffff, v3  }
.LBB2_57:
0x4c3: {  	s0 =	sadd.s32 $0x40, s0;
	[tilespmem:s8+$0x0] =	vst.add.f32.msk $0xffff, v1;
	s22 =	sadd.s32 $0x200, s22  }
0x4c4: {  	s1 =	sand.u32 $0x40, s0;
	s2 =	sand.u32 $0x1C00, s22;
	[tilespmem:s6+$0x0] =	vst.add.f32.msk $0xffff, v0  }
0x4c5: {  	s3 =	sor.u32 $0x2000, s2;
	s6 =	sor.u32 $0x10, s1;
	s8 =	sor.u32 $0x30, s1;
	[tilespmem:s7+$0x0] =	vst.add.f32.msk $0xffff, v0  }
0x4c6: {  	s9 =	sor.u32 $0x20, s1;
	s7 =	sor.u32 s6, s3;
	s12 =	sor.u32 s8, s3;
	[tilespmem:s5+$0x0] =	vst.add.f32.msk $0xffff, v0  }
0x4c7: {  	p1 =	slt.u32 s0, $0x3C0;
	s5 =	sor.u32 s1, s3;
	s3 =	sor.u32 s9, s3;
	v2 =	vld [tilespmem:s12+$0x180]  }
0x4c8: {  	v3 =	vld [tilespmem:s7+$0x180]  }
0x4c9: {  	p0 =	por $0x0, $0x0;
	v1 =	vld [tilespmem:s3+$0x180]  }
0x4ca: {  	s24 =	simm.s32 $0x0;
	s3 =	sor.u32 $0xC180, s2;
	v4 =	vld [tilespmem:s5+$0x180]  }
0x4cb: {  	s5 =	sor.u32 $0xE180, s2;
	s12 =	sor.u32 s6, s3;
	s7 =	sor.u32 s8, s3;
	[tilespmem:s4+$0x0] =	vst.add.f32.msk $0xffff, v0  }
0x4cc: {  	s4 =	sor.u32 $0x10180, s2;
	s13 =	sor.u32 s6, s5;
	[tilespmem:s7+$0x0] =	vst.add.f32.msk $0xffff, v2;
	s7 =	sor.u32 s8, s5  }
0x4cd: {  	s2 =	sor.u32 $0x12180, s2;
	s14 =	sor.u32 s6, s4;
	[tilespmem:s7+$0x0] =	vst.add.f32.msk $0xffff, v2;
	s7 =	sor.u32 s8, s4  }
0x4ce: {  	s16 =	sor.u32 s9, s3;
	s15 =	sor.u32 s6, s2;
	s6 =	sor.u32 s8, s2;
	[tilespmem:s7+$0x0] =	vst.add.f32.msk $0xffff, v2  }
0x4cf: {  	s17 =	sor.u32 s9, s5;
	s19 =	sor.u32 s9, s4;
	s8 =	sor.u32 s9, s2;
	[tilespmem:s6+$0x0] =	vst.add.f32.msk $0xffff, v2;
	v0 =	vmov v4  }
0x4d0: {  	s7 =	sor.u32 s1, s5;
	s5 =	sor.u32 s1, s4;
	s6 =	sor.u32 s1, s3;
	[tilespmem:s12+$0x0] =	vst.add.f32.msk $0xffff, v3  }
0x4d1: {  	s4 =	sor.u32 s1, s2;
	[tilespmem:s13+$0x0] =	vst.add.f32.msk $0xffff, v3  }
.Ltmp27:
0x4d2: {  	[tilespmem:s14+$0x0] =	vst.add.f32.msk $0xffff, v3;
	(pc) =	sbr.rel @p1 .LBB2_57-.Ltmp27, $4  }
0x4d3: {  	[tilespmem:s15+$0x0] =	vst.add.f32.msk $0xffff, v3  }
0x4d4: {  	[tilespmem:s16+$0x0] =	vst.add.f32.msk $0xffff, v1  }
0x4d5: {  	[tilespmem:s17+$0x0] =	vst.add.f32.msk $0xffff, v1  }
0x4d6: {  	[tilespmem:s19+$0x0] =	vst.add.f32.msk $0xffff, v1  }
0x4d7: {  	s0 =	simm.s32 $0x1  }
0x4d8: {  	[tilespmem:s8+$0x0] =	vst.add.f32.msk $0xffff, v1;
	s0 =	simm.s32 @!p0 $0x0  }
0x4d9: {  	[tilespmem:s6+$0x0] =	vst.add.f32.msk $0xffff, v0;
	s0 =	sshll.u32 s0, $0x6  }
0x4da: {  	[tilespmem:s7+$0x0] =	vst.add.f32.msk $0xffff, v0;
	s22 =	sadd.s32 $0x0, s0  }
0x4db: {  	[tilespmem:s5+$0x0] =	vst.add.f32.msk $0xffff, v0;
	s26 =	sadd.s32 $0x30, s22  }
0x4dc: {  	[tilespmem:s4+$0x0] =	vst.add.f32.msk $0xffff, v0;
	s28 =	sadd.s32 $0x10, s22;
	s8 =	sor.u32 $0x200, s26  }
0x4dd: {  	s1 =	sor.u32 $0x200, s28;
	v2 =	vld [tilespmem:s8+$0x2000]  }
0x4de: {  	s0 =	simm.s32 $0x0;
	s29 =	sadd.s32 $0x20, s22;
	v3 =	vld [tilespmem:s1+$0x2000]  }
0x4df: {  	s25 =	sand.u32 $0x1C00, s24;
	s2 =	sor.u32 $0x200, s29;
	s1 =	sand.u32 $0x40, s0  }
0x4e0: {  	s3 =	sor.u32 $0x200, s22;
	v1 =	vld [tilespmem:s2+$0x2000];
	s2 =	sor.u32 $0xC200, s25;
	s9 =	sor.u32 $0x30, s1  }
0x4e1: {  	v0 =	vld [tilespmem:s3+$0x2000];
	s15 =	sor.u32 $0x10, s1;
	s12 =	sor.u32 s9, s2  }
0x4e2: {  	s3 =	sor.u32 $0xE200, s25;
	s16 =	sor.u32 s15, s2;
	[tilespmem:s12+$0x0] =	vst.add.f32.msk $0xffff, v2  }
0x4e3: {  	s13 =	sor.u32 s9, s3;
	[tilespmem:s16+$0x0] =	vst.add.f32.msk $0xffff, v3  }
0x4e4: {  	s8 =	sor.u32 $0x10200, s25;
	s17 =	sor.u32 s15, s3;
	[tilespmem:s13+$0x0] =	vst.add.f32.msk $0xffff, v2  }
0x4e5: {  	s14 =	sor.u32 s9, s8;
	[tilespmem:s17+$0x0] =	vst.add.f32.msk $0xffff, v3  }
0x4e6: {  	s19 =	sor.u32 $0x20, s1;
	s30 =	sor.u32 s15, s8;
	[tilespmem:s14+$0x0] =	vst.add.f32.msk $0xffff, v2  }
0x4e7: {  	s12 =	sor.u32 $0x12200, s25;
	s13 =	sor.u32 s19, s2;
	[tilespmem:s30+$0x0] =	vst.add.f32.msk $0xffff, v3  }
0x4e8: {  	p1 =	por !p0, !p0;
	s4 =	sor.u32 s9, s12;
	[tilespmem:s13+$0x0] =	vst.add.f32.msk $0xffff, v1  }
0x4e9: {  	s7 =	sor.u32 s1, s3;
	s20 =	sor.u32 s19, s8;
	s31 =	sor.u32 s15, s12;
	[tilespmem:s4+$0x0] =	vst.add.f32.msk $0xffff, v2  }
0x4ea: {  	s8 =	sor.u32 s1, s8;
	s9 =	sor.u32 s1, s2;
	s14 =	sor.u32 s19, s3;
	[tilespmem:s31+$0x0] =	vst.add.f32.msk $0xffff, v3  }
0x4eb: {  	s6 =	sor.u32 s19, s12;
	s5 =	sor.u32 s1, s12;
	[tilespmem:s14+$0x0] =	vst.add.f32.msk $0xffff, v1;
	s4 =	simm.s32 $0x0  }
.LBB2_59:
0x4ec: {  	s1 =	simm.s32 $0x1  }
0x4ed: {  	[tilespmem:s20+$0x0] =	vst.add.f32.msk $0xffff, v1;
	s1 =	simm.s32 @!p1 $0x0  }
0x4ee: {  	s4 =	sadd.s32 $0x200, s4;
	s1 =	sshll.u32 s1, $0x6;
	[tilespmem:s6+$0x0] =	vst.add.f32.msk $0xffff, v1  }
0x4ef: {  	s1 =	sadd.s32 s1, s4;
	[tilespmem:s9+$0x0] =	vst.add.f32.msk $0xffff, v0  }
0x4f0: {  	s2 =	sadd.s32 $0x10, s1;
	s3 =	sadd.s32 $0x20, s1;
	s6 =	sadd.s32 $0x30, s1;
	[tilespmem:s7+$0x0] =	vst.add.f32.msk $0xffff, v0  }
0x4f1: {  	s2 =	sor.u32 $0x200, s2;
	s3 =	sor.u32 $0x200, s3;
	s6 =	sor.u32 $0x200, s6;
	[tilespmem:s8+$0x0] =	vst.add.f32.msk $0xffff, v0  }
0x4f2: {  	s1 =	sor.u32 $0x200, s1;
	v2 =	vld [tilespmem:s6+$0x2000]  }
0x4f3: {  	s0 =	sadd.s32 $0x40, s0;
	v3 =	vld [tilespmem:s2+$0x2000]  }
0x4f4: {  	p2 =	slt.u32 s0, $0x3C0;
	s6 =	sand.u32 $0x1C00, s4;
	s2 =	sand.u32 $0x40, s0;
	v1 =	vld [tilespmem:s3+$0x2000]  }
0x4f5: {  	s3 =	sor.u32 $0x10, s2;
	s7 =	sor.u32 $0x30, s2;
	v4 =	vld [tilespmem:s1+$0x2000];
	s1 =	sor.u32 $0xC200, s6  }
0x4f6: {  	s8 =	sor.u32 $0xE200, s6;
	s12 =	sor.u32 $0x20, s2;
	s9 =	sor.u32 s7, s1;
	[tilespmem:s5+$0x0] =	vst.add.f32.msk $0xffff, v0  }
0x4f7: {  	s5 =	sor.u32 $0x10200, s6;
	s13 =	sor.u32 s3, s1;
	[tilespmem:s9+$0x0] =	vst.add.f32.msk $0xffff, v2;
	s9 =	sor.u32 s7, s8  }
0x4f8: {  	s14 =	sor.u32 $0x12200, s6;
	s15 =	sor.u32 s3, s8;
	s6 =	sor.u32 s7, s5;
	[tilespmem:s9+$0x0] =	vst.add.f32.msk $0xffff, v2  }
0x4f9: {  	s16 =	sor.u32 s3, s5;
	s3 =	sor.u32 s3, s14;
	[tilespmem:s6+$0x0] =	vst.add.f32.msk $0xffff, v2;
	s6 =	sor.u32 s7, s14  }
0x4fa: {  	s19 =	sor.u32 s12, s8;
	s17 =	sor.u32 s12, s1;
	s20 =	sor.u32 s12, s5;
	[tilespmem:s6+$0x0] =	vst.add.f32.msk $0xffff, v2;
	v0 =	vmov v4  }
0x4fb: {  	s9 =	sor.u32 s2, s1;
	s7 =	sor.u32 s2, s8;
	s6 =	sor.u32 s12, s14;
	[tilespmem:s13+$0x0] =	vst.add.f32.msk $0xffff, v3  }
.Ltmp28:
0x4fc: {  	s8 =	sor.u32 s2, s5;
	s5 =	sor.u32 s2, s14;
	[tilespmem:s15+$0x0] =	vst.add.f32.msk $0xffff, v3;
	(pc) =	sbr.rel @p2 .LBB2_59-.Ltmp28, $4  }
0x4fd: {  	[tilespmem:s16+$0x0] =	vst.add.f32.msk $0xffff, v3  }
0x4fe: {  	[tilespmem:s3+$0x0] =	vst.add.f32.msk $0xffff, v3  }
0x4ff: {  	[tilespmem:s17+$0x0] =	vst.add.f32.msk $0xffff, v1  }
0x500: {  	p1 =	por !p1, !p1;
	[tilespmem:s19+$0x0] =	vst.add.f32.msk $0xffff, v1  }
0x501: {  	[tilespmem:s20+$0x0] =	vst.add.f32.msk $0xffff, v1  }
0x502: {  	[tilespmem:s9+$0x0] =	vst.add.f32.msk $0xffff, v0  }
0x503: {  	[tilespmem:s6+$0x0] =	vst.add.f32.msk $0xffff, v1  }
0x504: {  	[tilespmem:s7+$0x0] =	vst.add.f32.msk $0xffff, v0  }
0x505: {  	[tilespmem:s8+$0x0] =	vst.add.f32.msk $0xffff, v0  }
0x506: {  	s0 =	sor.u32 $0x280, s26;
	[tilespmem:s5+$0x0] =	vst.add.f32.msk $0xffff, v0  }
0x507: {  	s1 =	sor.u32 $0x280, s28;
	v2 =	vld [tilespmem:s0+$0x2000]  }
0x508: {  	s2 =	sor.u32 $0x280, s29;
	s0 =	simm.s32 $0x0;
	v3 =	vld [tilespmem:s1+$0x2000]  }
0x509: {  	v1 =	vld [tilespmem:s2+$0x2000];
	s15 =	sand.u32 $0x40, s0  }
0x50a: {  	s3 =	sor.u32 $0x280, s22;
	s16 =	sor.u32 $0xC280, s25;
	s4 =	sor.u32 $0x30, s15  }
0x50b: {  	v0 =	vld [tilespmem:s3+$0x2000];
	s26 =	sor.u32 $0x10, s15;
	s19 =	sor.u32 s4, s16  }
0x50c: {  	s31 =	sor.u32 $0x20, s15;
	s28 =	sor.u32 s26, s16;
	[tilespmem:s19+$0x0] =	vst.add.f32.msk $0xffff, v2  }
0x50d: {  	s17 =	sor.u32 $0xE280, s25;
	s13 =	sor.u32 s31, s16;
	[tilespmem:s28+$0x0] =	vst.add.f32.msk $0xffff, v3  }
0x50e: {  	s22 =	sor.u32 s4, s17;
	[tilespmem:s13+$0x0] =	vst.add.f32.msk $0xffff, v1  }
0x50f: {  	s29 =	sor.u32 s26, s17;
	[tilespmem:s22+$0x0] =	vst.add.f32.msk $0xffff, v2  }
0x510: {  	s20 =	sor.u32 $0x10280, s25;
	s14 =	sor.u32 s31, s17;
	[tilespmem:s29+$0x0] =	vst.add.f32.msk $0xffff, v3  }
0x511: {  	s12 =	sor.u32 $0x12280, s25;
	s25 =	sor.u32 s4, s20;
	[tilespmem:s14+$0x0] =	vst.add.f32.msk $0xffff, v1  }
0x512: {  	s30 =	sor.u32 s26, s20;
	[tilespmem:s25+$0x0] =	vst.add.f32.msk $0xffff, v2  }
0x513: {  	p1 =	por !p0, !p0;
	s8 =	sor.u32 s15, s16;
	s4 =	sor.u32 s4, s12;
	[tilespmem:s30+$0x0] =	vst.add.f32.msk $0xffff, v3  }
0x514: {  	s5 =	sor.u32 s15, s17;
	s7 =	sor.u32 s15, s20;
	s6 =	sor.u32 s26, s12;
	[tilespmem:s4+$0x0] =	vst.add.f32.msk $0xffff, v2  }
0x515: {  	s9 =	sor.u32 s31, s20;
	[tilespmem:s6+$0x0] =	vst.add.f32.msk $0xffff, v3;
	s6 =	sor.u32 s31, s12;
	s4 =	sor.u32 s15, s12  }
.LBB2_61:
0x516: {  	s1 =	simm.s32 $0x1  }
0x517: {  	[tilespmem:s9+$0x0] =	vst.add.f32.msk $0xffff, v1;
	s1 =	simm.s32 @!p1 $0x0  }
0x518: {  	s24 =	sadd.s32 $0x200, s24;
	s1 =	sshll.u32 s1, $0x6;
	[tilespmem:s6+$0x0] =	vst.add.f32.msk $0xffff, v1  }
0x519: {  	s1 =	sadd.s32 s1, s24;
	[tilespmem:s8+$0x0] =	vst.add.f32.msk $0xffff, v0  }
0x51a: {  	s2 =	sadd.s32 $0x10, s1;
	s3 =	sadd.s32 $0x20, s1;
	s6 =	sadd.s32 $0x30, s1;
	[tilespmem:s5+$0x0] =	vst.add.f32.msk $0xffff, v0  }
0x51b: {  	s2 =	sor.u32 $0x280, s2;
	s3 =	sor.u32 $0x280, s3;
	s5 =	sor.u32 $0x280, s6;
	[tilespmem:s7+$0x0] =	vst.add.f32.msk $0xffff, v0  }
0x51c: {  	p0 =	por $0x0, $0x0;
	s1 =	sor.u32 $0x280, s1;
	v2 =	vld [tilespmem:s5+$0x2000]  }
0x51d: {  	s0 =	sadd.s32 $0x40, s0;
	s22 =	simm.s32 $0x0;
	v3 =	vld [tilespmem:s2+$0x2000]  }
0x51e: {  	p2 =	slt.u32 s0, $0x3C0;
	s5 =	sand.u32 $0x1C00, s24;
	s2 =	sand.u32 $0x40, s0;
	v1 =	vld [tilespmem:s3+$0x2000]  }
0x51f: {  	s3 =	sor.u32 $0x10, s2;
	s6 =	sor.u32 $0x30, s2;
	v4 =	vld [tilespmem:s1+$0x2000];
	s1 =	sor.u32 $0xC280, s5  }
0x520: {  	s7 =	sor.u32 $0xE280, s5;
	s12 =	sor.u32 $0x20, s2;
	s8 =	sor.u32 s6, s1;
	[tilespmem:s4+$0x0] =	vst.add.f32.msk $0xffff, v0  }
0x521: {  	s4 =	sor.u32 $0x10280, s5;
	s13 =	sor.u32 s3, s1;
	[tilespmem:s8+$0x0] =	vst.add.f32.msk $0xffff, v2;
	s8 =	sor.u32 s6, s7  }
0x522: {  	s14 =	sor.u32 $0x12280, s5;
	s15 =	sor.u32 s3, s7;
	s5 =	sor.u32 s6, s4;
	[tilespmem:s8+$0x0] =	vst.add.f32.msk $0xffff, v2  }
0x523: {  	s16 =	sor.u32 s3, s4;
	s3 =	sor.u32 s3, s14;
	[tilespmem:s5+$0x0] =	vst.add.f32.msk $0xffff, v2;
	s5 =	sor.u32 s6, s14  }
0x524: {  	s19 =	sor.u32 s12, s7;
	s17 =	sor.u32 s12, s1;
	s9 =	sor.u32 s12, s4;
	[tilespmem:s5+$0x0] =	vst.add.f32.msk $0xffff, v2;
	v0 =	vmov v4  }
0x525: {  	s8 =	sor.u32 s2, s1;
	s6 =	sor.u32 s12, s14;
	s5 =	sor.u32 s2, s7;
	[tilespmem:s13+$0x0] =	vst.add.f32.msk $0xffff, v3  }
.Ltmp29:
0x526: {  	s7 =	sor.u32 s2, s4;
	s4 =	sor.u32 s2, s14;
	[tilespmem:s15+$0x0] =	vst.add.f32.msk $0xffff, v3;
	(pc) =	sbr.rel @p2 .LBB2_61-.Ltmp29, $4  }
0x527: {  	[tilespmem:s16+$0x0] =	vst.add.f32.msk $0xffff, v3  }
0x528: {  	[tilespmem:s3+$0x0] =	vst.add.f32.msk $0xffff, v3  }
0x529: {  	[tilespmem:s17+$0x0] =	vst.add.f32.msk $0xffff, v1  }
0x52a: {  	p1 =	por !p1, !p1;
	[tilespmem:s19+$0x0] =	vst.add.f32.msk $0xffff, v1  }
0x52b: {  	[tilespmem:s9+$0x0] =	vst.add.f32.msk $0xffff, v1;
	s0 =	simm.s32 $0x1  }
0x52c: {  	[tilespmem:s8+$0x0] =	vst.add.f32.msk $0xffff, v0;
	s0 =	simm.s32 @!p0 $0x0  }
0x52d: {  	[tilespmem:s6+$0x0] =	vst.add.f32.msk $0xffff, v1;
	s0 =	sshll.u32 s0, $0x6  }
0x52e: {  	[tilespmem:s5+$0x0] =	vst.add.f32.msk $0xffff, v0;
	s1 =	sadd.s32 $0x0, s0  }
0x52f: {  	[tilespmem:s7+$0x0] =	vst.add.f32.msk $0xffff, v0;
	s25 =	sadd.s32 $0x30, s1  }
0x530: {  	[tilespmem:s4+$0x0] =	vst.add.f32.msk $0xffff, v0;
	s26 =	sadd.s32 $0x10, s1;
	s8 =	sor.u32 $0x300, s25  }
0x531: {  	s28 =	sadd.s32 $0x20, s1;
	s2 =	sor.u32 $0x300, s26;
	v2 =	vld [tilespmem:s8+$0x2000]  }
0x532: {  	s24 =	sand.u32 $0x1C00, s22;
	s0 =	simm.s32 $0x0;
	s3 =	sor.u32 $0x300, s28;
	v3 =	vld [tilespmem:s2+$0x2000]  }
0x533: {  	s9 =	sor.u32 $0xC300, s24;
	s1 =	sor.u32 $0x300, s1;
	s2 =	sand.u32 $0x40, s0;
	v1 =	vld [tilespmem:s3+$0x2000]  }
0x534: {  	s12 =	sor.u32 $0x12300, s24;
	v0 =	vld [tilespmem:s1+$0x2000];
	s1 =	sor.u32 $0xE300, s24;
	s13 =	sor.u32 $0x30, s2  }
0x535: {  	s8 =	sor.u32 $0x10300, s24;
	s17 =	sor.u32 $0x10, s2;
	s14 =	sor.u32 s13, s9  }
0x536: {  	s29 =	sor.u32 $0x20, s2;
	s15 =	sor.u32 s13, s1;
	s19 =	sor.u32 s17, s9;
	[tilespmem:s14+$0x0] =	vst.add.f32.msk $0xffff, v2  }
0x537: {  	s16 =	sor.u32 s13, s8;
	s4 =	sor.u32 s13, s12;
	s13 =	sor.u32 s29, s9;
	[tilespmem:s19+$0x0] =	vst.add.f32.msk $0xffff, v3  }
0x538: {  	[tilespmem:s13+$0x0] =	vst.add.f32.msk $0xffff, v1  }
0x539: {  	s20 =	sor.u32 s17, s1;
	[tilespmem:s15+$0x0] =	vst.add.f32.msk $0xffff, v2  }
0x53a: {  	s14 =	sor.u32 s29, s1;
	[tilespmem:s20+$0x0] =	vst.add.f32.msk $0xffff, v3  }
0x53b: {  	[tilespmem:s14+$0x0] =	vst.add.f32.msk $0xffff, v1  }
0x53c: {  	s30 =	sor.u32 s17, s8;
	[tilespmem:s16+$0x0] =	vst.add.f32.msk $0xffff, v2  }
0x53d: {  	p1 =	por !p0, !p0;
	s7 =	sor.u32 s2, s1;
	s5 =	sor.u32 s2, s12;
	[tilespmem:s30+$0x0] =	vst.add.f32.msk $0xffff, v3  }
0x53e: {  	s31 =	sor.u32 s17, s12;
	s9 =	sor.u32 s2, s9;
	s6 =	sor.u32 s29, s12;
	[tilespmem:s4+$0x0] =	vst.add.f32.msk $0xffff, v2  }
0x53f: {  	s20 =	sor.u32 s29, s8;
	s8 =	sor.u32 s2, s8;
	[tilespmem:s31+$0x0] =	vst.add.f32.msk $0xffff, v3;
	s4 =	simm.s32 $0x0  }
.LBB2_63:
0x540: {  	s1 =	simm.s32 $0x1  }
0x541: {  	[tilespmem:s20+$0x0] =	vst.add.f32.msk $0xffff, v1;
	s1 =	simm.s32 @!p1 $0x0  }
0x542: {  	s4 =	sadd.s32 $0x200, s4;
	s1 =	sshll.u32 s1, $0x6;
	[tilespmem:s6+$0x0] =	vst.add.f32.msk $0xffff, v1  }
0x543: {  	s1 =	sadd.s32 s1, s4;
	[tilespmem:s9+$0x0] =	vst.add.f32.msk $0xffff, v0  }
0x544: {  	s2 =	sadd.s32 $0x10, s1;
	s3 =	sadd.s32 $0x20, s1;
	s6 =	sadd.s32 $0x30, s1;
	[tilespmem:s7+$0x0] =	vst.add.f32.msk $0xffff, v0  }
0x545: {  	s2 =	sor.u32 $0x300, s2;
	s3 =	sor.u32 $0x300, s3;
	s6 =	sor.u32 $0x300, s6;
	[tilespmem:s8+$0x0] =	vst.add.f32.msk $0xffff, v0  }
0x546: {  	s1 =	sor.u32 $0x300, s1;
	v2 =	vld [tilespmem:s6+$0x2000]  }
0x547: {  	s0 =	sadd.s32 $0x40, s0;
	v3 =	vld [tilespmem:s2+$0x2000]  }
0x548: {  	p2 =	slt.u32 s0, $0x3C0;
	s6 =	sand.u32 $0x1C00, s4;
	s2 =	sand.u32 $0x40, s0;
	v1 =	vld [tilespmem:s3+$0x2000]  }
0x549: {  	s3 =	sor.u32 $0x10, s2;
	s7 =	sor.u32 $0x30, s2;
	v4 =	vld [tilespmem:s1+$0x2000];
	s1 =	sor.u32 $0xC300, s6  }
0x54a: {  	s8 =	sor.u32 $0xE300, s6;
	s12 =	sor.u32 $0x20, s2;
	s9 =	sor.u32 s7, s1;
	[tilespmem:s5+$0x0] =	vst.add.f32.msk $0xffff, v0  }
0x54b: {  	s5 =	sor.u32 $0x10300, s6;
	s13 =	sor.u32 s3, s1;
	[tilespmem:s9+$0x0] =	vst.add.f32.msk $0xffff, v2;
	s9 =	sor.u32 s7, s8  }
0x54c: {  	s14 =	sor.u32 $0x12300, s6;
	s15 =	sor.u32 s3, s8;
	s6 =	sor.u32 s7, s5;
	[tilespmem:s9+$0x0] =	vst.add.f32.msk $0xffff, v2  }
0x54d: {  	s16 =	sor.u32 s3, s5;
	s3 =	sor.u32 s3, s14;
	[tilespmem:s6+$0x0] =	vst.add.f32.msk $0xffff, v2;
	s6 =	sor.u32 s7, s14  }
0x54e: {  	s19 =	sor.u32 s12, s8;
	s17 =	sor.u32 s12, s1;
	s20 =	sor.u32 s12, s5;
	[tilespmem:s6+$0x0] =	vst.add.f32.msk $0xffff, v2;
	v0 =	vmov v4  }
0x54f: {  	s9 =	sor.u32 s2, s1;
	s7 =	sor.u32 s2, s8;
	s6 =	sor.u32 s12, s14;
	[tilespmem:s13+$0x0] =	vst.add.f32.msk $0xffff, v3  }
.Ltmp30:
0x550: {  	s8 =	sor.u32 s2, s5;
	s5 =	sor.u32 s2, s14;
	[tilespmem:s15+$0x0] =	vst.add.f32.msk $0xffff, v3;
	(pc) =	sbr.rel @p2 .LBB2_63-.Ltmp30, $4  }
0x551: {  	[tilespmem:s16+$0x0] =	vst.add.f32.msk $0xffff, v3  }
0x552: {  	[tilespmem:s3+$0x0] =	vst.add.f32.msk $0xffff, v3  }
0x553: {  	[tilespmem:s17+$0x0] =	vst.add.f32.msk $0xffff, v1  }
0x554: {  	p1 =	por !p1, !p1;
	[tilespmem:s19+$0x0] =	vst.add.f32.msk $0xffff, v1  }
0x555: {  	[tilespmem:s20+$0x0] =	vst.add.f32.msk $0xffff, v1  }
0x556: {  	[tilespmem:s9+$0x0] =	vst.add.f32.msk $0xffff, v0  }
0x557: {  	[tilespmem:s6+$0x0] =	vst.add.f32.msk $0xffff, v1  }
0x558: {  	[tilespmem:s7+$0x0] =	vst.add.f32.msk $0xffff, v0  }
0x559: {  	[tilespmem:s8+$0x0] =	vst.add.f32.msk $0xffff, v0  }
0x55a: {  	s0 =	sor.u32 $0x380, s25;
	[tilespmem:s5+$0x0] =	vst.add.f32.msk $0xffff, v0  }
0x55b: {  	s1 =	sor.u32 $0x380, s26;
	v2 =	vld [tilespmem:s0+$0x2000]  }
0x55c: {  	s2 =	sor.u32 $0x380, s28;
	s0 =	simm.s32 $0x0;
	v3 =	vld [tilespmem:s1+$0x2000]  }
0x55d: {  	v1 =	vld [tilespmem:s2+$0x2000];
	s1 =	sand.u32 $0x40, s0;
	s3 =	sor.u32 s22, s0  }
0x55e: {  	s15 =	sor.u32 $0xC380, s24;
	s14 =	sor.u32 $0x380, s3;
	s4 =	sor.u32 $0x30, s1  }
0x55f: {  	s26 =	sor.u32 $0x10, s1;
	v0 =	vld [tilespmem:s14+$0x2000];
	s17 =	sor.u32 s4, s15  }
0x560: {  	s31 =	sor.u32 $0x20, s1;
	s28 =	sor.u32 s26, s15;
	[tilespmem:s17+$0x0] =	vst.add.f32.msk $0xffff, v2  }
0x561: {  	s16 =	sor.u32 $0xE380, s24;
	s13 =	sor.u32 s31, s15;
	[tilespmem:s28+$0x0] =	vst.add.f32.msk $0xffff, v3  }
0x562: {  	s20 =	sor.u32 s4, s16;
	[tilespmem:s13+$0x0] =	vst.add.f32.msk $0xffff, v1  }
0x563: {  	s29 =	sor.u32 s26, s16;
	[tilespmem:s20+$0x0] =	vst.add.f32.msk $0xffff, v2  }
0x564: {  	s19 =	sor.u32 $0x10380, s24;
	s14 =	sor.u32 s31, s16;
	[tilespmem:s29+$0x0] =	vst.add.f32.msk $0xffff, v3  }
0x565: {  	s25 =	sor.u32 s4, s19;
	[tilespmem:s14+$0x0] =	vst.add.f32.msk $0xffff, v1  }
0x566: {  	s12 =	sor.u32 $0x12380, s24;
	s30 =	sor.u32 s26, s19;
	[tilespmem:s25+$0x0] =	vst.add.f32.msk $0xffff, v2  }
0x567: {  	p0 =	por !p0, !p0;
	s5 =	sor.u32 s1, s15;
	s4 =	sor.u32 s4, s12;
	[tilespmem:s30+$0x0] =	vst.add.f32.msk $0xffff, v3  }
0x568: {  	s8 =	sor.u32 s1, s16;
	s7 =	sor.u32 s1, s19;
	s6 =	sor.u32 s26, s12;
	[tilespmem:s4+$0x0] =	vst.add.f32.msk $0xffff, v2  }
0x569: {  	s9 =	sor.u32 s31, s19;
	[tilespmem:s6+$0x0] =	vst.add.f32.msk $0xffff, v3;
	s6 =	sor.u32 s31, s12;
	s4 =	sor.u32 s1, s12  }
.LBB2_65:
0x56a: {  	s1 =	simm.s32 $0x1  }
0x56b: {  	[tilespmem:s9+$0x0] =	vst.add.f32.msk $0xffff, v1;
	s1 =	simm.s32 @!p0 $0x0  }
0x56c: {  	s22 =	sadd.s32 $0x200, s22;
	s1 =	sshll.u32 s1, $0x6;
	[tilespmem:s6+$0x0] =	vst.add.f32.msk $0xffff, v1  }
0x56d: {  	s1 =	sadd.s32 s1, s22;
	[tilespmem:s5+$0x0] =	vst.add.f32.msk $0xffff, v0  }
0x56e: {  	s2 =	sadd.s32 $0x10, s1;
	s3 =	sadd.s32 $0x20, s1;
	s1 =	sadd.s32 $0x30, s1;
	[tilespmem:s8+$0x0] =	vst.add.f32.msk $0xffff, v0  }
0x56f: {  	s2 =	sor.u32 $0x380, s2;
	s3 =	sor.u32 $0x380, s3;
	s1 =	sor.u32 $0x380, s1;
	[tilespmem:s7+$0x0] =	vst.add.f32.msk $0xffff, v0  }
0x570: {  	s0 =	sadd.s32 $0x40, s0;
	v2 =	vld [tilespmem:s1+$0x2000]  }
0x571: {  	p1 =	slt.u32 s0, $0x3C0;
	s1 =	sand.u32 $0x40, s0;
	v3 =	vld [tilespmem:s2+$0x2000]  }
0x572: {  	s5 =	sor.u32 s22, s0;
	s2 =	sand.u32 $0x1C00, s22;
	s6 =	sor.u32 $0x30, s1;
	v1 =	vld [tilespmem:s3+$0x2000]  }
0x573: {  	s8 =	sor.u32 $0x20, s1;
	s3 =	sor.u32 $0x380, s5;
	s5 =	sor.u32 $0xC380, s2;
	[tilespmem:s4+$0x0] =	vst.add.f32.msk $0xffff, v0  }
0x574: {  	s4 =	sor.u32 $0x10, s1;
	s7 =	sor.u32 s6, s5;
	v0 =	vld [tilespmem:s3+$0x2000];
	s3 =	sor.u32 $0xE380, s2  }
0x575: {  	s12 =	sor.u32 $0x10380, s2;
	s16 =	sor.u32 s8, s5;
	[tilespmem:s7+$0x0] =	vst.add.f32.msk $0xffff, v2;
	s7 =	sor.u32 s6, s3  }
0x576: {  	s2 =	sor.u32 $0x12380, s2;
	s9 =	sor.u32 s4, s5;
	[tilespmem:s7+$0x0] =	vst.add.f32.msk $0xffff, v2;
	s7 =	sor.u32 s6, s12  }
0x577: {  	s14 =	sor.u32 s4, s12;
	s13 =	sor.u32 s4, s3;
	s6 =	sor.u32 s6, s2;
	[tilespmem:s7+$0x0] =	vst.add.f32.msk $0xffff, v2  }
0x578: {  	s5 =	sor.u32 s1, s5;
	s15 =	sor.u32 s4, s2;
	s17 =	sor.u32 s8, s3;
	[tilespmem:s6+$0x0] =	vst.add.f32.msk $0xffff, v2  }
0x579: {  	s4 =	sor.u32 s1, s2;
	s6 =	sor.u32 s8, s2;
	[tilespmem:s9+$0x0] =	vst.add.f32.msk $0xffff, v3;
	s9 =	sor.u32 s8, s12  }
.Ltmp31:
0x57a: {  	s7 =	sor.u32 s1, s12;
	s8 =	sor.u32 s1, s3;
	[tilespmem:s13+$0x0] =	vst.add.f32.msk $0xffff, v3;
	(pc) =	sbr.rel @p1 .LBB2_65-.Ltmp31, $4  }
0x57b: {  	[tilespmem:s14+$0x0] =	vst.add.f32.msk $0xffff, v3  }
0x57c: {  	[tilespmem:s15+$0x0] =	vst.add.f32.msk $0xffff, v3  }
0x57d: {  	[tilespmem:s16+$0x0] =	vst.add.f32.msk $0xffff, v1  }
0x57e: {  	p0 =	por !p0, !p0;
	[tilespmem:s17+$0x0] =	vst.add.f32.msk $0xffff, v1  }
0x57f: {  	[tilespmem:s9+$0x0] =	vst.add.f32.msk $0xffff, v1  }
0x580: {  	[tilespmem:s5+$0x0] =	vst.add.f32.msk $0xffff, v0;
	p0 =	sne.s32 s21, $0x20  }
.Ltmp32:
0x581: {  	[tilespmem:s6+$0x0] =	vst.add.f32.msk $0xffff, v1;
	(pc) =	sbr.rel @p0 .LBB2_2-.Ltmp32, $4  }
0x582: {  	[tilespmem:s8+$0x0] =	vst.add.f32.msk $0xffff, v0  }
0x583: {  	s0 =	rddreg [dreg:$0x2];
	[tilespmem:s7+$0x0] =	vst.add.f32.msk $0xffff, v0  }
0x584: {  	s2 =	simm.s32 $0xC000;
	s0 =	sadd.s32 s0, s23;
	[tilespmem:s4+$0x0] =	vst.add.f32.msk $0xffff, v0  }
0x585: {  	[hbm4b:s0+s10] =	stream.strided.scatter [tilespmem:s2], [sflag:$0x6], $0x8000, s11, s10, $0x38;
	[tilespmem:$0x14000] =	vst v63  }
0x586: {  	s0 =	simm.s32 $0x5  }
0x587: {  	_ =	swait.ge [sflag:s0], $0x8000  }
0x588: {  	[sflag:s0] =	ssyncset.done $0x0  }
0x589: {  	s1 =	simm.s32 $0x6;
	[sflag:s0] =	ssyncadd.s32 $0xFFFF8000  }
0x58a: {  	_ =	swait.ge [sflag:s1], $0x8000  }
0x58b: {  	s3 =	rddreg [dreg:$0x8]  }
0x58c: {  	s31 =	rddreg [dreg:$0x7];
	s3 =	sadd.s32 $0x1, s3  }
0x58d: {  	p0 =	sne.s32 s3, s31  }
.Ltmp33:
0x58e: {  	_ = 	snop;
	(pc) =	sbr.rel @p0 .LBB2_1-.Ltmp33, $3  }
0x58f: {  	_ =	sdelay $0x1  }
0x590: {  	[sflag:s1] =	ssyncset.done $0x0  }
0x591: {  	[sflag:s1] =	ssyncadd.s32 $0xFFFF8000  }
0x592: {  	_ =	sfence.sel $0x180000  }
0x593: {  	[bflag:$0x0] =	sbarrier.arrive $0xFFFF  }
0x594: {  	_ =	strace $0x90000047  }
0x595: {  	s0 =	stileid.u32;
	[bflag:$0x2] =	sbarrier.arrive $0xFFFF  }
0x596: {  	p0 =	sne.s32 s0, $0x0;
	s0 =	rddreg [dreg:$0x3]  }
0x597: {  	s0 =	sadd.s32 @!p0 $0x100000, s0  }
0x598: {  	[sflag:s0] =	ssyncadd.tile.s32 @!p0 $0x1;
	_ =	shalt  }
.Lfunc_end2:
_tile_overlayer_lowered:
.L_overlay_start_2:
0x599: {  	(tag) =	ssettag $0x2  }
0x59a: {  	s0 =	rddreg [dreg:$0x0];
	s2 =	stileid.u32  }
0x59b: {  	s1 =	rddreg [dreg:$0x1];
	p0 =	sne.s32 s2, $0x0  }
0x59c: {  	s3 =	rddreg [dreg:$0x2];
	[bflag:$0x3] =	sbarrier.arrive $0xFFFF;
	s2 =	simm.s32 @!p0 $0x1C07  }
0x59d: {  	[timem:s3], [sflag:s2] =	dma.local @!p0 [hbm:s0], s1  }
0x59e: {  	s0 =	simm.s32 @!p0 $0x7  }
0x59f: {  	_ =	swait.ge @!p0 [sflag:s0], s1  }
0x5a0: {  	s1 =	ssub.s32 @!p0 $0x0, s1;
	[sflag:s0] =	ssyncset.done @!p0 $0x0  }
0x5a1: {  	[sflag:s0] =	ssyncadd.s32 @!p0 s1  }
0x5a2: {  	[bflag:$0x3] =	sbarrier.arrive $0xFFFF  }
0x5a3: {  	_ =	shalt  }

</sc_bundles>
